<compile_context>
chip_gen: v7x
topology: tpu7x:2x2x1
jax: 0.10.2.dev20260603
libtpu: 0.0.44.dev20260713+nightly
codegen_flags: <defaults>
</compile_context>

<pallas_src>
import jax
import jax.numpy as jnp
from jax import lax
from jax.experimental import pallas as pl
from jax.experimental.pallas import tpu as pltpu
from jax.experimental.pallas import tpu_sc as plsc

N = 10000
E = 160000
D = 256
R = 4096
HALF = 128
NC, NS, LANES = 2, 16, 16


def _I(x):
    return jnp.int32(x)


def _Z():
    return jnp.int32(0)

BN1 = 1000
BR1 = 1024


def _p_matmul_body(h_ref, wrow_ref, re_ref, out_ref):
    hw = h_ref[...] * wrow_ref[...]
    res = lax.dot_general(
        hw, re_ref[...], (((1,), (1,)), ((), ())),
        preferred_element_type=jnp.float32)
    for k in range(BR1 // HALF):
        out_ref[k] = res[:, k * HALF:(k + 1) * HALF]


def _compute_P(h, wrow, rel_embed):
    return pl.pallas_call(
        _p_matmul_body,
        grid=(N // BN1, R // BR1),
        in_specs=[
            pl.BlockSpec((BN1, D), lambda i, j: (i, _Z())),
            pl.BlockSpec((1, D), lambda i, j: (_Z(), _Z())),
            pl.BlockSpec((BR1, D), lambda i, j: (j, _Z())),
        ],
        out_specs=pl.BlockSpec((BR1 // HALF, BN1, HALF),
                               lambda i, j: (j, i, _Z())),
        out_shape=jax.ShapeDtypeStruct((R // HALF, N, HALF), jnp.float32),
    )(h, wrow, rel_embed)


EPT3 = E // NS
CH3 = 80
NCH3 = EPT3 // CH3
STRIPE = N // NS


def _scatter_body(src_hbm, rel_hbm, dst2_hbm, t_unused, h2_hbm, pflat_hbm,
                  acc_hbm, deg_hbm, ssum_hbm,
                  idx_v, pidx_v, dst_a, dst_b, a_a, a_b, rows_a, rows_b,
                  ones_v, zdeg_v, sacc_v,
                  acc_sh, deg_sh, gsem_a, gsem_b, ssem_a, ssem_b):
    del t_unused
    c = lax.axis_index("c")
    s = lax.axis_index("s")
    base = s * _I(EPT3)
    pltpu.sync_copy(src_hbm.at[pl.ds(base, EPT3)], idx_v)
    pltpu.sync_copy(rel_hbm.at[pl.ds(base, EPT3)], pidx_v)

    def ibody(i, carry):
        sl = pl.ds(i * _I(LANES), LANES)
        src16 = idx_v[sl]
        rel16 = pidx_v[sl]
        flat = (lax.shift_right_logical(rel16, _I(7)) * _I(N * HALF)
                + src16 * _I(HALF)
                + lax.bitwise_and(rel16, _I(HALF - 1)))
        pidx_v[sl] = jnp.minimum(jnp.maximum(flat, _I(0)), _I(N * R - 1))
        idx_v[sl] = src16 * _I(2) + jnp.full((LANES,), c, jnp.int32)
        return carry

    lax.fori_loop(_I(0), _I(EPT3 // LANES), ibody, _I(0))

    for k in range(CH3 // LANES):
        ones_v[pl.ds(k * LANES, LANES)] = jnp.ones((LANES,), jnp.float32)
    sacc_v[0, :] = jnp.zeros((LANES,), jnp.float32)

    def zbody(e, carry):
        for j in range(HALF // LANES):
            rows_a[e, pl.ds(j * LANES, LANES)] = jnp.zeros((LANES,), jnp.float32)
        return carry

    lax.fori_loop(_I(0), _I(CH3), zbody, _I(0))
    for k in range(40):
        zdeg_v[pl.ds(k * LANES, LANES)] = jnp.zeros((LANES,), jnp.float32)

    srow = s * _I(640)

    @pl.when(s < NS - 1)
    def _():
        for k in range(640 // CH3):
            pltpu.sync_copy(rows_a, acc_sh.at[pl.ds(srow + k * CH3, CH3)])

    @pl.when(s == NS - 1)
    def _():
        for k in range(400 // CH3):
            pltpu.sync_copy(rows_a, acc_sh.at[pl.ds(9600 + k * CH3, CH3)])

    @pl.when(s == 0)
    def _():
        for k in range(N // 640):
            pltpu.sync_copy(zdeg_v, deg_sh.at[pl.ds(k * 640, 640)])
        pltpu.sync_copy(zdeg_v.at[pl.ds(0, N - (N // 640) * 640)],
                        deg_sh.at[pl.ds((N // 640) * 640, N - (N // 640) * 640)])

    def g_idx(g):
        return idx_v.at[pl.ds(g * _I(CH3), CH3)]

    def p_idx(g):
        return pidx_v.at[pl.ds(g * _I(CH3), CH3)]

    def issue(g, buf, abuf, dbuf, gsem):
        pltpu.async_copy(h2_hbm.at[g_idx(g)], buf, gsem)
        pltpu.async_copy(pflat_hbm.at[p_idx(g)], abuf, gsem)
        pltpu.async_copy(dst2_hbm.at[s * _I(NCH3) + g], dbuf, gsem)

    def scale(buf, abuf):
        for k in range(CH3 // LANES):
            sl = pl.ds(k * LANES, LANES)
            t16 = jnp.exp(abuf[sl])
            abuf[sl] = t16
            sacc_v[0, :] = sacc_v[0, :] + t16

        def ebody(k, carry2):
            for u in range(4):
                e = k * _I(4) + _I(u)
                tsplat = plsc.load_gather(
                    abuf, [jnp.full((LANES,), e, jnp.int32)])
                for j in range(HALF // LANES):
                    sl = pl.ds(j * LANES, LANES)
                    buf[e, sl] = buf[e, sl] * tsplat
            return carry2

        lax.fori_loop(_I(0), _I(CH3 // 4), ebody, _I(0))

    def process(buf, abuf, dbuf, g, gsem, ssem):
        pltpu.make_async_copy(h2_hbm.at[g_idx(g)], buf, gsem).wait()
        pltpu.make_async_copy(pflat_hbm.at[p_idx(g)], abuf, gsem).wait()
        pltpu.make_async_copy(dst2_hbm.at[s * _I(NCH3) + g], dbuf, gsem).wait()
        scale(buf, abuf)
        pltpu.async_copy(buf, acc_sh.at[dbuf.at[_I(0)]], ssem, add=True)

        @pl.when(c == 0)
        def _():
            pltpu.async_copy(ones_v, deg_sh.at[dbuf.at[_I(0)]], ssem, add=True)

    def drain_scatter(buf, dbuf, ssem):
        pltpu.make_async_copy(buf, acc_sh.at[dbuf.at[_I(0)]], ssem).wait()

        @pl.when(c == 0)
        def _():
            pltpu.make_async_copy(ones_v, deg_sh.at[dbuf.at[_I(0)]], ssem).wait()

    issue(_I(0), rows_a, a_a, dst_a, gsem_a)
    issue(_I(1), rows_b, a_b, dst_b, gsem_b)
    plsc.subcore_barrier()

    def pipe(k, carry):
        ga = k * _I(2)
        gb = ga + _I(1)
        process(rows_a, a_a, dst_a, ga, gsem_a, ssem_a)
        process(rows_b, a_b, dst_b, gb, gsem_b, ssem_b)
        drain_scatter(rows_a, dst_a, ssem_a)
        issue(ga + _I(2), rows_a, a_a, dst_a, gsem_a)
        drain_scatter(rows_b, dst_b, ssem_b)

        @pl.when(k < _I(NCH3 // 2 - 1))
        def _():
            issue(gb + _I(2), rows_b, a_b, dst_b, gsem_b)

        return carry

    lax.fori_loop(_I(0), _I(NCH3 // 2), pipe, _I(0))
    gl = _I(NCH3 - 1)
    pltpu.make_async_copy(h2_hbm.at[g_idx(gl)], rows_a, gsem_a).wait()
    pltpu.make_async_copy(pflat_hbm.at[p_idx(gl)], a_a, gsem_a).wait()
    pltpu.make_async_copy(dst2_hbm.at[s * _I(NCH3) + gl], dst_a, gsem_a).wait()
    scale(rows_a, a_a)
    pltpu.sync_copy(rows_a, acc_sh.at[dst_a.at[_I(0)]], add=True)

    @pl.when(c == 0)
    def _():
        pltpu.sync_copy(ones_v, deg_sh.at[dst_a.at[_I(0)]], add=True)

    plsc.subcore_barrier()

    @pl.when(s < NS - 1)
    def _():
        pltpu.sync_copy(acc_sh.at[pl.ds(srow, 640)],
                        acc_hbm.at[c, pl.ds(srow, 640)])

    @pl.when(s == NS - 1)
    def _():
        pltpu.sync_copy(acc_sh.at[pl.ds(9600, 400)],
                        acc_hbm.at[c, pl.ds(9600, 400)])

    @pl.when(c == 0)
    def _():
        pltpu.sync_copy(sacc_v, ssum_hbm.at[s])

    @pl.when(jnp.logical_and(c == 0, s == 0))
    def _():
        pltpu.sync_copy(deg_sh, deg_hbm)


def _scatter(src, rel, dst2, h2, pflat):
    mesh = plsc.VectorSubcoreMesh(core_axis_name="c", subcore_axis_name="s")
    f = pl.kernel(
        _scatter_body,
        out_type=(jax.ShapeDtypeStruct((NC, N, HALF), jnp.float32),
                  jax.ShapeDtypeStruct((N,), jnp.float32),
                  jax.ShapeDtypeStruct((NS, 1, LANES), jnp.float32)),
        mesh=mesh,
        compiler_params=pltpu.CompilerParams(needs_layout_passes=False),
        scratch_types=[
            pltpu.VMEM((EPT3,), jnp.int32),
            pltpu.VMEM((EPT3,), jnp.int32),
            pltpu.VMEM((1, CH3), jnp.int32),
            pltpu.VMEM((1, CH3), jnp.int32),
            pltpu.VMEM((CH3,), jnp.float32),
            pltpu.VMEM((CH3,), jnp.float32),
            pltpu.VMEM((CH3, HALF), jnp.float32),
            pltpu.VMEM((CH3, HALF), jnp.float32),
            pltpu.VMEM((CH3,), jnp.float32),
            pltpu.VMEM((640,), jnp.float32),
            pltpu.VMEM((1, LANES), jnp.float32),
            pltpu.VMEM_SHARED((N, HALF), jnp.float32),
            pltpu.VMEM_SHARED((N,), jnp.float32),
            pltpu.SemaphoreType.DMA,
            pltpu.SemaphoreType.DMA,
            pltpu.SemaphoreType.DMA,
            pltpu.SemaphoreType.DMA,
        ],
    )
    return f(src, rel, dst2, jnp.zeros((1,), jnp.float32), h2, pflat)


BN4 = 1000


def _final_body(h_ref, a0_ref, a1_ref, deg_ref, s_ref, ww_ref, o_ref):
    inv = 1.0 / (jnp.sum(s_ref[...]) * jnp.maximum(deg_ref[...], 1.0))
    y = lax.dot_general(a0_ref[...] * inv, ww_ref[0:HALF, :],
                        (((1,), (0,)), ((), ())),
                        preferred_element_type=jnp.float32)
    y = y + lax.dot_general(a1_ref[...] * inv, ww_ref[HALF:D, :],
                            (((1,), (0,)), ((), ())),
                            preferred_element_type=jnp.float32)
    o_ref[...] = h_ref[...] + y


def _final(h, a0, a1, deg2, S, W_w):
    return pl.pallas_call(
        _final_body,
        grid=(N // BN4,),
        in_specs=[
            pl.BlockSpec((BN4, D), lambda i: (i, _Z())),
            pl.BlockSpec((BN4, HALF), lambda i: (i, _Z())),
            pl.BlockSpec((BN4, HALF), lambda i: (i, _Z())),
            pl.BlockSpec((BN4, 1), lambda i: (i, _Z())),
            pl.BlockSpec((1, NS * LANES), lambda i: (_Z(), _Z())),
            pl.BlockSpec((D, D), lambda i: (_Z(), _Z())),
        ],
        out_specs=pl.BlockSpec((BN4, D), lambda i: (i, _Z())),
        out_shape=jax.ShapeDtypeStruct((N, D), jnp.float32),
    )(h, a0, a1, deg2, S, W_w)


def kernel(h, edge_index, rel_ids, rel_embed, W_w, W_att, b_att):
    del b_att
    h = h.astype(jnp.float32)
    src = edge_index[0].astype(jnp.int32)
    dst = edge_index[1].astype(jnp.int32)
    rel = rel_ids.astype(jnp.int32)
    wrow = W_att.astype(jnp.float32).reshape(1, D)

    P3 = _compute_P(h, wrow, rel_embed.astype(jnp.float32))

    h2 = h.reshape(2 * N, HALF)
    dst2 = dst.reshape(NS * NCH3, 1, CH3)
    accbuf, deg, ssum = _scatter(src, rel, dst2, h2, P3.reshape(N * R))

    out = _final(h, accbuf[0], accbuf[1], deg.reshape(N, 1),
                 ssum.reshape(1, NS * LANES), W_w.astype(jnp.float32))
    return out.astype(jnp.float64)

# --- scband reference (transcript-rebuilt; emitter-appended) ---
"""Pipeline reference for scband-rel-graph-conv-layer-17849884082441 (READ-ONLY COPY).

The authoritative reference and input builder live on the scoring server;
editing this copy changes nothing except your own understanding.
"""

import jax, jax.numpy as jnp
import numpy as np

jax.config.update("jax_enable_x64", True)

N = 10000   # n_nodes
E = 160000  # n_edges
D = 256     # in_dim == out_dim (residual add requires equality)
R = 4096    # relation vocab (hardcoded in module)


def setup_inputs(seed: int = 0) -> dict:
    key = jax.random.key(seed)
    k1, k2, k3, k4, k5, k6, k7 = jax.random.split(key, 7)
    h = jax.random.normal(k1, (N, D), dtype=jnp.float32)
    edge_index = jax.random.randint(k2, (2, E), 0, N, dtype=jnp.int64)
    rel_ids = jax.random.randint(k3, (E,), 0, R, dtype=jnp.int64)
    # learned parameters
    rel_embed = jax.random.normal(k4, (R, D), dtype=jnp.float32)  # nn.Embedding(4096, in_dim)
    W_w = jax.random.normal(k5, (D, D), dtype=jnp.float32) * (1.0 / np.sqrt(D))  # nn.Linear(in_dim, out_dim, bias=False)
    W_att = jax.random.normal(k6, (D, 1), dtype=jnp.float32) * (1.0 / np.sqrt(D))  # nn.Linear(in_dim, 1) weight
    b_att = jax.random.normal(k7, (1,), dtype=jnp.float32) * 0.01  # nn.Linear(in_dim, 1) bias
    return {"h": h, "edge_index": edge_index, "rel_ids": rel_ids,
            "rel_embed": rel_embed, "W_w": W_w, "W_att": W_att, "b_att": b_att}


def reference(h, edge_index, rel_ids, rel_embed, W_w, W_att, b_att):
    src = edge_index[0]
    dst = edge_index[1]
    # e = self.rel_embed(rel_ids)
    e = jnp.take(rel_embed, rel_ids, axis=0)                      # [E, D] gather
    # apply_edges: a = att(h_src * e)
    h_src = jnp.take(h, src, axis=0)                              # [E, D] gather
    a = (h_src * e) @ W_att + b_att                               # [E, 1]
    # w = softmax(a, dim=0): softmax across ALL edges (global edge softmax)
    w = jax.nn.softmax(a, axis=0)                                 # [E, 1]
    # message: m = h_src * w ; reduce: mailbox mean over incoming edges
    m = h_src * w                                                 # [E, D]
    sum_m = jax.ops.segment_sum(m, dst, num_segments=N)           # [N, D] scatter-add
    deg = jax.ops.segment_sum(jnp.ones((E,), dtype=h.dtype), dst, num_segments=N)
    mean_m = sum_m / jnp.clip(deg, 1.0)[:, None]                  # mailbox.mean(1)
    # h_new = h + W(mean_m)
    return h + mean_m @ W_w

if __name__ == "__main__":
    import jax
    _d = setup_inputs()
    print(jax.jit(kernel)(*tuple(_d.values())))

</pallas_src>

<mosaic_0001>
#map = affine_map<(d0, d1) -> (0)>
#map1 = affine_map<(d0, d1) -> (0, 0, 0)>
#map2 = affine_map<(d0, d1) -> (0, 0)>
module attributes {stable_mosaic.version = 14 : i64} {
  func.func @_scatter_body(%arg0: i32, %arg1: i32, %arg2: memref<160000xi32, #tpu.memory_space<hbm>>, %arg3: memref<160000xi32, #tpu.memory_space<hbm>>, %arg4: memref<2000x1x80xi32, #tpu.memory_space<hbm>>, %arg5: memref<1xf32, #tpu.memory_space<hbm>>, %arg6: memref<20000x128xf32, #tpu.memory_space<hbm>>, %arg7: memref<40960000xf32, #tpu.memory_space<hbm>>, %arg8: memref<2x10000x128xf32, #tpu.memory_space<hbm>>, %arg9: memref<10000xf32, #tpu.memory_space<hbm>>, %arg10: memref<16x1x16xf32, #tpu.memory_space<hbm>>, %arg11: memref<10000xi32, #tpu.memory_space<vmem>>, %arg12: memref<10000xi32, #tpu.memory_space<vmem>>, %arg13: memref<1x80xi32, #tpu.memory_space<vmem>>, %arg14: memref<1x80xi32, #tpu.memory_space<vmem>>, %arg15: memref<80xf32, #tpu.memory_space<vmem>>, %arg16: memref<80xf32, #tpu.memory_space<vmem>>, %arg17: memref<80x128xf32, #tpu.memory_space<vmem>>, %arg18: memref<80x128xf32, #tpu.memory_space<vmem>>, %arg19: memref<80xf32, #tpu.memory_space<vmem>>, %arg20: memref<640xf32, #tpu.memory_space<vmem>>, %arg21: memref<1x16xf32, #tpu.memory_space<vmem>>, %arg22: memref<10000x128xf32, #tpu.memory_space<vmem_shared>>, %arg23: memref<10000xf32, #tpu.memory_space<vmem_shared>>, %arg24: memref<!tpu.dma_semaphore, #tpu.memory_space<semaphore_mem>>, %arg25: memref<!tpu.dma_semaphore, #tpu.memory_space<semaphore_mem>>, %arg26: memref<!tpu.dma_semaphore, #tpu.memory_space<semaphore_mem>>, %arg27: memref<!tpu.dma_semaphore, #tpu.memory_space<semaphore_mem>>) attributes {dimension_semantics = [#tpu.dimension_semantics<core_parallel>, #tpu.dimension_semantics<subcore_parallel>], iteration_bounds = array<i64: 2, 16>, scalar_prefetch = 0 : i64, scratch_operands = 17 : i64, tpu.core_type = #tpu.core_type<sc_vector_subcore>, window_params = [{transform_indices = #map}, {transform_indices = #map}, {transform_indices = #map1}, {transform_indices = #map}, {transform_indices = #map2}, {transform_indices = #map}, {transform_indices = #map1}, {transform_indices = #map}, {transform_indices = #map1}]} {
    %mul3A = arith.constant 10000 : i32
    %mul3A_0 = arith.muli %arg1, %mul3A : i32
    "tpu.region"() ({
      %run_scoped3A_409 = tpu.sem_alloc : memref<!tpu.dma_semaphore, #tpu.memory_space<semaphore_mem>>
      %dma_start3A_410 = tpu.memref_slice %arg2[%mul3A_0] : memref<160000xi32, #tpu.memory_space<hbm>> -> memref<10000xi32, #tpu.memory_space<hbm>>
      %dma_start3A_411 = tpu.memref_slice %arg2[%mul3A_0] : memref<160000xi32, #tpu.memory_space<hbm>> -> memref<10000xi32, #tpu.memory_space<hbm>>
      tpu.enqueue_dma source(%dma_start3A_411 : memref<10000xi32, #tpu.memory_space<hbm>>) target(%arg11 : memref<10000xi32, #tpu.memory_space<vmem>>) target_semaphore(%run_scoped3A_409 : memref<!tpu.dma_semaphore, #tpu.memory_space<semaphore_mem>>)
      %dma_wait3A_412 = tpu.memref_slice %arg2[%mul3A_0] : memref<160000xi32, #tpu.memory_space<hbm>> -> memref<10000xi32, #tpu.memory_space<hbm>>
      %dma_wait3A_413 = tpu.memref_slice %arg2[%mul3A_0] : memref<160000xi32, #tpu.memory_space<hbm>> -> memref<10000xi32, #tpu.memory_space<hbm>>
      tpu.wait_dma2 semaphore(%run_scoped3A_409 : memref<!tpu.dma_semaphore, #tpu.memory_space<semaphore_mem>>) src(%dma_wait3A_413 : memref<10000xi32, #tpu.memory_space<hbm>>) dst(%arg11 : memref<10000xi32, #tpu.memory_space<vmem>>)
      tpu.yield
    }) : () -> ()
    "tpu.region"() ({
      %run_scoped3A_409 = tpu.sem_alloc : memref<!tpu.dma_semaphore, #tpu.memory_space<semaphore_mem>>
      %dma_start3A_410 = tpu.memref_slice %arg3[%mul3A_0] : memref<160000xi32, #tpu.memory_space<hbm>> -> memref<10000xi32, #tpu.memory_space<hbm>>
      %dma_start3A_411 = tpu.memref_slice %arg3[%mul3A_0] : memref<160000xi32, #tpu.memory_space<hbm>> -> memref<10000xi32, #tpu.memory_space<hbm>>
      tpu.enqueue_dma source(%dma_start3A_411 : memref<10000xi32, #tpu.memory_space<hbm>>) target(%arg12 : memref<10000xi32, #tpu.memory_space<vmem>>) target_semaphore(%run_scoped3A_409 : memref<!tpu.dma_semaphore, #tpu.memory_space<semaphore_mem>>)
      %dma_wait3A_412 = tpu.memref_slice %arg3[%mul3A_0] : memref<160000xi32, #tpu.memory_space<hbm>> -> memref<10000xi32, #tpu.memory_space<hbm>>
      %dma_wait3A_413 = tpu.memref_slice %arg3[%mul3A_0] : memref<160000xi32, #tpu.memory_space<hbm>> -> memref<10000xi32, #tpu.memory_space<hbm>>
      tpu.wait_dma2 semaphore(%run_scoped3A_409 : memref<!tpu.dma_semaphore, #tpu.memory_space<semaphore_mem>>) src(%dma_wait3A_413 : memref<10000xi32, #tpu.memory_space<hbm>>) dst(%arg12 : memref<10000xi32, #tpu.memory_space<vmem>>)
      tpu.yield
    }) : () -> ()
    %while3A = arith.constant 0 : i32
    %while3A_1 = arith.constant 0 : i32
    %while3A_2 = arith.constant 625 : i32
    %while3A_3 = arith.subi %while3A_2, %while3A_1 : i32
    %while3A_4 = arith.addi %while3A_1, %while3A_3 : i32
    %while3A_5 = arith.constant 1 : i32
    %while3A_6 = arith.divsi %while3A_3, %while3A_5 : i32
    %while3A_7 = arith.muli %while3A_6, %while3A_5 : i32
    %while3A_8 = arith.addi %while3A_1, %while3A_7 : i32
    %while3A_9 = arith.constant 1 : i32
    scf.for %while3A_409 = %while3A_1 to %while3A_8 step %while3A_9  : i32 {
      %mul3A_410 = arith.constant 16 : i32
      %mul3A_411 = arith.muli %while3A_409, %mul3A_410 : i32
      %get3A_412 = arith.index_cast %mul3A_411 : i32 to index
      %get3A_413 = tpu.vector_load %arg11[%get3A_412] {strides = array<i32>} : memref<10000xi32, #tpu.memory_space<vmem>>, vector<16xi32>,
      %get3A_414 = arith.index_cast %mul3A_411 : i32 to index
      %get3A_415 = tpu.vector_load %arg12[%get3A_414] {strides = array<i32>} : memref<10000xi32, #tpu.memory_space<vmem>>, vector<16xi32>,
      %shift_right_logical3A = arith.constant 7 : i32
      %shift_right_logical3A_416 = vector.broadcast %shift_right_logical3A : i32 to vector<16xi32>
      %shift_right_logical3A_417 = arith.shrui %get3A_415, %shift_right_logical3A_416 : vector<16xi32>
      %mul3A_418 = arith.constant 1280000 : i32
      %mul3A_419 = vector.broadcast %mul3A_418 : i32 to vector<16xi32>
      %mul3A_420 = arith.muli %shift_right_logical3A_417, %mul3A_419 : vector<16xi32>
      %mul3A_421 = arith.constant 128 : i32
      %mul3A_422 = vector.broadcast %mul3A_421 : i32 to vector<16xi32>
      %mul3A_423 = arith.muli %get3A_413, %mul3A_422 : vector<16xi32>
      %add3A_424 = arith.addi %mul3A_420, %mul3A_423 : vector<16xi32>
      %and3A_425 = arith.constant 127 : i32
      %and3A_426 = vector.broadcast %and3A_425 : i32 to vector<16xi32>
      %and3A_427 = arith.andi %get3A_415, %and3A_426 : vector<16xi32>
      %add3A_428 = arith.addi %add3A_424, %and3A_427 : vector<16xi32>
      %max3A = arith.constant 0 : i32
      %max3A_429 = vector.broadcast %max3A : i32 to vector<16xi32>
      %max3A_430 = arith.maxsi %add3A_428, %max3A_429 : vector<16xi32>
      %min3A = arith.constant 40959999 : i32
      %min3A_431 = vector.broadcast %min3A : i32 to vector<16xi32>
      %min3A_432 = arith.minsi %max3A_430, %min3A_431 : vector<16xi32>
      %swap3A_433 = arith.index_cast %mul3A_411 : i32 to index
      %swap3A_434 = tpu.vector_load %arg12[%swap3A_433] {strides = array<i32>} : memref<10000xi32, #tpu.memory_space<vmem>>, vector<16xi32>,
      tpu.vector_store %arg12[%swap3A_433], %min3A_432 {strides = array<i32>} : memref<10000xi32, #tpu.memory_space<vmem>>, vector<16xi32>,
      %mul3A_435 = arith.constant 2 : i32
      %mul3A_436 = vector.broadcast %mul3A_435 : i32 to vector<16xi32>
      %mul3A_437 = arith.muli %get3A_413, %mul3A_436 : vector<16xi32>
      %broadcast_in_dim3A_438 = vector.broadcast %arg0 : i32 to vector<16xi32>
      %add3A_439 = arith.addi %mul3A_437, %broadcast_in_dim3A_438 : vector<16xi32>
      %swap3A_440 = arith.index_cast %mul3A_411 : i32 to index
      %swap3A_441 = tpu.vector_load %arg11[%swap3A_440] {strides = array<i32>} : memref<10000xi32, #tpu.memory_space<vmem>>, vector<16xi32>,
      tpu.vector_store %arg11[%swap3A_440], %add3A_439 {strides = array<i32>} : memref<10000xi32, #tpu.memory_space<vmem>>, vector<16xi32>,
    }
    %while3A_10 = arith.constant 1 : i32
    scf.for %while3A_409 = %while3A_8 to %while3A_4 step %while3A_10  : i32 {
      %mul3A_410 = arith.constant 16 : i32
      %mul3A_411 = arith.muli %while3A_409, %mul3A_410 : i32
      %get3A_412 = arith.index_cast %mul3A_411 : i32 to index
      %get3A_413 = tpu.vector_load %arg11[%get3A_412] {strides = array<i32>} : memref<10000xi32, #tpu.memory_space<vmem>>, vector<16xi32>,
      %get3A_414 = arith.index_cast %mul3A_411 : i32 to index
      %get3A_415 = tpu.vector_load %arg12[%get3A_414] {strides = array<i32>} : memref<10000xi32, #tpu.memory_space<vmem>>, vector<16xi32>,
      %shift_right_logical3A = arith.constant 7 : i32
      %shift_right_logical3A_416 = vector.broadcast %shift_right_logical3A : i32 to vector<16xi32>
      %shift_right_logical3A_417 = arith.shrui %get3A_415, %shift_right_logical3A_416 : vector<16xi32>
      %mul3A_418 = arith.constant 1280000 : i32
      %mul3A_419 = vector.broadcast %mul3A_418 : i32 to vector<16xi32>
      %mul3A_420 = arith.muli %shift_right_logical3A_417, %mul3A_419 : vector<16xi32>
      %mul3A_421 = arith.constant 128 : i32
      %mul3A_422 = vector.broadcast %mul3A_421 : i32 to vector<16xi32>
      %mul3A_423 = arith.muli %get3A_413, %mul3A_422 : vector<16xi32>
      %add3A_424 = arith.addi %mul3A_420, %mul3A_423 : vector<16xi32>
      %and3A_425 = arith.constant 127 : i32
      %and3A_426 = vector.broadcast %and3A_425 : i32 to vector<16xi32>
      %and3A_427 = arith.andi %get3A_415, %and3A_426 : vector<16xi32>
      %add3A_428 = arith.addi %add3A_424, %and3A_427 : vector<16xi32>
      %max3A = arith.constant 0 : i32
      %max3A_429 = vector.broadcast %max3A : i32 to vector<16xi32>
      %max3A_430 = arith.maxsi %add3A_428, %max3A_429 : vector<16xi32>
      %min3A = arith.constant 40959999 : i32
      %min3A_431 = vector.broadcast %min3A : i32 to vector<16xi32>
      %min3A_432 = arith.minsi %max3A_430, %min3A_431 : vector<16xi32>
      %swap3A_433 = arith.index_cast %mul3A_411 : i32 to index
      %swap3A_434 = tpu.vector_load %arg12[%swap3A_433] {strides = array<i32>} : memref<10000xi32, #tpu.memory_space<vmem>>, vector<16xi32>,
      tpu.vector_store %arg12[%swap3A_433], %min3A_432 {strides = array<i32>} : memref<10000xi32, #tpu.memory_space<vmem>>, vector<16xi32>,
      %mul3A_435 = arith.constant 2 : i32
      %mul3A_436 = vector.broadcast %mul3A_435 : i32 to vector<16xi32>
      %mul3A_437 = arith.muli %get3A_413, %mul3A_436 : vector<16xi32>
      %broadcast_in_dim3A_438 = vector.broadcast %arg0 : i32 to vector<16xi32>
      %add3A_439 = arith.addi %mul3A_437, %broadcast_in_dim3A_438 : vector<16xi32>
      %swap3A_440 = arith.index_cast %mul3A_411 : i32 to index
      %swap3A_441 = tpu.vector_load %arg11[%swap3A_440] {strides = array<i32>} : memref<10000xi32, #tpu.memory_space<vmem>>, vector<16xi32>,
      tpu.vector_store %arg11[%swap3A_440], %add3A_439 {strides = array<i32>} : memref<10000xi32, #tpu.memory_space<vmem>>, vector<16xi32>,
    }
    %broadcast_in_dim3A = arith.constant 1.000000e+00 : f32
    %broadcast_in_dim3A_11 = vector.broadcast %broadcast_in_dim3A : f32 to vector<16xf32>
    %swap3A = arith.constant 0 : index
    %swap3A_12 = tpu.vector_load %arg19[%swap3A] {strides = array<i32>} : memref<80xf32, #tpu.memory_space<vmem>>, vector<16xf32>,
    tpu.vector_store %arg19[%swap3A], %broadcast_in_dim3A_11 {strides = array<i32>} : memref<80xf32, #tpu.memory_space<vmem>>, vector<16xf32>,
    %broadcast_in_dim3A_13 = arith.constant 1.000000e+00 : f32
    %broadcast_in_dim3A_14 = vector.broadcast %broadcast_in_dim3A_13 : f32 to vector<16xf32>
    %swap3A_15 = arith.constant 16 : index
    %swap3A_16 = tpu.vector_load %arg19[%swap3A_15] {strides = array<i32>} : memref<80xf32, #tpu.memory_space<vmem>>, vector<16xf32>,
    tpu.vector_store %arg19[%swap3A_15], %broadcast_in_dim3A_14 {strides = array<i32>} : memref<80xf32, #tpu.memory_space<vmem>>, vector<16xf32>,
    %broadcast_in_dim3A_17 = arith.constant 1.000000e+00 : f32
    %broadcast_in_dim3A_18 = vector.broadcast %broadcast_in_dim3A_17 : f32 to vector<16xf32>
    %swap3A_19 = arith.constant 32 : index
    %swap3A_20 = tpu.vector_load %arg19[%swap3A_19] {strides = array<i32>} : memref<80xf32, #tpu.memory_space<vmem>>, vector<16xf32>,
    tpu.vector_store %arg19[%swap3A_19], %broadcast_in_dim3A_18 {strides = array<i32>} : memref<80xf32, #tpu.memory_space<vmem>>, vector<16xf32>,
    %broadcast_in_dim3A_21 = arith.constant 1.000000e+00 : f32
    %broadcast_in_dim3A_22 = vector.broadcast %broadcast_in_dim3A_21 : f32 to vector<16xf32>
    %swap3A_23 = arith.constant 48 : index
    %swap3A_24 = tpu.vector_load %arg19[%swap3A_23] {strides = array<i32>} : memref<80xf32, #tpu.memory_space<vmem>>, vector<16xf32>,
    tpu.vector_store %arg19[%swap3A_23], %broadcast_in_dim3A_22 {strides = array<i32>} : memref<80xf32, #tpu.memory_space<vmem>>, vector<16xf32>,
    %broadcast_in_dim3A_25 = arith.constant 1.000000e+00 : f32
    %broadcast_in_dim3A_26 = vector.broadcast %broadcast_in_dim3A_25 : f32 to vector<16xf32>
    %swap3A_27 = arith.constant 64 : index
    %swap3A_28 = tpu.vector_load %arg19[%swap3A_27] {strides = array<i32>} : memref<80xf32, #tpu.memory_space<vmem>>, vector<16xf32>,
    tpu.vector_store %arg19[%swap3A_27], %broadcast_in_dim3A_26 {strides = array<i32>} : memref<80xf32, #tpu.memory_space<vmem>>, vector<16xf32>,
    %broadcast_in_dim3A_29 = arith.constant 0.000000e+00 : f32
    %broadcast_in_dim3A_30 = vector.broadcast %broadcast_in_dim3A_29 : f32 to vector<16xf32>
    %swap3A_31 = arith.constant 0 : i64
    %swap3A_32 = arith.index_cast %swap3A_31 : i64 to index
    %swap3A_33 = arith.constant 0 : index
    %swap3A_34 = tpu.vector_load %arg21[%swap3A_32, %swap3A_33] {strides = array<i32>} : memref<1x16xf32, #tpu.memory_space<vmem>>, vector<16xf32>,
    tpu.vector_store %arg21[%swap3A_32, %swap3A_33], %broadcast_in_dim3A_30 {strides = array<i32>} : memref<1x16xf32, #tpu.memory_space<vmem>>, vector<16xf32>,
    %while3A_35 = arith.constant 0 : i32
    %while3A_36 = arith.constant 0 : i32
    %while3A_37 = arith.constant 80 : i32
    %while3A_38 = arith.subi %while3A_37, %while3A_36 : i32
    %while3A_39 = arith.addi %while3A_36, %while3A_38 : i32
    %while3A_40 = arith.constant 1 : i32
    %while3A_41 = arith.divsi %while3A_38, %while3A_40 : i32
    %while3A_42 = arith.muli %while3A_41, %while3A_40 : i32
    %while3A_43 = arith.addi %while3A_36, %while3A_42 : i32
    %while3A_44 = arith.constant 1 : i32
    scf.for %while3A_409 = %while3A_36 to %while3A_43 step %while3A_44  : i32 {
      %broadcast_in_dim3A_410 = arith.constant 0.000000e+00 : f32
      %broadcast_in_dim3A_411 = vector.broadcast %broadcast_in_dim3A_410 : f32 to vector<16xf32>
      %swap3A_412 = arith.index_cast %while3A_409 : i32 to index
      %swap3A_413 = arith.constant 0 : index
      %swap3A_414 = tpu.vector_load %arg17[%swap3A_412, %swap3A_413] {strides = array<i32>} : memref<80x128xf32, #tpu.memory_space<vmem>>, vector<16xf32>,
      tpu.vector_store %arg17[%swap3A_412, %swap3A_413], %broadcast_in_dim3A_411 {strides = array<i32>} : memref<80x128xf32, #tpu.memory_space<vmem>>, vector<16xf32>,
      %broadcast_in_dim3A_415 = arith.constant 0.000000e+00 : f32
      %broadcast_in_dim3A_416 = vector.broadcast %broadcast_in_dim3A_415 : f32 to vector<16xf32>
      %swap3A_417 = arith.index_cast %while3A_409 : i32 to index
      %swap3A_418 = arith.constant 16 : index
      %swap3A_419 = tpu.vector_load %arg17[%swap3A_417, %swap3A_418] {strides = array<i32>} : memref<80x128xf32, #tpu.memory_space<vmem>>, vector<16xf32>,
      tpu.vector_store %arg17[%swap3A_417, %swap3A_418], %broadcast_in_dim3A_416 {strides = array<i32>} : memref<80x128xf32, #tpu.memory_space<vmem>>, vector<16xf32>,
      %broadcast_in_dim3A_420 = arith.constant 0.000000e+00 : f32
      %broadcast_in_dim3A_421 = vector.broadcast %broadcast_in_dim3A_420 : f32 to vector<16xf32>
      %swap3A_422 = arith.index_cast %while3A_409 : i32 to index
      %swap3A_423 = arith.constant 32 : index
      %swap3A_424 = tpu.vector_load %arg17[%swap3A_422, %swap3A_423] {strides = array<i32>} : memref<80x128xf32, #tpu.memory_space<vmem>>, vector<16xf32>,
      tpu.vector_store %arg17[%swap3A_422, %swap3A_423], %broadcast_in_dim3A_421 {strides = array<i32>} : memref<80x128xf32, #tpu.memory_space<vmem>>, vector<16xf32>,
      %broadcast_in_dim3A_425 = arith.constant 0.000000e+00 : f32
      %broadcast_in_dim3A_426 = vector.broadcast %broadcast_in_dim3A_425 : f32 to vector<16xf32>
      %swap3A_427 = arith.index_cast %while3A_409 : i32 to index
      %swap3A_428 = arith.constant 48 : index
      %swap3A_429 = tpu.vector_load %arg17[%swap3A_427, %swap3A_428] {strides = array<i32>} : memref<80x128xf32, #tpu.memory_space<vmem>>, vector<16xf32>,
      tpu.vector_store %arg17[%swap3A_427, %swap3A_428], %broadcast_in_dim3A_426 {strides = array<i32>} : memref<80x128xf32, #tpu.memory_space<vmem>>, vector<16xf32>,
      %broadcast_in_dim3A_430 = arith.constant 0.000000e+00 : f32
      %broadcast_in_dim3A_431 = vector.broadcast %broadcast_in_dim3A_430 : f32 to vector<16xf32>
      %swap3A_432 = arith.index_cast %while3A_409 : i32 to index
      %swap3A_433 = arith.constant 64 : index
      %swap3A_434 = tpu.vector_load %arg17[%swap3A_432, %swap3A_433] {strides = array<i32>} : memref<80x128xf32, #tpu.memory_space<vmem>>, vector<16xf32>,
      tpu.vector_store %arg17[%swap3A_432, %swap3A_433], %broadcast_in_dim3A_431 {strides = array<i32>} : memref<80x128xf32, #tpu.memory_space<vmem>>, vector<16xf32>,
      %broadcast_in_dim3A_435 = arith.constant 0.000000e+00 : f32
      %broadcast_in_dim3A_436 = vector.broadcast %broadcast_in_dim3A_435 : f32 to vector<16xf32>
      %swap3A_437 = arith.index_cast %while3A_409 : i32 to index
      %swap3A_438 = arith.constant 80 : index
      %swap3A_439 = tpu.vector_load %arg17[%swap3A_437, %swap3A_438] {strides = array<i32>} : memref<80x128xf32, #tpu.memory_space<vmem>>, vector<16xf32>,
      tpu.vector_store %arg17[%swap3A_437, %swap3A_438], %broadcast_in_dim3A_436 {strides = array<i32>} : memref<80x128xf32, #tpu.memory_space<vmem>>, vector<16xf32>,
      %broadcast_in_dim3A_440 = arith.constant 0.000000e+00 : f32
      %broadcast_in_dim3A_441 = vector.broadcast %broadcast_in_dim3A_440 : f32 to vector<16xf32>
      %swap3A_442 = arith.index_cast %while3A_409 : i32 to index
      %swap3A_443 = arith.constant 96 : index
      %swap3A_444 = tpu.vector_load %arg17[%swap3A_442, %swap3A_443] {strides = array<i32>} : memref<80x128xf32, #tpu.memory_space<vmem>>, vector<16xf32>,
      tpu.vector_store %arg17[%swap3A_442, %swap3A_443], %broadcast_in_dim3A_441 {strides = array<i32>} : memref<80x128xf32, #tpu.memory_space<vmem>>, vector<16xf32>,
      %broadcast_in_dim3A_445 = arith.constant 0.000000e+00 : f32
      %broadcast_in_dim3A_446 = vector.broadcast %broadcast_in_dim3A_445 : f32 to vector<16xf32>
      %swap3A_447 = arith.index_cast %while3A_409 : i32 to index
      %swap3A_448 = arith.constant 112 : index
      %swap3A_449 = tpu.vector_load %arg17[%swap3A_447, %swap3A_448] {strides = array<i32>} : memref<80x128xf32, #tpu.memory_space<vmem>>, vector<16xf32>,
      tpu.vector_store %arg17[%swap3A_447, %swap3A_448], %broadcast_in_dim3A_446 {strides = array<i32>} : memref<80x128xf32, #tpu.memory_space<vmem>>, vector<16xf32>,
    }
    %while3A_45 = arith.constant 1 : i32
    scf.for %while3A_409 = %while3A_43 to %while3A_39 step %while3A_45  : i32 {
      %broadcast_in_dim3A_410 = arith.constant 0.000000e+00 : f32
      %broadcast_in_dim3A_411 = vector.broadcast %broadcast_in_dim3A_410 : f32 to vector<16xf32>
      %swap3A_412 = arith.index_cast %while3A_409 : i32 to index
      %swap3A_413 = arith.constant 0 : index
      %swap3A_414 = tpu.vector_load %arg17[%swap3A_412, %swap3A_413] {strides = array<i32>} : memref<80x128xf32, #tpu.memory_space<vmem>>, vector<16xf32>,
      tpu.vector_store %arg17[%swap3A_412, %swap3A_413], %broadcast_in_dim3A_411 {strides = array<i32>} : memref<80x128xf32, #tpu.memory_space<vmem>>, vector<16xf32>,
      %broadcast_in_dim3A_415 = arith.constant 0.000000e+00 : f32
      %broadcast_in_dim3A_416 = vector.broadcast %broadcast_in_dim3A_415 : f32 to vector<16xf32>
      %swap3A_417 = arith.index_cast %while3A_409 : i32 to index
      %swap3A_418 = arith.constant 16 : index
      %swap3A_419 = tpu.vector_load %arg17[%swap3A_417, %swap3A_418] {strides = array<i32>} : memref<80x128xf32, #tpu.memory_space<vmem>>, vector<16xf32>,
      tpu.vector_store %arg17[%swap3A_417, %swap3A_418], %broadcast_in_dim3A_416 {strides = array<i32>} : memref<80x128xf32, #tpu.memory_space<vmem>>, vector<16xf32>,
      %broadcast_in_dim3A_420 = arith.constant 0.000000e+00 : f32
      %broadcast_in_dim3A_421 = vector.broadcast %broadcast_in_dim3A_420 : f32 to vector<16xf32>
      %swap3A_422 = arith.index_cast %while3A_409 : i32 to index
      %swap3A_423 = arith.constant 32 : index
      %swap3A_424 = tpu.vector_load %arg17[%swap3A_422, %swap3A_423] {strides = array<i32>} : memref<80x128xf32, #tpu.memory_space<vmem>>, vector<16xf32>,
      tpu.vector_store %arg17[%swap3A_422, %swap3A_423], %broadcast_in_dim3A_421 {strides = array<i32>} : memref<80x128xf32, #tpu.memory_space<vmem>>, vector<16xf32>,
      %broadcast_in_dim3A_425 = arith.constant 0.000000e+00 : f32
      %broadcast_in_dim3A_426 = vector.broadcast %broadcast_in_dim3A_425 : f32 to vector<16xf32>
      %swap3A_427 = arith.index_cast %while3A_409 : i32 to index
      %swap3A_428 = arith.constant 48 : index
      %swap3A_429 = tpu.vector_load %arg17[%swap3A_427, %swap3A_428] {strides = array<i32>} : memref<80x128xf32, #tpu.memory_space<vmem>>, vector<16xf32>,
      tpu.vector_store %arg17[%swap3A_427, %swap3A_428], %broadcast_in_dim3A_426 {strides = array<i32>} : memref<80x128xf32, #tpu.memory_space<vmem>>, vector<16xf32>,
      %broadcast_in_dim3A_430 = arith.constant 0.000000e+00 : f32
      %broadcast_in_dim3A_431 = vector.broadcast %broadcast_in_dim3A_430 : f32 to vector<16xf32>
      %swap3A_432 = arith.index_cast %while3A_409 : i32 to index
      %swap3A_433 = arith.constant 64 : index
      %swap3A_434 = tpu.vector_load %arg17[%swap3A_432, %swap3A_433] {strides = array<i32>} : memref<80x128xf32, #tpu.memory_space<vmem>>, vector<16xf32>,
      tpu.vector_store %arg17[%swap3A_432, %swap3A_433], %broadcast_in_dim3A_431 {strides = array<i32>} : memref<80x128xf32, #tpu.memory_space<vmem>>, vector<16xf32>,
      %broadcast_in_dim3A_435 = arith.constant 0.000000e+00 : f32
      %broadcast_in_dim3A_436 = vector.broadcast %broadcast_in_dim3A_435 : f32 to vector<16xf32>
      %swap3A_437 = arith.index_cast %while3A_409 : i32 to index
      %swap3A_438 = arith.constant 80 : index
      %swap3A_439 = tpu.vector_load %arg17[%swap3A_437, %swap3A_438] {strides = array<i32>} : memref<80x128xf32, #tpu.memory_space<vmem>>, vector<16xf32>,
      tpu.vector_store %arg17[%swap3A_437, %swap3A_438], %broadcast_in_dim3A_436 {strides = array<i32>} : memref<80x128xf32, #tpu.memory_space<vmem>>, vector<16xf32>,
      %broadcast_in_dim3A_440 = arith.constant 0.000000e+00 : f32
      %broadcast_in_dim3A_441 = vector.broadcast %broadcast_in_dim3A_440 : f32 to vector<16xf32>
      %swap3A_442 = arith.index_cast %while3A_409 : i32 to index
      %swap3A_443 = arith.constant 96 : index
      %swap3A_444 = tpu.vector_load %arg17[%swap3A_442, %swap3A_443] {strides = array<i32>} : memref<80x128xf32, #tpu.memory_space<vmem>>, vector<16xf32>,
      tpu.vector_store %arg17[%swap3A_442, %swap3A_443], %broadcast_in_dim3A_441 {strides = array<i32>} : memref<80x128xf32, #tpu.memory_space<vmem>>, vector<16xf32>,
      %broadcast_in_dim3A_445 = arith.constant 0.000000e+00 : f32
      %broadcast_in_dim3A_446 = vector.broadcast %broadcast_in_dim3A_445 : f32 to vector<16xf32>
      %swap3A_447 = arith.index_cast %while3A_409 : i32 to index
      %swap3A_448 = arith.constant 112 : index
      %swap3A_449 = tpu.vector_load %arg17[%swap3A_447, %swap3A_448] {strides = array<i32>} : memref<80x128xf32, #tpu.memory_space<vmem>>, vector<16xf32>,
      tpu.vector_store %arg17[%swap3A_447, %swap3A_448], %broadcast_in_dim3A_446 {strides = array<i32>} : memref<80x128xf32, #tpu.memory_space<vmem>>, vector<16xf32>,
    }
    %broadcast_in_dim3A_46 = arith.constant 0.000000e+00 : f32
    %broadcast_in_dim3A_47 = vector.broadcast %broadcast_in_dim3A_46 : f32 to vector<16xf32>
    %swap3A_48 = arith.constant 0 : index
    %swap3A_49 = tpu.vector_load %arg20[%swap3A_48] {strides = array<i32>} : memref<640xf32, #tpu.memory_space<vmem>>, vector<16xf32>,
    tpu.vector_store %arg20[%swap3A_48], %broadcast_in_dim3A_47 {strides = array<i32>} : memref<640xf32, #tpu.memory_space<vmem>>, vector<16xf32>,
    %broadcast_in_dim3A_50 = arith.constant 0.000000e+00 : f32
    %broadcast_in_dim3A_51 = vector.broadcast %broadcast_in_dim3A_50 : f32 to vector<16xf32>
    %swap3A_52 = arith.constant 16 : index
    %swap3A_53 = tpu.vector_load %arg20[%swap3A_52] {strides = array<i32>} : memref<640xf32, #tpu.memory_space<vmem>>, vector<16xf32>,
    tpu.vector_store %arg20[%swap3A_52], %broadcast_in_dim3A_51 {strides = array<i32>} : memref<640xf32, #tpu.memory_space<vmem>>, vector<16xf32>,
    %broadcast_in_dim3A_54 = arith.constant 0.000000e+00 : f32
    %broadcast_in_dim3A_55 = vector.broadcast %broadcast_in_dim3A_54 : f32 to vector<16xf32>
    %swap3A_56 = arith.constant 32 : index
    %swap3A_57 = tpu.vector_load %arg20[%swap3A_56] {strides = array<i32>} : memref<640xf32, #tpu.memory_space<vmem>>, vector<16xf32>,
    tpu.vector_store %arg20[%swap3A_56], %broadcast_in_dim3A_55 {strides = array<i32>} : memref<640xf32, #tpu.memory_space<vmem>>, vector<16xf32>,
    %broadcast_in_dim3A_58 = arith.constant 0.000000e+00 : f32
    %broadcast_in_dim3A_59 = vector.broadcast %broadcast_in_dim3A_58 : f32 to vector<16xf32>
    %swap3A_60 = arith.constant 48 : index
    %swap3A_61 = tpu.vector_load %arg20[%swap3A_60] {strides = array<i32>} : memref<640xf32, #tpu.memory_space<vmem>>, vector<16xf32>,
    tpu.vector_store %arg20[%swap3A_60], %broadcast_in_dim3A_59 {strides = array<i32>} : memref<640xf32, #tpu.memory_space<vmem>>, vector<16xf32>,
    %broadcast_in_dim3A_62 = arith.constant 0.000000e+00 : f32
    %broadcast_in_dim3A_63 = vector.broadcast %broadcast_in_dim3A_62 : f32 to vector<16xf32>
    %swap3A_64 = arith.constant 64 : index
    %swap3A_65 = tpu.vector_load %arg20[%swap3A_64] {strides = array<i32>} : memref<640xf32, #tpu.memory_space<vmem>>, vector<16xf32>,
    tpu.vector_store %arg20[%swap3A_64], %broadcast_in_dim3A_63 {strides = array<i32>} : memref<640xf32, #tpu.memory_space<vmem>>, vector<16xf32>,
    %broadcast_in_dim3A_66 = arith.constant 0.000000e+00 : f32
    %broadcast_in_dim3A_67 = vector.broadcast %broadcast_in_dim3A_66 : f32 to vector<16xf32>
    %swap3A_68 = arith.constant 80 : index
    %swap3A_69 = tpu.vector_load %arg20[%swap3A_68] {strides = array<i32>} : memref<640xf32, #tpu.memory_space<vmem>>, vector<16xf32>,
    tpu.vector_store %arg20[%swap3A_68], %broadcast_in_dim3A_67 {strides = array<i32>} : memref<640xf32, #tpu.memory_space<vmem>>, vector<16xf32>,
    %broadcast_in_dim3A_70 = arith.constant 0.000000e+00 : f32
    %broadcast_in_dim3A_71 = vector.broadcast %broadcast_in_dim3A_70 : f32 to vector<16xf32>
    %swap3A_72 = arith.constant 96 : index
    %swap3A_73 = tpu.vector_load %arg20[%swap3A_72] {strides = array<i32>} : memref<640xf32, #tpu.memory_space<vmem>>, vector<16xf32>,
    tpu.vector_store %arg20[%swap3A_72], %broadcast_in_dim3A_71 {strides = array<i32>} : memref<640xf32, #tpu.memory_space<vmem>>, vector<16xf32>,
    %broadcast_in_dim3A_74 = arith.constant 0.000000e+00 : f32
    %broadcast_in_dim3A_75 = vector.broadcast %broadcast_in_dim3A_74 : f32 to vector<16xf32>
    %swap3A_76 = arith.constant 112 : index
    %swap3A_77 = tpu.vector_load %arg20[%swap3A_76] {strides = array<i32>} : memref<640xf32, #tpu.memory_space<vmem>>, vector<16xf32>,
    tpu.vector_store %arg20[%swap3A_76], %broadcast_in_dim3A_75 {strides = array<i32>} : memref<640xf32, #tpu.memory_space<vmem>>, vector<16xf32>,
    %broadcast_in_dim3A_78 = arith.constant 0.000000e+00 : f32
    %broadcast_in_dim3A_79 = vector.broadcast %broadcast_in_dim3A_78 : f32 to vector<16xf32>
    %swap3A_80 = arith.constant 128 : index
    %swap3A_81 = tpu.vector_load %arg20[%swap3A_80] {strides = array<i32>} : memref<640xf32, #tpu.memory_space<vmem>>, vector<16xf32>,
    tpu.vector_store %arg20[%swap3A_80], %broadcast_in_dim3A_79 {strides = array<i32>} : memref<640xf32, #tpu.memory_space<vmem>>, vector<16xf32>,
    %broadcast_in_dim3A_82 = arith.constant 0.000000e+00 : f32
    %broadcast_in_dim3A_83 = vector.broadcast %broadcast_in_dim3A_82 : f32 to vector<16xf32>
    %swap3A_84 = arith.constant 144 : index
    %swap3A_85 = tpu.vector_load %arg20[%swap3A_84] {strides = array<i32>} : memref<640xf32, #tpu.memory_space<vmem>>, vector<16xf32>,
    tpu.vector_store %arg20[%swap3A_84], %broadcast_in_dim3A_83 {strides = array<i32>} : memref<640xf32, #tpu.memory_space<vmem>>, vector<16xf32>,
    %broadcast_in_dim3A_86 = arith.constant 0.000000e+00 : f32
    %broadcast_in_dim3A_87 = vector.broadcast %broadcast_in_dim3A_86 : f32 to vector<16xf32>
    %swap3A_88 = arith.constant 160 : index
    %swap3A_89 = tpu.vector_load %arg20[%swap3A_88] {strides = array<i32>} : memref<640xf32, #tpu.memory_space<vmem>>, vector<16xf32>,
    tpu.vector_store %arg20[%swap3A_88], %broadcast_in_dim3A_87 {strides = array<i32>} : memref<640xf32, #tpu.memory_space<vmem>>, vector<16xf32>,
    %broadcast_in_dim3A_90 = arith.constant 0.000000e+00 : f32
    %broadcast_in_dim3A_91 = vector.broadcast %broadcast_in_dim3A_90 : f32 to vector<16xf32>
    %swap3A_92 = arith.constant 176 : index
    %swap3A_93 = tpu.vector_load %arg20[%swap3A_92] {strides = array<i32>} : memref<640xf32, #tpu.memory_space<vmem>>, vector<16xf32>,
    tpu.vector_store %arg20[%swap3A_92], %broadcast_in_dim3A_91 {strides = array<i32>} : memref<640xf32, #tpu.memory_space<vmem>>, vector<16xf32>,
    %broadcast_in_dim3A_94 = arith.constant 0.000000e+00 : f32
    %broadcast_in_dim3A_95 = vector.broadcast %broadcast_in_dim3A_94 : f32 to vector<16xf32>
    %swap3A_96 = arith.constant 192 : index
    %swap3A_97 = tpu.vector_load %arg20[%swap3A_96] {strides = array<i32>} : memref<640xf32, #tpu.memory_space<vmem>>, vector<16xf32>,
    tpu.vector_store %arg20[%swap3A_96], %broadcast_in_dim3A_95 {strides = array<i32>} : memref<640xf32, #tpu.memory_space<vmem>>, vector<16xf32>,
    %broadcast_in_dim3A_98 = arith.constant 0.000000e+00 : f32
    %broadcast_in_dim3A_99 = vector.broadcast %broadcast_in_dim3A_98 : f32 to vector<16xf32>
    %swap3A_100 = arith.constant 208 : index
    %swap3A_101 = tpu.vector_load %arg20[%swap3A_100] {strides = array<i32>} : memref<640xf32, #tpu.memory_space<vmem>>, vector<16xf32>,
    tpu.vector_store %arg20[%swap3A_100], %broadcast_in_dim3A_99 {strides = array<i32>} : memref<640xf32, #tpu.memory_space<vmem>>, vector<16xf32>,
    %broadcast_in_dim3A_102 = arith.constant 0.000000e+00 : f32
    %broadcast_in_dim3A_103 = vector.broadcast %broadcast_in_dim3A_102 : f32 to vector<16xf32>
    %swap3A_104 = arith.constant 224 : index
    %swap3A_105 = tpu.vector_load %arg20[%swap3A_104] {strides = array<i32>} : memref<640xf32, #tpu.memory_space<vmem>>, vector<16xf32>,
    tpu.vector_store %arg20[%swap3A_104], %broadcast_in_dim3A_103 {strides = array<i32>} : memref<640xf32, #tpu.memory_space<vmem>>, vector<16xf32>,
    %broadcast_in_dim3A_106 = arith.constant 0.000000e+00 : f32
    %broadcast_in_dim3A_107 = vector.broadcast %broadcast_in_dim3A_106 : f32 to vector<16xf32>
    %swap3A_108 = arith.constant 240 : index
    %swap3A_109 = tpu.vector_load %arg20[%swap3A_108] {strides = array<i32>} : memref<640xf32, #tpu.memory_space<vmem>>, vector<16xf32>,
    tpu.vector_store %arg20[%swap3A_108], %broadcast_in_dim3A_107 {strides = array<i32>} : memref<640xf32, #tpu.memory_space<vmem>>, vector<16xf32>,
    %broadcast_in_dim3A_110 = arith.constant 0.000000e+00 : f32
    %broadcast_in_dim3A_111 = vector.broadcast %broadcast_in_dim3A_110 : f32 to vector<16xf32>
    %swap3A_112 = arith.constant 256 : index
    %swap3A_113 = tpu.vector_load %arg20[%swap3A_112] {strides = array<i32>} : memref<640xf32, #tpu.memory_space<vmem>>, vector<16xf32>,
    tpu.vector_store %arg20[%swap3A_112], %broadcast_in_dim3A_111 {strides = array<i32>} : memref<640xf32, #tpu.memory_space<vmem>>, vector<16xf32>,
    %broadcast_in_dim3A_114 = arith.constant 0.000000e+00 : f32
    %broadcast_in_dim3A_115 = vector.broadcast %broadcast_in_dim3A_114 : f32 to vector<16xf32>
    %swap3A_116 = arith.constant 272 : index
    %swap3A_117 = tpu.vector_load %arg20[%swap3A_116] {strides = array<i32>} : memref<640xf32, #tpu.memory_space<vmem>>, vector<16xf32>,
    tpu.vector_store %arg20[%swap3A_116], %broadcast_in_dim3A_115 {strides = array<i32>} : memref<640xf32, #tpu.memory_space<vmem>>, vector<16xf32>,
    %broadcast_in_dim3A_118 = arith.constant 0.000000e+00 : f32
    %broadcast_in_dim3A_119 = vector.broadcast %broadcast_in_dim3A_118 : f32 to vector<16xf32>
    %swap3A_120 = arith.constant 288 : index
    %swap3A_121 = tpu.vector_load %arg20[%swap3A_120] {strides = array<i32>} : memref<640xf32, #tpu.memory_space<vmem>>, vector<16xf32>,
    tpu.vector_store %arg20[%swap3A_120], %broadcast_in_dim3A_119 {strides = array<i32>} : memref<640xf32, #tpu.memory_space<vmem>>, vector<16xf32>,
    %broadcast_in_dim3A_122 = arith.constant 0.000000e+00 : f32
    %broadcast_in_dim3A_123 = vector.broadcast %broadcast_in_dim3A_122 : f32 to vector<16xf32>
    %swap3A_124 = arith.constant 304 : index
    %swap3A_125 = tpu.vector_load %arg20[%swap3A_124] {strides = array<i32>} : memref<640xf32, #tpu.memory_space<vmem>>, vector<16xf32>,
    tpu.vector_store %arg20[%swap3A_124], %broadcast_in_dim3A_123 {strides = array<i32>} : memref<640xf32, #tpu.memory_space<vmem>>, vector<16xf32>,
    %broadcast_in_dim3A_126 = arith.constant 0.000000e+00 : f32
    %broadcast_in_dim3A_127 = vector.broadcast %broadcast_in_dim3A_126 : f32 to vector<16xf32>
    %swap3A_128 = arith.constant 320 : index
    %swap3A_129 = tpu.vector_load %arg20[%swap3A_128] {strides = array<i32>} : memref<640xf32, #tpu.memory_space<vmem>>, vector<16xf32>,
    tpu.vector_store %arg20[%swap3A_128], %broadcast_in_dim3A_127 {strides = array<i32>} : memref<640xf32, #tpu.memory_space<vmem>>, vector<16xf32>,
    %broadcast_in_dim3A_130 = arith.constant 0.000000e+00 : f32
    %broadcast_in_dim3A_131 = vector.broadcast %broadcast_in_dim3A_130 : f32 to vector<16xf32>
    %swap3A_132 = arith.constant 336 : index
    %swap3A_133 = tpu.vector_load %arg20[%swap3A_132] {strides = array<i32>} : memref<640xf32, #tpu.memory_space<vmem>>, vector<16xf32>,
    tpu.vector_store %arg20[%swap3A_132], %broadcast_in_dim3A_131 {strides = array<i32>} : memref<640xf32, #tpu.memory_space<vmem>>, vector<16xf32>,
    %broadcast_in_dim3A_134 = arith.constant 0.000000e+00 : f32
    %broadcast_in_dim3A_135 = vector.broadcast %broadcast_in_dim3A_134 : f32 to vector<16xf32>
    %swap3A_136 = arith.constant 352 : index
    %swap3A_137 = tpu.vector_load %arg20[%swap3A_136] {strides = array<i32>} : memref<640xf32, #tpu.memory_space<vmem>>, vector<16xf32>,
    tpu.vector_store %arg20[%swap3A_136], %broadcast_in_dim3A_135 {strides = array<i32>} : memref<640xf32, #tpu.memory_space<vmem>>, vector<16xf32>,
    %broadcast_in_dim3A_138 = arith.constant 0.000000e+00 : f32
    %broadcast_in_dim3A_139 = vector.broadcast %broadcast_in_dim3A_138 : f32 to vector<16xf32>
    %swap3A_140 = arith.constant 368 : index
    %swap3A_141 = tpu.vector_load %arg20[%swap3A_140] {strides = array<i32>} : memref<640xf32, #tpu.memory_space<vmem>>, vector<16xf32>,
    tpu.vector_store %arg20[%swap3A_140], %broadcast_in_dim3A_139 {strides = array<i32>} : memref<640xf32, #tpu.memory_space<vmem>>, vector<16xf32>,
    %broadcast_in_dim3A_142 = arith.constant 0.000000e+00 : f32
    %broadcast_in_dim3A_143 = vector.broadcast %broadcast_in_dim3A_142 : f32 to vector<16xf32>
    %swap3A_144 = arith.constant 384 : index
    %swap3A_145 = tpu.vector_load %arg20[%swap3A_144] {strides = array<i32>} : memref<640xf32, #tpu.memory_space<vmem>>, vector<16xf32>,
    tpu.vector_store %arg20[%swap3A_144], %broadcast_in_dim3A_143 {strides = array<i32>} : memref<640xf32, #tpu.memory_space<vmem>>, vector<16xf32>,
    %broadcast_in_dim3A_146 = arith.constant 0.000000e+00 : f32
    %broadcast_in_dim3A_147 = vector.broadcast %broadcast_in_dim3A_146 : f32 to vector<16xf32>
    %swap3A_148 = arith.constant 400 : index
    %swap3A_149 = tpu.vector_load %arg20[%swap3A_148] {strides = array<i32>} : memref<640xf32, #tpu.memory_space<vmem>>, vector<16xf32>,
    tpu.vector_store %arg20[%swap3A_148], %broadcast_in_dim3A_147 {strides = array<i32>} : memref<640xf32, #tpu.memory_space<vmem>>, vector<16xf32>,
    %broadcast_in_dim3A_150 = arith.constant 0.000000e+00 : f32
    %broadcast_in_dim3A_151 = vector.broadcast %broadcast_in_dim3A_150 : f32 to vector<16xf32>
    %swap3A_152 = arith.constant 416 : index
    %swap3A_153 = tpu.vector_load %arg20[%swap3A_152] {strides = array<i32>} : memref<640xf32, #tpu.memory_space<vmem>>, vector<16xf32>,
    tpu.vector_store %arg20[%swap3A_152], %broadcast_in_dim3A_151 {strides = array<i32>} : memref<640xf32, #tpu.memory_space<vmem>>, vector<16xf32>,
    %broadcast_in_dim3A_154 = arith.constant 0.000000e+00 : f32
    %broadcast_in_dim3A_155 = vector.broadcast %broadcast_in_dim3A_154 : f32 to vector<16xf32>
    %swap3A_156 = arith.constant 432 : index
    %swap3A_157 = tpu.vector_load %arg20[%swap3A_156] {strides = array<i32>} : memref<640xf32, #tpu.memory_space<vmem>>, vector<16xf32>,
    tpu.vector_store %arg20[%swap3A_156], %broadcast_in_dim3A_155 {strides = array<i32>} : memref<640xf32, #tpu.memory_space<vmem>>, vector<16xf32>,
    %broadcast_in_dim3A_158 = arith.constant 0.000000e+00 : f32
    %broadcast_in_dim3A_159 = vector.broadcast %broadcast_in_dim3A_158 : f32 to vector<16xf32>
    %swap3A_160 = arith.constant 448 : index
    %swap3A_161 = tpu.vector_load %arg20[%swap3A_160] {strides = array<i32>} : memref<640xf32, #tpu.memory_space<vmem>>, vector<16xf32>,
    tpu.vector_store %arg20[%swap3A_160], %broadcast_in_dim3A_159 {strides = array<i32>} : memref<640xf32, #tpu.memory_space<vmem>>, vector<16xf32>,
    %broadcast_in_dim3A_162 = arith.constant 0.000000e+00 : f32
    %broadcast_in_dim3A_163 = vector.broadcast %broadcast_in_dim3A_162 : f32 to vector<16xf32>
    %swap3A_164 = arith.constant 464 : index
    %swap3A_165 = tpu.vector_load %arg20[%swap3A_164] {strides = array<i32>} : memref<640xf32, #tpu.memory_space<vmem>>, vector<16xf32>,
    tpu.vector_store %arg20[%swap3A_164], %broadcast_in_dim3A_163 {strides = array<i32>} : memref<640xf32, #tpu.memory_space<vmem>>, vector<16xf32>,
    %broadcast_in_dim3A_166 = arith.constant 0.000000e+00 : f32
    %broadcast_in_dim3A_167 = vector.broadcast %broadcast_in_dim3A_166 : f32 to vector<16xf32>
    %swap3A_168 = arith.constant 480 : index
    %swap3A_169 = tpu.vector_load %arg20[%swap3A_168] {strides = array<i32>} : memref<640xf32, #tpu.memory_space<vmem>>, vector<16xf32>,
    tpu.vector_store %arg20[%swap3A_168], %broadcast_in_dim3A_167 {strides = array<i32>} : memref<640xf32, #tpu.memory_space<vmem>>, vector<16xf32>,
    %broadcast_in_dim3A_170 = arith.constant 0.000000e+00 : f32
    %broadcast_in_dim3A_171 = vector.broadcast %broadcast_in_dim3A_170 : f32 to vector<16xf32>
    %swap3A_172 = arith.constant 496 : index
    %swap3A_173 = tpu.vector_load %arg20[%swap3A_172] {strides = array<i32>} : memref<640xf32, #tpu.memory_space<vmem>>, vector<16xf32>,
    tpu.vector_store %arg20[%swap3A_172], %broadcast_in_dim3A_171 {strides = array<i32>} : memref<640xf32, #tpu.memory_space<vmem>>, vector<16xf32>,
    %broadcast_in_dim3A_174 = arith.constant 0.000000e+00 : f32
    %broadcast_in_dim3A_175 = vector.broadcast %broadcast_in_dim3A_174 : f32 to vector<16xf32>
    %swap3A_176 = arith.constant 512 : index
    %swap3A_177 = tpu.vector_load %arg20[%swap3A_176] {strides = array<i32>} : memref<640xf32, #tpu.memory_space<vmem>>, vector<16xf32>,
    tpu.vector_store %arg20[%swap3A_176], %broadcast_in_dim3A_175 {strides = array<i32>} : memref<640xf32, #tpu.memory_space<vmem>>, vector<16xf32>,
    %broadcast_in_dim3A_178 = arith.constant 0.000000e+00 : f32
    %broadcast_in_dim3A_179 = vector.broadcast %broadcast_in_dim3A_178 : f32 to vector<16xf32>
    %swap3A_180 = arith.constant 528 : index
    %swap3A_181 = tpu.vector_load %arg20[%swap3A_180] {strides = array<i32>} : memref<640xf32, #tpu.memory_space<vmem>>, vector<16xf32>,
    tpu.vector_store %arg20[%swap3A_180], %broadcast_in_dim3A_179 {strides = array<i32>} : memref<640xf32, #tpu.memory_space<vmem>>, vector<16xf32>,
    %broadcast_in_dim3A_182 = arith.constant 0.000000e+00 : f32
    %broadcast_in_dim3A_183 = vector.broadcast %broadcast_in_dim3A_182 : f32 to vector<16xf32>
    %swap3A_184 = arith.constant 544 : index
    %swap3A_185 = tpu.vector_load %arg20[%swap3A_184] {strides = array<i32>} : memref<640xf32, #tpu.memory_space<vmem>>, vector<16xf32>,
    tpu.vector_store %arg20[%swap3A_184], %broadcast_in_dim3A_183 {strides = array<i32>} : memref<640xf32, #tpu.memory_space<vmem>>, vector<16xf32>,
    %broadcast_in_dim3A_186 = arith.constant 0.000000e+00 : f32
    %broadcast_in_dim3A_187 = vector.broadcast %broadcast_in_dim3A_186 : f32 to vector<16xf32>
    %swap3A_188 = arith.constant 560 : index
    %swap3A_189 = tpu.vector_load %arg20[%swap3A_188] {strides = array<i32>} : memref<640xf32, #tpu.memory_space<vmem>>, vector<16xf32>,
    tpu.vector_store %arg20[%swap3A_188], %broadcast_in_dim3A_187 {strides = array<i32>} : memref<640xf32, #tpu.memory_space<vmem>>, vector<16xf32>,
    %broadcast_in_dim3A_190 = arith.constant 0.000000e+00 : f32
    %broadcast_in_dim3A_191 = vector.broadcast %broadcast_in_dim3A_190 : f32 to vector<16xf32>
    %swap3A_192 = arith.constant 576 : index
    %swap3A_193 = tpu.vector_load %arg20[%swap3A_192] {strides = array<i32>} : memref<640xf32, #tpu.memory_space<vmem>>, vector<16xf32>,
    tpu.vector_store %arg20[%swap3A_192], %broadcast_in_dim3A_191 {strides = array<i32>} : memref<640xf32, #tpu.memory_space<vmem>>, vector<16xf32>,
    %broadcast_in_dim3A_194 = arith.constant 0.000000e+00 : f32
    %broadcast_in_dim3A_195 = vector.broadcast %broadcast_in_dim3A_194 : f32 to vector<16xf32>
    %swap3A_196 = arith.constant 592 : index
    %swap3A_197 = tpu.vector_load %arg20[%swap3A_196] {strides = array<i32>} : memref<640xf32, #tpu.memory_space<vmem>>, vector<16xf32>,
    tpu.vector_store %arg20[%swap3A_196], %broadcast_in_dim3A_195 {strides = array<i32>} : memref<640xf32, #tpu.memory_space<vmem>>, vector<16xf32>,
    %broadcast_in_dim3A_198 = arith.constant 0.000000e+00 : f32
    %broadcast_in_dim3A_199 = vector.broadcast %broadcast_in_dim3A_198 : f32 to vector<16xf32>
    %swap3A_200 = arith.constant 608 : index
    %swap3A_201 = tpu.vector_load %arg20[%swap3A_200] {strides = array<i32>} : memref<640xf32, #tpu.memory_space<vmem>>, vector<16xf32>,
    tpu.vector_store %arg20[%swap3A_200], %broadcast_in_dim3A_199 {strides = array<i32>} : memref<640xf32, #tpu.memory_space<vmem>>, vector<16xf32>,
    %broadcast_in_dim3A_202 = arith.constant 0.000000e+00 : f32
    %broadcast_in_dim3A_203 = vector.broadcast %broadcast_in_dim3A_202 : f32 to vector<16xf32>
    %swap3A_204 = arith.constant 624 : index
    %swap3A_205 = tpu.vector_load %arg20[%swap3A_204] {strides = array<i32>} : memref<640xf32, #tpu.memory_space<vmem>>, vector<16xf32>,
    tpu.vector_store %arg20[%swap3A_204], %broadcast_in_dim3A_203 {strides = array<i32>} : memref<640xf32, #tpu.memory_space<vmem>>, vector<16xf32>,
    %mul3A_206 = arith.constant 640 : i32
    %mul3A_207 = arith.muli %arg1, %mul3A_206 : i32
    %lt3A = arith.constant 15 : i32
    %lt3A_208 = arith.cmpi slt, %arg1, %lt3A : i32
    %convert_element_type3A = arith.extui %lt3A_208 : i1 to i32
    %cond3A = arith.constant 0 : i32
    %cond3A_209 = arith.cmpi ne, %convert_element_type3A, %cond3A : i32
    scf.if %cond3A_209 {
      %add3A_409 = arith.constant 0 : i32
      %add3A_410 = arith.addi %mul3A_207, %add3A_409 : i32
      "tpu.region"() ({
        %run_scoped3A_425 = tpu.sem_alloc : memref<!tpu.dma_semaphore, #tpu.memory_space<semaphore_mem>>
        %dma_start3A_426 = arith.constant 0 : i32
        %dma_start3A_427 = tpu.memref_slice %arg22[%add3A_410, %dma_start3A_426] : memref<10000x128xf32, #tpu.memory_space<vmem_shared>> -> memref<80x128xf32, #tpu.memory_space<vmem_shared>>
        %dma_start3A_428 = arith.constant 0 : i32
        %dma_start3A_429 = tpu.memref_slice %arg22[%add3A_410, %dma_start3A_428] : memref<10000x128xf32, #tpu.memory_space<vmem_shared>> -> memref<80x128xf32, #tpu.memory_space<vmem_shared>>
        tpu.enqueue_dma source(%arg17 : memref<80x128xf32, #tpu.memory_space<vmem>>) target(%dma_start3A_429 : memref<80x128xf32, #tpu.memory_space<vmem_shared>>) target_semaphore(%run_scoped3A_425 : memref<!tpu.dma_semaphore, #tpu.memory_space<semaphore_mem>>)
        %dma_wait3A_430 = arith.constant 0 : i32
        %dma_wait3A_431 = tpu.memref_slice %arg22[%add3A_410, %dma_wait3A_430] : memref<10000x128xf32, #tpu.memory_space<vmem_shared>> -> memref<80x128xf32, #tpu.memory_space<vmem_shared>>
        %dma_wait3A_432 = arith.constant 0 : i32
        %dma_wait3A_433 = tpu.memref_slice %arg22[%add3A_410, %dma_wait3A_432] : memref<10000x128xf32, #tpu.memory_space<vmem_shared>> -> memref<80x128xf32, #tpu.memory_space<vmem_shared>>
        tpu.wait_dma2 semaphore(%run_scoped3A_425 : memref<!tpu.dma_semaphore, #tpu.memory_space<semaphore_mem>>) src(%arg17 : memref<80x128xf32, #tpu.memory_space<vmem>>) dst(%dma_wait3A_433 : memref<80x128xf32, #tpu.memory_space<vmem_shared>>)
        tpu.yield
      }) : () -> ()
      %add3A_411 = arith.constant 80 : i32
      %add3A_412 = arith.addi %mul3A_207, %add3A_411 : i32
      "tpu.region"() ({
        %run_scoped3A_425 = tpu.sem_alloc : memref<!tpu.dma_semaphore, #tpu.memory_space<semaphore_mem>>
        %dma_start3A_426 = arith.constant 0 : i32
        %dma_start3A_427 = tpu.memref_slice %arg22[%add3A_412, %dma_start3A_426] : memref<10000x128xf32, #tpu.memory_space<vmem_shared>> -> memref<80x128xf32, #tpu.memory_space<vmem_shared>>
        %dma_start3A_428 = arith.constant 0 : i32
        %dma_start3A_429 = tpu.memref_slice %arg22[%add3A_412, %dma_start3A_428] : memref<10000x128xf32, #tpu.memory_space<vmem_shared>> -> memref<80x128xf32, #tpu.memory_space<vmem_shared>>
        tpu.enqueue_dma source(%arg17 : memref<80x128xf32, #tpu.memory_space<vmem>>) target(%dma_start3A_429 : memref<80x128xf32, #tpu.memory_space<vmem_shared>>) target_semaphore(%run_scoped3A_425 : memref<!tpu.dma_semaphore, #tpu.memory_space<semaphore_mem>>)
        %dma_wait3A_430 = arith.constant 0 : i32
        %dma_wait3A_431 = tpu.memref_slice %arg22[%add3A_412, %dma_wait3A_430] : memref<10000x128xf32, #tpu.memory_space<vmem_shared>> -> memref<80x128xf32, #tpu.memory_space<vmem_shared>>
        %dma_wait3A_432 = arith.constant 0 : i32
        %dma_wait3A_433 = tpu.memref_slice %arg22[%add3A_412, %dma_wait3A_432] : memref<10000x128xf32, #tpu.memory_space<vmem_shared>> -> memref<80x128xf32, #tpu.memory_space<vmem_shared>>
        tpu.wait_dma2 semaphore(%run_scoped3A_425 : memref<!tpu.dma_semaphore, #tpu.memory_space<semaphore_mem>>) src(%arg17 : memref<80x128xf32, #tpu.memory_space<vmem>>) dst(%dma_wait3A_433 : memref<80x128xf32, #tpu.memory_space<vmem_shared>>)
        tpu.yield
      }) : () -> ()
      %add3A_413 = arith.constant 160 : i32
      %add3A_414 = arith.addi %mul3A_207, %add3A_413 : i32
      "tpu.region"() ({
        %run_scoped3A_425 = tpu.sem_alloc : memref<!tpu.dma_semaphore, #tpu.memory_space<semaphore_mem>>
        %dma_start3A_426 = arith.constant 0 : i32
        %dma_start3A_427 = tpu.memref_slice %arg22[%add3A_414, %dma_start3A_426] : memref<10000x128xf32, #tpu.memory_space<vmem_shared>> -> memref<80x128xf32, #tpu.memory_space<vmem_shared>>
        %dma_start3A_428 = arith.constant 0 : i32
        %dma_start3A_429 = tpu.memref_slice %arg22[%add3A_414, %dma_start3A_428] : memref<10000x128xf32, #tpu.memory_space<vmem_shared>> -> memref<80x128xf32, #tpu.memory_space<vmem_shared>>
        tpu.enqueue_dma source(%arg17 : memref<80x128xf32, #tpu.memory_space<vmem>>) target(%dma_start3A_429 : memref<80x128xf32, #tpu.memory_space<vmem_shared>>) target_semaphore(%run_scoped3A_425 : memref<!tpu.dma_semaphore, #tpu.memory_space<semaphore_mem>>)
        %dma_wait3A_430 = arith.constant 0 : i32
        %dma_wait3A_431 = tpu.memref_slice %arg22[%add3A_414, %dma_wait3A_430] : memref<10000x128xf32, #tpu.memory_space<vmem_shared>> -> memref<80x128xf32, #tpu.memory_space<vmem_shared>>
        %dma_wait3A_432 = arith.constant 0 : i32
        %dma_wait3A_433 = tpu.memref_slice %arg22[%add3A_414, %dma_wait3A_432] : memref<10000x128xf32, #tpu.memory_space<vmem_shared>> -> memref<80x128xf32, #tpu.memory_space<vmem_shared>>
        tpu.wait_dma2 semaphore(%run_scoped3A_425 : memref<!tpu.dma_semaphore, #tpu.memory_space<semaphore_mem>>) src(%arg17 : memref<80x128xf32, #tpu.memory_space<vmem>>) dst(%dma_wait3A_433 : memref<80x128xf32, #tpu.memory_space<vmem_shared>>)
        tpu.yield
      }) : () -> ()
      %add3A_415 = arith.constant 240 : i32
      %add3A_416 = arith.addi %mul3A_207, %add3A_415 : i32
      "tpu.region"() ({
        %run_scoped3A_425 = tpu.sem_alloc : memref<!tpu.dma_semaphore, #tpu.memory_space<semaphore_mem>>
        %dma_start3A_426 = arith.constant 0 : i32
        %dma_start3A_427 = tpu.memref_slice %arg22[%add3A_416, %dma_start3A_426] : memref<10000x128xf32, #tpu.memory_space<vmem_shared>> -> memref<80x128xf32, #tpu.memory_space<vmem_shared>>
        %dma_start3A_428 = arith.constant 0 : i32
        %dma_start3A_429 = tpu.memref_slice %arg22[%add3A_416, %dma_start3A_428] : memref<10000x128xf32, #tpu.memory_space<vmem_shared>> -> memref<80x128xf32, #tpu.memory_space<vmem_shared>>
        tpu.enqueue_dma source(%arg17 : memref<80x128xf32, #tpu.memory_space<vmem>>) target(%dma_start3A_429 : memref<80x128xf32, #tpu.memory_space<vmem_shared>>) target_semaphore(%run_scoped3A_425 : memref<!tpu.dma_semaphore, #tpu.memory_space<semaphore_mem>>)
        %dma_wait3A_430 = arith.constant 0 : i32
        %dma_wait3A_431 = tpu.memref_slice %arg22[%add3A_416, %dma_wait3A_430] : memref<10000x128xf32, #tpu.memory_space<vmem_shared>> -> memref<80x128xf32, #tpu.memory_space<vmem_shared>>
        %dma_wait3A_432 = arith.constant 0 : i32
        %dma_wait3A_433 = tpu.memref_slice %arg22[%add3A_416, %dma_wait3A_432] : memref<10000x128xf32, #tpu.memory_space<vmem_shared>> -> memref<80x128xf32, #tpu.memory_space<vmem_shared>>
        tpu.wait_dma2 semaphore(%run_scoped3A_425 : memref<!tpu.dma_semaphore, #tpu.memory_space<semaphore_mem>>) src(%arg17 : memref<80x128xf32, #tpu.memory_space<vmem>>) dst(%dma_wait3A_433 : memref<80x128xf32, #tpu.memory_space<vmem_shared>>)
        tpu.yield
      }) : () -> ()
      %add3A_417 = arith.constant 320 : i32
      %add3A_418 = arith.addi %mul3A_207, %add3A_417 : i32
      "tpu.region"() ({
        %run_scoped3A_425 = tpu.sem_alloc : memref<!tpu.dma_semaphore, #tpu.memory_space<semaphore_mem>>
        %dma_start3A_426 = arith.constant 0 : i32
        %dma_start3A_427 = tpu.memref_slice %arg22[%add3A_418, %dma_start3A_426] : memref<10000x128xf32, #tpu.memory_space<vmem_shared>> -> memref<80x128xf32, #tpu.memory_space<vmem_shared>>
        %dma_start3A_428 = arith.constant 0 : i32
        %dma_start3A_429 = tpu.memref_slice %arg22[%add3A_418, %dma_start3A_428] : memref<10000x128xf32, #tpu.memory_space<vmem_shared>> -> memref<80x128xf32, #tpu.memory_space<vmem_shared>>
        tpu.enqueue_dma source(%arg17 : memref<80x128xf32, #tpu.memory_space<vmem>>) target(%dma_start3A_429 : memref<80x128xf32, #tpu.memory_space<vmem_shared>>) target_semaphore(%run_scoped3A_425 : memref<!tpu.dma_semaphore, #tpu.memory_space<semaphore_mem>>)
        %dma_wait3A_430 = arith.constant 0 : i32
        %dma_wait3A_431 = tpu.memref_slice %arg22[%add3A_418, %dma_wait3A_430] : memref<10000x128xf32, #tpu.memory_space<vmem_shared>> -> memref<80x128xf32, #tpu.memory_space<vmem_shared>>
        %dma_wait3A_432 = arith.constant 0 : i32
        %dma_wait3A_433 = tpu.memref_slice %arg22[%add3A_418, %dma_wait3A_432] : memref<10000x128xf32, #tpu.memory_space<vmem_shared>> -> memref<80x128xf32, #tpu.memory_space<vmem_shared>>
        tpu.wait_dma2 semaphore(%run_scoped3A_425 : memref<!tpu.dma_semaphore, #tpu.memory_space<semaphore_mem>>) src(%arg17 : memref<80x128xf32, #tpu.memory_space<vmem>>) dst(%dma_wait3A_433 : memref<80x128xf32, #tpu.memory_space<vmem_shared>>)
        tpu.yield
      }) : () -> ()
      %add3A_419 = arith.constant 400 : i32
      %add3A_420 = arith.addi %mul3A_207, %add3A_419 : i32
      "tpu.region"() ({
        %run_scoped3A_425 = tpu.sem_alloc : memref<!tpu.dma_semaphore, #tpu.memory_space<semaphore_mem>>
        %dma_start3A_426 = arith.constant 0 : i32
        %dma_start3A_427 = tpu.memref_slice %arg22[%add3A_420, %dma_start3A_426] : memref<10000x128xf32, #tpu.memory_space<vmem_shared>> -> memref<80x128xf32, #tpu.memory_space<vmem_shared>>
        %dma_start3A_428 = arith.constant 0 : i32
        %dma_start3A_429 = tpu.memref_slice %arg22[%add3A_420, %dma_start3A_428] : memref<10000x128xf32, #tpu.memory_space<vmem_shared>> -> memref<80x128xf32, #tpu.memory_space<vmem_shared>>
        tpu.enqueue_dma source(%arg17 : memref<80x128xf32, #tpu.memory_space<vmem>>) target(%dma_start3A_429 : memref<80x128xf32, #tpu.memory_space<vmem_shared>>) target_semaphore(%run_scoped3A_425 : memref<!tpu.dma_semaphore, #tpu.memory_space<semaphore_mem>>)
        %dma_wait3A_430 = arith.constant 0 : i32
        %dma_wait3A_431 = tpu.memref_slice %arg22[%add3A_420, %dma_wait3A_430] : memref<10000x128xf32, #tpu.memory_space<vmem_shared>> -> memref<80x128xf32, #tpu.memory_space<vmem_shared>>
        %dma_wait3A_432 = arith.constant 0 : i32
        %dma_wait3A_433 = tpu.memref_slice %arg22[%add3A_420, %dma_wait3A_432] : memref<10000x128xf32, #tpu.memory_space<vmem_shared>> -> memref<80x128xf32, #tpu.memory_space<vmem_shared>>
        tpu.wait_dma2 semaphore(%run_scoped3A_425 : memref<!tpu.dma_semaphore, #tpu.memory_space<semaphore_mem>>) src(%arg17 : memref<80x128xf32, #tpu.memory_space<vmem>>) dst(%dma_wait3A_433 : memref<80x128xf32, #tpu.memory_space<vmem_shared>>)
        tpu.yield
      }) : () -> ()
      %add3A_421 = arith.constant 480 : i32
      %add3A_422 = arith.addi %mul3A_207, %add3A_421 : i32
      "tpu.region"() ({
        %run_scoped3A_425 = tpu.sem_alloc : memref<!tpu.dma_semaphore, #tpu.memory_space<semaphore_mem>>
        %dma_start3A_426 = arith.constant 0 : i32
        %dma_start3A_427 = tpu.memref_slice %arg22[%add3A_422, %dma_start3A_426] : memref<10000x128xf32, #tpu.memory_space<vmem_shared>> -> memref<80x128xf32, #tpu.memory_space<vmem_shared>>
        %dma_start3A_428 = arith.constant 0 : i32
        %dma_start3A_429 = tpu.memref_slice %arg22[%add3A_422, %dma_start3A_428] : memref<10000x128xf32, #tpu.memory_space<vmem_shared>> -> memref<80x128xf32, #tpu.memory_space<vmem_shared>>
        tpu.enqueue_dma source(%arg17 : memref<80x128xf32, #tpu.memory_space<vmem>>) target(%dma_start3A_429 : memref<80x128xf32, #tpu.memory_space<vmem_shared>>) target_semaphore(%run_scoped3A_425 : memref<!tpu.dma_semaphore, #tpu.memory_space<semaphore_mem>>)
        %dma_wait3A_430 = arith.constant 0 : i32
        %dma_wait3A_431 = tpu.memref_slice %arg22[%add3A_422, %dma_wait3A_430] : memref<10000x128xf32, #tpu.memory_space<vmem_shared>> -> memref<80x128xf32, #tpu.memory_space<vmem_shared>>
        %dma_wait3A_432 = arith.constant 0 : i32
        %dma_wait3A_433 = tpu.memref_slice %arg22[%add3A_422, %dma_wait3A_432] : memref<10000x128xf32, #tpu.memory_space<vmem_shared>> -> memref<80x128xf32, #tpu.memory_space<vmem_shared>>
        tpu.wait_dma2 semaphore(%run_scoped3A_425 : memref<!tpu.dma_semaphore, #tpu.memory_space<semaphore_mem>>) src(%arg17 : memref<80x128xf32, #tpu.memory_space<vmem>>) dst(%dma_wait3A_433 : memref<80x128xf32, #tpu.memory_space<vmem_shared>>)
        tpu.yield
      }) : () -> ()
      %add3A_423 = arith.constant 560 : i32
      %add3A_424 = arith.addi %mul3A_207, %add3A_423 : i32
      "tpu.region"() ({
        %run_scoped3A_425 = tpu.sem_alloc : memref<!tpu.dma_semaphore, #tpu.memory_space<semaphore_mem>>
        %dma_start3A_426 = arith.constant 0 : i32
        %dma_start3A_427 = tpu.memref_slice %arg22[%add3A_424, %dma_start3A_426] : memref<10000x128xf32, #tpu.memory_space<vmem_shared>> -> memref<80x128xf32, #tpu.memory_space<vmem_shared>>
        %dma_start3A_428 = arith.constant 0 : i32
        %dma_start3A_429 = tpu.memref_slice %arg22[%add3A_424, %dma_start3A_428] : memref<10000x128xf32, #tpu.memory_space<vmem_shared>> -> memref<80x128xf32, #tpu.memory_space<vmem_shared>>
        tpu.enqueue_dma source(%arg17 : memref<80x128xf32, #tpu.memory_space<vmem>>) target(%dma_start3A_429 : memref<80x128xf32, #tpu.memory_space<vmem_shared>>) target_semaphore(%run_scoped3A_425 : memref<!tpu.dma_semaphore, #tpu.memory_space<semaphore_mem>>)
        %dma_wait3A_430 = arith.constant 0 : i32
        %dma_wait3A_431 = tpu.memref_slice %arg22[%add3A_424, %dma_wait3A_430] : memref<10000x128xf32, #tpu.memory_space<vmem_shared>> -> memref<80x128xf32, #tpu.memory_space<vmem_shared>>
        %dma_wait3A_432 = arith.constant 0 : i32
        %dma_wait3A_433 = tpu.memref_slice %arg22[%add3A_424, %dma_wait3A_432] : memref<10000x128xf32, #tpu.memory_space<vmem_shared>> -> memref<80x128xf32, #tpu.memory_space<vmem_shared>>
        tpu.wait_dma2 semaphore(%run_scoped3A_425 : memref<!tpu.dma_semaphore, #tpu.memory_space<semaphore_mem>>) src(%arg17 : memref<80x128xf32, #tpu.memory_space<vmem>>) dst(%dma_wait3A_433 : memref<80x128xf32, #tpu.memory_space<vmem_shared>>)
        tpu.yield
      }) : () -> ()
    } else {
    }
    %eq3A = arith.constant 15 : i32
    %eq3A_210 = arith.cmpi eq, %arg1, %eq3A : i32
    %convert_element_type3A_211 = arith.extui %eq3A_210 : i1 to i32
    %cond3A_212 = arith.constant 0 : i32
    %cond3A_213 = arith.cmpi ne, %convert_element_type3A_211, %cond3A_212 : i32
    scf.if %cond3A_213 {
      "tpu.region"() ({
        %run_scoped3A_409 = tpu.sem_alloc : memref<!tpu.dma_semaphore, #tpu.memory_space<semaphore_mem>>
        %dma_start3A_410 = arith.constant 9600 : i32
        %dma_start3A_411 = arith.constant 0 : i32
        %dma_start3A_412 = tpu.memref_slice %arg22[%dma_start3A_410, %dma_start3A_411] : memref<10000x128xf32, #tpu.memory_space<vmem_shared>> -> memref<80x128xf32, #tpu.memory_space<vmem_shared>>
        %dma_start3A_413 = arith.constant 9600 : i32
        %dma_start3A_414 = arith.constant 0 : i32
        %dma_start3A_415 = tpu.memref_slice %arg22[%dma_start3A_413, %dma_start3A_414] : memref<10000x128xf32, #tpu.memory_space<vmem_shared>> -> memref<80x128xf32, #tpu.memory_space<vmem_shared>>
        tpu.enqueue_dma source(%arg17 : memref<80x128xf32, #tpu.memory_space<vmem>>) target(%dma_start3A_415 : memref<80x128xf32, #tpu.memory_space<vmem_shared>>) target_semaphore(%run_scoped3A_409 : memref<!tpu.dma_semaphore, #tpu.memory_space<semaphore_mem>>)
        %dma_wait3A_416 = arith.constant 9600 : i32
        %dma_wait3A_417 = arith.constant 0 : i32
        %dma_wait3A_418 = tpu.memref_slice %arg22[%dma_wait3A_416, %dma_wait3A_417] : memref<10000x128xf32, #tpu.memory_space<vmem_shared>> -> memref<80x128xf32, #tpu.memory_space<vmem_shared>>
        %dma_wait3A_419 = arith.constant 9600 : i32
        %dma_wait3A_420 = arith.constant 0 : i32
        %dma_wait3A_421 = tpu.memref_slice %arg22[%dma_wait3A_419, %dma_wait3A_420] : memref<10000x128xf32, #tpu.memory_space<vmem_shared>> -> memref<80x128xf32, #tpu.memory_space<vmem_shared>>
        tpu.wait_dma2 semaphore(%run_scoped3A_409 : memref<!tpu.dma_semaphore, #tpu.memory_space<semaphore_mem>>) src(%arg17 : memref<80x128xf32, #tpu.memory_space<vmem>>) dst(%dma_wait3A_421 : memref<80x128xf32, #tpu.memory_space<vmem_shared>>)
        tpu.yield
      }) : () -> ()
      "tpu.region"() ({
        %run_scoped3A_409 = tpu.sem_alloc : memref<!tpu.dma_semaphore, #tpu.memory_space<semaphore_mem>>
        %dma_start3A_410 = arith.constant 9680 : i32
        %dma_start3A_411 = arith.constant 0 : i32
        %dma_start3A_412 = tpu.memref_slice %arg22[%dma_start3A_410, %dma_start3A_411] : memref<10000x128xf32, #tpu.memory_space<vmem_shared>> -> memref<80x128xf32, #tpu.memory_space<vmem_shared>>
        %dma_start3A_413 = arith.constant 9680 : i32
        %dma_start3A_414 = arith.constant 0 : i32
        %dma_start3A_415 = tpu.memref_slice %arg22[%dma_start3A_413, %dma_start3A_414] : memref<10000x128xf32, #tpu.memory_space<vmem_shared>> -> memref<80x128xf32, #tpu.memory_space<vmem_shared>>
        tpu.enqueue_dma source(%arg17 : memref<80x128xf32, #tpu.memory_space<vmem>>) target(%dma_start3A_415 : memref<80x128xf32, #tpu.memory_space<vmem_shared>>) target_semaphore(%run_scoped3A_409 : memref<!tpu.dma_semaphore, #tpu.memory_space<semaphore_mem>>)
        %dma_wait3A_416 = arith.constant 9680 : i32
        %dma_wait3A_417 = arith.constant 0 : i32
        %dma_wait3A_418 = tpu.memref_slice %arg22[%dma_wait3A_416, %dma_wait3A_417] : memref<10000x128xf32, #tpu.memory_space<vmem_shared>> -> memref<80x128xf32, #tpu.memory_space<vmem_shared>>
        %dma_wait3A_419 = arith.constant 9680 : i32
        %dma_wait3A_420 = arith.constant 0 : i32
        %dma_wait3A_421 = tpu.memref_slice %arg22[%dma_wait3A_419, %dma_wait3A_420] : memref<10000x128xf32, #tpu.memory_space<vmem_shared>> -> memref<80x128xf32, #tpu.memory_space<vmem_shared>>
        tpu.wait_dma2 semaphore(%run_scoped3A_409 : memref<!tpu.dma_semaphore, #tpu.memory_space<semaphore_mem>>) src(%arg17 : memref<80x128xf32, #tpu.memory_space<vmem>>) dst(%dma_wait3A_421 : memref<80x128xf32, #tpu.memory_space<vmem_shared>>)
        tpu.yield
      }) : () -> ()
      "tpu.region"() ({
        %run_scoped3A_409 = tpu.sem_alloc : memref<!tpu.dma_semaphore, #tpu.memory_space<semaphore_mem>>
        %dma_start3A_410 = arith.constant 9760 : i32
        %dma_start3A_411 = arith.constant 0 : i32
        %dma_start3A_412 = tpu.memref_slice %arg22[%dma_start3A_410, %dma_start3A_411] : memref<10000x128xf32, #tpu.memory_space<vmem_shared>> -> memref<80x128xf32, #tpu.memory_space<vmem_shared>>
        %dma_start3A_413 = arith.constant 9760 : i32
        %dma_start3A_414 = arith.constant 0 : i32
        %dma_start3A_415 = tpu.memref_slice %arg22[%dma_start3A_413, %dma_start3A_414] : memref<10000x128xf32, #tpu.memory_space<vmem_shared>> -> memref<80x128xf32, #tpu.memory_space<vmem_shared>>
        tpu.enqueue_dma source(%arg17 : memref<80x128xf32, #tpu.memory_space<vmem>>) target(%dma_start3A_415 : memref<80x128xf32, #tpu.memory_space<vmem_shared>>) target_semaphore(%run_scoped3A_409 : memref<!tpu.dma_semaphore, #tpu.memory_space<semaphore_mem>>)
        %dma_wait3A_416 = arith.constant 9760 : i32
        %dma_wait3A_417 = arith.constant 0 : i32
        %dma_wait3A_418 = tpu.memref_slice %arg22[%dma_wait3A_416, %dma_wait3A_417] : memref<10000x128xf32, #tpu.memory_space<vmem_shared>> -> memref<80x128xf32, #tpu.memory_space<vmem_shared>>
        %dma_wait3A_419 = arith.constant 9760 : i32
        %dma_wait3A_420 = arith.constant 0 : i32
        %dma_wait3A_421 = tpu.memref_slice %arg22[%dma_wait3A_419, %dma_wait3A_420] : memref<10000x128xf32, #tpu.memory_space<vmem_shared>> -> memref<80x128xf32, #tpu.memory_space<vmem_shared>>
        tpu.wait_dma2 semaphore(%run_scoped3A_409 : memref<!tpu.dma_semaphore, #tpu.memory_space<semaphore_mem>>) src(%arg17 : memref<80x128xf32, #tpu.memory_space<vmem>>) dst(%dma_wait3A_421 : memref<80x128xf32, #tpu.memory_space<vmem_shared>>)
        tpu.yield
      }) : () -> ()
      "tpu.region"() ({
        %run_scoped3A_409 = tpu.sem_alloc : memref<!tpu.dma_semaphore, #tpu.memory_space<semaphore_mem>>
        %dma_start3A_410 = arith.constant 9840 : i32
        %dma_start3A_411 = arith.constant 0 : i32
        %dma_start3A_412 = tpu.memref_slice %arg22[%dma_start3A_410, %dma_start3A_411] : memref<10000x128xf32, #tpu.memory_space<vmem_shared>> -> memref<80x128xf32, #tpu.memory_space<vmem_shared>>
        %dma_start3A_413 = arith.constant 9840 : i32
        %dma_start3A_414 = arith.constant 0 : i32
        %dma_start3A_415 = tpu.memref_slice %arg22[%dma_start3A_413, %dma_start3A_414] : memref<10000x128xf32, #tpu.memory_space<vmem_shared>> -> memref<80x128xf32, #tpu.memory_space<vmem_shared>>
        tpu.enqueue_dma source(%arg17 : memref<80x128xf32, #tpu.memory_space<vmem>>) target(%dma_start3A_415 : memref<80x128xf32, #tpu.memory_space<vmem_shared>>) target_semaphore(%run_scoped3A_409 : memref<!tpu.dma_semaphore, #tpu.memory_space<semaphore_mem>>)
        %dma_wait3A_416 = arith.constant 9840 : i32
        %dma_wait3A_417 = arith.constant 0 : i32
        %dma_wait3A_418 = tpu.memref_slice %arg22[%dma_wait3A_416, %dma_wait3A_417] : memref<10000x128xf32, #tpu.memory_space<vmem_shared>> -> memref<80x128xf32, #tpu.memory_space<vmem_shared>>
        %dma_wait3A_419 = arith.constant 9840 : i32
        %dma_wait3A_420 = arith.constant 0 : i32
        %dma_wait3A_421 = tpu.memref_slice %arg22[%dma_wait3A_419, %dma_wait3A_420] : memref<10000x128xf32, #tpu.memory_space<vmem_shared>> -> memref<80x128xf32, #tpu.memory_space<vmem_shared>>
        tpu.wait_dma2 semaphore(%run_scoped3A_409 : memref<!tpu.dma_semaphore, #tpu.memory_space<semaphore_mem>>) src(%arg17 : memref<80x128xf32, #tpu.memory_space<vmem>>) dst(%dma_wait3A_421 : memref<80x128xf32, #tpu.memory_space<vmem_shared>>)
        tpu.yield
      }) : () -> ()
      "tpu.region"() ({
        %run_scoped3A_409 = tpu.sem_alloc : memref<!tpu.dma_semaphore, #tpu.memory_space<semaphore_mem>>
        %dma_start3A_410 = arith.constant 9920 : i32
        %dma_start3A_411 = arith.constant 0 : i32
        %dma_start3A_412 = tpu.memref_slice %arg22[%dma_start3A_410, %dma_start3A_411] : memref<10000x128xf32, #tpu.memory_space<vmem_shared>> -> memref<80x128xf32, #tpu.memory_space<vmem_shared>>
        %dma_start3A_413 = arith.constant 9920 : i32
        %dma_start3A_414 = arith.constant 0 : i32
        %dma_start3A_415 = tpu.memref_slice %arg22[%dma_start3A_413, %dma_start3A_414] : memref<10000x128xf32, #tpu.memory_space<vmem_shared>> -> memref<80x128xf32, #tpu.memory_space<vmem_shared>>
        tpu.enqueue_dma source(%arg17 : memref<80x128xf32, #tpu.memory_space<vmem>>) target(%dma_start3A_415 : memref<80x128xf32, #tpu.memory_space<vmem_shared>>) target_semaphore(%run_scoped3A_409 : memref<!tpu.dma_semaphore, #tpu.memory_space<semaphore_mem>>)
        %dma_wait3A_416 = arith.constant 9920 : i32
        %dma_wait3A_417 = arith.constant 0 : i32
        %dma_wait3A_418 = tpu.memref_slice %arg22[%dma_wait3A_416, %dma_wait3A_417] : memref<10000x128xf32, #tpu.memory_space<vmem_shared>> -> memref<80x128xf32, #tpu.memory_space<vmem_shared>>
        %dma_wait3A_419 = arith.constant 9920 : i32
        %dma_wait3A_420 = arith.constant 0 : i32
        %dma_wait3A_421 = tpu.memref_slice %arg22[%dma_wait3A_419, %dma_wait3A_420] : memref<10000x128xf32, #tpu.memory_space<vmem_shared>> -> memref<80x128xf32, #tpu.memory_space<vmem_shared>>
        tpu.wait_dma2 semaphore(%run_scoped3A_409 : memref<!tpu.dma_semaphore, #tpu.memory_space<semaphore_mem>>) src(%arg17 : memref<80x128xf32, #tpu.memory_space<vmem>>) dst(%dma_wait3A_421 : memref<80x128xf32, #tpu.memory_space<vmem_shared>>)
        tpu.yield
      }) : () -> ()
    } else {
    }
    %eq3A_214 = arith.constant 0 : i32
    %eq3A_215 = arith.cmpi eq, %arg1, %eq3A_214 : i32
    %convert_element_type3A_216 = arith.extui %eq3A_215 : i1 to i32
    %cond3A_217 = arith.constant 0 : i32
    %cond3A_218 = arith.cmpi ne, %convert_element_type3A_216, %cond3A_217 : i32
    scf.if %cond3A_218 {
      "tpu.region"() ({
        %run_scoped3A_409 = tpu.sem_alloc : memref<!tpu.dma_semaphore, #tpu.memory_space<semaphore_mem>>
        %dma_start3A_410 = arith.constant 0 : i32
        %dma_start3A_411 = tpu.memref_slice %arg23[%dma_start3A_410] : memref<10000xf32, #tpu.memory_space<vmem_shared>> -> memref<640xf32, #tpu.memory_space<vmem_shared>>
        %dma_start3A_412 = arith.constant 0 : i32
        %dma_start3A_413 = tpu.memref_slice %arg23[%dma_start3A_412] : memref<10000xf32, #tpu.memory_space<vmem_shared>> -> memref<640xf32, #tpu.memory_space<vmem_shared>>
        tpu.enqueue_dma source(%arg20 : memref<640xf32, #tpu.memory_space<vmem>>) target(%dma_start3A_413 : memref<640xf32, #tpu.memory_space<vmem_shared>>) target_semaphore(%run_scoped3A_409 : memref<!tpu.dma_semaphore, #tpu.memory_space<semaphore_mem>>)
        %dma_wait3A_414 = arith.constant 0 : i32
        %dma_wait3A_415 = tpu.memref_slice %arg23[%dma_wait3A_414] : memref<10000xf32, #tpu.memory_space<vmem_shared>> -> memref<640xf32, #tpu.memory_space<vmem_shared>>
        %dma_wait3A_416 = arith.constant 0 : i32
        %dma_wait3A_417 = tpu.memref_slice %arg23[%dma_wait3A_416] : memref<10000xf32, #tpu.memory_space<vmem_shared>> -> memref<640xf32, #tpu.memory_space<vmem_shared>>
        tpu.wait_dma2 semaphore(%run_scoped3A_409 : memref<!tpu.dma_semaphore, #tpu.memory_space<semaphore_mem>>) src(%arg20 : memref<640xf32, #tpu.memory_space<vmem>>) dst(%dma_wait3A_417 : memref<640xf32, #tpu.memory_space<vmem_shared>>)
        tpu.yield
      }) : () -> ()
      "tpu.region"() ({
        %run_scoped3A_409 = tpu.sem_alloc : memref<!tpu.dma_semaphore, #tpu.memory_space<semaphore_mem>>
        %dma_start3A_410 = arith.constant 640 : i32
        %dma_start3A_411 = tpu.memref_slice %arg23[%dma_start3A_410] : memref<10000xf32, #tpu.memory_space<vmem_shared>> -> memref<640xf32, #tpu.memory_space<vmem_shared>>
        %dma_start3A_412 = arith.constant 640 : i32
        %dma_start3A_413 = tpu.memref_slice %arg23[%dma_start3A_412] : memref<10000xf32, #tpu.memory_space<vmem_shared>> -> memref<640xf32, #tpu.memory_space<vmem_shared>>
        tpu.enqueue_dma source(%arg20 : memref<640xf32, #tpu.memory_space<vmem>>) target(%dma_start3A_413 : memref<640xf32, #tpu.memory_space<vmem_shared>>) target_semaphore(%run_scoped3A_409 : memref<!tpu.dma_semaphore, #tpu.memory_space<semaphore_mem>>)
        %dma_wait3A_414 = arith.constant 640 : i32
        %dma_wait3A_415 = tpu.memref_slice %arg23[%dma_wait3A_414] : memref<10000xf32, #tpu.memory_space<vmem_shared>> -> memref<640xf32, #tpu.memory_space<vmem_shared>>
        %dma_wait3A_416 = arith.constant 640 : i32
        %dma_wait3A_417 = tpu.memref_slice %arg23[%dma_wait3A_416] : memref<10000xf32, #tpu.memory_space<vmem_shared>> -> memref<640xf32, #tpu.memory_space<vmem_shared>>
        tpu.wait_dma2 semaphore(%run_scoped3A_409 : memref<!tpu.dma_semaphore, #tpu.memory_space<semaphore_mem>>) src(%arg20 : memref<640xf32, #tpu.memory_space<vmem>>) dst(%dma_wait3A_417 : memref<640xf32, #tpu.memory_space<vmem_shared>>)
        tpu.yield
      }) : () -> ()
      "tpu.region"() ({
        %run_scoped3A_409 = tpu.sem_alloc : memref<!tpu.dma_semaphore, #tpu.memory_space<semaphore_mem>>
        %dma_start3A_410 = arith.constant 1280 : i32
        %dma_start3A_411 = tpu.memref_slice %arg23[%dma_start3A_410] : memref<10000xf32, #tpu.memory_space<vmem_shared>> -> memref<640xf32, #tpu.memory_space<vmem_shared>>
        %dma_start3A_412 = arith.constant 1280 : i32
        %dma_start3A_413 = tpu.memref_slice %arg23[%dma_start3A_412] : memref<10000xf32, #tpu.memory_space<vmem_shared>> -> memref<640xf32, #tpu.memory_space<vmem_shared>>
        tpu.enqueue_dma source(%arg20 : memref<640xf32, #tpu.memory_space<vmem>>) target(%dma_start3A_413 : memref<640xf32, #tpu.memory_space<vmem_shared>>) target_semaphore(%run_scoped3A_409 : memref<!tpu.dma_semaphore, #tpu.memory_space<semaphore_mem>>)
        %dma_wait3A_414 = arith.constant 1280 : i32
        %dma_wait3A_415 = tpu.memref_slice %arg23[%dma_wait3A_414] : memref<10000xf32, #tpu.memory_space<vmem_shared>> -> memref<640xf32, #tpu.memory_space<vmem_shared>>
        %dma_wait3A_416 = arith.constant 1280 : i32
        %dma_wait3A_417 = tpu.memref_slice %arg23[%dma_wait3A_416] : memref<10000xf32, #tpu.memory_space<vmem_shared>> -> memref<640xf32, #tpu.memory_space<vmem_shared>>
        tpu.wait_dma2 semaphore(%run_scoped3A_409 : memref<!tpu.dma_semaphore, #tpu.memory_space<semaphore_mem>>) src(%arg20 : memref<640xf32, #tpu.memory_space<vmem>>) dst(%dma_wait3A_417 : memref<640xf32, #tpu.memory_space<vmem_shared>>)
        tpu.yield
      }) : () -> ()
      "tpu.region"() ({
        %run_scoped3A_409 = tpu.sem_alloc : memref<!tpu.dma_semaphore, #tpu.memory_space<semaphore_mem>>
        %dma_start3A_410 = arith.constant 1920 : i32
        %dma_start3A_411 = tpu.memref_slice %arg23[%dma_start3A_410] : memref<10000xf32, #tpu.memory_space<vmem_shared>> -> memref<640xf32, #tpu.memory_space<vmem_shared>>
        %dma_start3A_412 = arith.constant 1920 : i32
        %dma_start3A_413 = tpu.memref_slice %arg23[%dma_start3A_412] : memref<10000xf32, #tpu.memory_space<vmem_shared>> -> memref<640xf32, #tpu.memory_space<vmem_shared>>
        tpu.enqueue_dma source(%arg20 : memref<640xf32, #tpu.memory_space<vmem>>) target(%dma_start3A_413 : memref<640xf32, #tpu.memory_space<vmem_shared>>) target_semaphore(%run_scoped3A_409 : memref<!tpu.dma_semaphore, #tpu.memory_space<semaphore_mem>>)
        %dma_wait3A_414 = arith.constant 1920 : i32
        %dma_wait3A_415 = tpu.memref_slice %arg23[%dma_wait3A_414] : memref<10000xf32, #tpu.memory_space<vmem_shared>> -> memref<640xf32, #tpu.memory_space<vmem_shared>>
        %dma_wait3A_416 = arith.constant 1920 : i32
        %dma_wait3A_417 = tpu.memref_slice %arg23[%dma_wait3A_416] : memref<10000xf32, #tpu.memory_space<vmem_shared>> -> memref<640xf32, #tpu.memory_space<vmem_shared>>
        tpu.wait_dma2 semaphore(%run_scoped3A_409 : memref<!tpu.dma_semaphore, #tpu.memory_space<semaphore_mem>>) src(%arg20 : memref<640xf32, #tpu.memory_space<vmem>>) dst(%dma_wait3A_417 : memref<640xf32, #tpu.memory_space<vmem_shared>>)
        tpu.yield
      }) : () -> ()
      "tpu.region"() ({
        %run_scoped3A_409 = tpu.sem_alloc : memref<!tpu.dma_semaphore, #tpu.memory_space<semaphore_mem>>
        %dma_start3A_410 = arith.constant 2560 : i32
        %dma_start3A_411 = tpu.memref_slice %arg23[%dma_start3A_410] : memref<10000xf32, #tpu.memory_space<vmem_shared>> -> memref<640xf32, #tpu.memory_space<vmem_shared>>
        %dma_start3A_412 = arith.constant 2560 : i32
        %dma_start3A_413 = tpu.memref_slice %arg23[%dma_start3A_412] : memref<10000xf32, #tpu.memory_space<vmem_shared>> -> memref<640xf32, #tpu.memory_space<vmem_shared>>
        tpu.enqueue_dma source(%arg20 : memref<640xf32, #tpu.memory_space<vmem>>) target(%dma_start3A_413 : memref<640xf32, #tpu.memory_space<vmem_shared>>) target_semaphore(%run_scoped3A_409 : memref<!tpu.dma_semaphore, #tpu.memory_space<semaphore_mem>>)
        %dma_wait3A_414 = arith.constant 2560 : i32
        %dma_wait3A_415 = tpu.memref_slice %arg23[%dma_wait3A_414] : memref<10000xf32, #tpu.memory_space<vmem_shared>> -> memref<640xf32, #tpu.memory_space<vmem_shared>>
        %dma_wait3A_416 = arith.constant 2560 : i32
        %dma_wait3A_417 = tpu.memref_slice %arg23[%dma_wait3A_416] : memref<10000xf32, #tpu.memory_space<vmem_shared>> -> memref<640xf32, #tpu.memory_space<vmem_shared>>
        tpu.wait_dma2 semaphore(%run_scoped3A_409 : memref<!tpu.dma_semaphore, #tpu.memory_space<semaphore_mem>>) src(%arg20 : memref<640xf32, #tpu.memory_space<vmem>>) dst(%dma_wait3A_417 : memref<640xf32, #tpu.memory_space<vmem_shared>>)
        tpu.yield
      }) : () -> ()
      "tpu.region"() ({
        %run_scoped3A_409 = tpu.sem_alloc : memref<!tpu.dma_semaphore, #tpu.memory_space<semaphore_mem>>
        %dma_start3A_410 = arith.constant 3200 : i32
        %dma_start3A_411 = tpu.memref_slice %arg23[%dma_start3A_410] : memref<10000xf32, #tpu.memory_space<vmem_shared>> -> memref<640xf32, #tpu.memory_space<vmem_shared>>
        %dma_start3A_412 = arith.constant 3200 : i32
        %dma_start3A_413 = tpu.memref_slice %arg23[%dma_start3A_412] : memref<10000xf32, #tpu.memory_space<vmem_shared>> -> memref<640xf32, #tpu.memory_space<vmem_shared>>
        tpu.enqueue_dma source(%arg20 : memref<640xf32, #tpu.memory_space<vmem>>) target(%dma_start3A_413 : memref<640xf32, #tpu.memory_space<vmem_shared>>) target_semaphore(%run_scoped3A_409 : memref<!tpu.dma_semaphore, #tpu.memory_space<semaphore_mem>>)
        %dma_wait3A_414 = arith.constant 3200 : i32
        %dma_wait3A_415 = tpu.memref_slice %arg23[%dma_wait3A_414] : memref<10000xf32, #tpu.memory_space<vmem_shared>> -> memref<640xf32, #tpu.memory_space<vmem_shared>>
        %dma_wait3A_416 = arith.constant 3200 : i32
        %dma_wait3A_417 = tpu.memref_slice %arg23[%dma_wait3A_416] : memref<10000xf32, #tpu.memory_space<vmem_shared>> -> memref<640xf32, #tpu.memory_space<vmem_shared>>
        tpu.wait_dma2 semaphore(%run_scoped3A_409 : memref<!tpu.dma_semaphore, #tpu.memory_space<semaphore_mem>>) src(%arg20 : memref<640xf32, #tpu.memory_space<vmem>>) dst(%dma_wait3A_417 : memref<640xf32, #tpu.memory_space<vmem_shared>>)
        tpu.yield
      }) : () -> ()
      "tpu.region"() ({
        %run_scoped3A_409 = tpu.sem_alloc : memref<!tpu.dma_semaphore, #tpu.memory_space<semaphore_mem>>
        %dma_start3A_410 = arith.constant 3840 : i32
        %dma_start3A_411 = tpu.memref_slice %arg23[%dma_start3A_410] : memref<10000xf32, #tpu.memory_space<vmem_shared>> -> memref<640xf32, #tpu.memory_space<vmem_shared>>
        %dma_start3A_412 = arith.constant 3840 : i32
        %dma_start3A_413 = tpu.memref_slice %arg23[%dma_start3A_412] : memref<10000xf32, #tpu.memory_space<vmem_shared>> -> memref<640xf32, #tpu.memory_space<vmem_shared>>
        tpu.enqueue_dma source(%arg20 : memref<640xf32, #tpu.memory_space<vmem>>) target(%dma_start3A_413 : memref<640xf32, #tpu.memory_space<vmem_shared>>) target_semaphore(%run_scoped3A_409 : memref<!tpu.dma_semaphore, #tpu.memory_space<semaphore_mem>>)
        %dma_wait3A_414 = arith.constant 3840 : i32
        %dma_wait3A_415 = tpu.memref_slice %arg23[%dma_wait3A_414] : memref<10000xf32, #tpu.memory_space<vmem_shared>> -> memref<640xf32, #tpu.memory_space<vmem_shared>>
        %dma_wait3A_416 = arith.constant 3840 : i32
        %dma_wait3A_417 = tpu.memref_slice %arg23[%dma_wait3A_416] : memref<10000xf32, #tpu.memory_space<vmem_shared>> -> memref<640xf32, #tpu.memory_space<vmem_shared>>
        tpu.wait_dma2 semaphore(%run_scoped3A_409 : memref<!tpu.dma_semaphore, #tpu.memory_space<semaphore_mem>>) src(%arg20 : memref<640xf32, #tpu.memory_space<vmem>>) dst(%dma_wait3A_417 : memref<640xf32, #tpu.memory_space<vmem_shared>>)
        tpu.yield
      }) : () -> ()
      "tpu.region"() ({
        %run_scoped3A_409 = tpu.sem_alloc : memref<!tpu.dma_semaphore, #tpu.memory_space<semaphore_mem>>
        %dma_start3A_410 = arith.constant 4480 : i32
        %dma_start3A_411 = tpu.memref_slice %arg23[%dma_start3A_410] : memref<10000xf32, #tpu.memory_space<vmem_shared>> -> memref<640xf32, #tpu.memory_space<vmem_shared>>
        %dma_start3A_412 = arith.constant 4480 : i32
        %dma_start3A_413 = tpu.memref_slice %arg23[%dma_start3A_412] : memref<10000xf32, #tpu.memory_space<vmem_shared>> -> memref<640xf32, #tpu.memory_space<vmem_shared>>
        tpu.enqueue_dma source(%arg20 : memref<640xf32, #tpu.memory_space<vmem>>) target(%dma_start3A_413 : memref<640xf32, #tpu.memory_space<vmem_shared>>) target_semaphore(%run_scoped3A_409 : memref<!tpu.dma_semaphore, #tpu.memory_space<semaphore_mem>>)
        %dma_wait3A_414 = arith.constant 4480 : i32
        %dma_wait3A_415 = tpu.memref_slice %arg23[%dma_wait3A_414] : memref<10000xf32, #tpu.memory_space<vmem_shared>> -> memref<640xf32, #tpu.memory_space<vmem_shared>>
        %dma_wait3A_416 = arith.constant 4480 : i32
        %dma_wait3A_417 = tpu.memref_slice %arg23[%dma_wait3A_416] : memref<10000xf32, #tpu.memory_space<vmem_shared>> -> memref<640xf32, #tpu.memory_space<vmem_shared>>
        tpu.wait_dma2 semaphore(%run_scoped3A_409 : memref<!tpu.dma_semaphore, #tpu.memory_space<semaphore_mem>>) src(%arg20 : memref<640xf32, #tpu.memory_space<vmem>>) dst(%dma_wait3A_417 : memref<640xf32, #tpu.memory_space<vmem_shared>>)
        tpu.yield
      }) : () -> ()
      "tpu.region"() ({
        %run_scoped3A_409 = tpu.sem_alloc : memref<!tpu.dma_semaphore, #tpu.memory_space<semaphore_mem>>
        %dma_start3A_410 = arith.constant 5120 : i32
        %dma_start3A_411 = tpu.memref_slice %arg23[%dma_start3A_410] : memref<10000xf32, #tpu.memory_space<vmem_shared>> -> memref<640xf32, #tpu.memory_space<vmem_shared>>
        %dma_start3A_412 = arith.constant 5120 : i32
        %dma_start3A_413 = tpu.memref_slice %arg23[%dma_start3A_412] : memref<10000xf32, #tpu.memory_space<vmem_shared>> -> memref<640xf32, #tpu.memory_space<vmem_shared>>
        tpu.enqueue_dma source(%arg20 : memref<640xf32, #tpu.memory_space<vmem>>) target(%dma_start3A_413 : memref<640xf32, #tpu.memory_space<vmem_shared>>) target_semaphore(%run_scoped3A_409 : memref<!tpu.dma_semaphore, #tpu.memory_space<semaphore_mem>>)
        %dma_wait3A_414 = arith.constant 5120 : i32
        %dma_wait3A_415 = tpu.memref_slice %arg23[%dma_wait3A_414] : memref<10000xf32, #tpu.memory_space<vmem_shared>> -> memref<640xf32, #tpu.memory_space<vmem_shared>>
        %dma_wait3A_416 = arith.constant 5120 : i32
        %dma_wait3A_417 = tpu.memref_slice %arg23[%dma_wait3A_416] : memref<10000xf32, #tpu.memory_space<vmem_shared>> -> memref<640xf32, #tpu.memory_space<vmem_shared>>
        tpu.wait_dma2 semaphore(%run_scoped3A_409 : memref<!tpu.dma_semaphore, #tpu.memory_space<semaphore_mem>>) src(%arg20 : memref<640xf32, #tpu.memory_space<vmem>>) dst(%dma_wait3A_417 : memref<640xf32, #tpu.memory_space<vmem_shared>>)
        tpu.yield
      }) : () -> ()
      "tpu.region"() ({
        %run_scoped3A_409 = tpu.sem_alloc : memref<!tpu.dma_semaphore, #tpu.memory_space<semaphore_mem>>
        %dma_start3A_410 = arith.constant 5760 : i32
        %dma_start3A_411 = tpu.memref_slice %arg23[%dma_start3A_410] : memref<10000xf32, #tpu.memory_space<vmem_shared>> -> memref<640xf32, #tpu.memory_space<vmem_shared>>
        %dma_start3A_412 = arith.constant 5760 : i32
        %dma_start3A_413 = tpu.memref_slice %arg23[%dma_start3A_412] : memref<10000xf32, #tpu.memory_space<vmem_shared>> -> memref<640xf32, #tpu.memory_space<vmem_shared>>
        tpu.enqueue_dma source(%arg20 : memref<640xf32, #tpu.memory_space<vmem>>) target(%dma_start3A_413 : memref<640xf32, #tpu.memory_space<vmem_shared>>) target_semaphore(%run_scoped3A_409 : memref<!tpu.dma_semaphore, #tpu.memory_space<semaphore_mem>>)
        %dma_wait3A_414 = arith.constant 5760 : i32
        %dma_wait3A_415 = tpu.memref_slice %arg23[%dma_wait3A_414] : memref<10000xf32, #tpu.memory_space<vmem_shared>> -> memref<640xf32, #tpu.memory_space<vmem_shared>>
        %dma_wait3A_416 = arith.constant 5760 : i32
        %dma_wait3A_417 = tpu.memref_slice %arg23[%dma_wait3A_416] : memref<10000xf32, #tpu.memory_space<vmem_shared>> -> memref<640xf32, #tpu.memory_space<vmem_shared>>
        tpu.wait_dma2 semaphore(%run_scoped3A_409 : memref<!tpu.dma_semaphore, #tpu.memory_space<semaphore_mem>>) src(%arg20 : memref<640xf32, #tpu.memory_space<vmem>>) dst(%dma_wait3A_417 : memref<640xf32, #tpu.memory_space<vmem_shared>>)
        tpu.yield
      }) : () -> ()
      "tpu.region"() ({
        %run_scoped3A_409 = tpu.sem_alloc : memref<!tpu.dma_semaphore, #tpu.memory_space<semaphore_mem>>
        %dma_start3A_410 = arith.constant 6400 : i32
        %dma_start3A_411 = tpu.memref_slice %arg23[%dma_start3A_410] : memref<10000xf32, #tpu.memory_space<vmem_shared>> -> memref<640xf32, #tpu.memory_space<vmem_shared>>
        %dma_start3A_412 = arith.constant 6400 : i32
        %dma_start3A_413 = tpu.memref_slice %arg23[%dma_start3A_412] : memref<10000xf32, #tpu.memory_space<vmem_shared>> -> memref<640xf32, #tpu.memory_space<vmem_shared>>
        tpu.enqueue_dma source(%arg20 : memref<640xf32, #tpu.memory_space<vmem>>) target(%dma_start3A_413 : memref<640xf32, #tpu.memory_space<vmem_shared>>) target_semaphore(%run_scoped3A_409 : memref<!tpu.dma_semaphore, #tpu.memory_space<semaphore_mem>>)
        %dma_wait3A_414 = arith.constant 6400 : i32
        %dma_wait3A_415 = tpu.memref_slice %arg23[%dma_wait3A_414] : memref<10000xf32, #tpu.memory_space<vmem_shared>> -> memref<640xf32, #tpu.memory_space<vmem_shared>>
        %dma_wait3A_416 = arith.constant 6400 : i32
        %dma_wait3A_417 = tpu.memref_slice %arg23[%dma_wait3A_416] : memref<10000xf32, #tpu.memory_space<vmem_shared>> -> memref<640xf32, #tpu.memory_space<vmem_shared>>
        tpu.wait_dma2 semaphore(%run_scoped3A_409 : memref<!tpu.dma_semaphore, #tpu.memory_space<semaphore_mem>>) src(%arg20 : memref<640xf32, #tpu.memory_space<vmem>>) dst(%dma_wait3A_417 : memref<640xf32, #tpu.memory_space<vmem_shared>>)
        tpu.yield
      }) : () -> ()
      "tpu.region"() ({
        %run_scoped3A_409 = tpu.sem_alloc : memref<!tpu.dma_semaphore, #tpu.memory_space<semaphore_mem>>
        %dma_start3A_410 = arith.constant 7040 : i32
        %dma_start3A_411 = tpu.memref_slice %arg23[%dma_start3A_410] : memref<10000xf32, #tpu.memory_space<vmem_shared>> -> memref<640xf32, #tpu.memory_space<vmem_shared>>
        %dma_start3A_412 = arith.constant 7040 : i32
        %dma_start3A_413 = tpu.memref_slice %arg23[%dma_start3A_412] : memref<10000xf32, #tpu.memory_space<vmem_shared>> -> memref<640xf32, #tpu.memory_space<vmem_shared>>
        tpu.enqueue_dma source(%arg20 : memref<640xf32, #tpu.memory_space<vmem>>) target(%dma_start3A_413 : memref<640xf32, #tpu.memory_space<vmem_shared>>) target_semaphore(%run_scoped3A_409 : memref<!tpu.dma_semaphore, #tpu.memory_space<semaphore_mem>>)
        %dma_wait3A_414 = arith.constant 7040 : i32
        %dma_wait3A_415 = tpu.memref_slice %arg23[%dma_wait3A_414] : memref<10000xf32, #tpu.memory_space<vmem_shared>> -> memref<640xf32, #tpu.memory_space<vmem_shared>>
        %dma_wait3A_416 = arith.constant 7040 : i32
        %dma_wait3A_417 = tpu.memref_slice %arg23[%dma_wait3A_416] : memref<10000xf32, #tpu.memory_space<vmem_shared>> -> memref<640xf32, #tpu.memory_space<vmem_shared>>
        tpu.wait_dma2 semaphore(%run_scoped3A_409 : memref<!tpu.dma_semaphore, #tpu.memory_space<semaphore_mem>>) src(%arg20 : memref<640xf32, #tpu.memory_space<vmem>>) dst(%dma_wait3A_417 : memref<640xf32, #tpu.memory_space<vmem_shared>>)
        tpu.yield
      }) : () -> ()
      "tpu.region"() ({
        %run_scoped3A_409 = tpu.sem_alloc : memref<!tpu.dma_semaphore, #tpu.memory_space<semaphore_mem>>
        %dma_start3A_410 = arith.constant 7680 : i32
        %dma_start3A_411 = tpu.memref_slice %arg23[%dma_start3A_410] : memref<10000xf32, #tpu.memory_space<vmem_shared>> -> memref<640xf32, #tpu.memory_space<vmem_shared>>
        %dma_start3A_412 = arith.constant 7680 : i32
        %dma_start3A_413 = tpu.memref_slice %arg23[%dma_start3A_412] : memref<10000xf32, #tpu.memory_space<vmem_shared>> -> memref<640xf32, #tpu.memory_space<vmem_shared>>
        tpu.enqueue_dma source(%arg20 : memref<640xf32, #tpu.memory_space<vmem>>) target(%dma_start3A_413 : memref<640xf32, #tpu.memory_space<vmem_shared>>) target_semaphore(%run_scoped3A_409 : memref<!tpu.dma_semaphore, #tpu.memory_space<semaphore_mem>>)
        %dma_wait3A_414 = arith.constant 7680 : i32
        %dma_wait3A_415 = tpu.memref_slice %arg23[%dma_wait3A_414] : memref<10000xf32, #tpu.memory_space<vmem_shared>> -> memref<640xf32, #tpu.memory_space<vmem_shared>>
        %dma_wait3A_416 = arith.constant 7680 : i32
        %dma_wait3A_417 = tpu.memref_slice %arg23[%dma_wait3A_416] : memref<10000xf32, #tpu.memory_space<vmem_shared>> -> memref<640xf32, #tpu.memory_space<vmem_shared>>
        tpu.wait_dma2 semaphore(%run_scoped3A_409 : memref<!tpu.dma_semaphore, #tpu.memory_space<semaphore_mem>>) src(%arg20 : memref<640xf32, #tpu.memory_space<vmem>>) dst(%dma_wait3A_417 : memref<640xf32, #tpu.memory_space<vmem_shared>>)
        tpu.yield
      }) : () -> ()
      "tpu.region"() ({
        %run_scoped3A_409 = tpu.sem_alloc : memref<!tpu.dma_semaphore, #tpu.memory_space<semaphore_mem>>
        %dma_start3A_410 = arith.constant 8320 : i32
        %dma_start3A_411 = tpu.memref_slice %arg23[%dma_start3A_410] : memref<10000xf32, #tpu.memory_space<vmem_shared>> -> memref<640xf32, #tpu.memory_space<vmem_shared>>
        %dma_start3A_412 = arith.constant 8320 : i32
        %dma_start3A_413 = tpu.memref_slice %arg23[%dma_start3A_412] : memref<10000xf32, #tpu.memory_space<vmem_shared>> -> memref<640xf32, #tpu.memory_space<vmem_shared>>
        tpu.enqueue_dma source(%arg20 : memref<640xf32, #tpu.memory_space<vmem>>) target(%dma_start3A_413 : memref<640xf32, #tpu.memory_space<vmem_shared>>) target_semaphore(%run_scoped3A_409 : memref<!tpu.dma_semaphore, #tpu.memory_space<semaphore_mem>>)
        %dma_wait3A_414 = arith.constant 8320 : i32
        %dma_wait3A_415 = tpu.memref_slice %arg23[%dma_wait3A_414] : memref<10000xf32, #tpu.memory_space<vmem_shared>> -> memref<640xf32, #tpu.memory_space<vmem_shared>>
        %dma_wait3A_416 = arith.constant 8320 : i32
        %dma_wait3A_417 = tpu.memref_slice %arg23[%dma_wait3A_416] : memref<10000xf32, #tpu.memory_space<vmem_shared>> -> memref<640xf32, #tpu.memory_space<vmem_shared>>
        tpu.wait_dma2 semaphore(%run_scoped3A_409 : memref<!tpu.dma_semaphore, #tpu.memory_space<semaphore_mem>>) src(%arg20 : memref<640xf32, #tpu.memory_space<vmem>>) dst(%dma_wait3A_417 : memref<640xf32, #tpu.memory_space<vmem_shared>>)
        tpu.yield
      }) : () -> ()
      "tpu.region"() ({
        %run_scoped3A_409 = tpu.sem_alloc : memref<!tpu.dma_semaphore, #tpu.memory_space<semaphore_mem>>
        %dma_start3A_410 = arith.constant 8960 : i32
        %dma_start3A_411 = tpu.memref_slice %arg23[%dma_start3A_410] : memref<10000xf32, #tpu.memory_space<vmem_shared>> -> memref<640xf32, #tpu.memory_space<vmem_shared>>
        %dma_start3A_412 = arith.constant 8960 : i32
        %dma_start3A_413 = tpu.memref_slice %arg23[%dma_start3A_412] : memref<10000xf32, #tpu.memory_space<vmem_shared>> -> memref<640xf32, #tpu.memory_space<vmem_shared>>
        tpu.enqueue_dma source(%arg20 : memref<640xf32, #tpu.memory_space<vmem>>) target(%dma_start3A_413 : memref<640xf32, #tpu.memory_space<vmem_shared>>) target_semaphore(%run_scoped3A_409 : memref<!tpu.dma_semaphore, #tpu.memory_space<semaphore_mem>>)
        %dma_wait3A_414 = arith.constant 8960 : i32
        %dma_wait3A_415 = tpu.memref_slice %arg23[%dma_wait3A_414] : memref<10000xf32, #tpu.memory_space<vmem_shared>> -> memref<640xf32, #tpu.memory_space<vmem_shared>>
        %dma_wait3A_416 = arith.constant 8960 : i32
        %dma_wait3A_417 = tpu.memref_slice %arg23[%dma_wait3A_416] : memref<10000xf32, #tpu.memory_space<vmem_shared>> -> memref<640xf32, #tpu.memory_space<vmem_shared>>
        tpu.wait_dma2 semaphore(%run_scoped3A_409 : memref<!tpu.dma_semaphore, #tpu.memory_space<semaphore_mem>>) src(%arg20 : memref<640xf32, #tpu.memory_space<vmem>>) dst(%dma_wait3A_417 : memref<640xf32, #tpu.memory_space<vmem_shared>>)
        tpu.yield
      }) : () -> ()
      "tpu.region"() ({
        %run_scoped3A_409 = tpu.sem_alloc : memref<!tpu.dma_semaphore, #tpu.memory_space<semaphore_mem>>
        %dma_start3A_410 = arith.constant 0 : i32
        %dma_start3A_411 = tpu.memref_slice %arg20[%dma_start3A_410] : memref<640xf32, #tpu.memory_space<vmem>> -> memref<400xf32, #tpu.memory_space<vmem>>
        %dma_start3A_412 = arith.constant 9600 : i32
        %dma_start3A_413 = tpu.memref_slice %arg23[%dma_start3A_412] : memref<10000xf32, #tpu.memory_space<vmem_shared>> -> memref<400xf32, #tpu.memory_space<vmem_shared>>
        %dma_start3A_414 = arith.constant 9600 : i32
        %dma_start3A_415 = tpu.memref_slice %arg23[%dma_start3A_414] : memref<10000xf32, #tpu.memory_space<vmem_shared>> -> memref<400xf32, #tpu.memory_space<vmem_shared>>
        %dma_start3A_416 = arith.constant 0 : i32
        %dma_start3A_417 = tpu.memref_slice %arg20[%dma_start3A_416] : memref<640xf32, #tpu.memory_space<vmem>> -> memref<400xf32, #tpu.memory_space<vmem>>
        tpu.enqueue_dma source(%dma_start3A_417 : memref<400xf32, #tpu.memory_space<vmem>>) target(%dma_start3A_415 : memref<400xf32, #tpu.memory_space<vmem_shared>>) target_semaphore(%run_scoped3A_409 : memref<!tpu.dma_semaphore, #tpu.memory_space<semaphore_mem>>)
        %dma_wait3A_418 = arith.constant 0 : i32
        %dma_wait3A_419 = tpu.memref_slice %arg20[%dma_wait3A_418] : memref<640xf32, #tpu.memory_space<vmem>> -> memref<400xf32, #tpu.memory_space<vmem>>
        %dma_wait3A_420 = arith.constant 9600 : i32
        %dma_wait3A_421 = tpu.memref_slice %arg23[%dma_wait3A_420] : memref<10000xf32, #tpu.memory_space<vmem_shared>> -> memref<400xf32, #tpu.memory_space<vmem_shared>>
        %dma_wait3A_422 = arith.constant 9600 : i32
        %dma_wait3A_423 = tpu.memref_slice %arg23[%dma_wait3A_422] : memref<10000xf32, #tpu.memory_space<vmem_shared>> -> memref<400xf32, #tpu.memory_space<vmem_shared>>
        %dma_wait3A_424 = arith.constant 0 : i32
        %dma_wait3A_425 = tpu.memref_slice %arg20[%dma_wait3A_424] : memref<640xf32, #tpu.memory_space<vmem>> -> memref<400xf32, #tpu.memory_space<vmem>>
        tpu.wait_dma2 semaphore(%run_scoped3A_409 : memref<!tpu.dma_semaphore, #tpu.memory_space<semaphore_mem>>) src(%dma_wait3A_425 : memref<400xf32, #tpu.memory_space<vmem>>) dst(%dma_wait3A_423 : memref<400xf32, #tpu.memory_space<vmem_shared>>)
        tpu.yield
      }) : () -> ()
    } else {
    }
    %mul3A_219 = arith.constant 0 : i32
    %mul3A_220 = arith.constant 80 : i32
    %mul3A_221 = arith.muli %mul3A_219, %mul3A_220 : i32
    %dma_start3A = tpu.memref_slice %arg11[%mul3A_221] : memref<10000xi32, #tpu.memory_space<vmem>> -> memref<80xi32, #tpu.memory_space<vmem>>
    %dma_start3A_222 = arith.constant 0 : i32
    %dma_start3A_223 = arith.constant 0 : i32
    %dma_start3A_224 = tpu.memref_slice %arg6[%dma_start3A_222, %dma_start3A_223] : memref<20000x128xf32, #tpu.memory_space<hbm>> -> memref<20000x128xf32, #tpu.memory_space<hbm>>
    tpu.enqueue_indirect_dma source(%dma_start3A_224 : memref<20000x128xf32, #tpu.memory_space<hbm>>) target(%arg17 : memref<80x128xf32, #tpu.memory_space<vmem>>) offsets(%dma_start3A : memref<80xi32, #tpu.memory_space<vmem>>) semaphore(%arg24 : memref<!tpu.dma_semaphore, #tpu.memory_space<semaphore_mem>>)
    %mul3A_225 = arith.constant 0 : i32
    %mul3A_226 = arith.constant 80 : i32
    %mul3A_227 = arith.muli %mul3A_225, %mul3A_226 : i32
    %dma_start3A_228 = tpu.memref_slice %arg12[%mul3A_227] : memref<10000xi32, #tpu.memory_space<vmem>> -> memref<80xi32, #tpu.memory_space<vmem>>
    %dma_start3A_229 = arith.constant 0 : i32
    %dma_start3A_230 = tpu.memref_slice %arg7[%dma_start3A_229] : memref<40960000xf32, #tpu.memory_space<hbm>> -> memref<40960000xf32, #tpu.memory_space<hbm>>
    tpu.enqueue_indirect_dma source(%dma_start3A_230 : memref<40960000xf32, #tpu.memory_space<hbm>>) target(%arg15 : memref<80xf32, #tpu.memory_space<vmem>>) offsets(%dma_start3A_228 : memref<80xi32, #tpu.memory_space<vmem>>) semaphore(%arg24 : memref<!tpu.dma_semaphore, #tpu.memory_space<semaphore_mem>>)
    %mul3A_231 = arith.constant 125 : i32
    %mul3A_232 = arith.muli %arg1, %mul3A_231 : i32
    %add3A = arith.constant 0 : i32
    %add3A_233 = arith.addi %mul3A_232, %add3A : i32
    %dma_start3A_234 = arith.constant 0 : i32
    %dma_start3A_235 = arith.constant 0 : i32
    %dma_start3A_236 = tpu.memref_slice %arg4[%add3A_233, %dma_start3A_234, %dma_start3A_235] : memref<2000x1x80xi32, #tpu.memory_space<hbm>> -> memref<1x1x80xi32, #tpu.memory_space<hbm>>
    %dma_start3A_237 = tpu.memref_squeeze %dma_start3A_236 : memref<1x1x80xi32, #tpu.memory_space<hbm>> -> memref<1x80xi32, #tpu.memory_space<hbm>>
    %dma_start3A_238 = arith.constant 0 : i32
    %dma_start3A_239 = arith.constant 0 : i32
    %dma_start3A_240 = tpu.memref_slice %arg4[%add3A_233, %dma_start3A_238, %dma_start3A_239] : memref<2000x1x80xi32, #tpu.memory_space<hbm>> -> memref<1x1x80xi32, #tpu.memory_space<hbm>>
    %dma_start3A_241 = tpu.memref_squeeze %dma_start3A_240 : memref<1x1x80xi32, #tpu.memory_space<hbm>> -> memref<1x80xi32, #tpu.memory_space<hbm>>
    tpu.enqueue_dma source(%dma_start3A_241 : memref<1x80xi32, #tpu.memory_space<hbm>>) target(%arg13 : memref<1x80xi32, #tpu.memory_space<vmem>>) target_semaphore(%arg24 : memref<!tpu.dma_semaphore, #tpu.memory_space<semaphore_mem>>)
    %mul3A_242 = arith.constant 1 : i32
    %mul3A_243 = arith.constant 80 : i32
    %mul3A_244 = arith.muli %mul3A_242, %mul3A_243 : i32
    %dma_start3A_245 = tpu.memref_slice %arg11[%mul3A_244] : memref<10000xi32, #tpu.memory_space<vmem>> -> memref<80xi32, #tpu.memory_space<vmem>>
    %dma_start3A_246 = arith.constant 0 : i32
    %dma_start3A_247 = arith.constant 0 : i32
    %dma_start3A_248 = tpu.memref_slice %arg6[%dma_start3A_246, %dma_start3A_247] : memref<20000x128xf32, #tpu.memory_space<hbm>> -> memref<20000x128xf32, #tpu.memory_space<hbm>>
    tpu.enqueue_indirect_dma source(%dma_start3A_248 : memref<20000x128xf32, #tpu.memory_space<hbm>>) target(%arg18 : memref<80x128xf32, #tpu.memory_space<vmem>>) offsets(%dma_start3A_245 : memref<80xi32, #tpu.memory_space<vmem>>) semaphore(%arg25 : memref<!tpu.dma_semaphore, #tpu.memory_space<semaphore_mem>>)
    %mul3A_249 = arith.constant 1 : i32
    %mul3A_250 = arith.constant 80 : i32
    %mul3A_251 = arith.muli %mul3A_249, %mul3A_250 : i32
    %dma_start3A_252 = tpu.memref_slice %arg12[%mul3A_251] : memref<10000xi32, #tpu.memory_space<vmem>> -> memref<80xi32, #tpu.memory_space<vmem>>
    %dma_start3A_253 = arith.constant 0 : i32
    %dma_start3A_254 = tpu.memref_slice %arg7[%dma_start3A_253] : memref<40960000xf32, #tpu.memory_space<hbm>> -> memref<40960000xf32, #tpu.memory_space<hbm>>
    tpu.enqueue_indirect_dma source(%dma_start3A_254 : memref<40960000xf32, #tpu.memory_space<hbm>>) target(%arg16 : memref<80xf32, #tpu.memory_space<vmem>>) offsets(%dma_start3A_252 : memref<80xi32, #tpu.memory_space<vmem>>) semaphore(%arg25 : memref<!tpu.dma_semaphore, #tpu.memory_space<semaphore_mem>>)
    %mul3A_255 = arith.constant 125 : i32
    %mul3A_256 = arith.muli %arg1, %mul3A_255 : i32
    %add3A_257 = arith.constant 1 : i32
    %add3A_258 = arith.addi %mul3A_256, %add3A_257 : i32
    %dma_start3A_259 = arith.constant 0 : i32
    %dma_start3A_260 = arith.constant 0 : i32
    %dma_start3A_261 = tpu.memref_slice %arg4[%add3A_258, %dma_start3A_259, %dma_start3A_260] : memref<2000x1x80xi32, #tpu.memory_space<hbm>> -> memref<1x1x80xi32, #tpu.memory_space<hbm>>
    %dma_start3A_262 = tpu.memref_squeeze %dma_start3A_261 : memref<1x1x80xi32, #tpu.memory_space<hbm>> -> memref<1x80xi32, #tpu.memory_space<hbm>>
    %dma_start3A_263 = arith.constant 0 : i32
    %dma_start3A_264 = arith.constant 0 : i32
    %dma_start3A_265 = tpu.memref_slice %arg4[%add3A_258, %dma_start3A_263, %dma_start3A_264] : memref<2000x1x80xi32, #tpu.memory_space<hbm>> -> memref<1x1x80xi32, #tpu.memory_space<hbm>>
    %dma_start3A_266 = tpu.memref_squeeze %dma_start3A_265 : memref<1x1x80xi32, #tpu.memory_space<hbm>> -> memref<1x80xi32, #tpu.memory_space<hbm>>
    tpu.enqueue_dma source(%dma_start3A_266 : memref<1x80xi32, #tpu.memory_space<hbm>>) target(%arg14 : memref<1x80xi32, #tpu.memory_space<vmem>>) target_semaphore(%arg25 : memref<!tpu.dma_semaphore, #tpu.memory_space<semaphore_mem>>)
    %barrier3A = arith.constant 0 : index
    tpu.barrier barrier_id(%barrier3A)
    %while3A_267 = arith.constant 0 : i32
    %while3A_268 = arith.constant 0 : i32
    %while3A_269 = arith.constant 62 : i32
    %while3A_270 = arith.subi %while3A_269, %while3A_268 : i32
    %while3A_271 = arith.addi %while3A_268, %while3A_270 : i32
    %while3A_272 = arith.constant 1 : i32
    %while3A_273 = arith.divsi %while3A_270, %while3A_272 : i32
    %while3A_274 = arith.muli %while3A_273, %while3A_272 : i32
    %while3A_275 = arith.addi %while3A_268, %while3A_274 : i32
    %while3A_276 = arith.constant 1 : i32
    scf.for %while3A_409 = %while3A_268 to %while3A_275 step %while3A_276  : i32 {
      %mul3A_410 = arith.constant 2 : i32
      %mul3A_411 = arith.muli %while3A_409, %mul3A_410 : i32
      %add3A_412 = arith.constant 1 : i32
      %add3A_413 = arith.addi %mul3A_411, %add3A_412 : i32
      %mul3A_414 = arith.constant 80 : i32
      %mul3A_415 = arith.muli %mul3A_411, %mul3A_414 : i32
      %dma_wait3A_416 = tpu.memref_slice %arg11[%mul3A_415] : memref<10000xi32, #tpu.memory_space<vmem>> -> memref<80xi32, #tpu.memory_space<vmem>>
      %dma_wait3A_417 = arith.constant 0 : i32
      %dma_wait3A_418 = arith.constant 0 : i32
      %dma_wait3A_419 = tpu.memref_slice %arg6[%dma_wait3A_417, %dma_wait3A_418] : memref<20000x128xf32, #tpu.memory_space<hbm>> -> memref<20000x128xf32, #tpu.memory_space<hbm>>
      tpu.wait_indirect_dma semaphore(%arg24 : memref<!tpu.dma_semaphore, #tpu.memory_space<semaphore_mem>>) src(%dma_wait3A_419 : memref<20000x128xf32, #tpu.memory_space<hbm>>) dst(%arg17 : memref<80x128xf32, #tpu.memory_space<vmem>>)
      %mul3A_420 = arith.constant 80 : i32
      %mul3A_421 = arith.muli %mul3A_411, %mul3A_420 : i32
      %dma_wait3A_422 = tpu.memref_slice %arg12[%mul3A_421] : memref<10000xi32, #tpu.memory_space<vmem>> -> memref<80xi32, #tpu.memory_space<vmem>>
      %dma_wait3A_423 = arith.constant 0 : i32
      %dma_wait3A_424 = tpu.memref_slice %arg7[%dma_wait3A_423] : memref<40960000xf32, #tpu.memory_space<hbm>> -> memref<40960000xf32, #tpu.memory_space<hbm>>
      tpu.wait_indirect_dma semaphore(%arg24 : memref<!tpu.dma_semaphore, #tpu.memory_space<semaphore_mem>>) src(%dma_wait3A_424 : memref<40960000xf32, #tpu.memory_space<hbm>>) dst(%arg15 : memref<80xf32, #tpu.memory_space<vmem>>)
      %mul3A_425 = arith.constant 125 : i32
      %mul3A_426 = arith.muli %arg1, %mul3A_425 : i32
      %add3A_427 = arith.addi %mul3A_426, %mul3A_411 : i32
      %dma_wait3A_428 = arith.constant 0 : i32
      %dma_wait3A_429 = arith.constant 0 : i32
      %dma_wait3A_430 = tpu.memref_slice %arg4[%add3A_427, %dma_wait3A_428, %dma_wait3A_429] : memref<2000x1x80xi32, #tpu.memory_space<hbm>> -> memref<1x1x80xi32, #tpu.memory_space<hbm>>
      %dma_wait3A_431 = tpu.memref_squeeze %dma_wait3A_430 : memref<1x1x80xi32, #tpu.memory_space<hbm>> -> memref<1x80xi32, #tpu.memory_space<hbm>>
      %dma_wait3A_432 = arith.constant 0 : i32
      %dma_wait3A_433 = arith.constant 0 : i32
      %dma_wait3A_434 = tpu.memref_slice %arg4[%add3A_427, %dma_wait3A_432, %dma_wait3A_433] : memref<2000x1x80xi32, #tpu.memory_space<hbm>> -> memref<1x1x80xi32, #tpu.memory_space<hbm>>
      %dma_wait3A_435 = tpu.memref_squeeze %dma_wait3A_434 : memref<1x1x80xi32, #tpu.memory_space<hbm>> -> memref<1x80xi32, #tpu.memory_space<hbm>>
      tpu.wait_dma2 semaphore(%arg24 : memref<!tpu.dma_semaphore, #tpu.memory_space<semaphore_mem>>) src(%dma_wait3A_435 : memref<1x80xi32, #tpu.memory_space<hbm>>) dst(%arg13 : memref<1x80xi32, #tpu.memory_space<vmem>>)
      %get3A_436 = arith.constant 0 : index
      %get3A_437 = tpu.vector_load %arg15[%get3A_436] {strides = array<i32>} : memref<80xf32, #tpu.memory_space<vmem>>, vector<16xf32>,
      %exp3A_438 = math.exp %get3A_437 : vector<16xf32>
      %swap3A_439 = arith.constant 0 : index
      %swap3A_440 = tpu.vector_load %arg15[%swap3A_439] {strides = array<i32>} : memref<80xf32, #tpu.memory_space<vmem>>, vector<16xf32>,
      tpu.vector_store %arg15[%swap3A_439], %exp3A_438 {strides = array<i32>} : memref<80xf32, #tpu.memory_space<vmem>>, vector<16xf32>,
      %get3A_441 = arith.constant 0 : i64
      %get3A_442 = arith.index_cast %get3A_441 : i64 to index
      %get3A_443 = arith.constant 0 : index
      %get3A_444 = tpu.vector_load %arg21[%get3A_442, %get3A_443] {strides = array<i32>} : memref<1x16xf32, #tpu.memory_space<vmem>>, vector<16xf32>,
      %add3A_445 = arith.addf %get3A_444, %exp3A_438 : vector<16xf32>
      %swap3A_446 = arith.constant 0 : i64
      %swap3A_447 = arith.index_cast %swap3A_446 : i64 to index
      %swap3A_448 = arith.constant 0 : index
      %swap3A_449 = tpu.vector_load %arg21[%swap3A_447, %swap3A_448] {strides = array<i32>} : memref<1x16xf32, #tpu.memory_space<vmem>>, vector<16xf32>,
      tpu.vector_store %arg21[%swap3A_447, %swap3A_448], %add3A_445 {strides = array<i32>} : memref<1x16xf32, #tpu.memory_space<vmem>>, vector<16xf32>,
      %get3A_450 = arith.constant 16 : index
      %get3A_451 = tpu.vector_load %arg15[%get3A_450] {strides = array<i32>} : memref<80xf32, #tpu.memory_space<vmem>>, vector<16xf32>,
      %exp3A_452 = math.exp %get3A_451 : vector<16xf32>
      %swap3A_453 = arith.constant 16 : index
      %swap3A_454 = tpu.vector_load %arg15[%swap3A_453] {strides = array<i32>} : memref<80xf32, #tpu.memory_space<vmem>>, vector<16xf32>,
      tpu.vector_store %arg15[%swap3A_453], %exp3A_452 {strides = array<i32>} : memref<80xf32, #tpu.memory_space<vmem>>, vector<16xf32>,
      %get3A_455 = arith.constant 0 : i64
      %get3A_456 = arith.index_cast %get3A_455 : i64 to index
      %get3A_457 = arith.constant 0 : index
      %get3A_458 = tpu.vector_load %arg21[%get3A_456, %get3A_457] {strides = array<i32>} : memref<1x16xf32, #tpu.memory_space<vmem>>, vector<16xf32>,
      %add3A_459 = arith.addf %get3A_458, %exp3A_452 : vector<16xf32>
      %swap3A_460 = arith.constant 0 : i64
      %swap3A_461 = arith.index_cast %swap3A_460 : i64 to index
      %swap3A_462 = arith.constant 0 : index
      %swap3A_463 = tpu.vector_load %arg21[%swap3A_461, %swap3A_462] {strides = array<i32>} : memref<1x16xf32, #tpu.memory_space<vmem>>, vector<16xf32>,
      tpu.vector_store %arg21[%swap3A_461, %swap3A_462], %add3A_459 {strides = array<i32>} : memref<1x16xf32, #tpu.memory_space<vmem>>, vector<16xf32>,
      %get3A_464 = arith.constant 32 : index
      %get3A_465 = tpu.vector_load %arg15[%get3A_464] {strides = array<i32>} : memref<80xf32, #tpu.memory_space<vmem>>, vector<16xf32>,
      %exp3A_466 = math.exp %get3A_465 : vector<16xf32>
      %swap3A_467 = arith.constant 32 : index
      %swap3A_468 = tpu.vector_load %arg15[%swap3A_467] {strides = array<i32>} : memref<80xf32, #tpu.memory_space<vmem>>, vector<16xf32>,
      tpu.vector_store %arg15[%swap3A_467], %exp3A_466 {strides = array<i32>} : memref<80xf32, #tpu.memory_space<vmem>>, vector<16xf32>,
      %get3A_469 = arith.constant 0 : i64
      %get3A_470 = arith.index_cast %get3A_469 : i64 to index
      %get3A_471 = arith.constant 0 : index
      %get3A_472 = tpu.vector_load %arg21[%get3A_470, %get3A_471] {strides = array<i32>} : memref<1x16xf32, #tpu.memory_space<vmem>>, vector<16xf32>,
      %add3A_473 = arith.addf %get3A_472, %exp3A_466 : vector<16xf32>
      %swap3A_474 = arith.constant 0 : i64
      %swap3A_475 = arith.index_cast %swap3A_474 : i64 to index
      %swap3A_476 = arith.constant 0 : index
      %swap3A_477 = tpu.vector_load %arg21[%swap3A_475, %swap3A_476] {strides = array<i32>} : memref<1x16xf32, #tpu.memory_space<vmem>>, vector<16xf32>,
      tpu.vector_store %arg21[%swap3A_475, %swap3A_476], %add3A_473 {strides = array<i32>} : memref<1x16xf32, #tpu.memory_space<vmem>>, vector<16xf32>,
      %get3A_478 = arith.constant 48 : index
      %get3A_479 = tpu.vector_load %arg15[%get3A_478] {strides = array<i32>} : memref<80xf32, #tpu.memory_space<vmem>>, vector<16xf32>,
      %exp3A_480 = math.exp %get3A_479 : vector<16xf32>
      %swap3A_481 = arith.constant 48 : index
      %swap3A_482 = tpu.vector_load %arg15[%swap3A_481] {strides = array<i32>} : memref<80xf32, #tpu.memory_space<vmem>>, vector<16xf32>,
      tpu.vector_store %arg15[%swap3A_481], %exp3A_480 {strides = array<i32>} : memref<80xf32, #tpu.memory_space<vmem>>, vector<16xf32>,
      %get3A_483 = arith.constant 0 : i64
      %get3A_484 = arith.index_cast %get3A_483 : i64 to index
      %get3A_485 = arith.constant 0 : index
      %get3A_486 = tpu.vector_load %arg21[%get3A_484, %get3A_485] {strides = array<i32>} : memref<1x16xf32, #tpu.memory_space<vmem>>, vector<16xf32>,
      %add3A_487 = arith.addf %get3A_486, %exp3A_480 : vector<16xf32>
      %swap3A_488 = arith.constant 0 : i64
      %swap3A_489 = arith.index_cast %swap3A_488 : i64 to index
      %swap3A_490 = arith.constant 0 : index
      %swap3A_491 = tpu.vector_load %arg21[%swap3A_489, %swap3A_490] {strides = array<i32>} : memref<1x16xf32, #tpu.memory_space<vmem>>, vector<16xf32>,
      tpu.vector_store %arg21[%swap3A_489, %swap3A_490], %add3A_487 {strides = array<i32>} : memref<1x16xf32, #tpu.memory_space<vmem>>, vector<16xf32>,
      %get3A_492 = arith.constant 64 : index
      %get3A_493 = tpu.vector_load %arg15[%get3A_492] {strides = array<i32>} : memref<80xf32, #tpu.memory_space<vmem>>, vector<16xf32>,
      %exp3A_494 = math.exp %get3A_493 : vector<16xf32>
      %swap3A_495 = arith.constant 64 : index
      %swap3A_496 = tpu.vector_load %arg15[%swap3A_495] {strides = array<i32>} : memref<80xf32, #tpu.memory_space<vmem>>, vector<16xf32>,
      tpu.vector_store %arg15[%swap3A_495], %exp3A_494 {strides = array<i32>} : memref<80xf32, #tpu.memory_space<vmem>>, vector<16xf32>,
      %get3A_497 = arith.constant 0 : i64
      %get3A_498 = arith.index_cast %get3A_497 : i64 to index
      %get3A_499 = arith.constant 0 : index
      %get3A_500 = tpu.vector_load %arg21[%get3A_498, %get3A_499] {strides = array<i32>} : memref<1x16xf32, #tpu.memory_space<vmem>>, vector<16xf32>,
      %add3A_501 = arith.addf %get3A_500, %exp3A_494 : vector<16xf32>
      %swap3A_502 = arith.constant 0 : i64
      %swap3A_503 = arith.index_cast %swap3A_502 : i64 to index
      %swap3A_504 = arith.constant 0 : index
      %swap3A_505 = tpu.vector_load %arg21[%swap3A_503, %swap3A_504] {strides = array<i32>} : memref<1x16xf32, #tpu.memory_space<vmem>>, vector<16xf32>,
      tpu.vector_store %arg21[%swap3A_503, %swap3A_504], %add3A_501 {strides = array<i32>} : memref<1x16xf32, #tpu.memory_space<vmem>>, vector<16xf32>,
      %while3A_506 = arith.constant 0 : i32
      %while3A_507 = arith.constant 0 : i32
      %while3A_508 = arith.constant 20 : i32
      %while3A_509 = arith.subi %while3A_508, %while3A_507 : i32
      %while3A_510 = arith.addi %while3A_507, %while3A_509 : i32
      %while3A_511 = arith.constant 1 : i32
      %while3A_512 = arith.divsi %while3A_509, %while3A_511 : i32
      %while3A_513 = arith.muli %while3A_512, %while3A_511 : i32
      %while3A_514 = arith.addi %while3A_507, %while3A_513 : i32
      %while3A_515 = arith.constant 1 : i32
      scf.for %while3A_697 = %while3A_507 to %while3A_514 step %while3A_515  : i32 {
        %mul3A_698 = arith.constant 4 : i32
        %mul3A_699 = arith.muli %while3A_697, %mul3A_698 : i32
        %add3A_700 = arith.constant 0 : i32
        %add3A_701 = arith.addi %mul3A_699, %add3A_700 : i32
        %broadcast_in_dim3A_702 = vector.broadcast %add3A_701 : i32 to vector<16xi32>
        %gather3A = tpu.vector_load_idx %arg15[%broadcast_in_dim3A_702] : memref<80xf32, #tpu.memory_space<vmem>>[vector<16xi32>], vector<16xf32>,
        %get3A_703 = arith.index_cast %add3A_701 : i32 to index
        %get3A_704 = arith.constant 0 : index
        %get3A_705 = tpu.vector_load %arg17[%get3A_703, %get3A_704] {strides = array<i32>} : memref<80x128xf32, #tpu.memory_space<vmem>>, vector<16xf32>,
        %mul3A_706 = arith.mulf %get3A_705, %gather3A : vector<16xf32>
        %swap3A_707 = arith.index_cast %add3A_701 : i32 to index
        %swap3A_708 = arith.constant 0 : index
        %swap3A_709 = tpu.vector_load %arg17[%swap3A_707, %swap3A_708] {strides = array<i32>} : memref<80x128xf32, #tpu.memory_space<vmem>>, vector<16xf32>,
        tpu.vector_store %arg17[%swap3A_707, %swap3A_708], %mul3A_706 {strides = array<i32>} : memref<80x128xf32, #tpu.memory_space<vmem>>, vector<16xf32>,
        %get3A_710 = arith.index_cast %add3A_701 : i32 to index
        %get3A_711 = arith.constant 16 : index
        %get3A_712 = tpu.vector_load %arg17[%get3A_710, %get3A_711] {strides = array<i32>} : memref<80x128xf32, #tpu.memory_space<vmem>>, vector<16xf32>,
        %mul3A_713 = arith.mulf %get3A_712, %gather3A : vector<16xf32>
        %swap3A_714 = arith.index_cast %add3A_701 : i32 to index
        %swap3A_715 = arith.constant 16 : index
        %swap3A_716 = tpu.vector_load %arg17[%swap3A_714, %swap3A_715] {strides = array<i32>} : memref<80x128xf32, #tpu.memory_space<vmem>>, vector<16xf32>,
        tpu.vector_store %arg17[%swap3A_714, %swap3A_715], %mul3A_713 {strides = array<i32>} : memref<80x128xf32, #tpu.memory_space<vmem>>, vector<16xf32>,
        %get3A_717 = arith.index_cast %add3A_701 : i32 to index
        %get3A_718 = arith.constant 32 : index
        %get3A_719 = tpu.vector_load %arg17[%get3A_717, %get3A_718] {strides = array<i32>} : memref<80x128xf32, #tpu.memory_space<vmem>>, vector<16xf32>,
        %mul3A_720 = arith.mulf %get3A_719, %gather3A : vector<16xf32>
        %swap3A_721 = arith.index_cast %add3A_701 : i32 to index
        %swap3A_722 = arith.constant 32 : index
        %swap3A_723 = tpu.vector_load %arg17[%swap3A_721, %swap3A_722] {strides = array<i32>} : memref<80x128xf32, #tpu.memory_space<vmem>>, vector<16xf32>,
        tpu.vector_store %arg17[%swap3A_721, %swap3A_722], %mul3A_720 {strides = array<i32>} : memref<80x128xf32, #tpu.memory_space<vmem>>, vector<16xf32>,
        %get3A_724 = arith.index_cast %add3A_701 : i32 to index
        %get3A_725 = arith.constant 48 : index
        %get3A_726 = tpu.vector_load %arg17[%get3A_724, %get3A_725] {strides = array<i32>} : memref<80x128xf32, #tpu.memory_space<vmem>>, vector<16xf32>,
        %mul3A_727 = arith.mulf %get3A_726, %gather3A : vector<16xf32>
        %swap3A_728 = arith.index_cast %add3A_701 : i32 to index
        %swap3A_729 = arith.constant 48 : index
        %swap3A_730 = tpu.vector_load %arg17[%swap3A_728, %swap3A_729] {strides = array<i32>} : memref<80x128xf32, #tpu.memory_space<vmem>>, vector<16xf32>,
        tpu.vector_store %arg17[%swap3A_728, %swap3A_729], %mul3A_727 {strides = array<i32>} : memref<80x128xf32, #tpu.memory_space<vmem>>, vector<16xf32>,
        %get3A_731 = arith.index_cast %add3A_701 : i32 to index
        %get3A_732 = arith.constant 64 : index
        %get3A_733 = tpu.vector_load %arg17[%get3A_731, %get3A_732] {strides = array<i32>} : memref<80x128xf32, #tpu.memory_space<vmem>>, vector<16xf32>,
        %mul3A_734 = arith.mulf %get3A_733, %gather3A : vector<16xf32>
        %swap3A_735 = arith.index_cast %add3A_701 : i32 to index
        %swap3A_736 = arith.constant 64 : index
        %swap3A_737 = tpu.vector_load %arg17[%swap3A_735, %swap3A_736] {strides = array<i32>} : memref<80x128xf32, #tpu.memory_space<vmem>>, vector<16xf32>,
        tpu.vector_store %arg17[%swap3A_735, %swap3A_736], %mul3A_734 {strides = array<i32>} : memref<80x128xf32, #tpu.memory_space<vmem>>, vector<16xf32>,
        %get3A_738 = arith.index_cast %add3A_701 : i32 to index
        %get3A_739 = arith.constant 80 : index
        %get3A_740 = tpu.vector_load %arg17[%get3A_738, %get3A_739] {strides = array<i32>} : memref<80x128xf32, #tpu.memory_space<vmem>>, vector<16xf32>,
        %mul3A_741 = arith.mulf %get3A_740, %gather3A : vector<16xf32>
        %swap3A_742 = arith.index_cast %add3A_701 : i32 to index
        %swap3A_743 = arith.constant 80 : index
        %swap3A_744 = tpu.vector_load %arg17[%swap3A_742, %swap3A_743] {strides = array<i32>} : memref<80x128xf32, #tpu.memory_space<vmem>>, vector<16xf32>,
        tpu.vector_store %arg17[%swap3A_742, %swap3A_743], %mul3A_741 {strides = array<i32>} : memref<80x128xf32, #tpu.memory_space<vmem>>, vector<16xf32>,
        %get3A_745 = arith.index_cast %add3A_701 : i32 to index
        %get3A_746 = arith.constant 96 : index
        %get3A_747 = tpu.vector_load %arg17[%get3A_745, %get3A_746] {strides = array<i32>} : memref<80x128xf32, #tpu.memory_space<vmem>>, vector<16xf32>,
        %mul3A_748 = arith.mulf %get3A_747, %gather3A : vector<16xf32>
        %swap3A_749 = arith.index_cast %add3A_701 : i32 to index
        %swap3A_750 = arith.constant 96 : index
        %swap3A_751 = tpu.vector_load %arg17[%swap3A_749, %swap3A_750] {strides = array<i32>} : memref<80x128xf32, #tpu.memory_space<vmem>>, vector<16xf32>,
        tpu.vector_store %arg17[%swap3A_749, %swap3A_750], %mul3A_748 {strides = array<i32>} : memref<80x128xf32, #tpu.memory_space<vmem>>, vector<16xf32>,
        %get3A_752 = arith.index_cast %add3A_701 : i32 to index
        %get3A_753 = arith.constant 112 : index
        %get3A_754 = tpu.vector_load %arg17[%get3A_752, %get3A_753] {strides = array<i32>} : memref<80x128xf32, #tpu.memory_space<vmem>>, vector<16xf32>,
        %mul3A_755 = arith.mulf %get3A_754, %gather3A : vector<16xf32>
        %swap3A_756 = arith.index_cast %add3A_701 : i32 to index
        %swap3A_757 = arith.constant 112 : index
        %swap3A_758 = tpu.vector_load %arg17[%swap3A_756, %swap3A_757] {strides = array<i32>} : memref<80x128xf32, #tpu.memory_space<vmem>>, vector<16xf32>,
        tpu.vector_store %arg17[%swap3A_756, %swap3A_757], %mul3A_755 {strides = array<i32>} : memref<80x128xf32, #tpu.memory_space<vmem>>, vector<16xf32>,
        %mul3A_759 = arith.constant 4 : i32
        %mul3A_760 = arith.muli %while3A_697, %mul3A_759 : i32
        %add3A_761 = arith.constant 1 : i32
        %add3A_762 = arith.addi %mul3A_760, %add3A_761 : i32
        %broadcast_in_dim3A_763 = vector.broadcast %add3A_762 : i32 to vector<16xi32>
        %gather3A_764 = tpu.vector_load_idx %arg15[%broadcast_in_dim3A_763] : memref<80xf32, #tpu.memory_space<vmem>>[vector<16xi32>], vector<16xf32>,
        %get3A_765 = arith.index_cast %add3A_762 : i32 to index
        %get3A_766 = arith.constant 0 : index
        %get3A_767 = tpu.vector_load %arg17[%get3A_765, %get3A_766] {strides = array<i32>} : memref<80x128xf32, #tpu.memory_space<vmem>>, vector<16xf32>,
        %mul3A_768 = arith.mulf %get3A_767, %gather3A_764 : vector<16xf32>
        %swap3A_769 = arith.index_cast %add3A_762 : i32 to index
        %swap3A_770 = arith.constant 0 : index
        %swap3A_771 = tpu.vector_load %arg17[%swap3A_769, %swap3A_770] {strides = array<i32>} : memref<80x128xf32, #tpu.memory_space<vmem>>, vector<16xf32>,
        tpu.vector_store %arg17[%swap3A_769, %swap3A_770], %mul3A_768 {strides = array<i32>} : memref<80x128xf32, #tpu.memory_space<vmem>>, vector<16xf32>,
        %get3A_772 = arith.index_cast %add3A_762 : i32 to index
        %get3A_773 = arith.constant 16 : index
        %get3A_774 = tpu.vector_load %arg17[%get3A_772, %get3A_773] {strides = array<i32>} : memref<80x128xf32, #tpu.memory_space<vmem>>, vector<16xf32>,
        %mul3A_775 = arith.mulf %get3A_774, %gather3A_764 : vector<16xf32>
        %swap3A_776 = arith.index_cast %add3A_762 : i32 to index
        %swap3A_777 = arith.constant 16 : index
        %swap3A_778 = tpu.vector_load %arg17[%swap3A_776, %swap3A_777] {strides = array<i32>} : memref<80x128xf32, #tpu.memory_space<vmem>>, vector<16xf32>,
        tpu.vector_store %arg17[%swap3A_776, %swap3A_777], %mul3A_775 {strides = array<i32>} : memref<80x128xf32, #tpu.memory_space<vmem>>, vector<16xf32>,
        %get3A_779 = arith.index_cast %add3A_762 : i32 to index
        %get3A_780 = arith.constant 32 : index
        %get3A_781 = tpu.vector_load %arg17[%get3A_779, %get3A_780] {strides = array<i32>} : memref<80x128xf32, #tpu.memory_space<vmem>>, vector<16xf32>,
        %mul3A_782 = arith.mulf %get3A_781, %gather3A_764 : vector<16xf32>
        %swap3A_783 = arith.index_cast %add3A_762 : i32 to index
        %swap3A_784 = arith.constant 32 : index
        %swap3A_785 = tpu.vector_load %arg17[%swap3A_783, %swap3A_784] {strides = array<i32>} : memref<80x128xf32, #tpu.memory_space<vmem>>, vector<16xf32>,
        tpu.vector_store %arg17[%swap3A_783, %swap3A_784], %mul3A_782 {strides = array<i32>} : memref<80x128xf32, #tpu.memory_space<vmem>>, vector<16xf32>,
        %get3A_786 = arith.index_cast %add3A_762 : i32 to index
        %get3A_787 = arith.constant 48 : index
        %get3A_788 = tpu.vector_load %arg17[%get3A_786, %get3A_787] {strides = array<i32>} : memref<80x128xf32, #tpu.memory_space<vmem>>, vector<16xf32>,
        %mul3A_789 = arith.mulf %get3A_788, %gather3A_764 : vector<16xf32>
        %swap3A_790 = arith.index_cast %add3A_762 : i32 to index
        %swap3A_791 = arith.constant 48 : index
        %swap3A_792 = tpu.vector_load %arg17[%swap3A_790, %swap3A_791] {strides = array<i32>} : memref<80x128xf32, #tpu.memory_space<vmem>>, vector<16xf32>,
        tpu.vector_store %arg17[%swap3A_790, %swap3A_791], %mul3A_789 {strides = array<i32>} : memref<80x128xf32, #tpu.memory_space<vmem>>, vector<16xf32>,
        %get3A_793 = arith.index_cast %add3A_762 : i32 to index
        %get3A_794 = arith.constant 64 : index
        %get3A_795 = tpu.vector_load %arg17[%get3A_793, %get3A_794] {strides = array<i32>} : memref<80x128xf32, #tpu.memory_space<vmem>>, vector<16xf32>,
        %mul3A_796 = arith.mulf %get3A_795, %gather3A_764 : vector<16xf32>
        %swap3A_797 = arith.index_cast %add3A_762 : i32 to index
        %swap3A_798 = arith.constant 64 : index
        %swap3A_799 = tpu.vector_load %arg17[%swap3A_797, %swap3A_798] {strides = array<i32>} : memref<80x128xf32, #tpu.memory_space<vmem>>, vector<16xf32>,
        tpu.vector_store %arg17[%swap3A_797, %swap3A_798], %mul3A_796 {strides = array<i32>} : memref<80x128xf32, #tpu.memory_space<vmem>>, vector<16xf32>,
        %get3A_800 = arith.index_cast %add3A_762 : i32 to index
        %get3A_801 = arith.constant 80 : index
        %get3A_802 = tpu.vector_load %arg17[%get3A_800, %get3A_801] {strides = array<i32>} : memref<80x128xf32, #tpu.memory_space<vmem>>, vector<16xf32>,
        %mul3A_803 = arith.mulf %get3A_802, %gather3A_764 : vector<16xf32>
        %swap3A_804 = arith.index_cast %add3A_762 : i32 to index
        %swap3A_805 = arith.constant 80 : index
        %swap3A_806 = tpu.vector_load %arg17[%swap3A_804, %swap3A_805] {strides = array<i32>} : memref<80x128xf32, #tpu.memory_space<vmem>>, vector<16xf32>,
        tpu.vector_store %arg17[%swap3A_804, %swap3A_805], %mul3A_803 {strides = array<i32>} : memref<80x128xf32, #tpu.memory_space<vmem>>, vector<16xf32>,
        %get3A_807 = arith.index_cast %add3A_762 : i32 to index
        %get3A_808 = arith.constant 96 : index
        %get3A_809 = tpu.vector_load %arg17[%get3A_807, %get3A_808] {strides = array<i32>} : memref<80x128xf32, #tpu.memory_space<vmem>>, vector<16xf32>,
        %mul3A_810 = arith.mulf %get3A_809, %gather3A_764 : vector<16xf32>
        %swap3A_811 = arith.index_cast %add3A_762 : i32 to index
        %swap3A_812 = arith.constant 96 : index
        %swap3A_813 = tpu.vector_load %arg17[%swap3A_811, %swap3A_812] {strides = array<i32>} : memref<80x128xf32, #tpu.memory_space<vmem>>, vector<16xf32>,
        tpu.vector_store %arg17[%swap3A_811, %swap3A_812], %mul3A_810 {strides = array<i32>} : memref<80x128xf32, #tpu.memory_space<vmem>>, vector<16xf32>,
        %get3A_814 = arith.index_cast %add3A_762 : i32 to index
        %get3A_815 = arith.constant 112 : index
        %get3A_816 = tpu.vector_load %arg17[%get3A_814, %get3A_815] {strides = array<i32>} : memref<80x128xf32, #tpu.memory_space<vmem>>, vector<16xf32>,
        %mul3A_817 = arith.mulf %get3A_816, %gather3A_764 : vector<16xf32>
        %swap3A_818 = arith.index_cast %add3A_762 : i32 to index
        %swap3A_819 = arith.constant 112 : index
        %swap3A_820 = tpu.vector_load %arg17[%swap3A_818, %swap3A_819] {strides = array<i32>} : memref<80x128xf32, #tpu.memory_space<vmem>>, vector<16xf32>,
        tpu.vector_store %arg17[%swap3A_818, %swap3A_819], %mul3A_817 {strides = array<i32>} : memref<80x128xf32, #tpu.memory_space<vmem>>, vector<16xf32>,
        %mul3A_821 = arith.constant 4 : i32
        %mul3A_822 = arith.muli %while3A_697, %mul3A_821 : i32
        %add3A_823 = arith.constant 2 : i32
        %add3A_824 = arith.addi %mul3A_822, %add3A_823 : i32
        %broadcast_in_dim3A_825 = vector.broadcast %add3A_824 : i32 to vector<16xi32>
        %gather3A_826 = tpu.vector_load_idx %arg15[%broadcast_in_dim3A_825] : memref<80xf32, #tpu.memory_space<vmem>>[vector<16xi32>], vector<16xf32>,
        %get3A_827 = arith.index_cast %add3A_824 : i32 to index
        %get3A_828 = arith.constant 0 : index
        %get3A_829 = tpu.vector_load %arg17[%get3A_827, %get3A_828] {strides = array<i32>} : memref<80x128xf32, #tpu.memory_space<vmem>>, vector<16xf32>,
        %mul3A_830 = arith.mulf %get3A_829, %gather3A_826 : vector<16xf32>
        %swap3A_831 = arith.index_cast %add3A_824 : i32 to index
        %swap3A_832 = arith.constant 0 : index
        %swap3A_833 = tpu.vector_load %arg17[%swap3A_831, %swap3A_832] {strides = array<i32>} : memref<80x128xf32, #tpu.memory_space<vmem>>, vector<16xf32>,
        tpu.vector_store %arg17[%swap3A_831, %swap3A_832], %mul3A_830 {strides = array<i32>} : memref<80x128xf32, #tpu.memory_space<vmem>>, vector<16xf32>,
        %get3A_834 = arith.index_cast %add3A_824 : i32 to index
        %get3A_835 = arith.constant 16 : index
        %get3A_836 = tpu.vector_load %arg17[%get3A_834, %get3A_835] {strides = array<i32>} : memref<80x128xf32, #tpu.memory_space<vmem>>, vector<16xf32>,
        %mul3A_837 = arith.mulf %get3A_836, %gather3A_826 : vector<16xf32>
        %swap3A_838 = arith.index_cast %add3A_824 : i32 to index
        %swap3A_839 = arith.constant 16 : index
        %swap3A_840 = tpu.vector_load %arg17[%swap3A_838, %swap3A_839] {strides = array<i32>} : memref<80x128xf32, #tpu.memory_space<vmem>>, vector<16xf32>,
        tpu.vector_store %arg17[%swap3A_838, %swap3A_839], %mul3A_837 {strides = array<i32>} : memref<80x128xf32, #tpu.memory_space<vmem>>, vector<16xf32>,
        %get3A_841 = arith.index_cast %add3A_824 : i32 to index
        %get3A_842 = arith.constant 32 : index
        %get3A_843 = tpu.vector_load %arg17[%get3A_841, %get3A_842] {strides = array<i32>} : memref<80x128xf32, #tpu.memory_space<vmem>>, vector<16xf32>,
        %mul3A_844 = arith.mulf %get3A_843, %gather3A_826 : vector<16xf32>
        %swap3A_845 = arith.index_cast %add3A_824 : i32 to index
        %swap3A_846 = arith.constant 32 : index
        %swap3A_847 = tpu.vector_load %arg17[%swap3A_845, %swap3A_846] {strides = array<i32>} : memref<80x128xf32, #tpu.memory_space<vmem>>, vector<16xf32>,
        tpu.vector_store %arg17[%swap3A_845, %swap3A_846], %mul3A_844 {strides = array<i32>} : memref<80x128xf32, #tpu.memory_space<vmem>>, vector<16xf32>,
        %get3A_848 = arith.index_cast %add3A_824 : i32 to index
        %get3A_849 = arith.constant 48 : index
        %get3A_850 = tpu.vector_load %arg17[%get3A_848, %get3A_849] {strides = array<i32>} : memref<80x128xf32, #tpu.memory_space<vmem>>, vector<16xf32>,
        %mul3A_851 = arith.mulf %get3A_850, %gather3A_826 : vector<16xf32>
        %swap3A_852 = arith.index_cast %add3A_824 : i32 to index
        %swap3A_853 = arith.constant 48 : index
        %swap3A_854 = tpu.vector_load %arg17[%swap3A_852, %swap3A_853] {strides = array<i32>} : memref<80x128xf32, #tpu.memory_space<vmem>>, vector<16xf32>,
        tpu.vector_store %arg17[%swap3A_852, %swap3A_853], %mul3A_851 {strides = array<i32>} : memref<80x128xf32, #tpu.memory_space<vmem>>, vector<16xf32>,
        %get3A_855 = arith.index_cast %add3A_824 : i32 to index
        %get3A_856 = arith.constant 64 : index
        %get3A_857 = tpu.vector_load %arg17[%get3A_855, %get3A_856] {strides = array<i32>} : memref<80x128xf32, #tpu.memory_space<vmem>>, vector<16xf32>,
        %mul3A_858 = arith.mulf %get3A_857, %gather3A_826 : vector<16xf32>
        %swap3A_859 = arith.index_cast %add3A_824 : i32 to index
        %swap3A_860 = arith.constant 64 : index
        %swap3A_861 = tpu.vector_load %arg17[%swap3A_859, %swap3A_860] {strides = array<i32>} : memref<80x128xf32, #tpu.memory_space<vmem>>, vector<16xf32>,
        tpu.vector_store %arg17[%swap3A_859, %swap3A_860], %mul3A_858 {strides = array<i32>} : memref<80x128xf32, #tpu.memory_space<vmem>>, vector<16xf32>,
        %get3A_862 = arith.index_cast %add3A_824 : i32 to index
        %get3A_863 = arith.constant 80 : index
        %get3A_864 = tpu.vector_load %arg17[%get3A_862, %get3A_863] {strides = array<i32>} : memref<80x128xf32, #tpu.memory_space<vmem>>, vector<16xf32>,
        %mul3A_865 = arith.mulf %get3A_864, %gather3A_826 : vector<16xf32>
        %swap3A_866 = arith.index_cast %add3A_824 : i32 to index
        %swap3A_867 = arith.constant 80 : index
        %swap3A_868 = tpu.vector_load %arg17[%swap3A_866, %swap3A_867] {strides = array<i32>} : memref<80x128xf32, #tpu.memory_space<vmem>>, vector<16xf32>,
        tpu.vector_store %arg17[%swap3A_866, %swap3A_867], %mul3A_865 {strides = array<i32>} : memref<80x128xf32, #tpu.memory_space<vmem>>, vector<16xf32>,
        %get3A_869 = arith.index_cast %add3A_824 : i32 to index
        %get3A_870 = arith.constant 96 : index
        %get3A_871 = tpu.vector_load %arg17[%get3A_869, %get3A_870] {strides = array<i32>} : memref<80x128xf32, #tpu.memory_space<vmem>>, vector<16xf32>,
        %mul3A_872 = arith.mulf %get3A_871, %gather3A_826 : vector<16xf32>
        %swap3A_873 = arith.index_cast %add3A_824 : i32 to index
        %swap3A_874 = arith.constant 96 : index
        %swap3A_875 = tpu.vector_load %arg17[%swap3A_873, %swap3A_874] {strides = array<i32>} : memref<80x128xf32, #tpu.memory_space<vmem>>, vector<16xf32>,
        tpu.vector_store %arg17[%swap3A_873, %swap3A_874], %mul3A_872 {strides = array<i32>} : memref<80x128xf32, #tpu.memory_space<vmem>>, vector<16xf32>,
        %get3A_876 = arith.index_cast %add3A_824 : i32 to index
        %get3A_877 = arith.constant 112 : index
        %get3A_878 = tpu.vector_load %arg17[%get3A_876, %get3A_877] {strides = array<i32>} : memref<80x128xf32, #tpu.memory_space<vmem>>, vector<16xf32>,
        %mul3A_879 = arith.mulf %get3A_878, %gather3A_826 : vector<16xf32>
        %swap3A_880 = arith.index_cast %add3A_824 : i32 to index
        %swap3A_881 = arith.constant 112 : index
        %swap3A_882 = tpu.vector_load %arg17[%swap3A_880, %swap3A_881] {strides = array<i32>} : memref<80x128xf32, #tpu.memory_space<vmem>>, vector<16xf32>,
        tpu.vector_store %arg17[%swap3A_880, %swap3A_881], %mul3A_879 {strides = array<i32>} : memref<80x128xf32, #tpu.memory_space<vmem>>, vector<16xf32>,
        %mul3A_883 = arith.constant 4 : i32
        %mul3A_884 = arith.muli %while3A_697, %mul3A_883 : i32
        %add3A_885 = arith.constant 3 : i32
        %add3A_886 = arith.addi %mul3A_884, %add3A_885 : i32
        %broadcast_in_dim3A_887 = vector.broadcast %add3A_886 : i32 to vector<16xi32>
        %gather3A_888 = tpu.vector_load_idx %arg15[%broadcast_in_dim3A_887] : memref<80xf32, #tpu.memory_space<vmem>>[vector<16xi32>], vector<16xf32>,
        %get3A_889 = arith.index_cast %add3A_886 : i32 to index
        %get3A_890 = arith.constant 0 : index
        %get3A_891 = tpu.vector_load %arg17[%get3A_889, %get3A_890] {strides = array<i32>} : memref<80x128xf32, #tpu.memory_space<vmem>>, vector<16xf32>,
        %mul3A_892 = arith.mulf %get3A_891, %gather3A_888 : vector<16xf32>
        %swap3A_893 = arith.index_cast %add3A_886 : i32 to index
        %swap3A_894 = arith.constant 0 : index
        %swap3A_895 = tpu.vector_load %arg17[%swap3A_893, %swap3A_894] {strides = array<i32>} : memref<80x128xf32, #tpu.memory_space<vmem>>, vector<16xf32>,
        tpu.vector_store %arg17[%swap3A_893, %swap3A_894], %mul3A_892 {strides = array<i32>} : memref<80x128xf32, #tpu.memory_space<vmem>>, vector<16xf32>,
        %get3A_896 = arith.index_cast %add3A_886 : i32 to index
        %get3A_897 = arith.constant 16 : index
        %get3A_898 = tpu.vector_load %arg17[%get3A_896, %get3A_897] {strides = array<i32>} : memref<80x128xf32, #tpu.memory_space<vmem>>, vector<16xf32>,
        %mul3A_899 = arith.mulf %get3A_898, %gather3A_888 : vector<16xf32>
        %swap3A_900 = arith.index_cast %add3A_886 : i32 to index
        %swap3A_901 = arith.constant 16 : index
        %swap3A_902 = tpu.vector_load %arg17[%swap3A_900, %swap3A_901] {strides = array<i32>} : memref<80x128xf32, #tpu.memory_space<vmem>>, vector<16xf32>,
        tpu.vector_store %arg17[%swap3A_900, %swap3A_901], %mul3A_899 {strides = array<i32>} : memref<80x128xf32, #tpu.memory_space<vmem>>, vector<16xf32>,
        %get3A_903 = arith.index_cast %add3A_886 : i32 to index
        %get3A_904 = arith.constant 32 : index
        %get3A_905 = tpu.vector_load %arg17[%get3A_903, %get3A_904] {strides = array<i32>} : memref<80x128xf32, #tpu.memory_space<vmem>>, vector<16xf32>,
        %mul3A_906 = arith.mulf %get3A_905, %gather3A_888 : vector<16xf32>
        %swap3A_907 = arith.index_cast %add3A_886 : i32 to index
        %swap3A_908 = arith.constant 32 : index
        %swap3A_909 = tpu.vector_load %arg17[%swap3A_907, %swap3A_908] {strides = array<i32>} : memref<80x128xf32, #tpu.memory_space<vmem>>, vector<16xf32>,
        tpu.vector_store %arg17[%swap3A_907, %swap3A_908], %mul3A_906 {strides = array<i32>} : memref<80x128xf32, #tpu.memory_space<vmem>>, vector<16xf32>,
        %get3A_910 = arith.index_cast %add3A_886 : i32 to index
        %get3A_911 = arith.constant 48 : index
        %get3A_912 = tpu.vector_load %arg17[%get3A_910, %get3A_911] {strides = array<i32>} : memref<80x128xf32, #tpu.memory_space<vmem>>, vector<16xf32>,
        %mul3A_913 = arith.mulf %get3A_912, %gather3A_888 : vector<16xf32>
        %swap3A_914 = arith.index_cast %add3A_886 : i32 to index
        %swap3A_915 = arith.constant 48 : index
        %swap3A_916 = tpu.vector_load %arg17[%swap3A_914, %swap3A_915] {strides = array<i32>} : memref<80x128xf32, #tpu.memory_space<vmem>>, vector<16xf32>,
        tpu.vector_store %arg17[%swap3A_914, %swap3A_915], %mul3A_913 {strides = array<i32>} : memref<80x128xf32, #tpu.memory_space<vmem>>, vector<16xf32>,
        %get3A_917 = arith.index_cast %add3A_886 : i32 to index
        %get3A_918 = arith.constant 64 : index
        %get3A_919 = tpu.vector_load %arg17[%get3A_917, %get3A_918] {strides = array<i32>} : memref<80x128xf32, #tpu.memory_space<vmem>>, vector<16xf32>,
        %mul3A_920 = arith.mulf %get3A_919, %gather3A_888 : vector<16xf32>
        %swap3A_921 = arith.index_cast %add3A_886 : i32 to index
        %swap3A_922 = arith.constant 64 : index
        %swap3A_923 = tpu.vector_load %arg17[%swap3A_921, %swap3A_922] {strides = array<i32>} : memref<80x128xf32, #tpu.memory_space<vmem>>, vector<16xf32>,
        tpu.vector_store %arg17[%swap3A_921, %swap3A_922], %mul3A_920 {strides = array<i32>} : memref<80x128xf32, #tpu.memory_space<vmem>>, vector<16xf32>,
        %get3A_924 = arith.index_cast %add3A_886 : i32 to index
        %get3A_925 = arith.constant 80 : index
        %get3A_926 = tpu.vector_load %arg17[%get3A_924, %get3A_925] {strides = array<i32>} : memref<80x128xf32, #tpu.memory_space<vmem>>, vector<16xf32>,
        %mul3A_927 = arith.mulf %get3A_926, %gather3A_888 : vector<16xf32>
        %swap3A_928 = arith.index_cast %add3A_886 : i32 to index
        %swap3A_929 = arith.constant 80 : index
        %swap3A_930 = tpu.vector_load %arg17[%swap3A_928, %swap3A_929] {strides = array<i32>} : memref<80x128xf32, #tpu.memory_space<vmem>>, vector<16xf32>,
        tpu.vector_store %arg17[%swap3A_928, %swap3A_929], %mul3A_927 {strides = array<i32>} : memref<80x128xf32, #tpu.memory_space<vmem>>, vector<16xf32>,
        %get3A_931 = arith.index_cast %add3A_886 : i32 to index
        %get3A_932 = arith.constant 96 : index
        %get3A_933 = tpu.vector_load %arg17[%get3A_931, %get3A_932] {strides = array<i32>} : memref<80x128xf32, #tpu.memory_space<vmem>>, vector<16xf32>,
        %mul3A_934 = arith.mulf %get3A_933, %gather3A_888 : vector<16xf32>
        %swap3A_935 = arith.index_cast %add3A_886 : i32 to index
        %swap3A_936 = arith.constant 96 : index
        %swap3A_937 = tpu.vector_load %arg17[%swap3A_935, %swap3A_936] {strides = array<i32>} : memref<80x128xf32, #tpu.memory_space<vmem>>, vector<16xf32>,
        tpu.vector_store %arg17[%swap3A_935, %swap3A_936], %mul3A_934 {strides = array<i32>} : memref<80x128xf32, #tpu.memory_space<vmem>>, vector<16xf32>,
        %get3A_938 = arith.index_cast %add3A_886 : i32 to index
        %get3A_939 = arith.constant 112 : index
        %get3A_940 = tpu.vector_load %arg17[%get3A_938, %get3A_939] {strides = array<i32>} : memref<80x128xf32, #tpu.memory_space<vmem>>, vector<16xf32>,
        %mul3A_941 = arith.mulf %get3A_940, %gather3A_888 : vector<16xf32>
        %swap3A_942 = arith.index_cast %add3A_886 : i32 to index
        %swap3A_943 = arith.constant 112 : index
        %swap3A_944 = tpu.vector_load %arg17[%swap3A_942, %swap3A_943] {strides = array<i32>} : memref<80x128xf32, #tpu.memory_space<vmem>>, vector<16xf32>,
        tpu.vector_store %arg17[%swap3A_942, %swap3A_943], %mul3A_941 {strides = array<i32>} : memref<80x128xf32, #tpu.memory_space<vmem>>, vector<16xf32>,
      }
      %while3A_516 = arith.constant 1 : i32
      scf.for %while3A_697 = %while3A_514 to %while3A_510 step %while3A_516  : i32 {
        %mul3A_698 = arith.constant 4 : i32
        %mul3A_699 = arith.muli %while3A_697, %mul3A_698 : i32
        %add3A_700 = arith.constant 0 : i32
        %add3A_701 = arith.addi %mul3A_699, %add3A_700 : i32
        %broadcast_in_dim3A_702 = vector.broadcast %add3A_701 : i32 to vector<16xi32>
        %gather3A = tpu.vector_load_idx %arg15[%broadcast_in_dim3A_702] : memref<80xf32, #tpu.memory_space<vmem>>[vector<16xi32>], vector<16xf32>,
        %get3A_703 = arith.index_cast %add3A_701 : i32 to index
        %get3A_704 = arith.constant 0 : index
        %get3A_705 = tpu.vector_load %arg17[%get3A_703, %get3A_704] {strides = array<i32>} : memref<80x128xf32, #tpu.memory_space<vmem>>, vector<16xf32>,
        %mul3A_706 = arith.mulf %get3A_705, %gather3A : vector<16xf32>
        %swap3A_707 = arith.index_cast %add3A_701 : i32 to index
        %swap3A_708 = arith.constant 0 : index
        %swap3A_709 = tpu.vector_load %arg17[%swap3A_707, %swap3A_708] {strides = array<i32>} : memref<80x128xf32, #tpu.memory_space<vmem>>, vector<16xf32>,
        tpu.vector_store %arg17[%swap3A_707, %swap3A_708], %mul3A_706 {strides = array<i32>} : memref<80x128xf32, #tpu.memory_space<vmem>>, vector<16xf32>,
        %get3A_710 = arith.index_cast %add3A_701 : i32 to index
        %get3A_711 = arith.constant 16 : index
        %get3A_712 = tpu.vector_load %arg17[%get3A_710, %get3A_711] {strides = array<i32>} : memref<80x128xf32, #tpu.memory_space<vmem>>, vector<16xf32>,
        %mul3A_713 = arith.mulf %get3A_712, %gather3A : vector<16xf32>
        %swap3A_714 = arith.index_cast %add3A_701 : i32 to index
        %swap3A_715 = arith.constant 16 : index
        %swap3A_716 = tpu.vector_load %arg17[%swap3A_714, %swap3A_715] {strides = array<i32>} : memref<80x128xf32, #tpu.memory_space<vmem>>, vector<16xf32>,
        tpu.vector_store %arg17[%swap3A_714, %swap3A_715], %mul3A_713 {strides = array<i32>} : memref<80x128xf32, #tpu.memory_space<vmem>>, vector<16xf32>,
        %get3A_717 = arith.index_cast %add3A_701 : i32 to index
        %get3A_718 = arith.constant 32 : index
        %get3A_719 = tpu.vector_load %arg17[%get3A_717, %get3A_718] {strides = array<i32>} : memref<80x128xf32, #tpu.memory_space<vmem>>, vector<16xf32>,
        %mul3A_720 = arith.mulf %get3A_719, %gather3A : vector<16xf32>
        %swap3A_721 = arith.index_cast %add3A_701 : i32 to index
        %swap3A_722 = arith.constant 32 : index
        %swap3A_723 = tpu.vector_load %arg17[%swap3A_721, %swap3A_722] {strides = array<i32>} : memref<80x128xf32, #tpu.memory_space<vmem>>, vector<16xf32>,
        tpu.vector_store %arg17[%swap3A_721, %swap3A_722], %mul3A_720 {strides = array<i32>} : memref<80x128xf32, #tpu.memory_space<vmem>>, vector<16xf32>,
        %get3A_724 = arith.index_cast %add3A_701 : i32 to index
        %get3A_725 = arith.constant 48 : index
        %get3A_726 = tpu.vector_load %arg17[%get3A_724, %get3A_725] {strides = array<i32>} : memref<80x128xf32, #tpu.memory_space<vmem>>, vector<16xf32>,
        %mul3A_727 = arith.mulf %get3A_726, %gather3A : vector<16xf32>
        %swap3A_728 = arith.index_cast %add3A_701 : i32 to index
        %swap3A_729 = arith.constant 48 : index
        %swap3A_730 = tpu.vector_load %arg17[%swap3A_728, %swap3A_729] {strides = array<i32>} : memref<80x128xf32, #tpu.memory_space<vmem>>, vector<16xf32>,
        tpu.vector_store %arg17[%swap3A_728, %swap3A_729], %mul3A_727 {strides = array<i32>} : memref<80x128xf32, #tpu.memory_space<vmem>>, vector<16xf32>,
        %get3A_731 = arith.index_cast %add3A_701 : i32 to index
        %get3A_732 = arith.constant 64 : index
        %get3A_733 = tpu.vector_load %arg17[%get3A_731, %get3A_732] {strides = array<i32>} : memref<80x128xf32, #tpu.memory_space<vmem>>, vector<16xf32>,
        %mul3A_734 = arith.mulf %get3A_733, %gather3A : vector<16xf32>
        %swap3A_735 = arith.index_cast %add3A_701 : i32 to index
        %swap3A_736 = arith.constant 64 : index
        %swap3A_737 = tpu.vector_load %arg17[%swap3A_735, %swap3A_736] {strides = array<i32>} : memref<80x128xf32, #tpu.memory_space<vmem>>, vector<16xf32>,
        tpu.vector_store %arg17[%swap3A_735, %swap3A_736], %mul3A_734 {strides = array<i32>} : memref<80x128xf32, #tpu.memory_space<vmem>>, vector<16xf32>,
        %get3A_738 = arith.index_cast %add3A_701 : i32 to index
        %get3A_739 = arith.constant 80 : index
        %get3A_740 = tpu.vector_load %arg17[%get3A_738, %get3A_739] {strides = array<i32>} : memref<80x128xf32, #tpu.memory_space<vmem>>, vector<16xf32>,
        %mul3A_741 = arith.mulf %get3A_740, %gather3A : vector<16xf32>
        %swap3A_742 = arith.index_cast %add3A_701 : i32 to index
        %swap3A_743 = arith.constant 80 : index
        %swap3A_744 = tpu.vector_load %arg17[%swap3A_742, %swap3A_743] {strides = array<i32>} : memref<80x128xf32, #tpu.memory_space<vmem>>, vector<16xf32>,
        tpu.vector_store %arg17[%swap3A_742, %swap3A_743], %mul3A_741 {strides = array<i32>} : memref<80x128xf32, #tpu.memory_space<vmem>>, vector<16xf32>,
        %get3A_745 = arith.index_cast %add3A_701 : i32 to index
        %get3A_746 = arith.constant 96 : index
        %get3A_747 = tpu.vector_load %arg17[%get3A_745, %get3A_746] {strides = array<i32>} : memref<80x128xf32, #tpu.memory_space<vmem>>, vector<16xf32>,
        %mul3A_748 = arith.mulf %get3A_747, %gather3A : vector<16xf32>
        %swap3A_749 = arith.index_cast %add3A_701 : i32 to index
        %swap3A_750 = arith.constant 96 : index
        %swap3A_751 = tpu.vector_load %arg17[%swap3A_749, %swap3A_750] {strides = array<i32>} : memref<80x128xf32, #tpu.memory_space<vmem>>, vector<16xf32>,
        tpu.vector_store %arg17[%swap3A_749, %swap3A_750], %mul3A_748 {strides = array<i32>} : memref<80x128xf32, #tpu.memory_space<vmem>>, vector<16xf32>,
        %get3A_752 = arith.index_cast %add3A_701 : i32 to index
        %get3A_753 = arith.constant 112 : index
        %get3A_754 = tpu.vector_load %arg17[%get3A_752, %get3A_753] {strides = array<i32>} : memref<80x128xf32, #tpu.memory_space<vmem>>, vector<16xf32>,
        %mul3A_755 = arith.mulf %get3A_754, %gather3A : vector<16xf32>
        %swap3A_756 = arith.index_cast %add3A_701 : i32 to index
        %swap3A_757 = arith.constant 112 : index
        %swap3A_758 = tpu.vector_load %arg17[%swap3A_756, %swap3A_757] {strides = array<i32>} : memref<80x128xf32, #tpu.memory_space<vmem>>, vector<16xf32>,
        tpu.vector_store %arg17[%swap3A_756, %swap3A_757], %mul3A_755 {strides = array<i32>} : memref<80x128xf32, #tpu.memory_space<vmem>>, vector<16xf32>,
        %mul3A_759 = arith.constant 4 : i32
        %mul3A_760 = arith.muli %while3A_697, %mul3A_759 : i32
        %add3A_761 = arith.constant 1 : i32
        %add3A_762 = arith.addi %mul3A_760, %add3A_761 : i32
        %broadcast_in_dim3A_763 = vector.broadcast %add3A_762 : i32 to vector<16xi32>
        %gather3A_764 = tpu.vector_load_idx %arg15[%broadcast_in_dim3A_763] : memref<80xf32, #tpu.memory_space<vmem>>[vector<16xi32>], vector<16xf32>,
        %get3A_765 = arith.index_cast %add3A_762 : i32 to index
        %get3A_766 = arith.constant 0 : index
        %get3A_767 = tpu.vector_load %arg17[%get3A_765, %get3A_766] {strides = array<i32>} : memref<80x128xf32, #tpu.memory_space<vmem>>, vector<16xf32>,
        %mul3A_768 = arith.mulf %get3A_767, %gather3A_764 : vector<16xf32>
        %swap3A_769 = arith.index_cast %add3A_762 : i32 to index
        %swap3A_770 = arith.constant 0 : index
        %swap3A_771 = tpu.vector_load %arg17[%swap3A_769, %swap3A_770] {strides = array<i32>} : memref<80x128xf32, #tpu.memory_space<vmem>>, vector<16xf32>,
        tpu.vector_store %arg17[%swap3A_769, %swap3A_770], %mul3A_768 {strides = array<i32>} : memref<80x128xf32, #tpu.memory_space<vmem>>, vector<16xf32>,
        %get3A_772 = arith.index_cast %add3A_762 : i32 to index
        %get3A_773 = arith.constant 16 : index
        %get3A_774 = tpu.vector_load %arg17[%get3A_772, %get3A_773] {strides = array<i32>} : memref<80x128xf32, #tpu.memory_space<vmem>>, vector<16xf32>,
        %mul3A_775 = arith.mulf %get3A_774, %gather3A_764 : vector<16xf32>
        %swap3A_776 = arith.index_cast %add3A_762 : i32 to index
        %swap3A_777 = arith.constant 16 : index
        %swap3A_778 = tpu.vector_load %arg17[%swap3A_776, %swap3A_777] {strides = array<i32>} : memref<80x128xf32, #tpu.memory_space<vmem>>, vector<16xf32>,
        tpu.vector_store %arg17[%swap3A_776, %swap3A_777], %mul3A_775 {strides = array<i32>} : memref<80x128xf32, #tpu.memory_space<vmem>>, vector<16xf32>,
        %get3A_779 = arith.index_cast %add3A_762 : i32 to index
        %get3A_780 = arith.constant 32 : index
        %get3A_781 = tpu.vector_load %arg17[%get3A_779, %get3A_780] {strides = array<i32>} : memref<80x128xf32, #tpu.memory_space<vmem>>, vector<16xf32>,
        %mul3A_782 = arith.mulf %get3A_781, %gather3A_764 : vector<16xf32>
        %swap3A_783 = arith.index_cast %add3A_762 : i32 to index
        %swap3A_784 = arith.constant 32 : index
        %swap3A_785 = tpu.vector_load %arg17[%swap3A_783, %swap3A_784] {strides = array<i32>} : memref<80x128xf32, #tpu.memory_space<vmem>>, vector<16xf32>,
        tpu.vector_store %arg17[%swap3A_783, %swap3A_784], %mul3A_782 {strides = array<i32>} : memref<80x128xf32, #tpu.memory_space<vmem>>, vector<16xf32>,
        %get3A_786 = arith.index_cast %add3A_762 : i32 to index
        %get3A_787 = arith.constant 48 : index
        %get3A_788 = tpu.vector_load %arg17[%get3A_786, %get3A_787] {strides = array<i32>} : memref<80x128xf32, #tpu.memory_space<vmem>>, vector<16xf32>,
        %mul3A_789 = arith.mulf %get3A_788, %gather3A_764 : vector<16xf32>
        %swap3A_790 = arith.index_cast %add3A_762 : i32 to index
        %swap3A_791 = arith.constant 48 : index
        %swap3A_792 = tpu.vector_load %arg17[%swap3A_790, %swap3A_791] {strides = array<i32>} : memref<80x128xf32, #tpu.memory_space<vmem>>, vector<16xf32>,
        tpu.vector_store %arg17[%swap3A_790, %swap3A_791], %mul3A_789 {strides = array<i32>} : memref<80x128xf32, #tpu.memory_space<vmem>>, vector<16xf32>,
        %get3A_793 = arith.index_cast %add3A_762 : i32 to index
        %get3A_794 = arith.constant 64 : index
        %get3A_795 = tpu.vector_load %arg17[%get3A_793, %get3A_794] {strides = array<i32>} : memref<80x128xf32, #tpu.memory_space<vmem>>, vector<16xf32>,
        %mul3A_796 = arith.mulf %get3A_795, %gather3A_764 : vector<16xf32>
        %swap3A_797 = arith.index_cast %add3A_762 : i32 to index
        %swap3A_798 = arith.constant 64 : index
        %swap3A_799 = tpu.vector_load %arg17[%swap3A_797, %swap3A_798] {strides = array<i32>} : memref<80x128xf32, #tpu.memory_space<vmem>>, vector<16xf32>,
        tpu.vector_store %arg17[%swap3A_797, %swap3A_798], %mul3A_796 {strides = array<i32>} : memref<80x128xf32, #tpu.memory_space<vmem>>, vector<16xf32>,
        %get3A_800 = arith.index_cast %add3A_762 : i32 to index
        %get3A_801 = arith.constant 80 : index
        %get3A_802 = tpu.vector_load %arg17[%get3A_800, %get3A_801] {strides = array<i32>} : memref<80x128xf32, #tpu.memory_space<vmem>>, vector<16xf32>,
        %mul3A_803 = arith.mulf %get3A_802, %gather3A_764 : vector<16xf32>
        %swap3A_804 = arith.index_cast %add3A_762 : i32 to index
        %swap3A_805 = arith.constant 80 : index
        %swap3A_806 = tpu.vector_load %arg17[%swap3A_804, %swap3A_805] {strides = array<i32>} : memref<80x128xf32, #tpu.memory_space<vmem>>, vector<16xf32>,
        tpu.vector_store %arg17[%swap3A_804, %swap3A_805], %mul3A_803 {strides = array<i32>} : memref<80x128xf32, #tpu.memory_space<vmem>>, vector<16xf32>,
        %get3A_807 = arith.index_cast %add3A_762 : i32 to index
        %get3A_808 = arith.constant 96 : index
        %get3A_809 = tpu.vector_load %arg17[%get3A_807, %get3A_808] {strides = array<i32>} : memref<80x128xf32, #tpu.memory_space<vmem>>, vector<16xf32>,
        %mul3A_810 = arith.mulf %get3A_809, %gather3A_764 : vector<16xf32>
        %swap3A_811 = arith.index_cast %add3A_762 : i32 to index
        %swap3A_812 = arith.constant 96 : index
        %swap3A_813 = tpu.vector_load %arg17[%swap3A_811, %swap3A_812] {strides = array<i32>} : memref<80x128xf32, #tpu.memory_space<vmem>>, vector<16xf32>,
        tpu.vector_store %arg17[%swap3A_811, %swap3A_812], %mul3A_810 {strides = array<i32>} : memref<80x128xf32, #tpu.memory_space<vmem>>, vector<16xf32>,
        %get3A_814 = arith.index_cast %add3A_762 : i32 to index
        %get3A_815 = arith.constant 112 : index
        %get3A_816 = tpu.vector_load %arg17[%get3A_814, %get3A_815] {strides = array<i32>} : memref<80x128xf32, #tpu.memory_space<vmem>>, vector<16xf32>,
        %mul3A_817 = arith.mulf %get3A_816, %gather3A_764 : vector<16xf32>
        %swap3A_818 = arith.index_cast %add3A_762 : i32 to index
        %swap3A_819 = arith.constant 112 : index
        %swap3A_820 = tpu.vector_load %arg17[%swap3A_818, %swap3A_819] {strides = array<i32>} : memref<80x128xf32, #tpu.memory_space<vmem>>, vector<16xf32>,
        tpu.vector_store %arg17[%swap3A_818, %swap3A_819], %mul3A_817 {strides = array<i32>} : memref<80x128xf32, #tpu.memory_space<vmem>>, vector<16xf32>,
        %mul3A_821 = arith.constant 4 : i32
        %mul3A_822 = arith.muli %while3A_697, %mul3A_821 : i32
        %add3A_823 = arith.constant 2 : i32
        %add3A_824 = arith.addi %mul3A_822, %add3A_823 : i32
        %broadcast_in_dim3A_825 = vector.broadcast %add3A_824 : i32 to vector<16xi32>
        %gather3A_826 = tpu.vector_load_idx %arg15[%broadcast_in_dim3A_825] : memref<80xf32, #tpu.memory_space<vmem>>[vector<16xi32>], vector<16xf32>,
        %get3A_827 = arith.index_cast %add3A_824 : i32 to index
        %get3A_828 = arith.constant 0 : index
        %get3A_829 = tpu.vector_load %arg17[%get3A_827, %get3A_828] {strides = array<i32>} : memref<80x128xf32, #tpu.memory_space<vmem>>, vector<16xf32>,
        %mul3A_830 = arith.mulf %get3A_829, %gather3A_826 : vector<16xf32>
        %swap3A_831 = arith.index_cast %add3A_824 : i32 to index
        %swap3A_832 = arith.constant 0 : index
        %swap3A_833 = tpu.vector_load %arg17[%swap3A_831, %swap3A_832] {strides = array<i32>} : memref<80x128xf32, #tpu.memory_space<vmem>>, vector<16xf32>,
        tpu.vector_store %arg17[%swap3A_831, %swap3A_832], %mul3A_830 {strides = array<i32>} : memref<80x128xf32, #tpu.memory_space<vmem>>, vector<16xf32>,
        %get3A_834 = arith.index_cast %add3A_824 : i32 to index
        %get3A_835 = arith.constant 16 : index
        %get3A_836 = tpu.vector_load %arg17[%get3A_834, %get3A_835] {strides = array<i32>} : memref<80x128xf32, #tpu.memory_space<vmem>>, vector<16xf32>,
        %mul3A_837 = arith.mulf %get3A_836, %gather3A_826 : vector<16xf32>
        %swap3A_838 = arith.index_cast %add3A_824 : i32 to index
        %swap3A_839 = arith.constant 16 : index
        %swap3A_840 = tpu.vector_load %arg17[%swap3A_838, %swap3A_839] {strides = array<i32>} : memref<80x128xf32, #tpu.memory_space<vmem>>, vector<16xf32>,
        tpu.vector_store %arg17[%swap3A_838, %swap3A_839], %mul3A_837 {strides = array<i32>} : memref<80x128xf32, #tpu.memory_space<vmem>>, vector<16xf32>,
        %get3A_841 = arith.index_cast %add3A_824 : i32 to index
        %get3A_842 = arith.constant 32 : index
        %get3A_843 = tpu.vector_load %arg17[%get3A_841, %get3A_842] {strides = array<i32>} : memref<80x128xf32, #tpu.memory_space<vmem>>, vector<16xf32>,
        %mul3A_844 = arith.mulf %get3A_843, %gather3A_826 : vector<16xf32>
        %swap3A_845 = arith.index_cast %add3A_824 : i32 to index
        %swap3A_846 = arith.constant 32 : index
        %swap3A_847 = tpu.vector_load %arg17[%swap3A_845, %swap3A_846] {strides = array<i32>} : memref<80x128xf32, #tpu.memory_space<vmem>>, vector<16xf32>,
        tpu.vector_store %arg17[%swap3A_845, %swap3A_846], %mul3A_844 {strides = array<i32>} : memref<80x128xf32, #tpu.memory_space<vmem>>, vector<16xf32>,
        %get3A_848 = arith.index_cast %add3A_824 : i32 to index
        %get3A_849 = arith.constant 48 : index
        %get3A_850 = tpu.vector_load %arg17[%get3A_848, %get3A_849] {strides = array<i32>} : memref<80x128xf32, #tpu.memory_space<vmem>>, vector<16xf32>,
        %mul3A_851 = arith.mulf %get3A_850, %gather3A_826 : vector<16xf32>
        %swap3A_852 = arith.index_cast %add3A_824 : i32 to index
        %swap3A_853 = arith.constant 48 : index
        %swap3A_854 = tpu.vector_load %arg17[%swap3A_852, %swap3A_853] {strides = array<i32>} : memref<80x128xf32, #tpu.memory_space<vmem>>, vector<16xf32>,
        tpu.vector_store %arg17[%swap3A_852, %swap3A_853], %mul3A_851 {strides = array<i32>} : memref<80x128xf32, #tpu.memory_space<vmem>>, vector<16xf32>,
        %get3A_855 = arith.index_cast %add3A_824 : i32 to index
        %get3A_856 = arith.constant 64 : index
        %get3A_857 = tpu.vector_load %arg17[%get3A_855, %get3A_856] {strides = array<i32>} : memref<80x128xf32, #tpu.memory_space<vmem>>, vector<16xf32>,
        %mul3A_858 = arith.mulf %get3A_857, %gather3A_826 : vector<16xf32>
        %swap3A_859 = arith.index_cast %add3A_824 : i32 to index
        %swap3A_860 = arith.constant 64 : index
        %swap3A_861 = tpu.vector_load %arg17[%swap3A_859, %swap3A_860] {strides = array<i32>} : memref<80x128xf32, #tpu.memory_space<vmem>>, vector<16xf32>,
        tpu.vector_store %arg17[%swap3A_859, %swap3A_860], %mul3A_858 {strides = array<i32>} : memref<80x128xf32, #tpu.memory_space<vmem>>, vector<16xf32>,
        %get3A_862 = arith.index_cast %add3A_824 : i32 to index
        %get3A_863 = arith.constant 80 : index
        %get3A_864 = tpu.vector_load %arg17[%get3A_862, %get3A_863] {strides = array<i32>} : memref<80x128xf32, #tpu.memory_space<vmem>>, vector<16xf32>,
        %mul3A_865 = arith.mulf %get3A_864, %gather3A_826 : vector<16xf32>
        %swap3A_866 = arith.index_cast %add3A_824 : i32 to index
        %swap3A_867 = arith.constant 80 : index
        %swap3A_868 = tpu.vector_load %arg17[%swap3A_866, %swap3A_867] {strides = array<i32>} : memref<80x128xf32, #tpu.memory_space<vmem>>, vector<16xf32>,
        tpu.vector_store %arg17[%swap3A_866, %swap3A_867], %mul3A_865 {strides = array<i32>} : memref<80x128xf32, #tpu.memory_space<vmem>>, vector<16xf32>,
        %get3A_869 = arith.index_cast %add3A_824 : i32 to index
        %get3A_870 = arith.constant 96 : index
        %get3A_871 = tpu.vector_load %arg17[%get3A_869, %get3A_870] {strides = array<i32>} : memref<80x128xf32, #tpu.memory_space<vmem>>, vector<16xf32>,
        %mul3A_872 = arith.mulf %get3A_871, %gather3A_826 : vector<16xf32>
        %swap3A_873 = arith.index_cast %add3A_824 : i32 to index
        %swap3A_874 = arith.constant 96 : index
        %swap3A_875 = tpu.vector_load %arg17[%swap3A_873, %swap3A_874] {strides = array<i32>} : memref<80x128xf32, #tpu.memory_space<vmem>>, vector<16xf32>,
        tpu.vector_store %arg17[%swap3A_873, %swap3A_874], %mul3A_872 {strides = array<i32>} : memref<80x128xf32, #tpu.memory_space<vmem>>, vector<16xf32>,
        %get3A_876 = arith.index_cast %add3A_824 : i32 to index
        %get3A_877 = arith.constant 112 : index
        %get3A_878 = tpu.vector_load %arg17[%get3A_876, %get3A_877] {strides = array<i32>} : memref<80x128xf32, #tpu.memory_space<vmem>>, vector<16xf32>,
        %mul3A_879 = arith.mulf %get3A_878, %gather3A_826 : vector<16xf32>
        %swap3A_880 = arith.index_cast %add3A_824 : i32 to index
        %swap3A_881 = arith.constant 112 : index
        %swap3A_882 = tpu.vector_load %arg17[%swap3A_880, %swap3A_881] {strides = array<i32>} : memref<80x128xf32, #tpu.memory_space<vmem>>, vector<16xf32>,
        tpu.vector_store %arg17[%swap3A_880, %swap3A_881], %mul3A_879 {strides = array<i32>} : memref<80x128xf32, #tpu.memory_space<vmem>>, vector<16xf32>,
        %mul3A_883 = arith.constant 4 : i32
        %mul3A_884 = arith.muli %while3A_697, %mul3A_883 : i32
        %add3A_885 = arith.constant 3 : i32
        %add3A_886 = arith.addi %mul3A_884, %add3A_885 : i32
        %broadcast_in_dim3A_887 = vector.broadcast %add3A_886 : i32 to vector<16xi32>
        %gather3A_888 = tpu.vector_load_idx %arg15[%broadcast_in_dim3A_887] : memref<80xf32, #tpu.memory_space<vmem>>[vector<16xi32>], vector<16xf32>,
        %get3A_889 = arith.index_cast %add3A_886 : i32 to index
        %get3A_890 = arith.constant 0 : index
        %get3A_891 = tpu.vector_load %arg17[%get3A_889, %get3A_890] {strides = array<i32>} : memref<80x128xf32, #tpu.memory_space<vmem>>, vector<16xf32>,
        %mul3A_892 = arith.mulf %get3A_891, %gather3A_888 : vector<16xf32>
        %swap3A_893 = arith.index_cast %add3A_886 : i32 to index
        %swap3A_894 = arith.constant 0 : index
        %swap3A_895 = tpu.vector_load %arg17[%swap3A_893, %swap3A_894] {strides = array<i32>} : memref<80x128xf32, #tpu.memory_space<vmem>>, vector<16xf32>,
        tpu.vector_store %arg17[%swap3A_893, %swap3A_894], %mul3A_892 {strides = array<i32>} : memref<80x128xf32, #tpu.memory_space<vmem>>, vector<16xf32>,
        %get3A_896 = arith.index_cast %add3A_886 : i32 to index
        %get3A_897 = arith.constant 16 : index
        %get3A_898 = tpu.vector_load %arg17[%get3A_896, %get3A_897] {strides = array<i32>} : memref<80x128xf32, #tpu.memory_space<vmem>>, vector<16xf32>,
        %mul3A_899 = arith.mulf %get3A_898, %gather3A_888 : vector<16xf32>
        %swap3A_900 = arith.index_cast %add3A_886 : i32 to index
        %swap3A_901 = arith.constant 16 : index
        %swap3A_902 = tpu.vector_load %arg17[%swap3A_900, %swap3A_901] {strides = array<i32>} : memref<80x128xf32, #tpu.memory_space<vmem>>, vector<16xf32>,
        tpu.vector_store %arg17[%swap3A_900, %swap3A_901], %mul3A_899 {strides = array<i32>} : memref<80x128xf32, #tpu.memory_space<vmem>>, vector<16xf32>,
        %get3A_903 = arith.index_cast %add3A_886 : i32 to index
        %get3A_904 = arith.constant 32 : index
        %get3A_905 = tpu.vector_load %arg17[%get3A_903, %get3A_904] {strides = array<i32>} : memref<80x128xf32, #tpu.memory_space<vmem>>, vector<16xf32>,
        %mul3A_906 = arith.mulf %get3A_905, %gather3A_888 : vector<16xf32>
        %swap3A_907 = arith.index_cast %add3A_886 : i32 to index
        %swap3A_908 = arith.constant 32 : index
        %swap3A_909 = tpu.vector_load %arg17[%swap3A_907, %swap3A_908] {strides = array<i32>} : memref<80x128xf32, #tpu.memory_space<vmem>>, vector<16xf32>,
        tpu.vector_store %arg17[%swap3A_907, %swap3A_908], %mul3A_906 {strides = array<i32>} : memref<80x128xf32, #tpu.memory_space<vmem>>, vector<16xf32>,
        %get3A_910 = arith.index_cast %add3A_886 : i32 to index
        %get3A_911 = arith.constant 48 : index
        %get3A_912 = tpu.vector_load %arg17[%get3A_910, %get3A_911] {strides = array<i32>} : memref<80x128xf32, #tpu.memory_space<vmem>>, vector<16xf32>,
        %mul3A_913 = arith.mulf %get3A_912, %gather3A_888 : vector<16xf32>
        %swap3A_914 = arith.index_cast %add3A_886 : i32 to index
        %swap3A_915 = arith.constant 48 : index
        %swap3A_916 = tpu.vector_load %arg17[%swap3A_914, %swap3A_915] {strides = array<i32>} : memref<80x128xf32, #tpu.memory_space<vmem>>, vector<16xf32>,
        tpu.vector_store %arg17[%swap3A_914, %swap3A_915], %mul3A_913 {strides = array<i32>} : memref<80x128xf32, #tpu.memory_space<vmem>>, vector<16xf32>,
        %get3A_917 = arith.index_cast %add3A_886 : i32 to index
        %get3A_918 = arith.constant 64 : index
        %get3A_919 = tpu.vector_load %arg17[%get3A_917, %get3A_918] {strides = array<i32>} : memref<80x128xf32, #tpu.memory_space<vmem>>, vector<16xf32>,
        %mul3A_920 = arith.mulf %get3A_919, %gather3A_888 : vector<16xf32>
        %swap3A_921 = arith.index_cast %add3A_886 : i32 to index
        %swap3A_922 = arith.constant 64 : index
        %swap3A_923 = tpu.vector_load %arg17[%swap3A_921, %swap3A_922] {strides = array<i32>} : memref<80x128xf32, #tpu.memory_space<vmem>>, vector<16xf32>,
        tpu.vector_store %arg17[%swap3A_921, %swap3A_922], %mul3A_920 {strides = array<i32>} : memref<80x128xf32, #tpu.memory_space<vmem>>, vector<16xf32>,
        %get3A_924 = arith.index_cast %add3A_886 : i32 to index
        %get3A_925 = arith.constant 80 : index
        %get3A_926 = tpu.vector_load %arg17[%get3A_924, %get3A_925] {strides = array<i32>} : memref<80x128xf32, #tpu.memory_space<vmem>>, vector<16xf32>,
        %mul3A_927 = arith.mulf %get3A_926, %gather3A_888 : vector<16xf32>
        %swap3A_928 = arith.index_cast %add3A_886 : i32 to index
        %swap3A_929 = arith.constant 80 : index
        %swap3A_930 = tpu.vector_load %arg17[%swap3A_928, %swap3A_929] {strides = array<i32>} : memref<80x128xf32, #tpu.memory_space<vmem>>, vector<16xf32>,
        tpu.vector_store %arg17[%swap3A_928, %swap3A_929], %mul3A_927 {strides = array<i32>} : memref<80x128xf32, #tpu.memory_space<vmem>>, vector<16xf32>,
        %get3A_931 = arith.index_cast %add3A_886 : i32 to index
        %get3A_932 = arith.constant 96 : index
        %get3A_933 = tpu.vector_load %arg17[%get3A_931, %get3A_932] {strides = array<i32>} : memref<80x128xf32, #tpu.memory_space<vmem>>, vector<16xf32>,
        %mul3A_934 = arith.mulf %get3A_933, %gather3A_888 : vector<16xf32>
        %swap3A_935 = arith.index_cast %add3A_886 : i32 to index
        %swap3A_936 = arith.constant 96 : index
        %swap3A_937 = tpu.vector_load %arg17[%swap3A_935, %swap3A_936] {strides = array<i32>} : memref<80x128xf32, #tpu.memory_space<vmem>>, vector<16xf32>,
        tpu.vector_store %arg17[%swap3A_935, %swap3A_936], %mul3A_934 {strides = array<i32>} : memref<80x128xf32, #tpu.memory_space<vmem>>, vector<16xf32>,
        %get3A_938 = arith.index_cast %add3A_886 : i32 to index
        %get3A_939 = arith.constant 112 : index
        %get3A_940 = tpu.vector_load %arg17[%get3A_938, %get3A_939] {strides = array<i32>} : memref<80x128xf32, #tpu.memory_space<vmem>>, vector<16xf32>,
        %mul3A_941 = arith.mulf %get3A_940, %gather3A_888 : vector<16xf32>
        %swap3A_942 = arith.index_cast %add3A_886 : i32 to index
        %swap3A_943 = arith.constant 112 : index
        %swap3A_944 = tpu.vector_load %arg17[%swap3A_942, %swap3A_943] {strides = array<i32>} : memref<80x128xf32, #tpu.memory_space<vmem>>, vector<16xf32>,
        tpu.vector_store %arg17[%swap3A_942, %swap3A_943], %mul3A_941 {strides = array<i32>} : memref<80x128xf32, #tpu.memory_space<vmem>>, vector<16xf32>,
      }
      %dma_start3A_517 = arith.constant 0 : i32
      %dma_start3A_518 = arith.constant 0 : i32
      %dma_start3A_519 = tpu.memref_slice %arg13[%dma_start3A_517, %dma_start3A_518] : memref<1x80xi32, #tpu.memory_space<vmem>> -> memref<1x80xi32, #tpu.memory_space<vmem>>
      %dma_start3A_520 = tpu.memref_squeeze %dma_start3A_519 : memref<1x80xi32, #tpu.memory_space<vmem>> -> memref<80xi32, #tpu.memory_space<vmem>>
      %dma_start3A_521 = arith.constant 0 : i32
      %dma_start3A_522 = arith.constant 0 : i32
      %dma_start3A_523 = tpu.memref_slice %arg22[%dma_start3A_521, %dma_start3A_522] : memref<10000x128xf32, #tpu.memory_space<vmem_shared>> -> memref<10000x128xf32, #tpu.memory_space<vmem_shared>>
      tpu.enqueue_indirect_dma source(%arg17 : memref<80x128xf32, #tpu.memory_space<vmem>>) target(%dma_start3A_523 : memref<10000x128xf32, #tpu.memory_space<vmem_shared>>) offsets(%dma_start3A_520 : memref<80xi32, #tpu.memory_space<vmem>>) semaphore(%arg26 : memref<!tpu.dma_semaphore, #tpu.memory_space<semaphore_mem>>) {add = true}
      %eq3A_524 = arith.constant 0 : i32
      %eq3A_525 = arith.cmpi eq, %arg0, %eq3A_524 : i32
      %convert_element_type3A_526 = arith.extui %eq3A_525 : i1 to i32
      %cond3A_527 = arith.constant 0 : i32
      %cond3A_528 = arith.cmpi ne, %convert_element_type3A_526, %cond3A_527 : i32
      scf.if %cond3A_528 {
        %dma_start3A_697 = arith.constant 0 : i32
        %dma_start3A_698 = arith.constant 0 : i32
        %dma_start3A_699 = tpu.memref_slice %arg13[%dma_start3A_697, %dma_start3A_698] : memref<1x80xi32, #tpu.memory_space<vmem>> -> memref<1x80xi32, #tpu.memory_space<vmem>>
        %dma_start3A_700 = tpu.memref_squeeze %dma_start3A_699 : memref<1x80xi32, #tpu.memory_space<vmem>> -> memref<80xi32, #tpu.memory_space<vmem>>
        %dma_start3A_701 = arith.constant 0 : i32
        %dma_start3A_702 = tpu.memref_slice %arg23[%dma_start3A_701] : memref<10000xf32, #tpu.memory_space<vmem_shared>> -> memref<10000xf32, #tpu.memory_space<vmem_shared>>
        tpu.enqueue_indirect_dma source(%arg19 : memref<80xf32, #tpu.memory_space<vmem>>) target(%dma_start3A_702 : memref<10000xf32, #tpu.memory_space<vmem_shared>>) offsets(%dma_start3A_700 : memref<80xi32, #tpu.memory_space<vmem>>) semaphore(%arg26 : memref<!tpu.dma_semaphore, #tpu.memory_space<semaphore_mem>>) {add = true}
      } else {
      }
      %mul3A_529 = arith.constant 80 : i32
      %mul3A_530 = arith.muli %add3A_413, %mul3A_529 : i32
      %dma_wait3A_531 = tpu.memref_slice %arg11[%mul3A_530] : memref<10000xi32, #tpu.memory_space<vmem>> -> memref<80xi32, #tpu.memory_space<vmem>>
      %dma_wait3A_532 = arith.constant 0 : i32
      %dma_wait3A_533 = arith.constant 0 : i32
      %dma_wait3A_534 = tpu.memref_slice %arg6[%dma_wait3A_532, %dma_wait3A_533] : memref<20000x128xf32, #tpu.memory_space<hbm>> -> memref<20000x128xf32, #tpu.memory_space<hbm>>
      tpu.wait_indirect_dma semaphore(%arg25 : memref<!tpu.dma_semaphore, #tpu.memory_space<semaphore_mem>>) src(%dma_wait3A_534 : memref<20000x128xf32, #tpu.memory_space<hbm>>) dst(%arg18 : memref<80x128xf32, #tpu.memory_space<vmem>>)
      %mul3A_535 = arith.constant 80 : i32
      %mul3A_536 = arith.muli %add3A_413, %mul3A_535 : i32
      %dma_wait3A_537 = tpu.memref_slice %arg12[%mul3A_536] : memref<10000xi32, #tpu.memory_space<vmem>> -> memref<80xi32, #tpu.memory_space<vmem>>
      %dma_wait3A_538 = arith.constant 0 : i32
      %dma_wait3A_539 = tpu.memref_slice %arg7[%dma_wait3A_538] : memref<40960000xf32, #tpu.memory_space<hbm>> -> memref<40960000xf32, #tpu.memory_space<hbm>>
      tpu.wait_indirect_dma semaphore(%arg25 : memref<!tpu.dma_semaphore, #tpu.memory_space<semaphore_mem>>) src(%dma_wait3A_539 : memref<40960000xf32, #tpu.memory_space<hbm>>) dst(%arg16 : memref<80xf32, #tpu.memory_space<vmem>>)
      %mul3A_540 = arith.constant 125 : i32
      %mul3A_541 = arith.muli %arg1, %mul3A_540 : i32
      %add3A_542 = arith.addi %mul3A_541, %add3A_413 : i32
      %dma_wait3A_543 = arith.constant 0 : i32
      %dma_wait3A_544 = arith.constant 0 : i32
      %dma_wait3A_545 = tpu.memref_slice %arg4[%add3A_542, %dma_wait3A_543, %dma_wait3A_544] : memref<2000x1x80xi32, #tpu.memory_space<hbm>> -> memref<1x1x80xi32, #tpu.memory_space<hbm>>
      %dma_wait3A_546 = tpu.memref_squeeze %dma_wait3A_545 : memref<1x1x80xi32, #tpu.memory_space<hbm>> -> memref<1x80xi32, #tpu.memory_space<hbm>>
      %dma_wait3A_547 = arith.constant 0 : i32
      %dma_wait3A_548 = arith.constant 0 : i32
      %dma_wait3A_549 = tpu.memref_slice %arg4[%add3A_542, %dma_wait3A_547, %dma_wait3A_548] : memref<2000x1x80xi32, #tpu.memory_space<hbm>> -> memref<1x1x80xi32, #tpu.memory_space<hbm>>
      %dma_wait3A_550 = tpu.memref_squeeze %dma_wait3A_549 : memref<1x1x80xi32, #tpu.memory_space<hbm>> -> memref<1x80xi32, #tpu.memory_space<hbm>>
      tpu.wait_dma2 semaphore(%arg25 : memref<!tpu.dma_semaphore, #tpu.memory_space<semaphore_mem>>) src(%dma_wait3A_550 : memref<1x80xi32, #tpu.memory_space<hbm>>) dst(%arg14 : memref<1x80xi32, #tpu.memory_space<vmem>>)
      %get3A_551 = arith.constant 0 : index
      %get3A_552 = tpu.vector_load %arg16[%get3A_551] {strides = array<i32>} : memref<80xf32, #tpu.memory_space<vmem>>, vector<16xf32>,
      %exp3A_553 = math.exp %get3A_552 : vector<16xf32>
      %swap3A_554 = arith.constant 0 : index
      %swap3A_555 = tpu.vector_load %arg16[%swap3A_554] {strides = array<i32>} : memref<80xf32, #tpu.memory_space<vmem>>, vector<16xf32>,
      tpu.vector_store %arg16[%swap3A_554], %exp3A_553 {strides = array<i32>} : memref<80xf32, #tpu.memory_space<vmem>>, vector<16xf32>,
      %get3A_556 = arith.constant 0 : i64
      %get3A_557 = arith.index_cast %get3A_556 : i64 to index
      %get3A_558 = arith.constant 0 : index
      %get3A_559 = tpu.vector_load %arg21[%get3A_557, %get3A_558] {strides = array<i32>} : memref<1x16xf32, #tpu.memory_space<vmem>>, vector<16xf32>,
      %add3A_560 = arith.addf %get3A_559, %exp3A_553 : vector<16xf32>
      %swap3A_561 = arith.constant 0 : i64
      %swap3A_562 = arith.index_cast %swap3A_561 : i64 to index
      %swap3A_563 = arith.constant 0 : index
      %swap3A_564 = tpu.vector_load %arg21[%swap3A_562, %swap3A_563] {strides = array<i32>} : memref<1x16xf32, #tpu.memory_space<vmem>>, vector<16xf32>,
      tpu.vector_store %arg21[%swap3A_562, %swap3A_563], %add3A_560 {strides = array<i32>} : memref<1x16xf32, #tpu.memory_space<vmem>>, vector<16xf32>,
      %get3A_565 = arith.constant 16 : index
      %get3A_566 = tpu.vector_load %arg16[%get3A_565] {strides = array<i32>} : memref<80xf32, #tpu.memory_space<vmem>>, vector<16xf32>,
      %exp3A_567 = math.exp %get3A_566 : vector<16xf32>
      %swap3A_568 = arith.constant 16 : index
      %swap3A_569 = tpu.vector_load %arg16[%swap3A_568] {strides = array<i32>} : memref<80xf32, #tpu.memory_space<vmem>>, vector<16xf32>,
      tpu.vector_store %arg16[%swap3A_568], %exp3A_567 {strides = array<i32>} : memref<80xf32, #tpu.memory_space<vmem>>, vector<16xf32>,
      %get3A_570 = arith.constant 0 : i64
      %get3A_571 = arith.index_cast %get3A_570 : i64 to index
      %get3A_572 = arith.constant 0 : index
      %get3A_573 = tpu.vector_load %arg21[%get3A_571, %get3A_572] {strides = array<i32>} : memref<1x16xf32, #tpu.memory_space<vmem>>, vector<16xf32>,
      %add3A_574 = arith.addf %get3A_573, %exp3A_567 : vector<16xf32>
      %swap3A_575 = arith.constant 0 : i64
      %swap3A_576 = arith.index_cast %swap3A_575 : i64 to index
      %swap3A_577 = arith.constant 0 : index
      %swap3A_578 = tpu.vector_load %arg21[%swap3A_576, %swap3A_577] {strides = array<i32>} : memref<1x16xf32, #tpu.memory_space<vmem>>, vector<16xf32>,
      tpu.vector_store %arg21[%swap3A_576, %swap3A_577], %add3A_574 {strides = array<i32>} : memref<1x16xf32, #tpu.memory_space<vmem>>, vector<16xf32>,
      %get3A_579 = arith.constant 32 : index
      %get3A_580 = tpu.vector_load %arg16[%get3A_579] {strides = array<i32>} : memref<80xf32, #tpu.memory_space<vmem>>, vector<16xf32>,
      %exp3A_581 = math.exp %get3A_580 : vector<16xf32>
      %swap3A_582 = arith.constant 32 : index
      %swap3A_583 = tpu.vector_load %arg16[%swap3A_582] {strides = array<i32>} : memref<80xf32, #tpu.memory_space<vmem>>, vector<16xf32>,
      tpu.vector_store %arg16[%swap3A_582], %exp3A_581 {strides = array<i32>} : memref<80xf32, #tpu.memory_space<vmem>>, vector<16xf32>,
      %get3A_584 = arith.constant 0 : i64
      %get3A_585 = arith.index_cast %get3A_584 : i64 to index
      %get3A_586 = arith.constant 0 : index
      %get3A_587 = tpu.vector_load %arg21[%get3A_585, %get3A_586] {strides = array<i32>} : memref<1x16xf32, #tpu.memory_space<vmem>>, vector<16xf32>,
      %add3A_588 = arith.addf %get3A_587, %exp3A_581 : vector<16xf32>
      %swap3A_589 = arith.constant 0 : i64
      %swap3A_590 = arith.index_cast %swap3A_589 : i64 to index
      %swap3A_591 = arith.constant 0 : index
      %swap3A_592 = tpu.vector_load %arg21[%swap3A_590, %swap3A_591] {strides = array<i32>} : memref<1x16xf32, #tpu.memory_space<vmem>>, vector<16xf32>,
      tpu.vector_store %arg21[%swap3A_590, %swap3A_591], %add3A_588 {strides = array<i32>} : memref<1x16xf32, #tpu.memory_space<vmem>>, vector<16xf32>,
      %get3A_593 = arith.constant 48 : index
      %get3A_594 = tpu.vector_load %arg16[%get3A_593] {strides = array<i32>} : memref<80xf32, #tpu.memory_space<vmem>>, vector<16xf32>,
      %exp3A_595 = math.exp %get3A_594 : vector<16xf32>
      %swap3A_596 = arith.constant 48 : index
      %swap3A_597 = tpu.vector_load %arg16[%swap3A_596] {strides = array<i32>} : memref<80xf32, #tpu.memory_space<vmem>>, vector<16xf32>,
      tpu.vector_store %arg16[%swap3A_596], %exp3A_595 {strides = array<i32>} : memref<80xf32, #tpu.memory_space<vmem>>, vector<16xf32>,
      %get3A_598 = arith.constant 0 : i64
      %get3A_599 = arith.index_cast %get3A_598 : i64 to index
      %get3A_600 = arith.constant 0 : index
      %get3A_601 = tpu.vector_load %arg21[%get3A_599, %get3A_600] {strides = array<i32>} : memref<1x16xf32, #tpu.memory_space<vmem>>, vector<16xf32>,
      %add3A_602 = arith.addf %get3A_601, %exp3A_595 : vector<16xf32>
      %swap3A_603 = arith.constant 0 : i64
      %swap3A_604 = arith.index_cast %swap3A_603 : i64 to index
      %swap3A_605 = arith.constant 0 : index
      %swap3A_606 = tpu.vector_load %arg21[%swap3A_604, %swap3A_605] {strides = array<i32>} : memref<1x16xf32, #tpu.memory_space<vmem>>, vector<16xf32>,
      tpu.vector_store %arg21[%swap3A_604, %swap3A_605], %add3A_602 {strides = array<i32>} : memref<1x16xf32, #tpu.memory_space<vmem>>, vector<16xf32>,
      %get3A_607 = arith.constant 64 : index
      %get3A_608 = tpu.vector_load %arg16[%get3A_607] {strides = array<i32>} : memref<80xf32, #tpu.memory_space<vmem>>, vector<16xf32>,
      %exp3A_609 = math.exp %get3A_608 : vector<16xf32>
      %swap3A_610 = arith.constant 64 : index
      %swap3A_611 = tpu.vector_load %arg16[%swap3A_610] {strides = array<i32>} : memref<80xf32, #tpu.memory_space<vmem>>, vector<16xf32>,
      tpu.vector_store %arg16[%swap3A_610], %exp3A_609 {strides = array<i32>} : memref<80xf32, #tpu.memory_space<vmem>>, vector<16xf32>,
      %get3A_612 = arith.constant 0 : i64
      %get3A_613 = arith.index_cast %get3A_612 : i64 to index
      %get3A_614 = arith.constant 0 : index
      %get3A_615 = tpu.vector_load %arg21[%get3A_613, %get3A_614] {strides = array<i32>} : memref<1x16xf32, #tpu.memory_space<vmem>>, vector<16xf32>,
      %add3A_616 = arith.addf %get3A_615, %exp3A_609 : vector<16xf32>
      %swap3A_617 = arith.constant 0 : i64
      %swap3A_618 = arith.index_cast %swap3A_617 : i64 to index
      %swap3A_619 = arith.constant 0 : index
      %swap3A_620 = tpu.vector_load %arg21[%swap3A_618, %swap3A_619] {strides = array<i32>} : memref<1x16xf32, #tpu.memory_space<vmem>>, vector<16xf32>,
      tpu.vector_store %arg21[%swap3A_618, %swap3A_619], %add3A_616 {strides = array<i32>} : memref<1x16xf32, #tpu.memory_space<vmem>>, vector<16xf32>,
      %while3A_621 = arith.constant 0 : i32
      %while3A_622 = arith.constant 0 : i32
      %while3A_623 = arith.constant 20 : i32
      %while3A_624 = arith.subi %while3A_623, %while3A_622 : i32
      %while3A_625 = arith.addi %while3A_622, %while3A_624 : i32
      %while3A_626 = arith.constant 1 : i32
      %while3A_627 = arith.divsi %while3A_624, %while3A_626 : i32
      %while3A_628 = arith.muli %while3A_627, %while3A_626 : i32
      %while3A_629 = arith.addi %while3A_622, %while3A_628 : i32
      %while3A_630 = arith.constant 1 : i32
      scf.for %while3A_697 = %while3A_622 to %while3A_629 step %while3A_630  : i32 {
        %mul3A_698 = arith.constant 4 : i32
        %mul3A_699 = arith.muli %while3A_697, %mul3A_698 : i32
        %add3A_700 = arith.constant 0 : i32
        %add3A_701 = arith.addi %mul3A_699, %add3A_700 : i32
        %broadcast_in_dim3A_702 = vector.broadcast %add3A_701 : i32 to vector<16xi32>
        %gather3A = tpu.vector_load_idx %arg16[%broadcast_in_dim3A_702] : memref<80xf32, #tpu.memory_space<vmem>>[vector<16xi32>], vector<16xf32>,
        %get3A_703 = arith.index_cast %add3A_701 : i32 to index
        %get3A_704 = arith.constant 0 : index
        %get3A_705 = tpu.vector_load %arg18[%get3A_703, %get3A_704] {strides = array<i32>} : memref<80x128xf32, #tpu.memory_space<vmem>>, vector<16xf32>,
        %mul3A_706 = arith.mulf %get3A_705, %gather3A : vector<16xf32>
        %swap3A_707 = arith.index_cast %add3A_701 : i32 to index
        %swap3A_708 = arith.constant 0 : index
        %swap3A_709 = tpu.vector_load %arg18[%swap3A_707, %swap3A_708] {strides = array<i32>} : memref<80x128xf32, #tpu.memory_space<vmem>>, vector<16xf32>,
        tpu.vector_store %arg18[%swap3A_707, %swap3A_708], %mul3A_706 {strides = array<i32>} : memref<80x128xf32, #tpu.memory_space<vmem>>, vector<16xf32>,
        %get3A_710 = arith.index_cast %add3A_701 : i32 to index
        %get3A_711 = arith.constant 16 : index
        %get3A_712 = tpu.vector_load %arg18[%get3A_710, %get3A_711] {strides = array<i32>} : memref<80x128xf32, #tpu.memory_space<vmem>>, vector<16xf32>,
        %mul3A_713 = arith.mulf %get3A_712, %gather3A : vector<16xf32>
        %swap3A_714 = arith.index_cast %add3A_701 : i32 to index
        %swap3A_715 = arith.constant 16 : index
        %swap3A_716 = tpu.vector_load %arg18[%swap3A_714, %swap3A_715] {strides = array<i32>} : memref<80x128xf32, #tpu.memory_space<vmem>>, vector<16xf32>,
        tpu.vector_store %arg18[%swap3A_714, %swap3A_715], %mul3A_713 {strides = array<i32>} : memref<80x128xf32, #tpu.memory_space<vmem>>, vector<16xf32>,
        %get3A_717 = arith.index_cast %add3A_701 : i32 to index
        %get3A_718 = arith.constant 32 : index
        %get3A_719 = tpu.vector_load %arg18[%get3A_717, %get3A_718] {strides = array<i32>} : memref<80x128xf32, #tpu.memory_space<vmem>>, vector<16xf32>,
        %mul3A_720 = arith.mulf %get3A_719, %gather3A : vector<16xf32>
        %swap3A_721 = arith.index_cast %add3A_701 : i32 to index
        %swap3A_722 = arith.constant 32 : index
        %swap3A_723 = tpu.vector_load %arg18[%swap3A_721, %swap3A_722] {strides = array<i32>} : memref<80x128xf32, #tpu.memory_space<vmem>>, vector<16xf32>,
        tpu.vector_store %arg18[%swap3A_721, %swap3A_722], %mul3A_720 {strides = array<i32>} : memref<80x128xf32, #tpu.memory_space<vmem>>, vector<16xf32>,
        %get3A_724 = arith.index_cast %add3A_701 : i32 to index
        %get3A_725 = arith.constant 48 : index
        %get3A_726 = tpu.vector_load %arg18[%get3A_724, %get3A_725] {strides = array<i32>} : memref<80x128xf32, #tpu.memory_space<vmem>>, vector<16xf32>,
        %mul3A_727 = arith.mulf %get3A_726, %gather3A : vector<16xf32>
        %swap3A_728 = arith.index_cast %add3A_701 : i32 to index
        %swap3A_729 = arith.constant 48 : index
        %swap3A_730 = tpu.vector_load %arg18[%swap3A_728, %swap3A_729] {strides = array<i32>} : memref<80x128xf32, #tpu.memory_space<vmem>>, vector<16xf32>,
        tpu.vector_store %arg18[%swap3A_728, %swap3A_729], %mul3A_727 {strides = array<i32>} : memref<80x128xf32, #tpu.memory_space<vmem>>, vector<16xf32>,
        %get3A_731 = arith.index_cast %add3A_701 : i32 to index
        %get3A_732 = arith.constant 64 : index
        %get3A_733 = tpu.vector_load %arg18[%get3A_731, %get3A_732] {strides = array<i32>} : memref<80x128xf32, #tpu.memory_space<vmem>>, vector<16xf32>,
        %mul3A_734 = arith.mulf %get3A_733, %gather3A : vector<16xf32>
        %swap3A_735 = arith.index_cast %add3A_701 : i32 to index
        %swap3A_736 = arith.constant 64 : index
        %swap3A_737 = tpu.vector_load %arg18[%swap3A_735, %swap3A_736] {strides = array<i32>} : memref<80x128xf32, #tpu.memory_space<vmem>>, vector<16xf32>,
        tpu.vector_store %arg18[%swap3A_735, %swap3A_736], %mul3A_734 {strides = array<i32>} : memref<80x128xf32, #tpu.memory_space<vmem>>, vector<16xf32>,
        %get3A_738 = arith.index_cast %add3A_701 : i32 to index
        %get3A_739 = arith.constant 80 : index
        %get3A_740 = tpu.vector_load %arg18[%get3A_738, %get3A_739] {strides = array<i32>} : memref<80x128xf32, #tpu.memory_space<vmem>>, vector<16xf32>,
        %mul3A_741 = arith.mulf %get3A_740, %gather3A : vector<16xf32>
        %swap3A_742 = arith.index_cast %add3A_701 : i32 to index
        %swap3A_743 = arith.constant 80 : index
        %swap3A_744 = tpu.vector_load %arg18[%swap3A_742, %swap3A_743] {strides = array<i32>} : memref<80x128xf32, #tpu.memory_space<vmem>>, vector<16xf32>,
        tpu.vector_store %arg18[%swap3A_742, %swap3A_743], %mul3A_741 {strides = array<i32>} : memref<80x128xf32, #tpu.memory_space<vmem>>, vector<16xf32>,
        %get3A_745 = arith.index_cast %add3A_701 : i32 to index
        %get3A_746 = arith.constant 96 : index
        %get3A_747 = tpu.vector_load %arg18[%get3A_745, %get3A_746] {strides = array<i32>} : memref<80x128xf32, #tpu.memory_space<vmem>>, vector<16xf32>,
        %mul3A_748 = arith.mulf %get3A_747, %gather3A : vector<16xf32>
        %swap3A_749 = arith.index_cast %add3A_701 : i32 to index
        %swap3A_750 = arith.constant 96 : index
        %swap3A_751 = tpu.vector_load %arg18[%swap3A_749, %swap3A_750] {strides = array<i32>} : memref<80x128xf32, #tpu.memory_space<vmem>>, vector<16xf32>,
        tpu.vector_store %arg18[%swap3A_749, %swap3A_750], %mul3A_748 {strides = array<i32>} : memref<80x128xf32, #tpu.memory_space<vmem>>, vector<16xf32>,
        %get3A_752 = arith.index_cast %add3A_701 : i32 to index
        %get3A_753 = arith.constant 112 : index
        %get3A_754 = tpu.vector_load %arg18[%get3A_752, %get3A_753] {strides = array<i32>} : memref<80x128xf32, #tpu.memory_space<vmem>>, vector<16xf32>,
        %mul3A_755 = arith.mulf %get3A_754, %gather3A : vector<16xf32>
        %swap3A_756 = arith.index_cast %add3A_701 : i32 to index
        %swap3A_757 = arith.constant 112 : index
        %swap3A_758 = tpu.vector_load %arg18[%swap3A_756, %swap3A_757] {strides = array<i32>} : memref<80x128xf32, #tpu.memory_space<vmem>>, vector<16xf32>,
        tpu.vector_store %arg18[%swap3A_756, %swap3A_757], %mul3A_755 {strides = array<i32>} : memref<80x128xf32, #tpu.memory_space<vmem>>, vector<16xf32>,
        %mul3A_759 = arith.constant 4 : i32
        %mul3A_760 = arith.muli %while3A_697, %mul3A_759 : i32
        %add3A_761 = arith.constant 1 : i32
        %add3A_762 = arith.addi %mul3A_760, %add3A_761 : i32
        %broadcast_in_dim3A_763 = vector.broadcast %add3A_762 : i32 to vector<16xi32>
        %gather3A_764 = tpu.vector_load_idx %arg16[%broadcast_in_dim3A_763] : memref<80xf32, #tpu.memory_space<vmem>>[vector<16xi32>], vector<16xf32>,
        %get3A_765 = arith.index_cast %add3A_762 : i32 to index
        %get3A_766 = arith.constant 0 : index
        %get3A_767 = tpu.vector_load %arg18[%get3A_765, %get3A_766] {strides = array<i32>} : memref<80x128xf32, #tpu.memory_space<vmem>>, vector<16xf32>,
        %mul3A_768 = arith.mulf %get3A_767, %gather3A_764 : vector<16xf32>
        %swap3A_769 = arith.index_cast %add3A_762 : i32 to index
        %swap3A_770 = arith.constant 0 : index
        %swap3A_771 = tpu.vector_load %arg18[%swap3A_769, %swap3A_770] {strides = array<i32>} : memref<80x128xf32, #tpu.memory_space<vmem>>, vector<16xf32>,
        tpu.vector_store %arg18[%swap3A_769, %swap3A_770], %mul3A_768 {strides = array<i32>} : memref<80x128xf32, #tpu.memory_space<vmem>>, vector<16xf32>,
        %get3A_772 = arith.index_cast %add3A_762 : i32 to index
        %get3A_773 = arith.constant 16 : index
        %get3A_774 = tpu.vector_load %arg18[%get3A_772, %get3A_773] {strides = array<i32>} : memref<80x128xf32, #tpu.memory_space<vmem>>, vector<16xf32>,
        %mul3A_775 = arith.mulf %get3A_774, %gather3A_764 : vector<16xf32>
        %swap3A_776 = arith.index_cast %add3A_762 : i32 to index
        %swap3A_777 = arith.constant 16 : index
        %swap3A_778 = tpu.vector_load %arg18[%swap3A_776, %swap3A_777] {strides = array<i32>} : memref<80x128xf32, #tpu.memory_space<vmem>>, vector<16xf32>,
        tpu.vector_store %arg18[%swap3A_776, %swap3A_777], %mul3A_775 {strides = array<i32>} : memref<80x128xf32, #tpu.memory_space<vmem>>, vector<16xf32>,
        %get3A_779 = arith.index_cast %add3A_762 : i32 to index
        %get3A_780 = arith.constant 32 : index
        %get3A_781 = tpu.vector_load %arg18[%get3A_779, %get3A_780] {strides = array<i32>} : memref<80x128xf32, #tpu.memory_space<vmem>>, vector<16xf32>,
        %mul3A_782 = arith.mulf %get3A_781, %gather3A_764 : vector<16xf32>
        %swap3A_783 = arith.index_cast %add3A_762 : i32 to index
        %swap3A_784 = arith.constant 32 : index
        %swap3A_785 = tpu.vector_load %arg18[%swap3A_783, %swap3A_784] {strides = array<i32>} : memref<80x128xf32, #tpu.memory_space<vmem>>, vector<16xf32>,
        tpu.vector_store %arg18[%swap3A_783, %swap3A_784], %mul3A_782 {strides = array<i32>} : memref<80x128xf32, #tpu.memory_space<vmem>>, vector<16xf32>,
        %get3A_786 = arith.index_cast %add3A_762 : i32 to index
        %get3A_787 = arith.constant 48 : index
        %get3A_788 = tpu.vector_load %arg18[%get3A_786, %get3A_787] {strides = array<i32>} : memref<80x128xf32, #tpu.memory_space<vmem>>, vector<16xf32>,
        %mul3A_789 = arith.mulf %get3A_788, %gather3A_764 : vector<16xf32>
        %swap3A_790 = arith.index_cast %add3A_762 : i32 to index
        %swap3A_791 = arith.constant 48 : index
        %swap3A_792 = tpu.vector_load %arg18[%swap3A_790, %swap3A_791] {strides = array<i32>} : memref<80x128xf32, #tpu.memory_space<vmem>>, vector<16xf32>,
        tpu.vector_store %arg18[%swap3A_790, %swap3A_791], %mul3A_789 {strides = array<i32>} : memref<80x128xf32, #tpu.memory_space<vmem>>, vector<16xf32>,
        %get3A_793 = arith.index_cast %add3A_762 : i32 to index
        %get3A_794 = arith.constant 64 : index
        %get3A_795 = tpu.vector_load %arg18[%get3A_793, %get3A_794] {strides = array<i32>} : memref<80x128xf32, #tpu.memory_space<vmem>>, vector<16xf32>,
        %mul3A_796 = arith.mulf %get3A_795, %gather3A_764 : vector<16xf32>
        %swap3A_797 = arith.index_cast %add3A_762 : i32 to index
        %swap3A_798 = arith.constant 64 : index
        %swap3A_799 = tpu.vector_load %arg18[%swap3A_797, %swap3A_798] {strides = array<i32>} : memref<80x128xf32, #tpu.memory_space<vmem>>, vector<16xf32>,
        tpu.vector_store %arg18[%swap3A_797, %swap3A_798], %mul3A_796 {strides = array<i32>} : memref<80x128xf32, #tpu.memory_space<vmem>>, vector<16xf32>,
        %get3A_800 = arith.index_cast %add3A_762 : i32 to index
        %get3A_801 = arith.constant 80 : index
        %get3A_802 = tpu.vector_load %arg18[%get3A_800, %get3A_801] {strides = array<i32>} : memref<80x128xf32, #tpu.memory_space<vmem>>, vector<16xf32>,
        %mul3A_803 = arith.mulf %get3A_802, %gather3A_764 : vector<16xf32>
        %swap3A_804 = arith.index_cast %add3A_762 : i32 to index
        %swap3A_805 = arith.constant 80 : index
        %swap3A_806 = tpu.vector_load %arg18[%swap3A_804, %swap3A_805] {strides = array<i32>} : memref<80x128xf32, #tpu.memory_space<vmem>>, vector<16xf32>,
        tpu.vector_store %arg18[%swap3A_804, %swap3A_805], %mul3A_803 {strides = array<i32>} : memref<80x128xf32, #tpu.memory_space<vmem>>, vector<16xf32>,
        %get3A_807 = arith.index_cast %add3A_762 : i32 to index
        %get3A_808 = arith.constant 96 : index
        %get3A_809 = tpu.vector_load %arg18[%get3A_807, %get3A_808] {strides = array<i32>} : memref<80x128xf32, #tpu.memory_space<vmem>>, vector<16xf32>,
        %mul3A_810 = arith.mulf %get3A_809, %gather3A_764 : vector<16xf32>
        %swap3A_811 = arith.index_cast %add3A_762 : i32 to index
        %swap3A_812 = arith.constant 96 : index
        %swap3A_813 = tpu.vector_load %arg18[%swap3A_811, %swap3A_812] {strides = array<i32>} : memref<80x128xf32, #tpu.memory_space<vmem>>, vector<16xf32>,
        tpu.vector_store %arg18[%swap3A_811, %swap3A_812], %mul3A_810 {strides = array<i32>} : memref<80x128xf32, #tpu.memory_space<vmem>>, vector<16xf32>,
        %get3A_814 = arith.index_cast %add3A_762 : i32 to index
        %get3A_815 = arith.constant 112 : index
        %get3A_816 = tpu.vector_load %arg18[%get3A_814, %get3A_815] {strides = array<i32>} : memref<80x128xf32, #tpu.memory_space<vmem>>, vector<16xf32>,
        %mul3A_817 = arith.mulf %get3A_816, %gather3A_764 : vector<16xf32>
        %swap3A_818 = arith.index_cast %add3A_762 : i32 to index
        %swap3A_819 = arith.constant 112 : index
        %swap3A_820 = tpu.vector_load %arg18[%swap3A_818, %swap3A_819] {strides = array<i32>} : memref<80x128xf32, #tpu.memory_space<vmem>>, vector<16xf32>,
        tpu.vector_store %arg18[%swap3A_818, %swap3A_819], %mul3A_817 {strides = array<i32>} : memref<80x128xf32, #tpu.memory_space<vmem>>, vector<16xf32>,
        %mul3A_821 = arith.constant 4 : i32
        %mul3A_822 = arith.muli %while3A_697, %mul3A_821 : i32
        %add3A_823 = arith.constant 2 : i32
        %add3A_824 = arith.addi %mul3A_822, %add3A_823 : i32
        %broadcast_in_dim3A_825 = vector.broadcast %add3A_824 : i32 to vector<16xi32>
        %gather3A_826 = tpu.vector_load_idx %arg16[%broadcast_in_dim3A_825] : memref<80xf32, #tpu.memory_space<vmem>>[vector<16xi32>], vector<16xf32>,
        %get3A_827 = arith.index_cast %add3A_824 : i32 to index
        %get3A_828 = arith.constant 0 : index
        %get3A_829 = tpu.vector_load %arg18[%get3A_827, %get3A_828] {strides = array<i32>} : memref<80x128xf32, #tpu.memory_space<vmem>>, vector<16xf32>,
        %mul3A_830 = arith.mulf %get3A_829, %gather3A_826 : vector<16xf32>
        %swap3A_831 = arith.index_cast %add3A_824 : i32 to index
        %swap3A_832 = arith.constant 0 : index
        %swap3A_833 = tpu.vector_load %arg18[%swap3A_831, %swap3A_832] {strides = array<i32>} : memref<80x128xf32, #tpu.memory_space<vmem>>, vector<16xf32>,
        tpu.vector_store %arg18[%swap3A_831, %swap3A_832], %mul3A_830 {strides = array<i32>} : memref<80x128xf32, #tpu.memory_space<vmem>>, vector<16xf32>,
        %get3A_834 = arith.index_cast %add3A_824 : i32 to index
        %get3A_835 = arith.constant 16 : index
        %get3A_836 = tpu.vector_load %arg18[%get3A_834, %get3A_835] {strides = array<i32>} : memref<80x128xf32, #tpu.memory_space<vmem>>, vector<16xf32>,
        %mul3A_837 = arith.mulf %get3A_836, %gather3A_826 : vector<16xf32>
        %swap3A_838 = arith.index_cast %add3A_824 : i32 to index
        %swap3A_839 = arith.constant 16 : index
        %swap3A_840 = tpu.vector_load %arg18[%swap3A_838, %swap3A_839] {strides = array<i32>} : memref<80x128xf32, #tpu.memory_space<vmem>>, vector<16xf32>,
        tpu.vector_store %arg18[%swap3A_838, %swap3A_839], %mul3A_837 {strides = array<i32>} : memref<80x128xf32, #tpu.memory_space<vmem>>, vector<16xf32>,
        %get3A_841 = arith.index_cast %add3A_824 : i32 to index
        %get3A_842 = arith.constant 32 : index
        %get3A_843 = tpu.vector_load %arg18[%get3A_841, %get3A_842] {strides = array<i32>} : memref<80x128xf32, #tpu.memory_space<vmem>>, vector<16xf32>,
        %mul3A_844 = arith.mulf %get3A_843, %gather3A_826 : vector<16xf32>
        %swap3A_845 = arith.index_cast %add3A_824 : i32 to index
        %swap3A_846 = arith.constant 32 : index
        %swap3A_847 = tpu.vector_load %arg18[%swap3A_845, %swap3A_846] {strides = array<i32>} : memref<80x128xf32, #tpu.memory_space<vmem>>, vector<16xf32>,
        tpu.vector_store %arg18[%swap3A_845, %swap3A_846], %mul3A_844 {strides = array<i32>} : memref<80x128xf32, #tpu.memory_space<vmem>>, vector<16xf32>,
        %get3A_848 = arith.index_cast %add3A_824 : i32 to index
        %get3A_849 = arith.constant 48 : index
        %get3A_850 = tpu.vector_load %arg18[%get3A_848, %get3A_849] {strides = array<i32>} : memref<80x128xf32, #tpu.memory_space<vmem>>, vector<16xf32>,
        %mul3A_851 = arith.mulf %get3A_850, %gather3A_826 : vector<16xf32>
        %swap3A_852 = arith.index_cast %add3A_824 : i32 to index
        %swap3A_853 = arith.constant 48 : index
        %swap3A_854 = tpu.vector_load %arg18[%swap3A_852, %swap3A_853] {strides = array<i32>} : memref<80x128xf32, #tpu.memory_space<vmem>>, vector<16xf32>,
        tpu.vector_store %arg18[%swap3A_852, %swap3A_853], %mul3A_851 {strides = array<i32>} : memref<80x128xf32, #tpu.memory_space<vmem>>, vector<16xf32>,
        %get3A_855 = arith.index_cast %add3A_824 : i32 to index
        %get3A_856 = arith.constant 64 : index
        %get3A_857 = tpu.vector_load %arg18[%get3A_855, %get3A_856] {strides = array<i32>} : memref<80x128xf32, #tpu.memory_space<vmem>>, vector<16xf32>,
        %mul3A_858 = arith.mulf %get3A_857, %gather3A_826 : vector<16xf32>
        %swap3A_859 = arith.index_cast %add3A_824 : i32 to index
        %swap3A_860 = arith.constant 64 : index
        %swap3A_861 = tpu.vector_load %arg18[%swap3A_859, %swap3A_860] {strides = array<i32>} : memref<80x128xf32, #tpu.memory_space<vmem>>, vector<16xf32>,
        tpu.vector_store %arg18[%swap3A_859, %swap3A_860], %mul3A_858 {strides = array<i32>} : memref<80x128xf32, #tpu.memory_space<vmem>>, vector<16xf32>,
        %get3A_862 = arith.index_cast %add3A_824 : i32 to index
        %get3A_863 = arith.constant 80 : index
        %get3A_864 = tpu.vector_load %arg18[%get3A_862, %get3A_863] {strides = array<i32>} : memref<80x128xf32, #tpu.memory_space<vmem>>, vector<16xf32>,
        %mul3A_865 = arith.mulf %get3A_864, %gather3A_826 : vector<16xf32>
        %swap3A_866 = arith.index_cast %add3A_824 : i32 to index
        %swap3A_867 = arith.constant 80 : index
        %swap3A_868 = tpu.vector_load %arg18[%swap3A_866, %swap3A_867] {strides = array<i32>} : memref<80x128xf32, #tpu.memory_space<vmem>>, vector<16xf32>,
        tpu.vector_store %arg18[%swap3A_866, %swap3A_867], %mul3A_865 {strides = array<i32>} : memref<80x128xf32, #tpu.memory_space<vmem>>, vector<16xf32>,
        %get3A_869 = arith.index_cast %add3A_824 : i32 to index
        %get3A_870 = arith.constant 96 : index
        %get3A_871 = tpu.vector_load %arg18[%get3A_869, %get3A_870] {strides = array<i32>} : memref<80x128xf32, #tpu.memory_space<vmem>>, vector<16xf32>,
        %mul3A_872 = arith.mulf %get3A_871, %gather3A_826 : vector<16xf32>
        %swap3A_873 = arith.index_cast %add3A_824 : i32 to index
        %swap3A_874 = arith.constant 96 : index
        %swap3A_875 = tpu.vector_load %arg18[%swap3A_873, %swap3A_874] {strides = array<i32>} : memref<80x128xf32, #tpu.memory_space<vmem>>, vector<16xf32>,
        tpu.vector_store %arg18[%swap3A_873, %swap3A_874], %mul3A_872 {strides = array<i32>} : memref<80x128xf32, #tpu.memory_space<vmem>>, vector<16xf32>,
        %get3A_876 = arith.index_cast %add3A_824 : i32 to index
        %get3A_877 = arith.constant 112 : index
        %get3A_878 = tpu.vector_load %arg18[%get3A_876, %get3A_877] {strides = array<i32>} : memref<80x128xf32, #tpu.memory_space<vmem>>, vector<16xf32>,
        %mul3A_879 = arith.mulf %get3A_878, %gather3A_826 : vector<16xf32>
        %swap3A_880 = arith.index_cast %add3A_824 : i32 to index
        %swap3A_881 = arith.constant 112 : index
        %swap3A_882 = tpu.vector_load %arg18[%swap3A_880, %swap3A_881] {strides = array<i32>} : memref<80x128xf32, #tpu.memory_space<vmem>>, vector<16xf32>,
        tpu.vector_store %arg18[%swap3A_880, %swap3A_881], %mul3A_879 {strides = array<i32>} : memref<80x128xf32, #tpu.memory_space<vmem>>, vector<16xf32>,
        %mul3A_883 = arith.constant 4 : i32
        %mul3A_884 = arith.muli %while3A_697, %mul3A_883 : i32
        %add3A_885 = arith.constant 3 : i32
        %add3A_886 = arith.addi %mul3A_884, %add3A_885 : i32
        %broadcast_in_dim3A_887 = vector.broadcast %add3A_886 : i32 to vector<16xi32>
        %gather3A_888 = tpu.vector_load_idx %arg16[%broadcast_in_dim3A_887] : memref<80xf32, #tpu.memory_space<vmem>>[vector<16xi32>], vector<16xf32>,
        %get3A_889 = arith.index_cast %add3A_886 : i32 to index
        %get3A_890 = arith.constant 0 : index
        %get3A_891 = tpu.vector_load %arg18[%get3A_889, %get3A_890] {strides = array<i32>} : memref<80x128xf32, #tpu.memory_space<vmem>>, vector<16xf32>,
        %mul3A_892 = arith.mulf %get3A_891, %gather3A_888 : vector<16xf32>
        %swap3A_893 = arith.index_cast %add3A_886 : i32 to index
        %swap3A_894 = arith.constant 0 : index
        %swap3A_895 = tpu.vector_load %arg18[%swap3A_893, %swap3A_894] {strides = array<i32>} : memref<80x128xf32, #tpu.memory_space<vmem>>, vector<16xf32>,
        tpu.vector_store %arg18[%swap3A_893, %swap3A_894], %mul3A_892 {strides = array<i32>} : memref<80x128xf32, #tpu.memory_space<vmem>>, vector<16xf32>,
        %get3A_896 = arith.index_cast %add3A_886 : i32 to index
        %get3A_897 = arith.constant 16 : index
        %get3A_898 = tpu.vector_load %arg18[%get3A_896, %get3A_897] {strides = array<i32>} : memref<80x128xf32, #tpu.memory_space<vmem>>, vector<16xf32>,
        %mul3A_899 = arith.mulf %get3A_898, %gather3A_888 : vector<16xf32>
        %swap3A_900 = arith.index_cast %add3A_886 : i32 to index
        %swap3A_901 = arith.constant 16 : index
        %swap3A_902 = tpu.vector_load %arg18[%swap3A_900, %swap3A_901] {strides = array<i32>} : memref<80x128xf32, #tpu.memory_space<vmem>>, vector<16xf32>,
        tpu.vector_store %arg18[%swap3A_900, %swap3A_901], %mul3A_899 {strides = array<i32>} : memref<80x128xf32, #tpu.memory_space<vmem>>, vector<16xf32>,
        %get3A_903 = arith.index_cast %add3A_886 : i32 to index
        %get3A_904 = arith.constant 32 : index
        %get3A_905 = tpu.vector_load %arg18[%get3A_903, %get3A_904] {strides = array<i32>} : memref<80x128xf32, #tpu.memory_space<vmem>>, vector<16xf32>,
        %mul3A_906 = arith.mulf %get3A_905, %gather3A_888 : vector<16xf32>
        %swap3A_907 = arith.index_cast %add3A_886 : i32 to index
        %swap3A_908 = arith.constant 32 : index
        %swap3A_909 = tpu.vector_load %arg18[%swap3A_907, %swap3A_908] {strides = array<i32>} : memref<80x128xf32, #tpu.memory_space<vmem>>, vector<16xf32>,
        tpu.vector_store %arg18[%swap3A_907, %swap3A_908], %mul3A_906 {strides = array<i32>} : memref<80x128xf32, #tpu.memory_space<vmem>>, vector<16xf32>,
        %get3A_910 = arith.index_cast %add3A_886 : i32 to index
        %get3A_911 = arith.constant 48 : index
        %get3A_912 = tpu.vector_load %arg18[%get3A_910, %get3A_911] {strides = array<i32>} : memref<80x128xf32, #tpu.memory_space<vmem>>, vector<16xf32>,
        %mul3A_913 = arith.mulf %get3A_912, %gather3A_888 : vector<16xf32>
        %swap3A_914 = arith.index_cast %add3A_886 : i32 to index
        %swap3A_915 = arith.constant 48 : index
        %swap3A_916 = tpu.vector_load %arg18[%swap3A_914, %swap3A_915] {strides = array<i32>} : memref<80x128xf32, #tpu.memory_space<vmem>>, vector<16xf32>,
        tpu.vector_store %arg18[%swap3A_914, %swap3A_915], %mul3A_913 {strides = array<i32>} : memref<80x128xf32, #tpu.memory_space<vmem>>, vector<16xf32>,
        %get3A_917 = arith.index_cast %add3A_886 : i32 to index
        %get3A_918 = arith.constant 64 : index
        %get3A_919 = tpu.vector_load %arg18[%get3A_917, %get3A_918] {strides = array<i32>} : memref<80x128xf32, #tpu.memory_space<vmem>>, vector<16xf32>,
        %mul3A_920 = arith.mulf %get3A_919, %gather3A_888 : vector<16xf32>
        %swap3A_921 = arith.index_cast %add3A_886 : i32 to index
        %swap3A_922 = arith.constant 64 : index
        %swap3A_923 = tpu.vector_load %arg18[%swap3A_921, %swap3A_922] {strides = array<i32>} : memref<80x128xf32, #tpu.memory_space<vmem>>, vector<16xf32>,
        tpu.vector_store %arg18[%swap3A_921, %swap3A_922], %mul3A_920 {strides = array<i32>} : memref<80x128xf32, #tpu.memory_space<vmem>>, vector<16xf32>,
        %get3A_924 = arith.index_cast %add3A_886 : i32 to index
        %get3A_925 = arith.constant 80 : index
        %get3A_926 = tpu.vector_load %arg18[%get3A_924, %get3A_925] {strides = array<i32>} : memref<80x128xf32, #tpu.memory_space<vmem>>, vector<16xf32>,
        %mul3A_927 = arith.mulf %get3A_926, %gather3A_888 : vector<16xf32>
        %swap3A_928 = arith.index_cast %add3A_886 : i32 to index
        %swap3A_929 = arith.constant 80 : index
        %swap3A_930 = tpu.vector_load %arg18[%swap3A_928, %swap3A_929] {strides = array<i32>} : memref<80x128xf32, #tpu.memory_space<vmem>>, vector<16xf32>,
        tpu.vector_store %arg18[%swap3A_928, %swap3A_929], %mul3A_927 {strides = array<i32>} : memref<80x128xf32, #tpu.memory_space<vmem>>, vector<16xf32>,
        %get3A_931 = arith.index_cast %add3A_886 : i32 to index
        %get3A_932 = arith.constant 96 : index
        %get3A_933 = tpu.vector_load %arg18[%get3A_931, %get3A_932] {strides = array<i32>} : memref<80x128xf32, #tpu.memory_space<vmem>>, vector<16xf32>,
        %mul3A_934 = arith.mulf %get3A_933, %gather3A_888 : vector<16xf32>
        %swap3A_935 = arith.index_cast %add3A_886 : i32 to index
        %swap3A_936 = arith.constant 96 : index
        %swap3A_937 = tpu.vector_load %arg18[%swap3A_935, %swap3A_936] {strides = array<i32>} : memref<80x128xf32, #tpu.memory_space<vmem>>, vector<16xf32>,
        tpu.vector_store %arg18[%swap3A_935, %swap3A_936], %mul3A_934 {strides = array<i32>} : memref<80x128xf32, #tpu.memory_space<vmem>>, vector<16xf32>,
        %get3A_938 = arith.index_cast %add3A_886 : i32 to index
        %get3A_939 = arith.constant 112 : index
        %get3A_940 = tpu.vector_load %arg18[%get3A_938, %get3A_939] {strides = array<i32>} : memref<80x128xf32, #tpu.memory_space<vmem>>, vector<16xf32>,
        %mul3A_941 = arith.mulf %get3A_940, %gather3A_888 : vector<16xf32>
        %swap3A_942 = arith.index_cast %add3A_886 : i32 to index
        %swap3A_943 = arith.constant 112 : index
        %swap3A_944 = tpu.vector_load %arg18[%swap3A_942, %swap3A_943] {strides = array<i32>} : memref<80x128xf32, #tpu.memory_space<vmem>>, vector<16xf32>,
        tpu.vector_store %arg18[%swap3A_942, %swap3A_943], %mul3A_941 {strides = array<i32>} : memref<80x128xf32, #tpu.memory_space<vmem>>, vector<16xf32>,
      }
      %while3A_631 = arith.constant 1 : i32
      scf.for %while3A_697 = %while3A_629 to %while3A_625 step %while3A_631  : i32 {
        %mul3A_698 = arith.constant 4 : i32
        %mul3A_699 = arith.muli %while3A_697, %mul3A_698 : i32
        %add3A_700 = arith.constant 0 : i32
        %add3A_701 = arith.addi %mul3A_699, %add3A_700 : i32
        %broadcast_in_dim3A_702 = vector.broadcast %add3A_701 : i32 to vector<16xi32>
        %gather3A = tpu.vector_load_idx %arg16[%broadcast_in_dim3A_702] : memref<80xf32, #tpu.memory_space<vmem>>[vector<16xi32>], vector<16xf32>,
        %get3A_703 = arith.index_cast %add3A_701 : i32 to index
        %get3A_704 = arith.constant 0 : index
        %get3A_705 = tpu.vector_load %arg18[%get3A_703, %get3A_704] {strides = array<i32>} : memref<80x128xf32, #tpu.memory_space<vmem>>, vector<16xf32>,
        %mul3A_706 = arith.mulf %get3A_705, %gather3A : vector<16xf32>
        %swap3A_707 = arith.index_cast %add3A_701 : i32 to index
        %swap3A_708 = arith.constant 0 : index
        %swap3A_709 = tpu.vector_load %arg18[%swap3A_707, %swap3A_708] {strides = array<i32>} : memref<80x128xf32, #tpu.memory_space<vmem>>, vector<16xf32>,
        tpu.vector_store %arg18[%swap3A_707, %swap3A_708], %mul3A_706 {strides = array<i32>} : memref<80x128xf32, #tpu.memory_space<vmem>>, vector<16xf32>,
        %get3A_710 = arith.index_cast %add3A_701 : i32 to index
        %get3A_711 = arith.constant 16 : index
        %get3A_712 = tpu.vector_load %arg18[%get3A_710, %get3A_711] {strides = array<i32>} : memref<80x128xf32, #tpu.memory_space<vmem>>, vector<16xf32>,
        %mul3A_713 = arith.mulf %get3A_712, %gather3A : vector<16xf32>
        %swap3A_714 = arith.index_cast %add3A_701 : i32 to index
        %swap3A_715 = arith.constant 16 : index
        %swap3A_716 = tpu.vector_load %arg18[%swap3A_714, %swap3A_715] {strides = array<i32>} : memref<80x128xf32, #tpu.memory_space<vmem>>, vector<16xf32>,
        tpu.vector_store %arg18[%swap3A_714, %swap3A_715], %mul3A_713 {strides = array<i32>} : memref<80x128xf32, #tpu.memory_space<vmem>>, vector<16xf32>,
        %get3A_717 = arith.index_cast %add3A_701 : i32 to index
        %get3A_718 = arith.constant 32 : index
        %get3A_719 = tpu.vector_load %arg18[%get3A_717, %get3A_718] {strides = array<i32>} : memref<80x128xf32, #tpu.memory_space<vmem>>, vector<16xf32>,
        %mul3A_720 = arith.mulf %get3A_719, %gather3A : vector<16xf32>
        %swap3A_721 = arith.index_cast %add3A_701 : i32 to index
        %swap3A_722 = arith.constant 32 : index
        %swap3A_723 = tpu.vector_load %arg18[%swap3A_721, %swap3A_722] {strides = array<i32>} : memref<80x128xf32, #tpu.memory_space<vmem>>, vector<16xf32>,
        tpu.vector_store %arg18[%swap3A_721, %swap3A_722], %mul3A_720 {strides = array<i32>} : memref<80x128xf32, #tpu.memory_space<vmem>>, vector<16xf32>,
        %get3A_724 = arith.index_cast %add3A_701 : i32 to index
        %get3A_725 = arith.constant 48 : index
        %get3A_726 = tpu.vector_load %arg18[%get3A_724, %get3A_725] {strides = array<i32>} : memref<80x128xf32, #tpu.memory_space<vmem>>, vector<16xf32>,
        %mul3A_727 = arith.mulf %get3A_726, %gather3A : vector<16xf32>
        %swap3A_728 = arith.index_cast %add3A_701 : i32 to index
        %swap3A_729 = arith.constant 48 : index
        %swap3A_730 = tpu.vector_load %arg18[%swap3A_728, %swap3A_729] {strides = array<i32>} : memref<80x128xf32, #tpu.memory_space<vmem>>, vector<16xf32>,
        tpu.vector_store %arg18[%swap3A_728, %swap3A_729], %mul3A_727 {strides = array<i32>} : memref<80x128xf32, #tpu.memory_space<vmem>>, vector<16xf32>,
        %get3A_731 = arith.index_cast %add3A_701 : i32 to index
        %get3A_732 = arith.constant 64 : index
        %get3A_733 = tpu.vector_load %arg18[%get3A_731, %get3A_732] {strides = array<i32>} : memref<80x128xf32, #tpu.memory_space<vmem>>, vector<16xf32>,
        %mul3A_734 = arith.mulf %get3A_733, %gather3A : vector<16xf32>
        %swap3A_735 = arith.index_cast %add3A_701 : i32 to index
        %swap3A_736 = arith.constant 64 : index
        %swap3A_737 = tpu.vector_load %arg18[%swap3A_735, %swap3A_736] {strides = array<i32>} : memref<80x128xf32, #tpu.memory_space<vmem>>, vector<16xf32>,
        tpu.vector_store %arg18[%swap3A_735, %swap3A_736], %mul3A_734 {strides = array<i32>} : memref<80x128xf32, #tpu.memory_space<vmem>>, vector<16xf32>,
        %get3A_738 = arith.index_cast %add3A_701 : i32 to index
        %get3A_739 = arith.constant 80 : index
        %get3A_740 = tpu.vector_load %arg18[%get3A_738, %get3A_739] {strides = array<i32>} : memref<80x128xf32, #tpu.memory_space<vmem>>, vector<16xf32>,
        %mul3A_741 = arith.mulf %get3A_740, %gather3A : vector<16xf32>
        %swap3A_742 = arith.index_cast %add3A_701 : i32 to index
        %swap3A_743 = arith.constant 80 : index
        %swap3A_744 = tpu.vector_load %arg18[%swap3A_742, %swap3A_743] {strides = array<i32>} : memref<80x128xf32, #tpu.memory_space<vmem>>, vector<16xf32>,
        tpu.vector_store %arg18[%swap3A_742, %swap3A_743], %mul3A_741 {strides = array<i32>} : memref<80x128xf32, #tpu.memory_space<vmem>>, vector<16xf32>,
        %get3A_745 = arith.index_cast %add3A_701 : i32 to index
        %get3A_746 = arith.constant 96 : index
        %get3A_747 = tpu.vector_load %arg18[%get3A_745, %get3A_746] {strides = array<i32>} : memref<80x128xf32, #tpu.memory_space<vmem>>, vector<16xf32>,
        %mul3A_748 = arith.mulf %get3A_747, %gather3A : vector<16xf32>
        %swap3A_749 = arith.index_cast %add3A_701 : i32 to index
        %swap3A_750 = arith.constant 96 : index
        %swap3A_751 = tpu.vector_load %arg18[%swap3A_749, %swap3A_750] {strides = array<i32>} : memref<80x128xf32, #tpu.memory_space<vmem>>, vector<16xf32>,
        tpu.vector_store %arg18[%swap3A_749, %swap3A_750], %mul3A_748 {strides = array<i32>} : memref<80x128xf32, #tpu.memory_space<vmem>>, vector<16xf32>,
        %get3A_752 = arith.index_cast %add3A_701 : i32 to index
        %get3A_753 = arith.constant 112 : index
        %get3A_754 = tpu.vector_load %arg18[%get3A_752, %get3A_753] {strides = array<i32>} : memref<80x128xf32, #tpu.memory_space<vmem>>, vector<16xf32>,
        %mul3A_755 = arith.mulf %get3A_754, %gather3A : vector<16xf32>
        %swap3A_756 = arith.index_cast %add3A_701 : i32 to index
        %swap3A_757 = arith.constant 112 : index
        %swap3A_758 = tpu.vector_load %arg18[%swap3A_756, %swap3A_757] {strides = array<i32>} : memref<80x128xf32, #tpu.memory_space<vmem>>, vector<16xf32>,
        tpu.vector_store %arg18[%swap3A_756, %swap3A_757], %mul3A_755 {strides = array<i32>} : memref<80x128xf32, #tpu.memory_space<vmem>>, vector<16xf32>,
        %mul3A_759 = arith.constant 4 : i32
        %mul3A_760 = arith.muli %while3A_697, %mul3A_759 : i32
        %add3A_761 = arith.constant 1 : i32
        %add3A_762 = arith.addi %mul3A_760, %add3A_761 : i32
        %broadcast_in_dim3A_763 = vector.broadcast %add3A_762 : i32 to vector<16xi32>
        %gather3A_764 = tpu.vector_load_idx %arg16[%broadcast_in_dim3A_763] : memref<80xf32, #tpu.memory_space<vmem>>[vector<16xi32>], vector<16xf32>,
        %get3A_765 = arith.index_cast %add3A_762 : i32 to index
        %get3A_766 = arith.constant 0 : index
        %get3A_767 = tpu.vector_load %arg18[%get3A_765, %get3A_766] {strides = array<i32>} : memref<80x128xf32, #tpu.memory_space<vmem>>, vector<16xf32>,
        %mul3A_768 = arith.mulf %get3A_767, %gather3A_764 : vector<16xf32>
        %swap3A_769 = arith.index_cast %add3A_762 : i32 to index
        %swap3A_770 = arith.constant 0 : index
        %swap3A_771 = tpu.vector_load %arg18[%swap3A_769, %swap3A_770] {strides = array<i32>} : memref<80x128xf32, #tpu.memory_space<vmem>>, vector<16xf32>,
        tpu.vector_store %arg18[%swap3A_769, %swap3A_770], %mul3A_768 {strides = array<i32>} : memref<80x128xf32, #tpu.memory_space<vmem>>, vector<16xf32>,
        %get3A_772 = arith.index_cast %add3A_762 : i32 to index
        %get3A_773 = arith.constant 16 : index
        %get3A_774 = tpu.vector_load %arg18[%get3A_772, %get3A_773] {strides = array<i32>} : memref<80x128xf32, #tpu.memory_space<vmem>>, vector<16xf32>,
        %mul3A_775 = arith.mulf %get3A_774, %gather3A_764 : vector<16xf32>
        %swap3A_776 = arith.index_cast %add3A_762 : i32 to index
        %swap3A_777 = arith.constant 16 : index
        %swap3A_778 = tpu.vector_load %arg18[%swap3A_776, %swap3A_777] {strides = array<i32>} : memref<80x128xf32, #tpu.memory_space<vmem>>, vector<16xf32>,
        tpu.vector_store %arg18[%swap3A_776, %swap3A_777], %mul3A_775 {strides = array<i32>} : memref<80x128xf32, #tpu.memory_space<vmem>>, vector<16xf32>,
        %get3A_779 = arith.index_cast %add3A_762 : i32 to index
        %get3A_780 = arith.constant 32 : index
        %get3A_781 = tpu.vector_load %arg18[%get3A_779, %get3A_780] {strides = array<i32>} : memref<80x128xf32, #tpu.memory_space<vmem>>, vector<16xf32>,
        %mul3A_782 = arith.mulf %get3A_781, %gather3A_764 : vector<16xf32>
        %swap3A_783 = arith.index_cast %add3A_762 : i32 to index
        %swap3A_784 = arith.constant 32 : index
        %swap3A_785 = tpu.vector_load %arg18[%swap3A_783, %swap3A_784] {strides = array<i32>} : memref<80x128xf32, #tpu.memory_space<vmem>>, vector<16xf32>,
        tpu.vector_store %arg18[%swap3A_783, %swap3A_784], %mul3A_782 {strides = array<i32>} : memref<80x128xf32, #tpu.memory_space<vmem>>, vector<16xf32>,
        %get3A_786 = arith.index_cast %add3A_762 : i32 to index
        %get3A_787 = arith.constant 48 : index
        %get3A_788 = tpu.vector_load %arg18[%get3A_786, %get3A_787] {strides = array<i32>} : memref<80x128xf32, #tpu.memory_space<vmem>>, vector<16xf32>,
        %mul3A_789 = arith.mulf %get3A_788, %gather3A_764 : vector<16xf32>
        %swap3A_790 = arith.index_cast %add3A_762 : i32 to index
        %swap3A_791 = arith.constant 48 : index
        %swap3A_792 = tpu.vector_load %arg18[%swap3A_790, %swap3A_791] {strides = array<i32>} : memref<80x128xf32, #tpu.memory_space<vmem>>, vector<16xf32>,
        tpu.vector_store %arg18[%swap3A_790, %swap3A_791], %mul3A_789 {strides = array<i32>} : memref<80x128xf32, #tpu.memory_space<vmem>>, vector<16xf32>,
        %get3A_793 = arith.index_cast %add3A_762 : i32 to index
        %get3A_794 = arith.constant 64 : index
        %get3A_795 = tpu.vector_load %arg18[%get3A_793, %get3A_794] {strides = array<i32>} : memref<80x128xf32, #tpu.memory_space<vmem>>, vector<16xf32>,
        %mul3A_796 = arith.mulf %get3A_795, %gather3A_764 : vector<16xf32>
        %swap3A_797 = arith.index_cast %add3A_762 : i32 to index
        %swap3A_798 = arith.constant 64 : index
        %swap3A_799 = tpu.vector_load %arg18[%swap3A_797, %swap3A_798] {strides = array<i32>} : memref<80x128xf32, #tpu.memory_space<vmem>>, vector<16xf32>,
        tpu.vector_store %arg18[%swap3A_797, %swap3A_798], %mul3A_796 {strides = array<i32>} : memref<80x128xf32, #tpu.memory_space<vmem>>, vector<16xf32>,
        %get3A_800 = arith.index_cast %add3A_762 : i32 to index
        %get3A_801 = arith.constant 80 : index
        %get3A_802 = tpu.vector_load %arg18[%get3A_800, %get3A_801] {strides = array<i32>} : memref<80x128xf32, #tpu.memory_space<vmem>>, vector<16xf32>,
        %mul3A_803 = arith.mulf %get3A_802, %gather3A_764 : vector<16xf32>
        %swap3A_804 = arith.index_cast %add3A_762 : i32 to index
        %swap3A_805 = arith.constant 80 : index
        %swap3A_806 = tpu.vector_load %arg18[%swap3A_804, %swap3A_805] {strides = array<i32>} : memref<80x128xf32, #tpu.memory_space<vmem>>, vector<16xf32>,
        tpu.vector_store %arg18[%swap3A_804, %swap3A_805], %mul3A_803 {strides = array<i32>} : memref<80x128xf32, #tpu.memory_space<vmem>>, vector<16xf32>,
        %get3A_807 = arith.index_cast %add3A_762 : i32 to index
        %get3A_808 = arith.constant 96 : index
        %get3A_809 = tpu.vector_load %arg18[%get3A_807, %get3A_808] {strides = array<i32>} : memref<80x128xf32, #tpu.memory_space<vmem>>, vector<16xf32>,
        %mul3A_810 = arith.mulf %get3A_809, %gather3A_764 : vector<16xf32>
        %swap3A_811 = arith.index_cast %add3A_762 : i32 to index
        %swap3A_812 = arith.constant 96 : index
        %swap3A_813 = tpu.vector_load %arg18[%swap3A_811, %swap3A_812] {strides = array<i32>} : memref<80x128xf32, #tpu.memory_space<vmem>>, vector<16xf32>,
        tpu.vector_store %arg18[%swap3A_811, %swap3A_812], %mul3A_810 {strides = array<i32>} : memref<80x128xf32, #tpu.memory_space<vmem>>, vector<16xf32>,
        %get3A_814 = arith.index_cast %add3A_762 : i32 to index
        %get3A_815 = arith.constant 112 : index
        %get3A_816 = tpu.vector_load %arg18[%get3A_814, %get3A_815] {strides = array<i32>} : memref<80x128xf32, #tpu.memory_space<vmem>>, vector<16xf32>,
        %mul3A_817 = arith.mulf %get3A_816, %gather3A_764 : vector<16xf32>
        %swap3A_818 = arith.index_cast %add3A_762 : i32 to index
        %swap3A_819 = arith.constant 112 : index
        %swap3A_820 = tpu.vector_load %arg18[%swap3A_818, %swap3A_819] {strides = array<i32>} : memref<80x128xf32, #tpu.memory_space<vmem>>, vector<16xf32>,
        tpu.vector_store %arg18[%swap3A_818, %swap3A_819], %mul3A_817 {strides = array<i32>} : memref<80x128xf32, #tpu.memory_space<vmem>>, vector<16xf32>,
        %mul3A_821 = arith.constant 4 : i32
        %mul3A_822 = arith.muli %while3A_697, %mul3A_821 : i32
        %add3A_823 = arith.constant 2 : i32
        %add3A_824 = arith.addi %mul3A_822, %add3A_823 : i32
        %broadcast_in_dim3A_825 = vector.broadcast %add3A_824 : i32 to vector<16xi32>
        %gather3A_826 = tpu.vector_load_idx %arg16[%broadcast_in_dim3A_825] : memref<80xf32, #tpu.memory_space<vmem>>[vector<16xi32>], vector<16xf32>,
        %get3A_827 = arith.index_cast %add3A_824 : i32 to index
        %get3A_828 = arith.constant 0 : index
        %get3A_829 = tpu.vector_load %arg18[%get3A_827, %get3A_828] {strides = array<i32>} : memref<80x128xf32, #tpu.memory_space<vmem>>, vector<16xf32>,
        %mul3A_830 = arith.mulf %get3A_829, %gather3A_826 : vector<16xf32>
        %swap3A_831 = arith.index_cast %add3A_824 : i32 to index
        %swap3A_832 = arith.constant 0 : index
        %swap3A_833 = tpu.vector_load %arg18[%swap3A_831, %swap3A_832] {strides = array<i32>} : memref<80x128xf32, #tpu.memory_space<vmem>>, vector<16xf32>,
        tpu.vector_store %arg18[%swap3A_831, %swap3A_832], %mul3A_830 {strides = array<i32>} : memref<80x128xf32, #tpu.memory_space<vmem>>, vector<16xf32>,
        %get3A_834 = arith.index_cast %add3A_824 : i32 to index
        %get3A_835 = arith.constant 16 : index
        %get3A_836 = tpu.vector_load %arg18[%get3A_834, %get3A_835] {strides = array<i32>} : memref<80x128xf32, #tpu.memory_space<vmem>>, vector<16xf32>,
        %mul3A_837 = arith.mulf %get3A_836, %gather3A_826 : vector<16xf32>
        %swap3A_838 = arith.index_cast %add3A_824 : i32 to index
        %swap3A_839 = arith.constant 16 : index
        %swap3A_840 = tpu.vector_load %arg18[%swap3A_838, %swap3A_839] {strides = array<i32>} : memref<80x128xf32, #tpu.memory_space<vmem>>, vector<16xf32>,
        tpu.vector_store %arg18[%swap3A_838, %swap3A_839], %mul3A_837 {strides = array<i32>} : memref<80x128xf32, #tpu.memory_space<vmem>>, vector<16xf32>,
        %get3A_841 = arith.index_cast %add3A_824 : i32 to index
        %get3A_842 = arith.constant 32 : index
        %get3A_843 = tpu.vector_load %arg18[%get3A_841, %get3A_842] {strides = array<i32>} : memref<80x128xf32, #tpu.memory_space<vmem>>, vector<16xf32>,
        %mul3A_844 = arith.mulf %get3A_843, %gather3A_826 : vector<16xf32>
        %swap3A_845 = arith.index_cast %add3A_824 : i32 to index
        %swap3A_846 = arith.constant 32 : index
        %swap3A_847 = tpu.vector_load %arg18[%swap3A_845, %swap3A_846] {strides = array<i32>} : memref<80x128xf32, #tpu.memory_space<vmem>>, vector<16xf32>,
        tpu.vector_store %arg18[%swap3A_845, %swap3A_846], %mul3A_844 {strides = array<i32>} : memref<80x128xf32, #tpu.memory_space<vmem>>, vector<16xf32>,
        %get3A_848 = arith.index_cast %add3A_824 : i32 to index
        %get3A_849 = arith.constant 48 : index
        %get3A_850 = tpu.vector_load %arg18[%get3A_848, %get3A_849] {strides = array<i32>} : memref<80x128xf32, #tpu.memory_space<vmem>>, vector<16xf32>,
        %mul3A_851 = arith.mulf %get3A_850, %gather3A_826 : vector<16xf32>
        %swap3A_852 = arith.index_cast %add3A_824 : i32 to index
        %swap3A_853 = arith.constant 48 : index
        %swap3A_854 = tpu.vector_load %arg18[%swap3A_852, %swap3A_853] {strides = array<i32>} : memref<80x128xf32, #tpu.memory_space<vmem>>, vector<16xf32>,
        tpu.vector_store %arg18[%swap3A_852, %swap3A_853], %mul3A_851 {strides = array<i32>} : memref<80x128xf32, #tpu.memory_space<vmem>>, vector<16xf32>,
        %get3A_855 = arith.index_cast %add3A_824 : i32 to index
        %get3A_856 = arith.constant 64 : index
        %get3A_857 = tpu.vector_load %arg18[%get3A_855, %get3A_856] {strides = array<i32>} : memref<80x128xf32, #tpu.memory_space<vmem>>, vector<16xf32>,
        %mul3A_858 = arith.mulf %get3A_857, %gather3A_826 : vector<16xf32>
        %swap3A_859 = arith.index_cast %add3A_824 : i32 to index
        %swap3A_860 = arith.constant 64 : index
        %swap3A_861 = tpu.vector_load %arg18[%swap3A_859, %swap3A_860] {strides = array<i32>} : memref<80x128xf32, #tpu.memory_space<vmem>>, vector<16xf32>,
        tpu.vector_store %arg18[%swap3A_859, %swap3A_860], %mul3A_858 {strides = array<i32>} : memref<80x128xf32, #tpu.memory_space<vmem>>, vector<16xf32>,
        %get3A_862 = arith.index_cast %add3A_824 : i32 to index
        %get3A_863 = arith.constant 80 : index
        %get3A_864 = tpu.vector_load %arg18[%get3A_862, %get3A_863] {strides = array<i32>} : memref<80x128xf32, #tpu.memory_space<vmem>>, vector<16xf32>,
        %mul3A_865 = arith.mulf %get3A_864, %gather3A_826 : vector<16xf32>
        %swap3A_866 = arith.index_cast %add3A_824 : i32 to index
        %swap3A_867 = arith.constant 80 : index
        %swap3A_868 = tpu.vector_load %arg18[%swap3A_866, %swap3A_867] {strides = array<i32>} : memref<80x128xf32, #tpu.memory_space<vmem>>, vector<16xf32>,
        tpu.vector_store %arg18[%swap3A_866, %swap3A_867], %mul3A_865 {strides = array<i32>} : memref<80x128xf32, #tpu.memory_space<vmem>>, vector<16xf32>,
        %get3A_869 = arith.index_cast %add3A_824 : i32 to index
        %get3A_870 = arith.constant 96 : index
        %get3A_871 = tpu.vector_load %arg18[%get3A_869, %get3A_870] {strides = array<i32>} : memref<80x128xf32, #tpu.memory_space<vmem>>, vector<16xf32>,
        %mul3A_872 = arith.mulf %get3A_871, %gather3A_826 : vector<16xf32>
        %swap3A_873 = arith.index_cast %add3A_824 : i32 to index
        %swap3A_874 = arith.constant 96 : index
        %swap3A_875 = tpu.vector_load %arg18[%swap3A_873, %swap3A_874] {strides = array<i32>} : memref<80x128xf32, #tpu.memory_space<vmem>>, vector<16xf32>,
        tpu.vector_store %arg18[%swap3A_873, %swap3A_874], %mul3A_872 {strides = array<i32>} : memref<80x128xf32, #tpu.memory_space<vmem>>, vector<16xf32>,
        %get3A_876 = arith.index_cast %add3A_824 : i32 to index
        %get3A_877 = arith.constant 112 : index
        %get3A_878 = tpu.vector_load %arg18[%get3A_876, %get3A_877] {strides = array<i32>} : memref<80x128xf32, #tpu.memory_space<vmem>>, vector<16xf32>,
        %mul3A_879 = arith.mulf %get3A_878, %gather3A_826 : vector<16xf32>
        %swap3A_880 = arith.index_cast %add3A_824 : i32 to index
        %swap3A_881 = arith.constant 112 : index
        %swap3A_882 = tpu.vector_load %arg18[%swap3A_880, %swap3A_881] {strides = array<i32>} : memref<80x128xf32, #tpu.memory_space<vmem>>, vector<16xf32>,
        tpu.vector_store %arg18[%swap3A_880, %swap3A_881], %mul3A_879 {strides = array<i32>} : memref<80x128xf32, #tpu.memory_space<vmem>>, vector<16xf32>,
        %mul3A_883 = arith.constant 4 : i32
        %mul3A_884 = arith.muli %while3A_697, %mul3A_883 : i32
        %add3A_885 = arith.constant 3 : i32
        %add3A_886 = arith.addi %mul3A_884, %add3A_885 : i32
        %broadcast_in_dim3A_887 = vector.broadcast %add3A_886 : i32 to vector<16xi32>
        %gather3A_888 = tpu.vector_load_idx %arg16[%broadcast_in_dim3A_887] : memref<80xf32, #tpu.memory_space<vmem>>[vector<16xi32>], vector<16xf32>,
        %get3A_889 = arith.index_cast %add3A_886 : i32 to index
        %get3A_890 = arith.constant 0 : index
        %get3A_891 = tpu.vector_load %arg18[%get3A_889, %get3A_890] {strides = array<i32>} : memref<80x128xf32, #tpu.memory_space<vmem>>, vector<16xf32>,
        %mul3A_892 = arith.mulf %get3A_891, %gather3A_888 : vector<16xf32>
        %swap3A_893 = arith.index_cast %add3A_886 : i32 to index
        %swap3A_894 = arith.constant 0 : index
        %swap3A_895 = tpu.vector_load %arg18[%swap3A_893, %swap3A_894] {strides = array<i32>} : memref<80x128xf32, #tpu.memory_space<vmem>>, vector<16xf32>,
        tpu.vector_store %arg18[%swap3A_893, %swap3A_894], %mul3A_892 {strides = array<i32>} : memref<80x128xf32, #tpu.memory_space<vmem>>, vector<16xf32>,
        %get3A_896 = arith.index_cast %add3A_886 : i32 to index
        %get3A_897 = arith.constant 16 : index
        %get3A_898 = tpu.vector_load %arg18[%get3A_896, %get3A_897] {strides = array<i32>} : memref<80x128xf32, #tpu.memory_space<vmem>>, vector<16xf32>,
        %mul3A_899 = arith.mulf %get3A_898, %gather3A_888 : vector<16xf32>
        %swap3A_900 = arith.index_cast %add3A_886 : i32 to index
        %swap3A_901 = arith.constant 16 : index
        %swap3A_902 = tpu.vector_load %arg18[%swap3A_900, %swap3A_901] {strides = array<i32>} : memref<80x128xf32, #tpu.memory_space<vmem>>, vector<16xf32>,
        tpu.vector_store %arg18[%swap3A_900, %swap3A_901], %mul3A_899 {strides = array<i32>} : memref<80x128xf32, #tpu.memory_space<vmem>>, vector<16xf32>,
        %get3A_903 = arith.index_cast %add3A_886 : i32 to index
        %get3A_904 = arith.constant 32 : index
        %get3A_905 = tpu.vector_load %arg18[%get3A_903, %get3A_904] {strides = array<i32>} : memref<80x128xf32, #tpu.memory_space<vmem>>, vector<16xf32>,
        %mul3A_906 = arith.mulf %get3A_905, %gather3A_888 : vector<16xf32>
        %swap3A_907 = arith.index_cast %add3A_886 : i32 to index
        %swap3A_908 = arith.constant 32 : index
        %swap3A_909 = tpu.vector_load %arg18[%swap3A_907, %swap3A_908] {strides = array<i32>} : memref<80x128xf32, #tpu.memory_space<vmem>>, vector<16xf32>,
        tpu.vector_store %arg18[%swap3A_907, %swap3A_908], %mul3A_906 {strides = array<i32>} : memref<80x128xf32, #tpu.memory_space<vmem>>, vector<16xf32>,
        %get3A_910 = arith.index_cast %add3A_886 : i32 to index
        %get3A_911 = arith.constant 48 : index
        %get3A_912 = tpu.vector_load %arg18[%get3A_910, %get3A_911] {strides = array<i32>} : memref<80x128xf32, #tpu.memory_space<vmem>>, vector<16xf32>,
        %mul3A_913 = arith.mulf %get3A_912, %gather3A_888 : vector<16xf32>
        %swap3A_914 = arith.index_cast %add3A_886 : i32 to index
        %swap3A_915 = arith.constant 48 : index
        %swap3A_916 = tpu.vector_load %arg18[%swap3A_914, %swap3A_915] {strides = array<i32>} : memref<80x128xf32, #tpu.memory_space<vmem>>, vector<16xf32>,
        tpu.vector_store %arg18[%swap3A_914, %swap3A_915], %mul3A_913 {strides = array<i32>} : memref<80x128xf32, #tpu.memory_space<vmem>>, vector<16xf32>,
        %get3A_917 = arith.index_cast %add3A_886 : i32 to index
        %get3A_918 = arith.constant 64 : index
        %get3A_919 = tpu.vector_load %arg18[%get3A_917, %get3A_918] {strides = array<i32>} : memref<80x128xf32, #tpu.memory_space<vmem>>, vector<16xf32>,
        %mul3A_920 = arith.mulf %get3A_919, %gather3A_888 : vector<16xf32>
        %swap3A_921 = arith.index_cast %add3A_886 : i32 to index
        %swap3A_922 = arith.constant 64 : index
        %swap3A_923 = tpu.vector_load %arg18[%swap3A_921, %swap3A_922] {strides = array<i32>} : memref<80x128xf32, #tpu.memory_space<vmem>>, vector<16xf32>,
        tpu.vector_store %arg18[%swap3A_921, %swap3A_922], %mul3A_920 {strides = array<i32>} : memref<80x128xf32, #tpu.memory_space<vmem>>, vector<16xf32>,
        %get3A_924 = arith.index_cast %add3A_886 : i32 to index
        %get3A_925 = arith.constant 80 : index
        %get3A_926 = tpu.vector_load %arg18[%get3A_924, %get3A_925] {strides = array<i32>} : memref<80x128xf32, #tpu.memory_space<vmem>>, vector<16xf32>,
        %mul3A_927 = arith.mulf %get3A_926, %gather3A_888 : vector<16xf32>
        %swap3A_928 = arith.index_cast %add3A_886 : i32 to index
        %swap3A_929 = arith.constant 80 : index
        %swap3A_930 = tpu.vector_load %arg18[%swap3A_928, %swap3A_929] {strides = array<i32>} : memref<80x128xf32, #tpu.memory_space<vmem>>, vector<16xf32>,
        tpu.vector_store %arg18[%swap3A_928, %swap3A_929], %mul3A_927 {strides = array<i32>} : memref<80x128xf32, #tpu.memory_space<vmem>>, vector<16xf32>,
        %get3A_931 = arith.index_cast %add3A_886 : i32 to index
        %get3A_932 = arith.constant 96 : index
        %get3A_933 = tpu.vector_load %arg18[%get3A_931, %get3A_932] {strides = array<i32>} : memref<80x128xf32, #tpu.memory_space<vmem>>, vector<16xf32>,
        %mul3A_934 = arith.mulf %get3A_933, %gather3A_888 : vector<16xf32>
        %swap3A_935 = arith.index_cast %add3A_886 : i32 to index
        %swap3A_936 = arith.constant 96 : index
        %swap3A_937 = tpu.vector_load %arg18[%swap3A_935, %swap3A_936] {strides = array<i32>} : memref<80x128xf32, #tpu.memory_space<vmem>>, vector<16xf32>,
        tpu.vector_store %arg18[%swap3A_935, %swap3A_936], %mul3A_934 {strides = array<i32>} : memref<80x128xf32, #tpu.memory_space<vmem>>, vector<16xf32>,
        %get3A_938 = arith.index_cast %add3A_886 : i32 to index
        %get3A_939 = arith.constant 112 : index
        %get3A_940 = tpu.vector_load %arg18[%get3A_938, %get3A_939] {strides = array<i32>} : memref<80x128xf32, #tpu.memory_space<vmem>>, vector<16xf32>,
        %mul3A_941 = arith.mulf %get3A_940, %gather3A_888 : vector<16xf32>
        %swap3A_942 = arith.index_cast %add3A_886 : i32 to index
        %swap3A_943 = arith.constant 112 : index
        %swap3A_944 = tpu.vector_load %arg18[%swap3A_942, %swap3A_943] {strides = array<i32>} : memref<80x128xf32, #tpu.memory_space<vmem>>, vector<16xf32>,
        tpu.vector_store %arg18[%swap3A_942, %swap3A_943], %mul3A_941 {strides = array<i32>} : memref<80x128xf32, #tpu.memory_space<vmem>>, vector<16xf32>,
      }
      %dma_start3A_632 = arith.constant 0 : i32
      %dma_start3A_633 = arith.constant 0 : i32
      %dma_start3A_634 = tpu.memref_slice %arg14[%dma_start3A_632, %dma_start3A_633] : memref<1x80xi32, #tpu.memory_space<vmem>> -> memref<1x80xi32, #tpu.memory_space<vmem>>
      %dma_start3A_635 = tpu.memref_squeeze %dma_start3A_634 : memref<1x80xi32, #tpu.memory_space<vmem>> -> memref<80xi32, #tpu.memory_space<vmem>>
      %dma_start3A_636 = arith.constant 0 : i32
      %dma_start3A_637 = arith.constant 0 : i32
      %dma_start3A_638 = tpu.memref_slice %arg22[%dma_start3A_636, %dma_start3A_637] : memref<10000x128xf32, #tpu.memory_space<vmem_shared>> -> memref<10000x128xf32, #tpu.memory_space<vmem_shared>>
      tpu.enqueue_indirect_dma source(%arg18 : memref<80x128xf32, #tpu.memory_space<vmem>>) target(%dma_start3A_638 : memref<10000x128xf32, #tpu.memory_space<vmem_shared>>) offsets(%dma_start3A_635 : memref<80xi32, #tpu.memory_space<vmem>>) semaphore(%arg27 : memref<!tpu.dma_semaphore, #tpu.memory_space<semaphore_mem>>) {add = true}
      %eq3A_639 = arith.constant 0 : i32
      %eq3A_640 = arith.cmpi eq, %arg0, %eq3A_639 : i32
      %convert_element_type3A_641 = arith.extui %eq3A_640 : i1 to i32
      %cond3A_642 = arith.constant 0 : i32
      %cond3A_643 = arith.cmpi ne, %convert_element_type3A_641, %cond3A_642 : i32
      scf.if %cond3A_643 {
        %dma_start3A_697 = arith.constant 0 : i32
        %dma_start3A_698 = arith.constant 0 : i32
        %dma_start3A_699 = tpu.memref_slice %arg14[%dma_start3A_697, %dma_start3A_698] : memref<1x80xi32, #tpu.memory_space<vmem>> -> memref<1x80xi32, #tpu.memory_space<vmem>>
        %dma_start3A_700 = tpu.memref_squeeze %dma_start3A_699 : memref<1x80xi32, #tpu.memory_space<vmem>> -> memref<80xi32, #tpu.memory_space<vmem>>
        %dma_start3A_701 = arith.constant 0 : i32
        %dma_start3A_702 = tpu.memref_slice %arg23[%dma_start3A_701] : memref<10000xf32, #tpu.memory_space<vmem_shared>> -> memref<10000xf32, #tpu.memory_space<vmem_shared>>
        tpu.enqueue_indirect_dma source(%arg19 : memref<80xf32, #tpu.memory_space<vmem>>) target(%dma_start3A_702 : memref<10000xf32, #tpu.memory_space<vmem_shared>>) offsets(%dma_start3A_700 : memref<80xi32, #tpu.memory_space<vmem>>) semaphore(%arg27 : memref<!tpu.dma_semaphore, #tpu.memory_space<semaphore_mem>>) {add = true}
      } else {
      }
      %dma_wait3A_644 = arith.constant 0 : i32
      %dma_wait3A_645 = arith.constant 0 : i32
      %dma_wait3A_646 = tpu.memref_slice %arg13[%dma_wait3A_644, %dma_wait3A_645] : memref<1x80xi32, #tpu.memory_space<vmem>> -> memref<1x80xi32, #tpu.memory_space<vmem>>
      %dma_wait3A_647 = tpu.memref_squeeze %dma_wait3A_646 : memref<1x80xi32, #tpu.memory_space<vmem>> -> memref<80xi32, #tpu.memory_space<vmem>>
      %dma_wait3A_648 = arith.constant 0 : i32
      %dma_wait3A_649 = arith.constant 0 : i32
      %dma_wait3A_650 = tpu.memref_slice %arg22[%dma_wait3A_648, %dma_wait3A_649] : memref<10000x128xf32, #tpu.memory_space<vmem_shared>> -> memref<10000x128xf32, #tpu.memory_space<vmem_shared>>
      tpu.wait_indirect_dma semaphore(%arg26 : memref<!tpu.dma_semaphore, #tpu.memory_space<semaphore_mem>>) src(%arg17 : memref<80x128xf32, #tpu.memory_space<vmem>>) dst(%dma_wait3A_650 : memref<10000x128xf32, #tpu.memory_space<vmem_shared>>)
      %eq3A_651 = arith.constant 0 : i32
      %eq3A_652 = arith.cmpi eq, %arg0, %eq3A_651 : i32
      %convert_element_type3A_653 = arith.extui %eq3A_652 : i1 to i32
      %cond3A_654 = arith.constant 0 : i32
      %cond3A_655 = arith.cmpi ne, %convert_element_type3A_653, %cond3A_654 : i32
      scf.if %cond3A_655 {
        %dma_wait3A_697 = arith.constant 0 : i32
        %dma_wait3A_698 = arith.constant 0 : i32
        %dma_wait3A_699 = tpu.memref_slice %arg13[%dma_wait3A_697, %dma_wait3A_698] : memref<1x80xi32, #tpu.memory_space<vmem>> -> memref<1x80xi32, #tpu.memory_space<vmem>>
        %dma_wait3A_700 = tpu.memref_squeeze %dma_wait3A_699 : memref<1x80xi32, #tpu.memory_space<vmem>> -> memref<80xi32, #tpu.memory_space<vmem>>
        %dma_wait3A_701 = arith.constant 0 : i32
        %dma_wait3A_702 = tpu.memref_slice %arg23[%dma_wait3A_701] : memref<10000xf32, #tpu.memory_space<vmem_shared>> -> memref<10000xf32, #tpu.memory_space<vmem_shared>>
        tpu.wait_indirect_dma semaphore(%arg26 : memref<!tpu.dma_semaphore, #tpu.memory_space<semaphore_mem>>) src(%arg19 : memref<80xf32, #tpu.memory_space<vmem>>) dst(%dma_wait3A_702 : memref<10000xf32, #tpu.memory_space<vmem_shared>>)
      } else {
      }
      %add3A_656 = arith.constant 2 : i32
      %add3A_657 = arith.addi %mul3A_411, %add3A_656 : i32
      %mul3A_658 = arith.constant 80 : i32
      %mul3A_659 = arith.muli %add3A_657, %mul3A_658 : i32
      %dma_start3A_660 = tpu.memref_slice %arg11[%mul3A_659] : memref<10000xi32, #tpu.memory_space<vmem>> -> memref<80xi32, #tpu.memory_space<vmem>>
      %dma_start3A_661 = arith.constant 0 : i32
      %dma_start3A_662 = arith.constant 0 : i32
      %dma_start3A_663 = tpu.memref_slice %arg6[%dma_start3A_661, %dma_start3A_662] : memref<20000x128xf32, #tpu.memory_space<hbm>> -> memref<20000x128xf32, #tpu.memory_space<hbm>>
      tpu.enqueue_indirect_dma source(%dma_start3A_663 : memref<20000x128xf32, #tpu.memory_space<hbm>>) target(%arg17 : memref<80x128xf32, #tpu.memory_space<vmem>>) offsets(%dma_start3A_660 : memref<80xi32, #tpu.memory_space<vmem>>) semaphore(%arg24 : memref<!tpu.dma_semaphore, #tpu.memory_space<semaphore_mem>>)
      %mul3A_664 = arith.constant 80 : i32
      %mul3A_665 = arith.muli %add3A_657, %mul3A_664 : i32
      %dma_start3A_666 = tpu.memref_slice %arg12[%mul3A_665] : memref<10000xi32, #tpu.memory_space<vmem>> -> memref<80xi32, #tpu.memory_space<vmem>>
      %dma_start3A_667 = arith.constant 0 : i32
      %dma_start3A_668 = tpu.memref_slice %arg7[%dma_start3A_667] : memref<40960000xf32, #tpu.memory_space<hbm>> -> memref<40960000xf32, #tpu.memory_space<hbm>>
      tpu.enqueue_indirect_dma source(%dma_start3A_668 : memref<40960000xf32, #tpu.memory_space<hbm>>) target(%arg15 : memref<80xf32, #tpu.memory_space<vmem>>) offsets(%dma_start3A_666 : memref<80xi32, #tpu.memory_space<vmem>>) semaphore(%arg24 : memref<!tpu.dma_semaphore, #tpu.memory_space<semaphore_mem>>)
      %mul3A_669 = arith.constant 125 : i32
      %mul3A_670 = arith.muli %arg1, %mul3A_669 : i32
      %add3A_671 = arith.addi %mul3A_670, %add3A_657 : i32
      %dma_start3A_672 = arith.constant 0 : i32
      %dma_start3A_673 = arith.constant 0 : i32
      %dma_start3A_674 = tpu.memref_slice %arg4[%add3A_671, %dma_start3A_672, %dma_start3A_673] : memref<2000x1x80xi32, #tpu.memory_space<hbm>> -> memref<1x1x80xi32, #tpu.memory_space<hbm>>
      %dma_start3A_675 = tpu.memref_squeeze %dma_start3A_674 : memref<1x1x80xi32, #tpu.memory_space<hbm>> -> memref<1x80xi32, #tpu.memory_space<hbm>>
      %dma_start3A_676 = arith.constant 0 : i32
      %dma_start3A_677 = arith.constant 0 : i32
      %dma_start3A_678 = tpu.memref_slice %arg4[%add3A_671, %dma_start3A_676, %dma_start3A_677] : memref<2000x1x80xi32, #tpu.memory_space<hbm>> -> memref<1x1x80xi32, #tpu.memory_space<hbm>>
      %dma_start3A_679 = tpu.memref_squeeze %dma_start3A_678 : memref<1x1x80xi32, #tpu.memory_space<hbm>> -> memref<1x80xi32, #tpu.memory_space<hbm>>
      tpu.enqueue_dma source(%dma_start3A_679 : memref<1x80xi32, #tpu.memory_space<hbm>>) target(%arg13 : memref<1x80xi32, #tpu.memory_space<vmem>>) target_semaphore(%arg24 : memref<!tpu.dma_semaphore, #tpu.memory_space<semaphore_mem>>)
      %dma_wait3A_680 = arith.constant 0 : i32
      %dma_wait3A_681 = arith.constant 0 : i32
      %dma_wait3A_682 = tpu.memref_slice %arg14[%dma_wait3A_680, %dma_wait3A_681] : memref<1x80xi32, #tpu.memory_space<vmem>> -> memref<1x80xi32, #tpu.memory_space<vmem>>
      %dma_wait3A_683 = tpu.memref_squeeze %dma_wait3A_682 : memref<1x80xi32, #tpu.memory_space<vmem>> -> memref<80xi32, #tpu.memory_space<vmem>>
      %dma_wait3A_684 = arith.constant 0 : i32
      %dma_wait3A_685 = arith.constant 0 : i32
      %dma_wait3A_686 = tpu.memref_slice %arg22[%dma_wait3A_684, %dma_wait3A_685] : memref<10000x128xf32, #tpu.memory_space<vmem_shared>> -> memref<10000x128xf32, #tpu.memory_space<vmem_shared>>
      tpu.wait_indirect_dma semaphore(%arg27 : memref<!tpu.dma_semaphore, #tpu.memory_space<semaphore_mem>>) src(%arg18 : memref<80x128xf32, #tpu.memory_space<vmem>>) dst(%dma_wait3A_686 : memref<10000x128xf32, #tpu.memory_space<vmem_shared>>)
      %eq3A_687 = arith.constant 0 : i32
      %eq3A_688 = arith.cmpi eq, %arg0, %eq3A_687 : i32
      %convert_element_type3A_689 = arith.extui %eq3A_688 : i1 to i32
      %cond3A_690 = arith.constant 0 : i32
      %cond3A_691 = arith.cmpi ne, %convert_element_type3A_689, %cond3A_690 : i32
      scf.if %cond3A_691 {
        %dma_wait3A_697 = arith.constant 0 : i32
        %dma_wait3A_698 = arith.constant 0 : i32
        %dma_wait3A_699 = tpu.memref_slice %arg14[%dma_wait3A_697, %dma_wait3A_698] : memref<1x80xi32, #tpu.memory_space<vmem>> -> memref<1x80xi32, #tpu.memory_space<vmem>>
        %dma_wait3A_700 = tpu.memref_squeeze %dma_wait3A_699 : memref<1x80xi32, #tpu.memory_space<vmem>> -> memref<80xi32, #tpu.memory_space<vmem>>
        %dma_wait3A_701 = arith.constant 0 : i32
        %dma_wait3A_702 = tpu.memref_slice %arg23[%dma_wait3A_701] : memref<10000xf32, #tpu.memory_space<vmem_shared>> -> memref<10000xf32, #tpu.memory_space<vmem_shared>>
        tpu.wait_indirect_dma semaphore(%arg27 : memref<!tpu.dma_semaphore, #tpu.memory_space<semaphore_mem>>) src(%arg19 : memref<80xf32, #tpu.memory_space<vmem>>) dst(%dma_wait3A_702 : memref<10000xf32, #tpu.memory_space<vmem_shared>>)
      } else {
      }
      %lt3A_692 = arith.constant 61 : i32
      %lt3A_693 = arith.cmpi slt, %while3A_409, %lt3A_692 : i32
      %convert_element_type3A_694 = arith.extui %lt3A_693 : i1 to i32
      %cond3A_695 = arith.constant 0 : i32
      %cond3A_696 = arith.cmpi ne, %convert_element_type3A_694, %cond3A_695 : i32
      scf.if %cond3A_696 {
        %add3A_697 = arith.constant 2 : i32
        %add3A_698 = arith.addi %add3A_413, %add3A_697 : i32
        %mul3A_699 = arith.constant 80 : i32
        %mul3A_700 = arith.muli %add3A_698, %mul3A_699 : i32
        %dma_start3A_701 = tpu.memref_slice %arg11[%mul3A_700] : memref<10000xi32, #tpu.memory_space<vmem>> -> memref<80xi32, #tpu.memory_space<vmem>>
        %dma_start3A_702 = arith.constant 0 : i32
        %dma_start3A_703 = arith.constant 0 : i32
        %dma_start3A_704 = tpu.memref_slice %arg6[%dma_start3A_702, %dma_start3A_703] : memref<20000x128xf32, #tpu.memory_space<hbm>> -> memref<20000x128xf32, #tpu.memory_space<hbm>>
        tpu.enqueue_indirect_dma source(%dma_start3A_704 : memref<20000x128xf32, #tpu.memory_space<hbm>>) target(%arg18 : memref<80x128xf32, #tpu.memory_space<vmem>>) offsets(%dma_start3A_701 : memref<80xi32, #tpu.memory_space<vmem>>) semaphore(%arg25 : memref<!tpu.dma_semaphore, #tpu.memory_space<semaphore_mem>>)
        %mul3A_705 = arith.constant 80 : i32
        %mul3A_706 = arith.muli %add3A_698, %mul3A_705 : i32
        %dma_start3A_707 = tpu.memref_slice %arg12[%mul3A_706] : memref<10000xi32, #tpu.memory_space<vmem>> -> memref<80xi32, #tpu.memory_space<vmem>>
        %dma_start3A_708 = arith.constant 0 : i32
        %dma_start3A_709 = tpu.memref_slice %arg7[%dma_start3A_708] : memref<40960000xf32, #tpu.memory_space<hbm>> -> memref<40960000xf32, #tpu.memory_space<hbm>>
        tpu.enqueue_indirect_dma source(%dma_start3A_709 : memref<40960000xf32, #tpu.memory_space<hbm>>) target(%arg16 : memref<80xf32, #tpu.memory_space<vmem>>) offsets(%dma_start3A_707 : memref<80xi32, #tpu.memory_space<vmem>>) semaphore(%arg25 : memref<!tpu.dma_semaphore, #tpu.memory_space<semaphore_mem>>)
        %mul3A_710 = arith.constant 125 : i32
        %mul3A_711 = arith.muli %arg1, %mul3A_710 : i32
        %add3A_712 = arith.addi %mul3A_711, %add3A_698 : i32
        %dma_start3A_713 = arith.constant 0 : i32
        %dma_start3A_714 = arith.constant 0 : i32
        %dma_start3A_715 = tpu.memref_slice %arg4[%add3A_712, %dma_start3A_713, %dma_start3A_714] : memref<2000x1x80xi32, #tpu.memory_space<hbm>> -> memref<1x1x80xi32, #tpu.memory_space<hbm>>
        %dma_start3A_716 = tpu.memref_squeeze %dma_start3A_715 : memref<1x1x80xi32, #tpu.memory_space<hbm>> -> memref<1x80xi32, #tpu.memory_space<hbm>>
        %dma_start3A_717 = arith.constant 0 : i32
        %dma_start3A_718 = arith.constant 0 : i32
        %dma_start3A_719 = tpu.memref_slice %arg4[%add3A_712, %dma_start3A_717, %dma_start3A_718] : memref<2000x1x80xi32, #tpu.memory_space<hbm>> -> memref<1x1x80xi32, #tpu.memory_space<hbm>>
        %dma_start3A_720 = tpu.memref_squeeze %dma_start3A_719 : memref<1x1x80xi32, #tpu.memory_space<hbm>> -> memref<1x80xi32, #tpu.memory_space<hbm>>
        tpu.enqueue_dma source(%dma_start3A_720 : memref<1x80xi32, #tpu.memory_space<hbm>>) target(%arg14 : memref<1x80xi32, #tpu.memory_space<vmem>>) target_semaphore(%arg25 : memref<!tpu.dma_semaphore, #tpu.memory_space<semaphore_mem>>)
      } else {
      }
    }
    %while3A_277 = arith.constant 1 : i32
    scf.for %while3A_409 = %while3A_275 to %while3A_271 step %while3A_277  : i32 {
      %mul3A_410 = arith.constant 2 : i32
      %mul3A_411 = arith.muli %while3A_409, %mul3A_410 : i32
      %add3A_412 = arith.constant 1 : i32
      %add3A_413 = arith.addi %mul3A_411, %add3A_412 : i32
      %mul3A_414 = arith.constant 80 : i32
      %mul3A_415 = arith.muli %mul3A_411, %mul3A_414 : i32
      %dma_wait3A_416 = tpu.memref_slice %arg11[%mul3A_415] : memref<10000xi32, #tpu.memory_space<vmem>> -> memref<80xi32, #tpu.memory_space<vmem>>
      %dma_wait3A_417 = arith.constant 0 : i32
      %dma_wait3A_418 = arith.constant 0 : i32
      %dma_wait3A_419 = tpu.memref_slice %arg6[%dma_wait3A_417, %dma_wait3A_418] : memref<20000x128xf32, #tpu.memory_space<hbm>> -> memref<20000x128xf32, #tpu.memory_space<hbm>>
      tpu.wait_indirect_dma semaphore(%arg24 : memref<!tpu.dma_semaphore, #tpu.memory_space<semaphore_mem>>) src(%dma_wait3A_419 : memref<20000x128xf32, #tpu.memory_space<hbm>>) dst(%arg17 : memref<80x128xf32, #tpu.memory_space<vmem>>)
      %mul3A_420 = arith.constant 80 : i32
      %mul3A_421 = arith.muli %mul3A_411, %mul3A_420 : i32
      %dma_wait3A_422 = tpu.memref_slice %arg12[%mul3A_421] : memref<10000xi32, #tpu.memory_space<vmem>> -> memref<80xi32, #tpu.memory_space<vmem>>
      %dma_wait3A_423 = arith.constant 0 : i32
      %dma_wait3A_424 = tpu.memref_slice %arg7[%dma_wait3A_423] : memref<40960000xf32, #tpu.memory_space<hbm>> -> memref<40960000xf32, #tpu.memory_space<hbm>>
      tpu.wait_indirect_dma semaphore(%arg24 : memref<!tpu.dma_semaphore, #tpu.memory_space<semaphore_mem>>) src(%dma_wait3A_424 : memref<40960000xf32, #tpu.memory_space<hbm>>) dst(%arg15 : memref<80xf32, #tpu.memory_space<vmem>>)
      %mul3A_425 = arith.constant 125 : i32
      %mul3A_426 = arith.muli %arg1, %mul3A_425 : i32
      %add3A_427 = arith.addi %mul3A_426, %mul3A_411 : i32
      %dma_wait3A_428 = arith.constant 0 : i32
      %dma_wait3A_429 = arith.constant 0 : i32
      %dma_wait3A_430 = tpu.memref_slice %arg4[%add3A_427, %dma_wait3A_428, %dma_wait3A_429] : memref<2000x1x80xi32, #tpu.memory_space<hbm>> -> memref<1x1x80xi32, #tpu.memory_space<hbm>>
      %dma_wait3A_431 = tpu.memref_squeeze %dma_wait3A_430 : memref<1x1x80xi32, #tpu.memory_space<hbm>> -> memref<1x80xi32, #tpu.memory_space<hbm>>
      %dma_wait3A_432 = arith.constant 0 : i32
      %dma_wait3A_433 = arith.constant 0 : i32
      %dma_wait3A_434 = tpu.memref_slice %arg4[%add3A_427, %dma_wait3A_432, %dma_wait3A_433] : memref<2000x1x80xi32, #tpu.memory_space<hbm>> -> memref<1x1x80xi32, #tpu.memory_space<hbm>>
      %dma_wait3A_435 = tpu.memref_squeeze %dma_wait3A_434 : memref<1x1x80xi32, #tpu.memory_space<hbm>> -> memref<1x80xi32, #tpu.memory_space<hbm>>
      tpu.wait_dma2 semaphore(%arg24 : memref<!tpu.dma_semaphore, #tpu.memory_space<semaphore_mem>>) src(%dma_wait3A_435 : memref<1x80xi32, #tpu.memory_space<hbm>>) dst(%arg13 : memref<1x80xi32, #tpu.memory_space<vmem>>)
      %get3A_436 = arith.constant 0 : index
      %get3A_437 = tpu.vector_load %arg15[%get3A_436] {strides = array<i32>} : memref<80xf32, #tpu.memory_space<vmem>>, vector<16xf32>,
      %exp3A_438 = math.exp %get3A_437 : vector<16xf32>
      %swap3A_439 = arith.constant 0 : index
      %swap3A_440 = tpu.vector_load %arg15[%swap3A_439] {strides = array<i32>} : memref<80xf32, #tpu.memory_space<vmem>>, vector<16xf32>,
      tpu.vector_store %arg15[%swap3A_439], %exp3A_438 {strides = array<i32>} : memref<80xf32, #tpu.memory_space<vmem>>, vector<16xf32>,
      %get3A_441 = arith.constant 0 : i64
      %get3A_442 = arith.index_cast %get3A_441 : i64 to index
      %get3A_443 = arith.constant 0 : index
      %get3A_444 = tpu.vector_load %arg21[%get3A_442, %get3A_443] {strides = array<i32>} : memref<1x16xf32, #tpu.memory_space<vmem>>, vector<16xf32>,
      %add3A_445 = arith.addf %get3A_444, %exp3A_438 : vector<16xf32>
      %swap3A_446 = arith.constant 0 : i64
      %swap3A_447 = arith.index_cast %swap3A_446 : i64 to index
      %swap3A_448 = arith.constant 0 : index
      %swap3A_449 = tpu.vector_load %arg21[%swap3A_447, %swap3A_448] {strides = array<i32>} : memref<1x16xf32, #tpu.memory_space<vmem>>, vector<16xf32>,
      tpu.vector_store %arg21[%swap3A_447, %swap3A_448], %add3A_445 {strides = array<i32>} : memref<1x16xf32, #tpu.memory_space<vmem>>, vector<16xf32>,
      %get3A_450 = arith.constant 16 : index
      %get3A_451 = tpu.vector_load %arg15[%get3A_450] {strides = array<i32>} : memref<80xf32, #tpu.memory_space<vmem>>, vector<16xf32>,
      %exp3A_452 = math.exp %get3A_451 : vector<16xf32>
      %swap3A_453 = arith.constant 16 : index
      %swap3A_454 = tpu.vector_load %arg15[%swap3A_453] {strides = array<i32>} : memref<80xf32, #tpu.memory_space<vmem>>, vector<16xf32>,
      tpu.vector_store %arg15[%swap3A_453], %exp3A_452 {strides = array<i32>} : memref<80xf32, #tpu.memory_space<vmem>>, vector<16xf32>,
      %get3A_455 = arith.constant 0 : i64
      %get3A_456 = arith.index_cast %get3A_455 : i64 to index
      %get3A_457 = arith.constant 0 : index
      %get3A_458 = tpu.vector_load %arg21[%get3A_456, %get3A_457] {strides = array<i32>} : memref<1x16xf32, #tpu.memory_space<vmem>>, vector<16xf32>,
      %add3A_459 = arith.addf %get3A_458, %exp3A_452 : vector<16xf32>
      %swap3A_460 = arith.constant 0 : i64
      %swap3A_461 = arith.index_cast %swap3A_460 : i64 to index
      %swap3A_462 = arith.constant 0 : index
      %swap3A_463 = tpu.vector_load %arg21[%swap3A_461, %swap3A_462] {strides = array<i32>} : memref<1x16xf32, #tpu.memory_space<vmem>>, vector<16xf32>,
      tpu.vector_store %arg21[%swap3A_461, %swap3A_462], %add3A_459 {strides = array<i32>} : memref<1x16xf32, #tpu.memory_space<vmem>>, vector<16xf32>,
      %get3A_464 = arith.constant 32 : index
      %get3A_465 = tpu.vector_load %arg15[%get3A_464] {strides = array<i32>} : memref<80xf32, #tpu.memory_space<vmem>>, vector<16xf32>,
      %exp3A_466 = math.exp %get3A_465 : vector<16xf32>
      %swap3A_467 = arith.constant 32 : index
      %swap3A_468 = tpu.vector_load %arg15[%swap3A_467] {strides = array<i32>} : memref<80xf32, #tpu.memory_space<vmem>>, vector<16xf32>,
      tpu.vector_store %arg15[%swap3A_467], %exp3A_466 {strides = array<i32>} : memref<80xf32, #tpu.memory_space<vmem>>, vector<16xf32>,
      %get3A_469 = arith.constant 0 : i64
      %get3A_470 = arith.index_cast %get3A_469 : i64 to index
      %get3A_471 = arith.constant 0 : index
      %get3A_472 = tpu.vector_load %arg21[%get3A_470, %get3A_471] {strides = array<i32>} : memref<1x16xf32, #tpu.memory_space<vmem>>, vector<16xf32>,
      %add3A_473 = arith.addf %get3A_472, %exp3A_466 : vector<16xf32>
      %swap3A_474 = arith.constant 0 : i64
      %swap3A_475 = arith.index_cast %swap3A_474 : i64 to index
      %swap3A_476 = arith.constant 0 : index
      %swap3A_477 = tpu.vector_load %arg21[%swap3A_475, %swap3A_476] {strides = array<i32>} : memref<1x16xf32, #tpu.memory_space<vmem>>, vector<16xf32>,
      tpu.vector_store %arg21[%swap3A_475, %swap3A_476], %add3A_473 {strides = array<i32>} : memref<1x16xf32, #tpu.memory_space<vmem>>, vector<16xf32>,
      %get3A_478 = arith.constant 48 : index
      %get3A_479 = tpu.vector_load %arg15[%get3A_478] {strides = array<i32>} : memref<80xf32, #tpu.memory_space<vmem>>, vector<16xf32>,
      %exp3A_480 = math.exp %get3A_479 : vector<16xf32>
      %swap3A_481 = arith.constant 48 : index
      %swap3A_482 = tpu.vector_load %arg15[%swap3A_481] {strides = array<i32>} : memref<80xf32, #tpu.memory_space<vmem>>, vector<16xf32>,
      tpu.vector_store %arg15[%swap3A_481], %exp3A_480 {strides = array<i32>} : memref<80xf32, #tpu.memory_space<vmem>>, vector<16xf32>,
      %get3A_483 = arith.constant 0 : i64
      %get3A_484 = arith.index_cast %get3A_483 : i64 to index
      %get3A_485 = arith.constant 0 : index
      %get3A_486 = tpu.vector_load %arg21[%get3A_484, %get3A_485] {strides = array<i32>} : memref<1x16xf32, #tpu.memory_space<vmem>>, vector<16xf32>,
      %add3A_487 = arith.addf %get3A_486, %exp3A_480 : vector<16xf32>
      %swap3A_488 = arith.constant 0 : i64
      %swap3A_489 = arith.index_cast %swap3A_488 : i64 to index
      %swap3A_490 = arith.constant 0 : index
      %swap3A_491 = tpu.vector_load %arg21[%swap3A_489, %swap3A_490] {strides = array<i32>} : memref<1x16xf32, #tpu.memory_space<vmem>>, vector<16xf32>,
      tpu.vector_store %arg21[%swap3A_489, %swap3A_490], %add3A_487 {strides = array<i32>} : memref<1x16xf32, #tpu.memory_space<vmem>>, vector<16xf32>,
      %get3A_492 = arith.constant 64 : index
      %get3A_493 = tpu.vector_load %arg15[%get3A_492] {strides = array<i32>} : memref<80xf32, #tpu.memory_space<vmem>>, vector<16xf32>,
      %exp3A_494 = math.exp %get3A_493 : vector<16xf32>
      %swap3A_495 = arith.constant 64 : index
      %swap3A_496 = tpu.vector_load %arg15[%swap3A_495] {strides = array<i32>} : memref<80xf32, #tpu.memory_space<vmem>>, vector<16xf32>,
      tpu.vector_store %arg15[%swap3A_495], %exp3A_494 {strides = array<i32>} : memref<80xf32, #tpu.memory_space<vmem>>, vector<16xf32>,
      %get3A_497 = arith.constant 0 : i64
      %get3A_498 = arith.index_cast %get3A_497 : i64 to index
      %get3A_499 = arith.constant 0 : index
      %get3A_500 = tpu.vector_load %arg21[%get3A_498, %get3A_499] {strides = array<i32>} : memref<1x16xf32, #tpu.memory_space<vmem>>, vector<16xf32>,
      %add3A_501 = arith.addf %get3A_500, %exp3A_494 : vector<16xf32>
      %swap3A_502 = arith.constant 0 : i64
      %swap3A_503 = arith.index_cast %swap3A_502 : i64 to index
      %swap3A_504 = arith.constant 0 : index
      %swap3A_505 = tpu.vector_load %arg21[%swap3A_503, %swap3A_504] {strides = array<i32>} : memref<1x16xf32, #tpu.memory_space<vmem>>, vector<16xf32>,
      tpu.vector_store %arg21[%swap3A_503, %swap3A_504], %add3A_501 {strides = array<i32>} : memref<1x16xf32, #tpu.memory_space<vmem>>, vector<16xf32>,
      %while3A_506 = arith.constant 0 : i32
      %while3A_507 = arith.constant 0 : i32
      %while3A_508 = arith.constant 20 : i32
      %while3A_509 = arith.subi %while3A_508, %while3A_507 : i32
      %while3A_510 = arith.addi %while3A_507, %while3A_509 : i32
      %while3A_511 = arith.constant 1 : i32
      %while3A_512 = arith.divsi %while3A_509, %while3A_511 : i32
      %while3A_513 = arith.muli %while3A_512, %while3A_511 : i32
      %while3A_514 = arith.addi %while3A_507, %while3A_513 : i32
      %while3A_515 = arith.constant 1 : i32
      scf.for %while3A_697 = %while3A_507 to %while3A_514 step %while3A_515  : i32 {
        %mul3A_698 = arith.constant 4 : i32
        %mul3A_699 = arith.muli %while3A_697, %mul3A_698 : i32
        %add3A_700 = arith.constant 0 : i32
        %add3A_701 = arith.addi %mul3A_699, %add3A_700 : i32
        %broadcast_in_dim3A_702 = vector.broadcast %add3A_701 : i32 to vector<16xi32>
        %gather3A = tpu.vector_load_idx %arg15[%broadcast_in_dim3A_702] : memref<80xf32, #tpu.memory_space<vmem>>[vector<16xi32>], vector<16xf32>,
        %get3A_703 = arith.index_cast %add3A_701 : i32 to index
        %get3A_704 = arith.constant 0 : index
        %get3A_705 = tpu.vector_load %arg17[%get3A_703, %get3A_704] {strides = array<i32>} : memref<80x128xf32, #tpu.memory_space<vmem>>, vector<16xf32>,
        %mul3A_706 = arith.mulf %get3A_705, %gather3A : vector<16xf32>
        %swap3A_707 = arith.index_cast %add3A_701 : i32 to index
        %swap3A_708 = arith.constant 0 : index
        %swap3A_709 = tpu.vector_load %arg17[%swap3A_707, %swap3A_708] {strides = array<i32>} : memref<80x128xf32, #tpu.memory_space<vmem>>, vector<16xf32>,
        tpu.vector_store %arg17[%swap3A_707, %swap3A_708], %mul3A_706 {strides = array<i32>} : memref<80x128xf32, #tpu.memory_space<vmem>>, vector<16xf32>,
        %get3A_710 = arith.index_cast %add3A_701 : i32 to index
        %get3A_711 = arith.constant 16 : index
        %get3A_712 = tpu.vector_load %arg17[%get3A_710, %get3A_711] {strides = array<i32>} : memref<80x128xf32, #tpu.memory_space<vmem>>, vector<16xf32>,
        %mul3A_713 = arith.mulf %get3A_712, %gather3A : vector<16xf32>
        %swap3A_714 = arith.index_cast %add3A_701 : i32 to index
        %swap3A_715 = arith.constant 16 : index
        %swap3A_716 = tpu.vector_load %arg17[%swap3A_714, %swap3A_715] {strides = array<i32>} : memref<80x128xf32, #tpu.memory_space<vmem>>, vector<16xf32>,
        tpu.vector_store %arg17[%swap3A_714, %swap3A_715], %mul3A_713 {strides = array<i32>} : memref<80x128xf32, #tpu.memory_space<vmem>>, vector<16xf32>,
        %get3A_717 = arith.index_cast %add3A_701 : i32 to index
        %get3A_718 = arith.constant 32 : index
        %get3A_719 = tpu.vector_load %arg17[%get3A_717, %get3A_718] {strides = array<i32>} : memref<80x128xf32, #tpu.memory_space<vmem>>, vector<16xf32>,
        %mul3A_720 = arith.mulf %get3A_719, %gather3A : vector<16xf32>
        %swap3A_721 = arith.index_cast %add3A_701 : i32 to index
        %swap3A_722 = arith.constant 32 : index
        %swap3A_723 = tpu.vector_load %arg17[%swap3A_721, %swap3A_722] {strides = array<i32>} : memref<80x128xf32, #tpu.memory_space<vmem>>, vector<16xf32>,
        tpu.vector_store %arg17[%swap3A_721, %swap3A_722], %mul3A_720 {strides = array<i32>} : memref<80x128xf32, #tpu.memory_space<vmem>>, vector<16xf32>,
        %get3A_724 = arith.index_cast %add3A_701 : i32 to index
        %get3A_725 = arith.constant 48 : index
        %get3A_726 = tpu.vector_load %arg17[%get3A_724, %get3A_725] {strides = array<i32>} : memref<80x128xf32, #tpu.memory_space<vmem>>, vector<16xf32>,
        %mul3A_727 = arith.mulf %get3A_726, %gather3A : vector<16xf32>
        %swap3A_728 = arith.index_cast %add3A_701 : i32 to index
        %swap3A_729 = arith.constant 48 : index
        %swap3A_730 = tpu.vector_load %arg17[%swap3A_728, %swap3A_729] {strides = array<i32>} : memref<80x128xf32, #tpu.memory_space<vmem>>, vector<16xf32>,
        tpu.vector_store %arg17[%swap3A_728, %swap3A_729], %mul3A_727 {strides = array<i32>} : memref<80x128xf32, #tpu.memory_space<vmem>>, vector<16xf32>,
        %get3A_731 = arith.index_cast %add3A_701 : i32 to index
        %get3A_732 = arith.constant 64 : index
        %get3A_733 = tpu.vector_load %arg17[%get3A_731, %get3A_732] {strides = array<i32>} : memref<80x128xf32, #tpu.memory_space<vmem>>, vector<16xf32>,
        %mul3A_734 = arith.mulf %get3A_733, %gather3A : vector<16xf32>
        %swap3A_735 = arith.index_cast %add3A_701 : i32 to index
        %swap3A_736 = arith.constant 64 : index
        %swap3A_737 = tpu.vector_load %arg17[%swap3A_735, %swap3A_736] {strides = array<i32>} : memref<80x128xf32, #tpu.memory_space<vmem>>, vector<16xf32>,
        tpu.vector_store %arg17[%swap3A_735, %swap3A_736], %mul3A_734 {strides = array<i32>} : memref<80x128xf32, #tpu.memory_space<vmem>>, vector<16xf32>,
        %get3A_738 = arith.index_cast %add3A_701 : i32 to index
        %get3A_739 = arith.constant 80 : index
        %get3A_740 = tpu.vector_load %arg17[%get3A_738, %get3A_739] {strides = array<i32>} : memref<80x128xf32, #tpu.memory_space<vmem>>, vector<16xf32>,
        %mul3A_741 = arith.mulf %get3A_740, %gather3A : vector<16xf32>
        %swap3A_742 = arith.index_cast %add3A_701 : i32 to index
        %swap3A_743 = arith.constant 80 : index
        %swap3A_744 = tpu.vector_load %arg17[%swap3A_742, %swap3A_743] {strides = array<i32>} : memref<80x128xf32, #tpu.memory_space<vmem>>, vector<16xf32>,
        tpu.vector_store %arg17[%swap3A_742, %swap3A_743], %mul3A_741 {strides = array<i32>} : memref<80x128xf32, #tpu.memory_space<vmem>>, vector<16xf32>,
        %get3A_745 = arith.index_cast %add3A_701 : i32 to index
        %get3A_746 = arith.constant 96 : index
        %get3A_747 = tpu.vector_load %arg17[%get3A_745, %get3A_746] {strides = array<i32>} : memref<80x128xf32, #tpu.memory_space<vmem>>, vector<16xf32>,
        %mul3A_748 = arith.mulf %get3A_747, %gather3A : vector<16xf32>
        %swap3A_749 = arith.index_cast %add3A_701 : i32 to index
        %swap3A_750 = arith.constant 96 : index
        %swap3A_751 = tpu.vector_load %arg17[%swap3A_749, %swap3A_750] {strides = array<i32>} : memref<80x128xf32, #tpu.memory_space<vmem>>, vector<16xf32>,
        tpu.vector_store %arg17[%swap3A_749, %swap3A_750], %mul3A_748 {strides = array<i32>} : memref<80x128xf32, #tpu.memory_space<vmem>>, vector<16xf32>,
        %get3A_752 = arith.index_cast %add3A_701 : i32 to index
        %get3A_753 = arith.constant 112 : index
        %get3A_754 = tpu.vector_load %arg17[%get3A_752, %get3A_753] {strides = array<i32>} : memref<80x128xf32, #tpu.memory_space<vmem>>, vector<16xf32>,
        %mul3A_755 = arith.mulf %get3A_754, %gather3A : vector<16xf32>
        %swap3A_756 = arith.index_cast %add3A_701 : i32 to index
        %swap3A_757 = arith.constant 112 : index
        %swap3A_758 = tpu.vector_load %arg17[%swap3A_756, %swap3A_757] {strides = array<i32>} : memref<80x128xf32, #tpu.memory_space<vmem>>, vector<16xf32>,
        tpu.vector_store %arg17[%swap3A_756, %swap3A_757], %mul3A_755 {strides = array<i32>} : memref<80x128xf32, #tpu.memory_space<vmem>>, vector<16xf32>,
        %mul3A_759 = arith.constant 4 : i32
        %mul3A_760 = arith.muli %while3A_697, %mul3A_759 : i32
        %add3A_761 = arith.constant 1 : i32
        %add3A_762 = arith.addi %mul3A_760, %add3A_761 : i32
        %broadcast_in_dim3A_763 = vector.broadcast %add3A_762 : i32 to vector<16xi32>
        %gather3A_764 = tpu.vector_load_idx %arg15[%broadcast_in_dim3A_763] : memref<80xf32, #tpu.memory_space<vmem>>[vector<16xi32>], vector<16xf32>,
        %get3A_765 = arith.index_cast %add3A_762 : i32 to index
        %get3A_766 = arith.constant 0 : index
        %get3A_767 = tpu.vector_load %arg17[%get3A_765, %get3A_766] {strides = array<i32>} : memref<80x128xf32, #tpu.memory_space<vmem>>, vector<16xf32>,
        %mul3A_768 = arith.mulf %get3A_767, %gather3A_764 : vector<16xf32>
        %swap3A_769 = arith.index_cast %add3A_762 : i32 to index
        %swap3A_770 = arith.constant 0 : index
        %swap3A_771 = tpu.vector_load %arg17[%swap3A_769, %swap3A_770] {strides = array<i32>} : memref<80x128xf32, #tpu.memory_space<vmem>>, vector<16xf32>,
        tpu.vector_store %arg17[%swap3A_769, %swap3A_770], %mul3A_768 {strides = array<i32>} : memref<80x128xf32, #tpu.memory_space<vmem>>, vector<16xf32>,
        %get3A_772 = arith.index_cast %add3A_762 : i32 to index
        %get3A_773 = arith.constant 16 : index
        %get3A_774 = tpu.vector_load %arg17[%get3A_772, %get3A_773] {strides = array<i32>} : memref<80x128xf32, #tpu.memory_space<vmem>>, vector<16xf32>,
        %mul3A_775 = arith.mulf %get3A_774, %gather3A_764 : vector<16xf32>
        %swap3A_776 = arith.index_cast %add3A_762 : i32 to index
        %swap3A_777 = arith.constant 16 : index
        %swap3A_778 = tpu.vector_load %arg17[%swap3A_776, %swap3A_777] {strides = array<i32>} : memref<80x128xf32, #tpu.memory_space<vmem>>, vector<16xf32>,
        tpu.vector_store %arg17[%swap3A_776, %swap3A_777], %mul3A_775 {strides = array<i32>} : memref<80x128xf32, #tpu.memory_space<vmem>>, vector<16xf32>,
        %get3A_779 = arith.index_cast %add3A_762 : i32 to index
        %get3A_780 = arith.constant 32 : index
        %get3A_781 = tpu.vector_load %arg17[%get3A_779, %get3A_780] {strides = array<i32>} : memref<80x128xf32, #tpu.memory_space<vmem>>, vector<16xf32>,
        %mul3A_782 = arith.mulf %get3A_781, %gather3A_764 : vector<16xf32>
        %swap3A_783 = arith.index_cast %add3A_762 : i32 to index
        %swap3A_784 = arith.constant 32 : index
        %swap3A_785 = tpu.vector_load %arg17[%swap3A_783, %swap3A_784] {strides = array<i32>} : memref<80x128xf32, #tpu.memory_space<vmem>>, vector<16xf32>,
        tpu.vector_store %arg17[%swap3A_783, %swap3A_784], %mul3A_782 {strides = array<i32>} : memref<80x128xf32, #tpu.memory_space<vmem>>, vector<16xf32>,
        %get3A_786 = arith.index_cast %add3A_762 : i32 to index
        %get3A_787 = arith.constant 48 : index
        %get3A_788 = tpu.vector_load %arg17[%get3A_786, %get3A_787] {strides = array<i32>} : memref<80x128xf32, #tpu.memory_space<vmem>>, vector<16xf32>,
        %mul3A_789 = arith.mulf %get3A_788, %gather3A_764 : vector<16xf32>
        %swap3A_790 = arith.index_cast %add3A_762 : i32 to index
        %swap3A_791 = arith.constant 48 : index
        %swap3A_792 = tpu.vector_load %arg17[%swap3A_790, %swap3A_791] {strides = array<i32>} : memref<80x128xf32, #tpu.memory_space<vmem>>, vector<16xf32>,
        tpu.vector_store %arg17[%swap3A_790, %swap3A_791], %mul3A_789 {strides = array<i32>} : memref<80x128xf32, #tpu.memory_space<vmem>>, vector<16xf32>,
        %get3A_793 = arith.index_cast %add3A_762 : i32 to index
        %get3A_794 = arith.constant 64 : index
        %get3A_795 = tpu.vector_load %arg17[%get3A_793, %get3A_794] {strides = array<i32>} : memref<80x128xf32, #tpu.memory_space<vmem>>, vector<16xf32>,
        %mul3A_796 = arith.mulf %get3A_795, %gather3A_764 : vector<16xf32>
        %swap3A_797 = arith.index_cast %add3A_762 : i32 to index
        %swap3A_798 = arith.constant 64 : index
        %swap3A_799 = tpu.vector_load %arg17[%swap3A_797, %swap3A_798] {strides = array<i32>} : memref<80x128xf32, #tpu.memory_space<vmem>>, vector<16xf32>,
        tpu.vector_store %arg17[%swap3A_797, %swap3A_798], %mul3A_796 {strides = array<i32>} : memref<80x128xf32, #tpu.memory_space<vmem>>, vector<16xf32>,
        %get3A_800 = arith.index_cast %add3A_762 : i32 to index
        %get3A_801 = arith.constant 80 : index
        %get3A_802 = tpu.vector_load %arg17[%get3A_800, %get3A_801] {strides = array<i32>} : memref<80x128xf32, #tpu.memory_space<vmem>>, vector<16xf32>,
        %mul3A_803 = arith.mulf %get3A_802, %gather3A_764 : vector<16xf32>
        %swap3A_804 = arith.index_cast %add3A_762 : i32 to index
        %swap3A_805 = arith.constant 80 : index
        %swap3A_806 = tpu.vector_load %arg17[%swap3A_804, %swap3A_805] {strides = array<i32>} : memref<80x128xf32, #tpu.memory_space<vmem>>, vector<16xf32>,
        tpu.vector_store %arg17[%swap3A_804, %swap3A_805], %mul3A_803 {strides = array<i32>} : memref<80x128xf32, #tpu.memory_space<vmem>>, vector<16xf32>,
        %get3A_807 = arith.index_cast %add3A_762 : i32 to index
        %get3A_808 = arith.constant 96 : index
        %get3A_809 = tpu.vector_load %arg17[%get3A_807, %get3A_808] {strides = array<i32>} : memref<80x128xf32, #tpu.memory_space<vmem>>, vector<16xf32>,
        %mul3A_810 = arith.mulf %get3A_809, %gather3A_764 : vector<16xf32>
        %swap3A_811 = arith.index_cast %add3A_762 : i32 to index
        %swap3A_812 = arith.constant 96 : index
        %swap3A_813 = tpu.vector_load %arg17[%swap3A_811, %swap3A_812] {strides = array<i32>} : memref<80x128xf32, #tpu.memory_space<vmem>>, vector<16xf32>,
        tpu.vector_store %arg17[%swap3A_811, %swap3A_812], %mul3A_810 {strides = array<i32>} : memref<80x128xf32, #tpu.memory_space<vmem>>, vector<16xf32>,
        %get3A_814 = arith.index_cast %add3A_762 : i32 to index
        %get3A_815 = arith.constant 112 : index
        %get3A_816 = tpu.vector_load %arg17[%get3A_814, %get3A_815] {strides = array<i32>} : memref<80x128xf32, #tpu.memory_space<vmem>>, vector<16xf32>,
        %mul3A_817 = arith.mulf %get3A_816, %gather3A_764 : vector<16xf32>
        %swap3A_818 = arith.index_cast %add3A_762 : i32 to index
        %swap3A_819 = arith.constant 112 : index
        %swap3A_820 = tpu.vector_load %arg17[%swap3A_818, %swap3A_819] {strides = array<i32>} : memref<80x128xf32, #tpu.memory_space<vmem>>, vector<16xf32>,
        tpu.vector_store %arg17[%swap3A_818, %swap3A_819], %mul3A_817 {strides = array<i32>} : memref<80x128xf32, #tpu.memory_space<vmem>>, vector<16xf32>,
        %mul3A_821 = arith.constant 4 : i32
        %mul3A_822 = arith.muli %while3A_697, %mul3A_821 : i32
        %add3A_823 = arith.constant 2 : i32
        %add3A_824 = arith.addi %mul3A_822, %add3A_823 : i32
        %broadcast_in_dim3A_825 = vector.broadcast %add3A_824 : i32 to vector<16xi32>
        %gather3A_826 = tpu.vector_load_idx %arg15[%broadcast_in_dim3A_825] : memref<80xf32, #tpu.memory_space<vmem>>[vector<16xi32>], vector<16xf32>,
        %get3A_827 = arith.index_cast %add3A_824 : i32 to index
        %get3A_828 = arith.constant 0 : index
        %get3A_829 = tpu.vector_load %arg17[%get3A_827, %get3A_828] {strides = array<i32>} : memref<80x128xf32, #tpu.memory_space<vmem>>, vector<16xf32>,
        %mul3A_830 = arith.mulf %get3A_829, %gather3A_826 : vector<16xf32>
        %swap3A_831 = arith.index_cast %add3A_824 : i32 to index
        %swap3A_832 = arith.constant 0 : index
        %swap3A_833 = tpu.vector_load %arg17[%swap3A_831, %swap3A_832] {strides = array<i32>} : memref<80x128xf32, #tpu.memory_space<vmem>>, vector<16xf32>,
        tpu.vector_store %arg17[%swap3A_831, %swap3A_832], %mul3A_830 {strides = array<i32>} : memref<80x128xf32, #tpu.memory_space<vmem>>, vector<16xf32>,
        %get3A_834 = arith.index_cast %add3A_824 : i32 to index
        %get3A_835 = arith.constant 16 : index
        %get3A_836 = tpu.vector_load %arg17[%get3A_834, %get3A_835] {strides = array<i32>} : memref<80x128xf32, #tpu.memory_space<vmem>>, vector<16xf32>,
        %mul3A_837 = arith.mulf %get3A_836, %gather3A_826 : vector<16xf32>
        %swap3A_838 = arith.index_cast %add3A_824 : i32 to index
        %swap3A_839 = arith.constant 16 : index
        %swap3A_840 = tpu.vector_load %arg17[%swap3A_838, %swap3A_839] {strides = array<i32>} : memref<80x128xf32, #tpu.memory_space<vmem>>, vector<16xf32>,
        tpu.vector_store %arg17[%swap3A_838, %swap3A_839], %mul3A_837 {strides = array<i32>} : memref<80x128xf32, #tpu.memory_space<vmem>>, vector<16xf32>,
        %get3A_841 = arith.index_cast %add3A_824 : i32 to index
        %get3A_842 = arith.constant 32 : index
        %get3A_843 = tpu.vector_load %arg17[%get3A_841, %get3A_842] {strides = array<i32>} : memref<80x128xf32, #tpu.memory_space<vmem>>, vector<16xf32>,
        %mul3A_844 = arith.mulf %get3A_843, %gather3A_826 : vector<16xf32>
        %swap3A_845 = arith.index_cast %add3A_824 : i32 to index
        %swap3A_846 = arith.constant 32 : index
        %swap3A_847 = tpu.vector_load %arg17[%swap3A_845, %swap3A_846] {strides = array<i32>} : memref<80x128xf32, #tpu.memory_space<vmem>>, vector<16xf32>,
        tpu.vector_store %arg17[%swap3A_845, %swap3A_846], %mul3A_844 {strides = array<i32>} : memref<80x128xf32, #tpu.memory_space<vmem>>, vector<16xf32>,
        %get3A_848 = arith.index_cast %add3A_824 : i32 to index
        %get3A_849 = arith.constant 48 : index
        %get3A_850 = tpu.vector_load %arg17[%get3A_848, %get3A_849] {strides = array<i32>} : memref<80x128xf32, #tpu.memory_space<vmem>>, vector<16xf32>,
        %mul3A_851 = arith.mulf %get3A_850, %gather3A_826 : vector<16xf32>
        %swap3A_852 = arith.index_cast %add3A_824 : i32 to index
        %swap3A_853 = arith.constant 48 : index
        %swap3A_854 = tpu.vector_load %arg17[%swap3A_852, %swap3A_853] {strides = array<i32>} : memref<80x128xf32, #tpu.memory_space<vmem>>, vector<16xf32>,
        tpu.vector_store %arg17[%swap3A_852, %swap3A_853], %mul3A_851 {strides = array<i32>} : memref<80x128xf32, #tpu.memory_space<vmem>>, vector<16xf32>,
        %get3A_855 = arith.index_cast %add3A_824 : i32 to index
        %get3A_856 = arith.constant 64 : index
        %get3A_857 = tpu.vector_load %arg17[%get3A_855, %get3A_856] {strides = array<i32>} : memref<80x128xf32, #tpu.memory_space<vmem>>, vector<16xf32>,
        %mul3A_858 = arith.mulf %get3A_857, %gather3A_826 : vector<16xf32>
        %swap3A_859 = arith.index_cast %add3A_824 : i32 to index
        %swap3A_860 = arith.constant 64 : index
        %swap3A_861 = tpu.vector_load %arg17[%swap3A_859, %swap3A_860] {strides = array<i32>} : memref<80x128xf32, #tpu.memory_space<vmem>>, vector<16xf32>,
        tpu.vector_store %arg17[%swap3A_859, %swap3A_860], %mul3A_858 {strides = array<i32>} : memref<80x128xf32, #tpu.memory_space<vmem>>, vector<16xf32>,
        %get3A_862 = arith.index_cast %add3A_824 : i32 to index
        %get3A_863 = arith.constant 80 : index
        %get3A_864 = tpu.vector_load %arg17[%get3A_862, %get3A_863] {strides = array<i32>} : memref<80x128xf32, #tpu.memory_space<vmem>>, vector<16xf32>,
        %mul3A_865 = arith.mulf %get3A_864, %gather3A_826 : vector<16xf32>
        %swap3A_866 = arith.index_cast %add3A_824 : i32 to index
        %swap3A_867 = arith.constant 80 : index
        %swap3A_868 = tpu.vector_load %arg17[%swap3A_866, %swap3A_867] {strides = array<i32>} : memref<80x128xf32, #tpu.memory_space<vmem>>, vector<16xf32>,
        tpu.vector_store %arg17[%swap3A_866, %swap3A_867], %mul3A_865 {strides = array<i32>} : memref<80x128xf32, #tpu.memory_space<vmem>>, vector<16xf32>,
        %get3A_869 = arith.index_cast %add3A_824 : i32 to index
        %get3A_870 = arith.constant 96 : index
        %get3A_871 = tpu.vector_load %arg17[%get3A_869, %get3A_870] {strides = array<i32>} : memref<80x128xf32, #tpu.memory_space<vmem>>, vector<16xf32>,
        %mul3A_872 = arith.mulf %get3A_871, %gather3A_826 : vector<16xf32>
        %swap3A_873 = arith.index_cast %add3A_824 : i32 to index
        %swap3A_874 = arith.constant 96 : index
        %swap3A_875 = tpu.vector_load %arg17[%swap3A_873, %swap3A_874] {strides = array<i32>} : memref<80x128xf32, #tpu.memory_space<vmem>>, vector<16xf32>,
        tpu.vector_store %arg17[%swap3A_873, %swap3A_874], %mul3A_872 {strides = array<i32>} : memref<80x128xf32, #tpu.memory_space<vmem>>, vector<16xf32>,
        %get3A_876 = arith.index_cast %add3A_824 : i32 to index
        %get3A_877 = arith.constant 112 : index
        %get3A_878 = tpu.vector_load %arg17[%get3A_876, %get3A_877] {strides = array<i32>} : memref<80x128xf32, #tpu.memory_space<vmem>>, vector<16xf32>,
        %mul3A_879 = arith.mulf %get3A_878, %gather3A_826 : vector<16xf32>
        %swap3A_880 = arith.index_cast %add3A_824 : i32 to index
        %swap3A_881 = arith.constant 112 : index
        %swap3A_882 = tpu.vector_load %arg17[%swap3A_880, %swap3A_881] {strides = array<i32>} : memref<80x128xf32, #tpu.memory_space<vmem>>, vector<16xf32>,
        tpu.vector_store %arg17[%swap3A_880, %swap3A_881], %mul3A_879 {strides = array<i32>} : memref<80x128xf32, #tpu.memory_space<vmem>>, vector<16xf32>,
        %mul3A_883 = arith.constant 4 : i32
        %mul3A_884 = arith.muli %while3A_697, %mul3A_883 : i32
        %add3A_885 = arith.constant 3 : i32
        %add3A_886 = arith.addi %mul3A_884, %add3A_885 : i32
        %broadcast_in_dim3A_887 = vector.broadcast %add3A_886 : i32 to vector<16xi32>
        %gather3A_888 = tpu.vector_load_idx %arg15[%broadcast_in_dim3A_887] : memref<80xf32, #tpu.memory_space<vmem>>[vector<16xi32>], vector<16xf32>,
        %get3A_889 = arith.index_cast %add3A_886 : i32 to index
        %get3A_890 = arith.constant 0 : index
        %get3A_891 = tpu.vector_load %arg17[%get3A_889, %get3A_890] {strides = array<i32>} : memref<80x128xf32, #tpu.memory_space<vmem>>, vector<16xf32>,
        %mul3A_892 = arith.mulf %get3A_891, %gather3A_888 : vector<16xf32>
        %swap3A_893 = arith.index_cast %add3A_886 : i32 to index
        %swap3A_894 = arith.constant 0 : index
        %swap3A_895 = tpu.vector_load %arg17[%swap3A_893, %swap3A_894] {strides = array<i32>} : memref<80x128xf32, #tpu.memory_space<vmem>>, vector<16xf32>,
        tpu.vector_store %arg17[%swap3A_893, %swap3A_894], %mul3A_892 {strides = array<i32>} : memref<80x128xf32, #tpu.memory_space<vmem>>, vector<16xf32>,
        %get3A_896 = arith.index_cast %add3A_886 : i32 to index
        %get3A_897 = arith.constant 16 : index
        %get3A_898 = tpu.vector_load %arg17[%get3A_896, %get3A_897] {strides = array<i32>} : memref<80x128xf32, #tpu.memory_space<vmem>>, vector<16xf32>,
        %mul3A_899 = arith.mulf %get3A_898, %gather3A_888 : vector<16xf32>
        %swap3A_900 = arith.index_cast %add3A_886 : i32 to index
        %swap3A_901 = arith.constant 16 : index
        %swap3A_902 = tpu.vector_load %arg17[%swap3A_900, %swap3A_901] {strides = array<i32>} : memref<80x128xf32, #tpu.memory_space<vmem>>, vector<16xf32>,
        tpu.vector_store %arg17[%swap3A_900, %swap3A_901], %mul3A_899 {strides = array<i32>} : memref<80x128xf32, #tpu.memory_space<vmem>>, vector<16xf32>,
        %get3A_903 = arith.index_cast %add3A_886 : i32 to index
        %get3A_904 = arith.constant 32 : index
        %get3A_905 = tpu.vector_load %arg17[%get3A_903, %get3A_904] {strides = array<i32>} : memref<80x128xf32, #tpu.memory_space<vmem>>, vector<16xf32>,
        %mul3A_906 = arith.mulf %get3A_905, %gather3A_888 : vector<16xf32>
        %swap3A_907 = arith.index_cast %add3A_886 : i32 to index
        %swap3A_908 = arith.constant 32 : index
        %swap3A_909 = tpu.vector_load %arg17[%swap3A_907, %swap3A_908] {strides = array<i32>} : memref<80x128xf32, #tpu.memory_space<vmem>>, vector<16xf32>,
        tpu.vector_store %arg17[%swap3A_907, %swap3A_908], %mul3A_906 {strides = array<i32>} : memref<80x128xf32, #tpu.memory_space<vmem>>, vector<16xf32>,
        %get3A_910 = arith.index_cast %add3A_886 : i32 to index
        %get3A_911 = arith.constant 48 : index
        %get3A_912 = tpu.vector_load %arg17[%get3A_910, %get3A_911] {strides = array<i32>} : memref<80x128xf32, #tpu.memory_space<vmem>>, vector<16xf32>,
        %mul3A_913 = arith.mulf %get3A_912, %gather3A_888 : vector<16xf32>
        %swap3A_914 = arith.index_cast %add3A_886 : i32 to index
        %swap3A_915 = arith.constant 48 : index
        %swap3A_916 = tpu.vector_load %arg17[%swap3A_914, %swap3A_915] {strides = array<i32>} : memref<80x128xf32, #tpu.memory_space<vmem>>, vector<16xf32>,
        tpu.vector_store %arg17[%swap3A_914, %swap3A_915], %mul3A_913 {strides = array<i32>} : memref<80x128xf32, #tpu.memory_space<vmem>>, vector<16xf32>,
        %get3A_917 = arith.index_cast %add3A_886 : i32 to index
        %get3A_918 = arith.constant 64 : index
        %get3A_919 = tpu.vector_load %arg17[%get3A_917, %get3A_918] {strides = array<i32>} : memref<80x128xf32, #tpu.memory_space<vmem>>, vector<16xf32>,
        %mul3A_920 = arith.mulf %get3A_919, %gather3A_888 : vector<16xf32>
        %swap3A_921 = arith.index_cast %add3A_886 : i32 to index
        %swap3A_922 = arith.constant 64 : index
        %swap3A_923 = tpu.vector_load %arg17[%swap3A_921, %swap3A_922] {strides = array<i32>} : memref<80x128xf32, #tpu.memory_space<vmem>>, vector<16xf32>,
        tpu.vector_store %arg17[%swap3A_921, %swap3A_922], %mul3A_920 {strides = array<i32>} : memref<80x128xf32, #tpu.memory_space<vmem>>, vector<16xf32>,
        %get3A_924 = arith.index_cast %add3A_886 : i32 to index
        %get3A_925 = arith.constant 80 : index
        %get3A_926 = tpu.vector_load %arg17[%get3A_924, %get3A_925] {strides = array<i32>} : memref<80x128xf32, #tpu.memory_space<vmem>>, vector<16xf32>,
        %mul3A_927 = arith.mulf %get3A_926, %gather3A_888 : vector<16xf32>
        %swap3A_928 = arith.index_cast %add3A_886 : i32 to index
        %swap3A_929 = arith.constant 80 : index
        %swap3A_930 = tpu.vector_load %arg17[%swap3A_928, %swap3A_929] {strides = array<i32>} : memref<80x128xf32, #tpu.memory_space<vmem>>, vector<16xf32>,
        tpu.vector_store %arg17[%swap3A_928, %swap3A_929], %mul3A_927 {strides = array<i32>} : memref<80x128xf32, #tpu.memory_space<vmem>>, vector<16xf32>,
        %get3A_931 = arith.index_cast %add3A_886 : i32 to index
        %get3A_932 = arith.constant 96 : index
        %get3A_933 = tpu.vector_load %arg17[%get3A_931, %get3A_932] {strides = array<i32>} : memref<80x128xf32, #tpu.memory_space<vmem>>, vector<16xf32>,
        %mul3A_934 = arith.mulf %get3A_933, %gather3A_888 : vector<16xf32>
        %swap3A_935 = arith.index_cast %add3A_886 : i32 to index
        %swap3A_936 = arith.constant 96 : index
        %swap3A_937 = tpu.vector_load %arg17[%swap3A_935, %swap3A_936] {strides = array<i32>} : memref<80x128xf32, #tpu.memory_space<vmem>>, vector<16xf32>,
        tpu.vector_store %arg17[%swap3A_935, %swap3A_936], %mul3A_934 {strides = array<i32>} : memref<80x128xf32, #tpu.memory_space<vmem>>, vector<16xf32>,
        %get3A_938 = arith.index_cast %add3A_886 : i32 to index
        %get3A_939 = arith.constant 112 : index
        %get3A_940 = tpu.vector_load %arg17[%get3A_938, %get3A_939] {strides = array<i32>} : memref<80x128xf32, #tpu.memory_space<vmem>>, vector<16xf32>,
        %mul3A_941 = arith.mulf %get3A_940, %gather3A_888 : vector<16xf32>
        %swap3A_942 = arith.index_cast %add3A_886 : i32 to index
        %swap3A_943 = arith.constant 112 : index
        %swap3A_944 = tpu.vector_load %arg17[%swap3A_942, %swap3A_943] {strides = array<i32>} : memref<80x128xf32, #tpu.memory_space<vmem>>, vector<16xf32>,
        tpu.vector_store %arg17[%swap3A_942, %swap3A_943], %mul3A_941 {strides = array<i32>} : memref<80x128xf32, #tpu.memory_space<vmem>>, vector<16xf32>,
      }
      %while3A_516 = arith.constant 1 : i32
      scf.for %while3A_697 = %while3A_514 to %while3A_510 step %while3A_516  : i32 {
        %mul3A_698 = arith.constant 4 : i32
        %mul3A_699 = arith.muli %while3A_697, %mul3A_698 : i32
        %add3A_700 = arith.constant 0 : i32
        %add3A_701 = arith.addi %mul3A_699, %add3A_700 : i32
        %broadcast_in_dim3A_702 = vector.broadcast %add3A_701 : i32 to vector<16xi32>
        %gather3A = tpu.vector_load_idx %arg15[%broadcast_in_dim3A_702] : memref<80xf32, #tpu.memory_space<vmem>>[vector<16xi32>], vector<16xf32>,
        %get3A_703 = arith.index_cast %add3A_701 : i32 to index
        %get3A_704 = arith.constant 0 : index
        %get3A_705 = tpu.vector_load %arg17[%get3A_703, %get3A_704] {strides = array<i32>} : memref<80x128xf32, #tpu.memory_space<vmem>>, vector<16xf32>,
        %mul3A_706 = arith.mulf %get3A_705, %gather3A : vector<16xf32>
        %swap3A_707 = arith.index_cast %add3A_701 : i32 to index
        %swap3A_708 = arith.constant 0 : index
        %swap3A_709 = tpu.vector_load %arg17[%swap3A_707, %swap3A_708] {strides = array<i32>} : memref<80x128xf32, #tpu.memory_space<vmem>>, vector<16xf32>,
        tpu.vector_store %arg17[%swap3A_707, %swap3A_708], %mul3A_706 {strides = array<i32>} : memref<80x128xf32, #tpu.memory_space<vmem>>, vector<16xf32>,
        %get3A_710 = arith.index_cast %add3A_701 : i32 to index
        %get3A_711 = arith.constant 16 : index
        %get3A_712 = tpu.vector_load %arg17[%get3A_710, %get3A_711] {strides = array<i32>} : memref<80x128xf32, #tpu.memory_space<vmem>>, vector<16xf32>,
        %mul3A_713 = arith.mulf %get3A_712, %gather3A : vector<16xf32>
        %swap3A_714 = arith.index_cast %add3A_701 : i32 to index
        %swap3A_715 = arith.constant 16 : index
        %swap3A_716 = tpu.vector_load %arg17[%swap3A_714, %swap3A_715] {strides = array<i32>} : memref<80x128xf32, #tpu.memory_space<vmem>>, vector<16xf32>,
        tpu.vector_store %arg17[%swap3A_714, %swap3A_715], %mul3A_713 {strides = array<i32>} : memref<80x128xf32, #tpu.memory_space<vmem>>, vector<16xf32>,
        %get3A_717 = arith.index_cast %add3A_701 : i32 to index
        %get3A_718 = arith.constant 32 : index
        %get3A_719 = tpu.vector_load %arg17[%get3A_717, %get3A_718] {strides = array<i32>} : memref<80x128xf32, #tpu.memory_space<vmem>>, vector<16xf32>,
        %mul3A_720 = arith.mulf %get3A_719, %gather3A : vector<16xf32>
        %swap3A_721 = arith.index_cast %add3A_701 : i32 to index
        %swap3A_722 = arith.constant 32 : index
        %swap3A_723 = tpu.vector_load %arg17[%swap3A_721, %swap3A_722] {strides = array<i32>} : memref<80x128xf32, #tpu.memory_space<vmem>>, vector<16xf32>,
        tpu.vector_store %arg17[%swap3A_721, %swap3A_722], %mul3A_720 {strides = array<i32>} : memref<80x128xf32, #tpu.memory_space<vmem>>, vector<16xf32>,
        %get3A_724 = arith.index_cast %add3A_701 : i32 to index
        %get3A_725 = arith.constant 48 : index
        %get3A_726 = tpu.vector_load %arg17[%get3A_724, %get3A_725] {strides = array<i32>} : memref<80x128xf32, #tpu.memory_space<vmem>>, vector<16xf32>,
        %mul3A_727 = arith.mulf %get3A_726, %gather3A : vector<16xf32>
        %swap3A_728 = arith.index_cast %add3A_701 : i32 to index
        %swap3A_729 = arith.constant 48 : index
        %swap3A_730 = tpu.vector_load %arg17[%swap3A_728, %swap3A_729] {strides = array<i32>} : memref<80x128xf32, #tpu.memory_space<vmem>>, vector<16xf32>,
        tpu.vector_store %arg17[%swap3A_728, %swap3A_729], %mul3A_727 {strides = array<i32>} : memref<80x128xf32, #tpu.memory_space<vmem>>, vector<16xf32>,
        %get3A_731 = arith.index_cast %add3A_701 : i32 to index
        %get3A_732 = arith.constant 64 : index
        %get3A_733 = tpu.vector_load %arg17[%get3A_731, %get3A_732] {strides = array<i32>} : memref<80x128xf32, #tpu.memory_space<vmem>>, vector<16xf32>,
        %mul3A_734 = arith.mulf %get3A_733, %gather3A : vector<16xf32>
        %swap3A_735 = arith.index_cast %add3A_701 : i32 to index
        %swap3A_736 = arith.constant 64 : index
        %swap3A_737 = tpu.vector_load %arg17[%swap3A_735, %swap3A_736] {strides = array<i32>} : memref<80x128xf32, #tpu.memory_space<vmem>>, vector<16xf32>,
        tpu.vector_store %arg17[%swap3A_735, %swap3A_736], %mul3A_734 {strides = array<i32>} : memref<80x128xf32, #tpu.memory_space<vmem>>, vector<16xf32>,
        %get3A_738 = arith.index_cast %add3A_701 : i32 to index
        %get3A_739 = arith.constant 80 : index
        %get3A_740 = tpu.vector_load %arg17[%get3A_738, %get3A_739] {strides = array<i32>} : memref<80x128xf32, #tpu.memory_space<vmem>>, vector<16xf32>,
        %mul3A_741 = arith.mulf %get3A_740, %gather3A : vector<16xf32>
        %swap3A_742 = arith.index_cast %add3A_701 : i32 to index
        %swap3A_743 = arith.constant 80 : index
        %swap3A_744 = tpu.vector_load %arg17[%swap3A_742, %swap3A_743] {strides = array<i32>} : memref<80x128xf32, #tpu.memory_space<vmem>>, vector<16xf32>,
        tpu.vector_store %arg17[%swap3A_742, %swap3A_743], %mul3A_741 {strides = array<i32>} : memref<80x128xf32, #tpu.memory_space<vmem>>, vector<16xf32>,
        %get3A_745 = arith.index_cast %add3A_701 : i32 to index
        %get3A_746 = arith.constant 96 : index
        %get3A_747 = tpu.vector_load %arg17[%get3A_745, %get3A_746] {strides = array<i32>} : memref<80x128xf32, #tpu.memory_space<vmem>>, vector<16xf32>,
        %mul3A_748 = arith.mulf %get3A_747, %gather3A : vector<16xf32>
        %swap3A_749 = arith.index_cast %add3A_701 : i32 to index
        %swap3A_750 = arith.constant 96 : index
        %swap3A_751 = tpu.vector_load %arg17[%swap3A_749, %swap3A_750] {strides = array<i32>} : memref<80x128xf32, #tpu.memory_space<vmem>>, vector<16xf32>,
        tpu.vector_store %arg17[%swap3A_749, %swap3A_750], %mul3A_748 {strides = array<i32>} : memref<80x128xf32, #tpu.memory_space<vmem>>, vector<16xf32>,
        %get3A_752 = arith.index_cast %add3A_701 : i32 to index
        %get3A_753 = arith.constant 112 : index
        %get3A_754 = tpu.vector_load %arg17[%get3A_752, %get3A_753] {strides = array<i32>} : memref<80x128xf32, #tpu.memory_space<vmem>>, vector<16xf32>,
        %mul3A_755 = arith.mulf %get3A_754, %gather3A : vector<16xf32>
        %swap3A_756 = arith.index_cast %add3A_701 : i32 to index
        %swap3A_757 = arith.constant 112 : index
        %swap3A_758 = tpu.vector_load %arg17[%swap3A_756, %swap3A_757] {strides = array<i32>} : memref<80x128xf32, #tpu.memory_space<vmem>>, vector<16xf32>,
        tpu.vector_store %arg17[%swap3A_756, %swap3A_757], %mul3A_755 {strides = array<i32>} : memref<80x128xf32, #tpu.memory_space<vmem>>, vector<16xf32>,
        %mul3A_759 = arith.constant 4 : i32
        %mul3A_760 = arith.muli %while3A_697, %mul3A_759 : i32
        %add3A_761 = arith.constant 1 : i32
        %add3A_762 = arith.addi %mul3A_760, %add3A_761 : i32
        %broadcast_in_dim3A_763 = vector.broadcast %add3A_762 : i32 to vector<16xi32>
        %gather3A_764 = tpu.vector_load_idx %arg15[%broadcast_in_dim3A_763] : memref<80xf32, #tpu.memory_space<vmem>>[vector<16xi32>], vector<16xf32>,
        %get3A_765 = arith.index_cast %add3A_762 : i32 to index
        %get3A_766 = arith.constant 0 : index
        %get3A_767 = tpu.vector_load %arg17[%get3A_765, %get3A_766] {strides = array<i32>} : memref<80x128xf32, #tpu.memory_space<vmem>>, vector<16xf32>,
        %mul3A_768 = arith.mulf %get3A_767, %gather3A_764 : vector<16xf32>
        %swap3A_769 = arith.index_cast %add3A_762 : i32 to index
        %swap3A_770 = arith.constant 0 : index
        %swap3A_771 = tpu.vector_load %arg17[%swap3A_769, %swap3A_770] {strides = array<i32>} : memref<80x128xf32, #tpu.memory_space<vmem>>, vector<16xf32>,
        tpu.vector_store %arg17[%swap3A_769, %swap3A_770], %mul3A_768 {strides = array<i32>} : memref<80x128xf32, #tpu.memory_space<vmem>>, vector<16xf32>,
        %get3A_772 = arith.index_cast %add3A_762 : i32 to index
        %get3A_773 = arith.constant 16 : index
        %get3A_774 = tpu.vector_load %arg17[%get3A_772, %get3A_773] {strides = array<i32>} : memref<80x128xf32, #tpu.memory_space<vmem>>, vector<16xf32>,
        %mul3A_775 = arith.mulf %get3A_774, %gather3A_764 : vector<16xf32>
        %swap3A_776 = arith.index_cast %add3A_762 : i32 to index
        %swap3A_777 = arith.constant 16 : index
        %swap3A_778 = tpu.vector_load %arg17[%swap3A_776, %swap3A_777] {strides = array<i32>} : memref<80x128xf32, #tpu.memory_space<vmem>>, vector<16xf32>,
        tpu.vector_store %arg17[%swap3A_776, %swap3A_777], %mul3A_775 {strides = array<i32>} : memref<80x128xf32, #tpu.memory_space<vmem>>, vector<16xf32>,
        %get3A_779 = arith.index_cast %add3A_762 : i32 to index
        %get3A_780 = arith.constant 32 : index
        %get3A_781 = tpu.vector_load %arg17[%get3A_779, %get3A_780] {strides = array<i32>} : memref<80x128xf32, #tpu.memory_space<vmem>>, vector<16xf32>,
        %mul3A_782 = arith.mulf %get3A_781, %gather3A_764 : vector<16xf32>
        %swap3A_783 = arith.index_cast %add3A_762 : i32 to index
        %swap3A_784 = arith.constant 32 : index
        %swap3A_785 = tpu.vector_load %arg17[%swap3A_783, %swap3A_784] {strides = array<i32>} : memref<80x128xf32, #tpu.memory_space<vmem>>, vector<16xf32>,
        tpu.vector_store %arg17[%swap3A_783, %swap3A_784], %mul3A_782 {strides = array<i32>} : memref<80x128xf32, #tpu.memory_space<vmem>>, vector<16xf32>,
        %get3A_786 = arith.index_cast %add3A_762 : i32 to index
        %get3A_787 = arith.constant 48 : index
        %get3A_788 = tpu.vector_load %arg17[%get3A_786, %get3A_787] {strides = array<i32>} : memref<80x128xf32, #tpu.memory_space<vmem>>, vector<16xf32>,
        %mul3A_789 = arith.mulf %get3A_788, %gather3A_764 : vector<16xf32>
        %swap3A_790 = arith.index_cast %add3A_762 : i32 to index
        %swap3A_791 = arith.constant 48 : index
        %swap3A_792 = tpu.vector_load %arg17[%swap3A_790, %swap3A_791] {strides = array<i32>} : memref<80x128xf32, #tpu.memory_space<vmem>>, vector<16xf32>,
        tpu.vector_store %arg17[%swap3A_790, %swap3A_791], %mul3A_789 {strides = array<i32>} : memref<80x128xf32, #tpu.memory_space<vmem>>, vector<16xf32>,
        %get3A_793 = arith.index_cast %add3A_762 : i32 to index
        %get3A_794 = arith.constant 64 : index
        %get3A_795 = tpu.vector_load %arg17[%get3A_793, %get3A_794] {strides = array<i32>} : memref<80x128xf32, #tpu.memory_space<vmem>>, vector<16xf32>,
        %mul3A_796 = arith.mulf %get3A_795, %gather3A_764 : vector<16xf32>
        %swap3A_797 = arith.index_cast %add3A_762 : i32 to index
        %swap3A_798 = arith.constant 64 : index
        %swap3A_799 = tpu.vector_load %arg17[%swap3A_797, %swap3A_798] {strides = array<i32>} : memref<80x128xf32, #tpu.memory_space<vmem>>, vector<16xf32>,
        tpu.vector_store %arg17[%swap3A_797, %swap3A_798], %mul3A_796 {strides = array<i32>} : memref<80x128xf32, #tpu.memory_space<vmem>>, vector<16xf32>,
        %get3A_800 = arith.index_cast %add3A_762 : i32 to index
        %get3A_801 = arith.constant 80 : index
        %get3A_802 = tpu.vector_load %arg17[%get3A_800, %get3A_801] {strides = array<i32>} : memref<80x128xf32, #tpu.memory_space<vmem>>, vector<16xf32>,
        %mul3A_803 = arith.mulf %get3A_802, %gather3A_764 : vector<16xf32>
        %swap3A_804 = arith.index_cast %add3A_762 : i32 to index
        %swap3A_805 = arith.constant 80 : index
        %swap3A_806 = tpu.vector_load %arg17[%swap3A_804, %swap3A_805] {strides = array<i32>} : memref<80x128xf32, #tpu.memory_space<vmem>>, vector<16xf32>,
        tpu.vector_store %arg17[%swap3A_804, %swap3A_805], %mul3A_803 {strides = array<i32>} : memref<80x128xf32, #tpu.memory_space<vmem>>, vector<16xf32>,
        %get3A_807 = arith.index_cast %add3A_762 : i32 to index
        %get3A_808 = arith.constant 96 : index
        %get3A_809 = tpu.vector_load %arg17[%get3A_807, %get3A_808] {strides = array<i32>} : memref<80x128xf32, #tpu.memory_space<vmem>>, vector<16xf32>,
        %mul3A_810 = arith.mulf %get3A_809, %gather3A_764 : vector<16xf32>
        %swap3A_811 = arith.index_cast %add3A_762 : i32 to index
        %swap3A_812 = arith.constant 96 : index
        %swap3A_813 = tpu.vector_load %arg17[%swap3A_811, %swap3A_812] {strides = array<i32>} : memref<80x128xf32, #tpu.memory_space<vmem>>, vector<16xf32>,
        tpu.vector_store %arg17[%swap3A_811, %swap3A_812], %mul3A_810 {strides = array<i32>} : memref<80x128xf32, #tpu.memory_space<vmem>>, vector<16xf32>,
        %get3A_814 = arith.index_cast %add3A_762 : i32 to index
        %get3A_815 = arith.constant 112 : index
        %get3A_816 = tpu.vector_load %arg17[%get3A_814, %get3A_815] {strides = array<i32>} : memref<80x128xf32, #tpu.memory_space<vmem>>, vector<16xf32>,
        %mul3A_817 = arith.mulf %get3A_816, %gather3A_764 : vector<16xf32>
        %swap3A_818 = arith.index_cast %add3A_762 : i32 to index
        %swap3A_819 = arith.constant 112 : index
        %swap3A_820 = tpu.vector_load %arg17[%swap3A_818, %swap3A_819] {strides = array<i32>} : memref<80x128xf32, #tpu.memory_space<vmem>>, vector<16xf32>,
        tpu.vector_store %arg17[%swap3A_818, %swap3A_819], %mul3A_817 {strides = array<i32>} : memref<80x128xf32, #tpu.memory_space<vmem>>, vector<16xf32>,
        %mul3A_821 = arith.constant 4 : i32
        %mul3A_822 = arith.muli %while3A_697, %mul3A_821 : i32
        %add3A_823 = arith.constant 2 : i32
        %add3A_824 = arith.addi %mul3A_822, %add3A_823 : i32
        %broadcast_in_dim3A_825 = vector.broadcast %add3A_824 : i32 to vector<16xi32>
        %gather3A_826 = tpu.vector_load_idx %arg15[%broadcast_in_dim3A_825] : memref<80xf32, #tpu.memory_space<vmem>>[vector<16xi32>], vector<16xf32>,
        %get3A_827 = arith.index_cast %add3A_824 : i32 to index
        %get3A_828 = arith.constant 0 : index
        %get3A_829 = tpu.vector_load %arg17[%get3A_827, %get3A_828] {strides = array<i32>} : memref<80x128xf32, #tpu.memory_space<vmem>>, vector<16xf32>,
        %mul3A_830 = arith.mulf %get3A_829, %gather3A_826 : vector<16xf32>
        %swap3A_831 = arith.index_cast %add3A_824 : i32 to index
        %swap3A_832 = arith.constant 0 : index
        %swap3A_833 = tpu.vector_load %arg17[%swap3A_831, %swap3A_832] {strides = array<i32>} : memref<80x128xf32, #tpu.memory_space<vmem>>, vector<16xf32>,
        tpu.vector_store %arg17[%swap3A_831, %swap3A_832], %mul3A_830 {strides = array<i32>} : memref<80x128xf32, #tpu.memory_space<vmem>>, vector<16xf32>,
        %get3A_834 = arith.index_cast %add3A_824 : i32 to index
        %get3A_835 = arith.constant 16 : index
        %get3A_836 = tpu.vector_load %arg17[%get3A_834, %get3A_835] {strides = array<i32>} : memref<80x128xf32, #tpu.memory_space<vmem>>, vector<16xf32>,
        %mul3A_837 = arith.mulf %get3A_836, %gather3A_826 : vector<16xf32>
        %swap3A_838 = arith.index_cast %add3A_824 : i32 to index
        %swap3A_839 = arith.constant 16 : index
        %swap3A_840 = tpu.vector_load %arg17[%swap3A_838, %swap3A_839] {strides = array<i32>} : memref<80x128xf32, #tpu.memory_space<vmem>>, vector<16xf32>,
        tpu.vector_store %arg17[%swap3A_838, %swap3A_839], %mul3A_837 {strides = array<i32>} : memref<80x128xf32, #tpu.memory_space<vmem>>, vector<16xf32>,
        %get3A_841 = arith.index_cast %add3A_824 : i32 to index
        %get3A_842 = arith.constant 32 : index
        %get3A_843 = tpu.vector_load %arg17[%get3A_841, %get3A_842] {strides = array<i32>} : memref<80x128xf32, #tpu.memory_space<vmem>>, vector<16xf32>,
        %mul3A_844 = arith.mulf %get3A_843, %gather3A_826 : vector<16xf32>
        %swap3A_845 = arith.index_cast %add3A_824 : i32 to index
        %swap3A_846 = arith.constant 32 : index
        %swap3A_847 = tpu.vector_load %arg17[%swap3A_845, %swap3A_846] {strides = array<i32>} : memref<80x128xf32, #tpu.memory_space<vmem>>, vector<16xf32>,
        tpu.vector_store %arg17[%swap3A_845, %swap3A_846], %mul3A_844 {strides = array<i32>} : memref<80x128xf32, #tpu.memory_space<vmem>>, vector<16xf32>,
        %get3A_848 = arith.index_cast %add3A_824 : i32 to index
        %get3A_849 = arith.constant 48 : index
        %get3A_850 = tpu.vector_load %arg17[%get3A_848, %get3A_849] {strides = array<i32>} : memref<80x128xf32, #tpu.memory_space<vmem>>, vector<16xf32>,
        %mul3A_851 = arith.mulf %get3A_850, %gather3A_826 : vector<16xf32>
        %swap3A_852 = arith.index_cast %add3A_824 : i32 to index
        %swap3A_853 = arith.constant 48 : index
        %swap3A_854 = tpu.vector_load %arg17[%swap3A_852, %swap3A_853] {strides = array<i32>} : memref<80x128xf32, #tpu.memory_space<vmem>>, vector<16xf32>,
        tpu.vector_store %arg17[%swap3A_852, %swap3A_853], %mul3A_851 {strides = array<i32>} : memref<80x128xf32, #tpu.memory_space<vmem>>, vector<16xf32>,
        %get3A_855 = arith.index_cast %add3A_824 : i32 to index
        %get3A_856 = arith.constant 64 : index
        %get3A_857 = tpu.vector_load %arg17[%get3A_855, %get3A_856] {strides = array<i32>} : memref<80x128xf32, #tpu.memory_space<vmem>>, vector<16xf32>,
        %mul3A_858 = arith.mulf %get3A_857, %gather3A_826 : vector<16xf32>
        %swap3A_859 = arith.index_cast %add3A_824 : i32 to index
        %swap3A_860 = arith.constant 64 : index
        %swap3A_861 = tpu.vector_load %arg17[%swap3A_859, %swap3A_860] {strides = array<i32>} : memref<80x128xf32, #tpu.memory_space<vmem>>, vector<16xf32>,
        tpu.vector_store %arg17[%swap3A_859, %swap3A_860], %mul3A_858 {strides = array<i32>} : memref<80x128xf32, #tpu.memory_space<vmem>>, vector<16xf32>,
        %get3A_862 = arith.index_cast %add3A_824 : i32 to index
        %get3A_863 = arith.constant 80 : index
        %get3A_864 = tpu.vector_load %arg17[%get3A_862, %get3A_863] {strides = array<i32>} : memref<80x128xf32, #tpu.memory_space<vmem>>, vector<16xf32>,
        %mul3A_865 = arith.mulf %get3A_864, %gather3A_826 : vector<16xf32>
        %swap3A_866 = arith.index_cast %add3A_824 : i32 to index
        %swap3A_867 = arith.constant 80 : index
        %swap3A_868 = tpu.vector_load %arg17[%swap3A_866, %swap3A_867] {strides = array<i32>} : memref<80x128xf32, #tpu.memory_space<vmem>>, vector<16xf32>,
        tpu.vector_store %arg17[%swap3A_866, %swap3A_867], %mul3A_865 {strides = array<i32>} : memref<80x128xf32, #tpu.memory_space<vmem>>, vector<16xf32>,
        %get3A_869 = arith.index_cast %add3A_824 : i32 to index
        %get3A_870 = arith.constant 96 : index
        %get3A_871 = tpu.vector_load %arg17[%get3A_869, %get3A_870] {strides = array<i32>} : memref<80x128xf32, #tpu.memory_space<vmem>>, vector<16xf32>,
        %mul3A_872 = arith.mulf %get3A_871, %gather3A_826 : vector<16xf32>
        %swap3A_873 = arith.index_cast %add3A_824 : i32 to index
        %swap3A_874 = arith.constant 96 : index
        %swap3A_875 = tpu.vector_load %arg17[%swap3A_873, %swap3A_874] {strides = array<i32>} : memref<80x128xf32, #tpu.memory_space<vmem>>, vector<16xf32>,
        tpu.vector_store %arg17[%swap3A_873, %swap3A_874], %mul3A_872 {strides = array<i32>} : memref<80x128xf32, #tpu.memory_space<vmem>>, vector<16xf32>,
        %get3A_876 = arith.index_cast %add3A_824 : i32 to index
        %get3A_877 = arith.constant 112 : index
        %get3A_878 = tpu.vector_load %arg17[%get3A_876, %get3A_877] {strides = array<i32>} : memref<80x128xf32, #tpu.memory_space<vmem>>, vector<16xf32>,
        %mul3A_879 = arith.mulf %get3A_878, %gather3A_826 : vector<16xf32>
        %swap3A_880 = arith.index_cast %add3A_824 : i32 to index
        %swap3A_881 = arith.constant 112 : index
        %swap3A_882 = tpu.vector_load %arg17[%swap3A_880, %swap3A_881] {strides = array<i32>} : memref<80x128xf32, #tpu.memory_space<vmem>>, vector<16xf32>,
        tpu.vector_store %arg17[%swap3A_880, %swap3A_881], %mul3A_879 {strides = array<i32>} : memref<80x128xf32, #tpu.memory_space<vmem>>, vector<16xf32>,
        %mul3A_883 = arith.constant 4 : i32
        %mul3A_884 = arith.muli %while3A_697, %mul3A_883 : i32
        %add3A_885 = arith.constant 3 : i32
        %add3A_886 = arith.addi %mul3A_884, %add3A_885 : i32
        %broadcast_in_dim3A_887 = vector.broadcast %add3A_886 : i32 to vector<16xi32>
        %gather3A_888 = tpu.vector_load_idx %arg15[%broadcast_in_dim3A_887] : memref<80xf32, #tpu.memory_space<vmem>>[vector<16xi32>], vector<16xf32>,
        %get3A_889 = arith.index_cast %add3A_886 : i32 to index
        %get3A_890 = arith.constant 0 : index
        %get3A_891 = tpu.vector_load %arg17[%get3A_889, %get3A_890] {strides = array<i32>} : memref<80x128xf32, #tpu.memory_space<vmem>>, vector<16xf32>,
        %mul3A_892 = arith.mulf %get3A_891, %gather3A_888 : vector<16xf32>
        %swap3A_893 = arith.index_cast %add3A_886 : i32 to index
        %swap3A_894 = arith.constant 0 : index
        %swap3A_895 = tpu.vector_load %arg17[%swap3A_893, %swap3A_894] {strides = array<i32>} : memref<80x128xf32, #tpu.memory_space<vmem>>, vector<16xf32>,
        tpu.vector_store %arg17[%swap3A_893, %swap3A_894], %mul3A_892 {strides = array<i32>} : memref<80x128xf32, #tpu.memory_space<vmem>>, vector<16xf32>,
        %get3A_896 = arith.index_cast %add3A_886 : i32 to index
        %get3A_897 = arith.constant 16 : index
        %get3A_898 = tpu.vector_load %arg17[%get3A_896, %get3A_897] {strides = array<i32>} : memref<80x128xf32, #tpu.memory_space<vmem>>, vector<16xf32>,
        %mul3A_899 = arith.mulf %get3A_898, %gather3A_888 : vector<16xf32>
        %swap3A_900 = arith.index_cast %add3A_886 : i32 to index
        %swap3A_901 = arith.constant 16 : index
        %swap3A_902 = tpu.vector_load %arg17[%swap3A_900, %swap3A_901] {strides = array<i32>} : memref<80x128xf32, #tpu.memory_space<vmem>>, vector<16xf32>,
        tpu.vector_store %arg17[%swap3A_900, %swap3A_901], %mul3A_899 {strides = array<i32>} : memref<80x128xf32, #tpu.memory_space<vmem>>, vector<16xf32>,
        %get3A_903 = arith.index_cast %add3A_886 : i32 to index
        %get3A_904 = arith.constant 32 : index
        %get3A_905 = tpu.vector_load %arg17[%get3A_903, %get3A_904] {strides = array<i32>} : memref<80x128xf32, #tpu.memory_space<vmem>>, vector<16xf32>,
        %mul3A_906 = arith.mulf %get3A_905, %gather3A_888 : vector<16xf32>
        %swap3A_907 = arith.index_cast %add3A_886 : i32 to index
        %swap3A_908 = arith.constant 32 : index
        %swap3A_909 = tpu.vector_load %arg17[%swap3A_907, %swap3A_908] {strides = array<i32>} : memref<80x128xf32, #tpu.memory_space<vmem>>, vector<16xf32>,
        tpu.vector_store %arg17[%swap3A_907, %swap3A_908], %mul3A_906 {strides = array<i32>} : memref<80x128xf32, #tpu.memory_space<vmem>>, vector<16xf32>,
        %get3A_910 = arith.index_cast %add3A_886 : i32 to index
        %get3A_911 = arith.constant 48 : index
        %get3A_912 = tpu.vector_load %arg17[%get3A_910, %get3A_911] {strides = array<i32>} : memref<80x128xf32, #tpu.memory_space<vmem>>, vector<16xf32>,
        %mul3A_913 = arith.mulf %get3A_912, %gather3A_888 : vector<16xf32>
        %swap3A_914 = arith.index_cast %add3A_886 : i32 to index
        %swap3A_915 = arith.constant 48 : index
        %swap3A_916 = tpu.vector_load %arg17[%swap3A_914, %swap3A_915] {strides = array<i32>} : memref<80x128xf32, #tpu.memory_space<vmem>>, vector<16xf32>,
        tpu.vector_store %arg17[%swap3A_914, %swap3A_915], %mul3A_913 {strides = array<i32>} : memref<80x128xf32, #tpu.memory_space<vmem>>, vector<16xf32>,
        %get3A_917 = arith.index_cast %add3A_886 : i32 to index
        %get3A_918 = arith.constant 64 : index
        %get3A_919 = tpu.vector_load %arg17[%get3A_917, %get3A_918] {strides = array<i32>} : memref<80x128xf32, #tpu.memory_space<vmem>>, vector<16xf32>,
        %mul3A_920 = arith.mulf %get3A_919, %gather3A_888 : vector<16xf32>
        %swap3A_921 = arith.index_cast %add3A_886 : i32 to index
        %swap3A_922 = arith.constant 64 : index
        %swap3A_923 = tpu.vector_load %arg17[%swap3A_921, %swap3A_922] {strides = array<i32>} : memref<80x128xf32, #tpu.memory_space<vmem>>, vector<16xf32>,
        tpu.vector_store %arg17[%swap3A_921, %swap3A_922], %mul3A_920 {strides = array<i32>} : memref<80x128xf32, #tpu.memory_space<vmem>>, vector<16xf32>,
        %get3A_924 = arith.index_cast %add3A_886 : i32 to index
        %get3A_925 = arith.constant 80 : index
        %get3A_926 = tpu.vector_load %arg17[%get3A_924, %get3A_925] {strides = array<i32>} : memref<80x128xf32, #tpu.memory_space<vmem>>, vector<16xf32>,
        %mul3A_927 = arith.mulf %get3A_926, %gather3A_888 : vector<16xf32>
        %swap3A_928 = arith.index_cast %add3A_886 : i32 to index
        %swap3A_929 = arith.constant 80 : index
        %swap3A_930 = tpu.vector_load %arg17[%swap3A_928, %swap3A_929] {strides = array<i32>} : memref<80x128xf32, #tpu.memory_space<vmem>>, vector<16xf32>,
        tpu.vector_store %arg17[%swap3A_928, %swap3A_929], %mul3A_927 {strides = array<i32>} : memref<80x128xf32, #tpu.memory_space<vmem>>, vector<16xf32>,
        %get3A_931 = arith.index_cast %add3A_886 : i32 to index
        %get3A_932 = arith.constant 96 : index
        %get3A_933 = tpu.vector_load %arg17[%get3A_931, %get3A_932] {strides = array<i32>} : memref<80x128xf32, #tpu.memory_space<vmem>>, vector<16xf32>,
        %mul3A_934 = arith.mulf %get3A_933, %gather3A_888 : vector<16xf32>
        %swap3A_935 = arith.index_cast %add3A_886 : i32 to index
        %swap3A_936 = arith.constant 96 : index
        %swap3A_937 = tpu.vector_load %arg17[%swap3A_935, %swap3A_936] {strides = array<i32>} : memref<80x128xf32, #tpu.memory_space<vmem>>, vector<16xf32>,
        tpu.vector_store %arg17[%swap3A_935, %swap3A_936], %mul3A_934 {strides = array<i32>} : memref<80x128xf32, #tpu.memory_space<vmem>>, vector<16xf32>,
        %get3A_938 = arith.index_cast %add3A_886 : i32 to index
        %get3A_939 = arith.constant 112 : index
        %get3A_940 = tpu.vector_load %arg17[%get3A_938, %get3A_939] {strides = array<i32>} : memref<80x128xf32, #tpu.memory_space<vmem>>, vector<16xf32>,
        %mul3A_941 = arith.mulf %get3A_940, %gather3A_888 : vector<16xf32>
        %swap3A_942 = arith.index_cast %add3A_886 : i32 to index
        %swap3A_943 = arith.constant 112 : index
        %swap3A_944 = tpu.vector_load %arg17[%swap3A_942, %swap3A_943] {strides = array<i32>} : memref<80x128xf32, #tpu.memory_space<vmem>>, vector<16xf32>,
        tpu.vector_store %arg17[%swap3A_942, %swap3A_943], %mul3A_941 {strides = array<i32>} : memref<80x128xf32, #tpu.memory_space<vmem>>, vector<16xf32>,
      }
      %dma_start3A_517 = arith.constant 0 : i32
      %dma_start3A_518 = arith.constant 0 : i32
      %dma_start3A_519 = tpu.memref_slice %arg13[%dma_start3A_517, %dma_start3A_518] : memref<1x80xi32, #tpu.memory_space<vmem>> -> memref<1x80xi32, #tpu.memory_space<vmem>>
      %dma_start3A_520 = tpu.memref_squeeze %dma_start3A_519 : memref<1x80xi32, #tpu.memory_space<vmem>> -> memref<80xi32, #tpu.memory_space<vmem>>
      %dma_start3A_521 = arith.constant 0 : i32
      %dma_start3A_522 = arith.constant 0 : i32
      %dma_start3A_523 = tpu.memref_slice %arg22[%dma_start3A_521, %dma_start3A_522] : memref<10000x128xf32, #tpu.memory_space<vmem_shared>> -> memref<10000x128xf32, #tpu.memory_space<vmem_shared>>
      tpu.enqueue_indirect_dma source(%arg17 : memref<80x128xf32, #tpu.memory_space<vmem>>) target(%dma_start3A_523 : memref<10000x128xf32, #tpu.memory_space<vmem_shared>>) offsets(%dma_start3A_520 : memref<80xi32, #tpu.memory_space<vmem>>) semaphore(%arg26 : memref<!tpu.dma_semaphore, #tpu.memory_space<semaphore_mem>>) {add = true}
      %eq3A_524 = arith.constant 0 : i32
      %eq3A_525 = arith.cmpi eq, %arg0, %eq3A_524 : i32
      %convert_element_type3A_526 = arith.extui %eq3A_525 : i1 to i32
      %cond3A_527 = arith.constant 0 : i32
      %cond3A_528 = arith.cmpi ne, %convert_element_type3A_526, %cond3A_527 : i32
      scf.if %cond3A_528 {
        %dma_start3A_697 = arith.constant 0 : i32
        %dma_start3A_698 = arith.constant 0 : i32
        %dma_start3A_699 = tpu.memref_slice %arg13[%dma_start3A_697, %dma_start3A_698] : memref<1x80xi32, #tpu.memory_space<vmem>> -> memref<1x80xi32, #tpu.memory_space<vmem>>
        %dma_start3A_700 = tpu.memref_squeeze %dma_start3A_699 : memref<1x80xi32, #tpu.memory_space<vmem>> -> memref<80xi32, #tpu.memory_space<vmem>>
        %dma_start3A_701 = arith.constant 0 : i32
        %dma_start3A_702 = tpu.memref_slice %arg23[%dma_start3A_701] : memref<10000xf32, #tpu.memory_space<vmem_shared>> -> memref<10000xf32, #tpu.memory_space<vmem_shared>>
        tpu.enqueue_indirect_dma source(%arg19 : memref<80xf32, #tpu.memory_space<vmem>>) target(%dma_start3A_702 : memref<10000xf32, #tpu.memory_space<vmem_shared>>) offsets(%dma_start3A_700 : memref<80xi32, #tpu.memory_space<vmem>>) semaphore(%arg26 : memref<!tpu.dma_semaphore, #tpu.memory_space<semaphore_mem>>) {add = true}
      } else {
      }
      %mul3A_529 = arith.constant 80 : i32
      %mul3A_530 = arith.muli %add3A_413, %mul3A_529 : i32
      %dma_wait3A_531 = tpu.memref_slice %arg11[%mul3A_530] : memref<10000xi32, #tpu.memory_space<vmem>> -> memref<80xi32, #tpu.memory_space<vmem>>
      %dma_wait3A_532 = arith.constant 0 : i32
      %dma_wait3A_533 = arith.constant 0 : i32
      %dma_wait3A_534 = tpu.memref_slice %arg6[%dma_wait3A_532, %dma_wait3A_533] : memref<20000x128xf32, #tpu.memory_space<hbm>> -> memref<20000x128xf32, #tpu.memory_space<hbm>>
      tpu.wait_indirect_dma semaphore(%arg25 : memref<!tpu.dma_semaphore, #tpu.memory_space<semaphore_mem>>) src(%dma_wait3A_534 : memref<20000x128xf32, #tpu.memory_space<hbm>>) dst(%arg18 : memref<80x128xf32, #tpu.memory_space<vmem>>)
      %mul3A_535 = arith.constant 80 : i32
      %mul3A_536 = arith.muli %add3A_413, %mul3A_535 : i32
      %dma_wait3A_537 = tpu.memref_slice %arg12[%mul3A_536] : memref<10000xi32, #tpu.memory_space<vmem>> -> memref<80xi32, #tpu.memory_space<vmem>>
      %dma_wait3A_538 = arith.constant 0 : i32
      %dma_wait3A_539 = tpu.memref_slice %arg7[%dma_wait3A_538] : memref<40960000xf32, #tpu.memory_space<hbm>> -> memref<40960000xf32, #tpu.memory_space<hbm>>
      tpu.wait_indirect_dma semaphore(%arg25 : memref<!tpu.dma_semaphore, #tpu.memory_space<semaphore_mem>>) src(%dma_wait3A_539 : memref<40960000xf32, #tpu.memory_space<hbm>>) dst(%arg16 : memref<80xf32, #tpu.memory_space<vmem>>)
      %mul3A_540 = arith.constant 125 : i32
      %mul3A_541 = arith.muli %arg1, %mul3A_540 : i32
      %add3A_542 = arith.addi %mul3A_541, %add3A_413 : i32
      %dma_wait3A_543 = arith.constant 0 : i32
      %dma_wait3A_544 = arith.constant 0 : i32
      %dma_wait3A_545 = tpu.memref_slice %arg4[%add3A_542, %dma_wait3A_543, %dma_wait3A_544] : memref<2000x1x80xi32, #tpu.memory_space<hbm>> -> memref<1x1x80xi32, #tpu.memory_space<hbm>>
      %dma_wait3A_546 = tpu.memref_squeeze %dma_wait3A_545 : memref<1x1x80xi32, #tpu.memory_space<hbm>> -> memref<1x80xi32, #tpu.memory_space<hbm>>
      %dma_wait3A_547 = arith.constant 0 : i32
      %dma_wait3A_548 = arith.constant 0 : i32
      %dma_wait3A_549 = tpu.memref_slice %arg4[%add3A_542, %dma_wait3A_547, %dma_wait3A_548] : memref<2000x1x80xi32, #tpu.memory_space<hbm>> -> memref<1x1x80xi32, #tpu.memory_space<hbm>>
      %dma_wait3A_550 = tpu.memref_squeeze %dma_wait3A_549 : memref<1x1x80xi32, #tpu.memory_space<hbm>> -> memref<1x80xi32, #tpu.memory_space<hbm>>
      tpu.wait_dma2 semaphore(%arg25 : memref<!tpu.dma_semaphore, #tpu.memory_space<semaphore_mem>>) src(%dma_wait3A_550 : memref<1x80xi32, #tpu.memory_space<hbm>>) dst(%arg14 : memref<1x80xi32, #tpu.memory_space<vmem>>)
      %get3A_551 = arith.constant 0 : index
      %get3A_552 = tpu.vector_load %arg16[%get3A_551] {strides = array<i32>} : memref<80xf32, #tpu.memory_space<vmem>>, vector<16xf32>,
      %exp3A_553 = math.exp %get3A_552 : vector<16xf32>
      %swap3A_554 = arith.constant 0 : index
      %swap3A_555 = tpu.vector_load %arg16[%swap3A_554] {strides = array<i32>} : memref<80xf32, #tpu.memory_space<vmem>>, vector<16xf32>,
      tpu.vector_store %arg16[%swap3A_554], %exp3A_553 {strides = array<i32>} : memref<80xf32, #tpu.memory_space<vmem>>, vector<16xf32>,
      %get3A_556 = arith.constant 0 : i64
      %get3A_557 = arith.index_cast %get3A_556 : i64 to index
      %get3A_558 = arith.constant 0 : index
      %get3A_559 = tpu.vector_load %arg21[%get3A_557, %get3A_558] {strides = array<i32>} : memref<1x16xf32, #tpu.memory_space<vmem>>, vector<16xf32>,
      %add3A_560 = arith.addf %get3A_559, %exp3A_553 : vector<16xf32>
      %swap3A_561 = arith.constant 0 : i64
      %swap3A_562 = arith.index_cast %swap3A_561 : i64 to index
      %swap3A_563 = arith.constant 0 : index
      %swap3A_564 = tpu.vector_load %arg21[%swap3A_562, %swap3A_563] {strides = array<i32>} : memref<1x16xf32, #tpu.memory_space<vmem>>, vector<16xf32>,
      tpu.vector_store %arg21[%swap3A_562, %swap3A_563], %add3A_560 {strides = array<i32>} : memref<1x16xf32, #tpu.memory_space<vmem>>, vector<16xf32>,
      %get3A_565 = arith.constant 16 : index
      %get3A_566 = tpu.vector_load %arg16[%get3A_565] {strides = array<i32>} : memref<80xf32, #tpu.memory_space<vmem>>, vector<16xf32>,
      %exp3A_567 = math.exp %get3A_566 : vector<16xf32>
      %swap3A_568 = arith.constant 16 : index
      %swap3A_569 = tpu.vector_load %arg16[%swap3A_568] {strides = array<i32>} : memref<80xf32, #tpu.memory_space<vmem>>, vector<16xf32>,
      tpu.vector_store %arg16[%swap3A_568], %exp3A_567 {strides = array<i32>} : memref<80xf32, #tpu.memory_space<vmem>>, vector<16xf32>,
      %get3A_570 = arith.constant 0 : i64
      %get3A_571 = arith.index_cast %get3A_570 : i64 to index
      %get3A_572 = arith.constant 0 : index
      %get3A_573 = tpu.vector_load %arg21[%get3A_571, %get3A_572] {strides = array<i32>} : memref<1x16xf32, #tpu.memory_space<vmem>>, vector<16xf32>,
      %add3A_574 = arith.addf %get3A_573, %exp3A_567 : vector<16xf32>
      %swap3A_575 = arith.constant 0 : i64
      %swap3A_576 = arith.index_cast %swap3A_575 : i64 to index
      %swap3A_577 = arith.constant 0 : index
      %swap3A_578 = tpu.vector_load %arg21[%swap3A_576, %swap3A_577] {strides = array<i32>} : memref<1x16xf32, #tpu.memory_space<vmem>>, vector<16xf32>,
      tpu.vector_store %arg21[%swap3A_576, %swap3A_577], %add3A_574 {strides = array<i32>} : memref<1x16xf32, #tpu.memory_space<vmem>>, vector<16xf32>,
      %get3A_579 = arith.constant 32 : index
      %get3A_580 = tpu.vector_load %arg16[%get3A_579] {strides = array<i32>} : memref<80xf32, #tpu.memory_space<vmem>>, vector<16xf32>,
      %exp3A_581 = math.exp %get3A_580 : vector<16xf32>
      %swap3A_582 = arith.constant 32 : index
      %swap3A_583 = tpu.vector_load %arg16[%swap3A_582] {strides = array<i32>} : memref<80xf32, #tpu.memory_space<vmem>>, vector<16xf32>,
      tpu.vector_store %arg16[%swap3A_582], %exp3A_581 {strides = array<i32>} : memref<80xf32, #tpu.memory_space<vmem>>, vector<16xf32>,
      %get3A_584 = arith.constant 0 : i64
      %get3A_585 = arith.index_cast %get3A_584 : i64 to index
      %get3A_586 = arith.constant 0 : index
      %get3A_587 = tpu.vector_load %arg21[%get3A_585, %get3A_586] {strides = array<i32>} : memref<1x16xf32, #tpu.memory_space<vmem>>, vector<16xf32>,
      %add3A_588 = arith.addf %get3A_587, %exp3A_581 : vector<16xf32>
      %swap3A_589 = arith.constant 0 : i64
      %swap3A_590 = arith.index_cast %swap3A_589 : i64 to index
      %swap3A_591 = arith.constant 0 : index
      %swap3A_592 = tpu.vector_load %arg21[%swap3A_590, %swap3A_591] {strides = array<i32>} : memref<1x16xf32, #tpu.memory_space<vmem>>, vector<16xf32>,
      tpu.vector_store %arg21[%swap3A_590, %swap3A_591], %add3A_588 {strides = array<i32>} : memref<1x16xf32, #tpu.memory_space<vmem>>, vector<16xf32>,
      %get3A_593 = arith.constant 48 : index
      %get3A_594 = tpu.vector_load %arg16[%get3A_593] {strides = array<i32>} : memref<80xf32, #tpu.memory_space<vmem>>, vector<16xf32>,
      %exp3A_595 = math.exp %get3A_594 : vector<16xf32>
      %swap3A_596 = arith.constant 48 : index
      %swap3A_597 = tpu.vector_load %arg16[%swap3A_596] {strides = array<i32>} : memref<80xf32, #tpu.memory_space<vmem>>, vector<16xf32>,
      tpu.vector_store %arg16[%swap3A_596], %exp3A_595 {strides = array<i32>} : memref<80xf32, #tpu.memory_space<vmem>>, vector<16xf32>,
      %get3A_598 = arith.constant 0 : i64
      %get3A_599 = arith.index_cast %get3A_598 : i64 to index
      %get3A_600 = arith.constant 0 : index
      %get3A_601 = tpu.vector_load %arg21[%get3A_599, %get3A_600] {strides = array<i32>} : memref<1x16xf32, #tpu.memory_space<vmem>>, vector<16xf32>,
      %add3A_602 = arith.addf %get3A_601, %exp3A_595 : vector<16xf32>
      %swap3A_603 = arith.constant 0 : i64
      %swap3A_604 = arith.index_cast %swap3A_603 : i64 to index
      %swap3A_605 = arith.constant 0 : index
      %swap3A_606 = tpu.vector_load %arg21[%swap3A_604, %swap3A_605] {strides = array<i32>} : memref<1x16xf32, #tpu.memory_space<vmem>>, vector<16xf32>,
      tpu.vector_store %arg21[%swap3A_604, %swap3A_605], %add3A_602 {strides = array<i32>} : memref<1x16xf32, #tpu.memory_space<vmem>>, vector<16xf32>,
      %get3A_607 = arith.constant 64 : index
      %get3A_608 = tpu.vector_load %arg16[%get3A_607] {strides = array<i32>} : memref<80xf32, #tpu.memory_space<vmem>>, vector<16xf32>,
      %exp3A_609 = math.exp %get3A_608 : vector<16xf32>
      %swap3A_610 = arith.constant 64 : index
      %swap3A_611 = tpu.vector_load %arg16[%swap3A_610] {strides = array<i32>} : memref<80xf32, #tpu.memory_space<vmem>>, vector<16xf32>,
      tpu.vector_store %arg16[%swap3A_610], %exp3A_609 {strides = array<i32>} : memref<80xf32, #tpu.memory_space<vmem>>, vector<16xf32>,
      %get3A_612 = arith.constant 0 : i64
      %get3A_613 = arith.index_cast %get3A_612 : i64 to index
      %get3A_614 = arith.constant 0 : index
      %get3A_615 = tpu.vector_load %arg21[%get3A_613, %get3A_614] {strides = array<i32>} : memref<1x16xf32, #tpu.memory_space<vmem>>, vector<16xf32>,
      %add3A_616 = arith.addf %get3A_615, %exp3A_609 : vector<16xf32>
      %swap3A_617 = arith.constant 0 : i64
      %swap3A_618 = arith.index_cast %swap3A_617 : i64 to index
      %swap3A_619 = arith.constant 0 : index
      %swap3A_620 = tpu.vector_load %arg21[%swap3A_618, %swap3A_619] {strides = array<i32>} : memref<1x16xf32, #tpu.memory_space<vmem>>, vector<16xf32>,
      tpu.vector_store %arg21[%swap3A_618, %swap3A_619], %add3A_616 {strides = array<i32>} : memref<1x16xf32, #tpu.memory_space<vmem>>, vector<16xf32>,
      %while3A_621 = arith.constant 0 : i32
      %while3A_622 = arith.constant 0 : i32
      %while3A_623 = arith.constant 20 : i32
      %while3A_624 = arith.subi %while3A_623, %while3A_622 : i32
      %while3A_625 = arith.addi %while3A_622, %while3A_624 : i32
      %while3A_626 = arith.constant 1 : i32
      %while3A_627 = arith.divsi %while3A_624, %while3A_626 : i32
      %while3A_628 = arith.muli %while3A_627, %while3A_626 : i32
      %while3A_629 = arith.addi %while3A_622, %while3A_628 : i32
      %while3A_630 = arith.constant 1 : i32
      scf.for %while3A_697 = %while3A_622 to %while3A_629 step %while3A_630  : i32 {
        %mul3A_698 = arith.constant 4 : i32
        %mul3A_699 = arith.muli %while3A_697, %mul3A_698 : i32
        %add3A_700 = arith.constant 0 : i32
        %add3A_701 = arith.addi %mul3A_699, %add3A_700 : i32
        %broadcast_in_dim3A_702 = vector.broadcast %add3A_701 : i32 to vector<16xi32>
        %gather3A = tpu.vector_load_idx %arg16[%broadcast_in_dim3A_702] : memref<80xf32, #tpu.memory_space<vmem>>[vector<16xi32>], vector<16xf32>,
        %get3A_703 = arith.index_cast %add3A_701 : i32 to index
        %get3A_704 = arith.constant 0 : index
        %get3A_705 = tpu.vector_load %arg18[%get3A_703, %get3A_704] {strides = array<i32>} : memref<80x128xf32, #tpu.memory_space<vmem>>, vector<16xf32>,
        %mul3A_706 = arith.mulf %get3A_705, %gather3A : vector<16xf32>
        %swap3A_707 = arith.index_cast %add3A_701 : i32 to index
        %swap3A_708 = arith.constant 0 : index
        %swap3A_709 = tpu.vector_load %arg18[%swap3A_707, %swap3A_708] {strides = array<i32>} : memref<80x128xf32, #tpu.memory_space<vmem>>, vector<16xf32>,
        tpu.vector_store %arg18[%swap3A_707, %swap3A_708], %mul3A_706 {strides = array<i32>} : memref<80x128xf32, #tpu.memory_space<vmem>>, vector<16xf32>,
        %get3A_710 = arith.index_cast %add3A_701 : i32 to index
        %get3A_711 = arith.constant 16 : index
        %get3A_712 = tpu.vector_load %arg18[%get3A_710, %get3A_711] {strides = array<i32>} : memref<80x128xf32, #tpu.memory_space<vmem>>, vector<16xf32>,
        %mul3A_713 = arith.mulf %get3A_712, %gather3A : vector<16xf32>
        %swap3A_714 = arith.index_cast %add3A_701 : i32 to index
        %swap3A_715 = arith.constant 16 : index
        %swap3A_716 = tpu.vector_load %arg18[%swap3A_714, %swap3A_715] {strides = array<i32>} : memref<80x128xf32, #tpu.memory_space<vmem>>, vector<16xf32>,
        tpu.vector_store %arg18[%swap3A_714, %swap3A_715], %mul3A_713 {strides = array<i32>} : memref<80x128xf32, #tpu.memory_space<vmem>>, vector<16xf32>,
        %get3A_717 = arith.index_cast %add3A_701 : i32 to index
        %get3A_718 = arith.constant 32 : index
        %get3A_719 = tpu.vector_load %arg18[%get3A_717, %get3A_718] {strides = array<i32>} : memref<80x128xf32, #tpu.memory_space<vmem>>, vector<16xf32>,
        %mul3A_720 = arith.mulf %get3A_719, %gather3A : vector<16xf32>
        %swap3A_721 = arith.index_cast %add3A_701 : i32 to index
        %swap3A_722 = arith.constant 32 : index
        %swap3A_723 = tpu.vector_load %arg18[%swap3A_721, %swap3A_722] {strides = array<i32>} : memref<80x128xf32, #tpu.memory_space<vmem>>, vector<16xf32>,
        tpu.vector_store %arg18[%swap3A_721, %swap3A_722], %mul3A_720 {strides = array<i32>} : memref<80x128xf32, #tpu.memory_space<vmem>>, vector<16xf32>,
        %get3A_724 = arith.index_cast %add3A_701 : i32 to index
        %get3A_725 = arith.constant 48 : index
        %get3A_726 = tpu.vector_load %arg18[%get3A_724, %get3A_725] {strides = array<i32>} : memref<80x128xf32, #tpu.memory_space<vmem>>, vector<16xf32>,
        %mul3A_727 = arith.mulf %get3A_726, %gather3A : vector<16xf32>
        %swap3A_728 = arith.index_cast %add3A_701 : i32 to index
        %swap3A_729 = arith.constant 48 : index
        %swap3A_730 = tpu.vector_load %arg18[%swap3A_728, %swap3A_729] {strides = array<i32>} : memref<80x128xf32, #tpu.memory_space<vmem>>, vector<16xf32>,
        tpu.vector_store %arg18[%swap3A_728, %swap3A_729], %mul3A_727 {strides = array<i32>} : memref<80x128xf32, #tpu.memory_space<vmem>>, vector<16xf32>,
        %get3A_731 = arith.index_cast %add3A_701 : i32 to index
        %get3A_732 = arith.constant 64 : index
        %get3A_733 = tpu.vector_load %arg18[%get3A_731, %get3A_732] {strides = array<i32>} : memref<80x128xf32, #tpu.memory_space<vmem>>, vector<16xf32>,
        %mul3A_734 = arith.mulf %get3A_733, %gather3A : vector<16xf32>
        %swap3A_735 = arith.index_cast %add3A_701 : i32 to index
        %swap3A_736 = arith.constant 64 : index
        %swap3A_737 = tpu.vector_load %arg18[%swap3A_735, %swap3A_736] {strides = array<i32>} : memref<80x128xf32, #tpu.memory_space<vmem>>, vector<16xf32>,
        tpu.vector_store %arg18[%swap3A_735, %swap3A_736], %mul3A_734 {strides = array<i32>} : memref<80x128xf32, #tpu.memory_space<vmem>>, vector<16xf32>,
        %get3A_738 = arith.index_cast %add3A_701 : i32 to index
        %get3A_739 = arith.constant 80 : index
        %get3A_740 = tpu.vector_load %arg18[%get3A_738, %get3A_739] {strides = array<i32>} : memref<80x128xf32, #tpu.memory_space<vmem>>, vector<16xf32>,
        %mul3A_741 = arith.mulf %get3A_740, %gather3A : vector<16xf32>
        %swap3A_742 = arith.index_cast %add3A_701 : i32 to index
        %swap3A_743 = arith.constant 80 : index
        %swap3A_744 = tpu.vector_load %arg18[%swap3A_742, %swap3A_743] {strides = array<i32>} : memref<80x128xf32, #tpu.memory_space<vmem>>, vector<16xf32>,
        tpu.vector_store %arg18[%swap3A_742, %swap3A_743], %mul3A_741 {strides = array<i32>} : memref<80x128xf32, #tpu.memory_space<vmem>>, vector<16xf32>,
        %get3A_745 = arith.index_cast %add3A_701 : i32 to index
        %get3A_746 = arith.constant 96 : index
        %get3A_747 = tpu.vector_load %arg18[%get3A_745, %get3A_746] {strides = array<i32>} : memref<80x128xf32, #tpu.memory_space<vmem>>, vector<16xf32>,
        %mul3A_748 = arith.mulf %get3A_747, %gather3A : vector<16xf32>
        %swap3A_749 = arith.index_cast %add3A_701 : i32 to index
        %swap3A_750 = arith.constant 96 : index
        %swap3A_751 = tpu.vector_load %arg18[%swap3A_749, %swap3A_750] {strides = array<i32>} : memref<80x128xf32, #tpu.memory_space<vmem>>, vector<16xf32>,
        tpu.vector_store %arg18[%swap3A_749, %swap3A_750], %mul3A_748 {strides = array<i32>} : memref<80x128xf32, #tpu.memory_space<vmem>>, vector<16xf32>,
        %get3A_752 = arith.index_cast %add3A_701 : i32 to index
        %get3A_753 = arith.constant 112 : index
        %get3A_754 = tpu.vector_load %arg18[%get3A_752, %get3A_753] {strides = array<i32>} : memref<80x128xf32, #tpu.memory_space<vmem>>, vector<16xf32>,
        %mul3A_755 = arith.mulf %get3A_754, %gather3A : vector<16xf32>
        %swap3A_756 = arith.index_cast %add3A_701 : i32 to index
        %swap3A_757 = arith.constant 112 : index
        %swap3A_758 = tpu.vector_load %arg18[%swap3A_756, %swap3A_757] {strides = array<i32>} : memref<80x128xf32, #tpu.memory_space<vmem>>, vector<16xf32>,
        tpu.vector_store %arg18[%swap3A_756, %swap3A_757], %mul3A_755 {strides = array<i32>} : memref<80x128xf32, #tpu.memory_space<vmem>>, vector<16xf32>,
        %mul3A_759 = arith.constant 4 : i32
        %mul3A_760 = arith.muli %while3A_697, %mul3A_759 : i32
        %add3A_761 = arith.constant 1 : i32
        %add3A_762 = arith.addi %mul3A_760, %add3A_761 : i32
        %broadcast_in_dim3A_763 = vector.broadcast %add3A_762 : i32 to vector<16xi32>
        %gather3A_764 = tpu.vector_load_idx %arg16[%broadcast_in_dim3A_763] : memref<80xf32, #tpu.memory_space<vmem>>[vector<16xi32>], vector<16xf32>,
        %get3A_765 = arith.index_cast %add3A_762 : i32 to index
        %get3A_766 = arith.constant 0 : index
        %get3A_767 = tpu.vector_load %arg18[%get3A_765, %get3A_766] {strides = array<i32>} : memref<80x128xf32, #tpu.memory_space<vmem>>, vector<16xf32>,
        %mul3A_768 = arith.mulf %get3A_767, %gather3A_764 : vector<16xf32>
        %swap3A_769 = arith.index_cast %add3A_762 : i32 to index
        %swap3A_770 = arith.constant 0 : index
        %swap3A_771 = tpu.vector_load %arg18[%swap3A_769, %swap3A_770] {strides = array<i32>} : memref<80x128xf32, #tpu.memory_space<vmem>>, vector<16xf32>,
        tpu.vector_store %arg18[%swap3A_769, %swap3A_770], %mul3A_768 {strides = array<i32>} : memref<80x128xf32, #tpu.memory_space<vmem>>, vector<16xf32>,
        %get3A_772 = arith.index_cast %add3A_762 : i32 to index
        %get3A_773 = arith.constant 16 : index
        %get3A_774 = tpu.vector_load %arg18[%get3A_772, %get3A_773] {strides = array<i32>} : memref<80x128xf32, #tpu.memory_space<vmem>>, vector<16xf32>,
        %mul3A_775 = arith.mulf %get3A_774, %gather3A_764 : vector<16xf32>
        %swap3A_776 = arith.index_cast %add3A_762 : i32 to index
        %swap3A_777 = arith.constant 16 : index
        %swap3A_778 = tpu.vector_load %arg18[%swap3A_776, %swap3A_777] {strides = array<i32>} : memref<80x128xf32, #tpu.memory_space<vmem>>, vector<16xf32>,
        tpu.vector_store %arg18[%swap3A_776, %swap3A_777], %mul3A_775 {strides = array<i32>} : memref<80x128xf32, #tpu.memory_space<vmem>>, vector<16xf32>,
        %get3A_779 = arith.index_cast %add3A_762 : i32 to index
        %get3A_780 = arith.constant 32 : index
        %get3A_781 = tpu.vector_load %arg18[%get3A_779, %get3A_780] {strides = array<i32>} : memref<80x128xf32, #tpu.memory_space<vmem>>, vector<16xf32>,
        %mul3A_782 = arith.mulf %get3A_781, %gather3A_764 : vector<16xf32>
        %swap3A_783 = arith.index_cast %add3A_762 : i32 to index
        %swap3A_784 = arith.constant 32 : index
        %swap3A_785 = tpu.vector_load %arg18[%swap3A_783, %swap3A_784] {strides = array<i32>} : memref<80x128xf32, #tpu.memory_space<vmem>>, vector<16xf32>,
        tpu.vector_store %arg18[%swap3A_783, %swap3A_784], %mul3A_782 {strides = array<i32>} : memref<80x128xf32, #tpu.memory_space<vmem>>, vector<16xf32>,
        %get3A_786 = arith.index_cast %add3A_762 : i32 to index
        %get3A_787 = arith.constant 48 : index
        %get3A_788 = tpu.vector_load %arg18[%get3A_786, %get3A_787] {strides = array<i32>} : memref<80x128xf32, #tpu.memory_space<vmem>>, vector<16xf32>,
        %mul3A_789 = arith.mulf %get3A_788, %gather3A_764 : vector<16xf32>
        %swap3A_790 = arith.index_cast %add3A_762 : i32 to index
        %swap3A_791 = arith.constant 48 : index
        %swap3A_792 = tpu.vector_load %arg18[%swap3A_790, %swap3A_791] {strides = array<i32>} : memref<80x128xf32, #tpu.memory_space<vmem>>, vector<16xf32>,
        tpu.vector_store %arg18[%swap3A_790, %swap3A_791], %mul3A_789 {strides = array<i32>} : memref<80x128xf32, #tpu.memory_space<vmem>>, vector<16xf32>,
        %get3A_793 = arith.index_cast %add3A_762 : i32 to index
        %get3A_794 = arith.constant 64 : index
        %get3A_795 = tpu.vector_load %arg18[%get3A_793, %get3A_794] {strides = array<i32>} : memref<80x128xf32, #tpu.memory_space<vmem>>, vector<16xf32>,
        %mul3A_796 = arith.mulf %get3A_795, %gather3A_764 : vector<16xf32>
        %swap3A_797 = arith.index_cast %add3A_762 : i32 to index
        %swap3A_798 = arith.constant 64 : index
        %swap3A_799 = tpu.vector_load %arg18[%swap3A_797, %swap3A_798] {strides = array<i32>} : memref<80x128xf32, #tpu.memory_space<vmem>>, vector<16xf32>,
        tpu.vector_store %arg18[%swap3A_797, %swap3A_798], %mul3A_796 {strides = array<i32>} : memref<80x128xf32, #tpu.memory_space<vmem>>, vector<16xf32>,
        %get3A_800 = arith.index_cast %add3A_762 : i32 to index
        %get3A_801 = arith.constant 80 : index
        %get3A_802 = tpu.vector_load %arg18[%get3A_800, %get3A_801] {strides = array<i32>} : memref<80x128xf32, #tpu.memory_space<vmem>>, vector<16xf32>,
        %mul3A_803 = arith.mulf %get3A_802, %gather3A_764 : vector<16xf32>
        %swap3A_804 = arith.index_cast %add3A_762 : i32 to index
        %swap3A_805 = arith.constant 80 : index
        %swap3A_806 = tpu.vector_load %arg18[%swap3A_804, %swap3A_805] {strides = array<i32>} : memref<80x128xf32, #tpu.memory_space<vmem>>, vector<16xf32>,
        tpu.vector_store %arg18[%swap3A_804, %swap3A_805], %mul3A_803 {strides = array<i32>} : memref<80x128xf32, #tpu.memory_space<vmem>>, vector<16xf32>,
        %get3A_807 = arith.index_cast %add3A_762 : i32 to index
        %get3A_808 = arith.constant 96 : index
        %get3A_809 = tpu.vector_load %arg18[%get3A_807, %get3A_808] {strides = array<i32>} : memref<80x128xf32, #tpu.memory_space<vmem>>, vector<16xf32>,
        %mul3A_810 = arith.mulf %get3A_809, %gather3A_764 : vector<16xf32>
        %swap3A_811 = arith.index_cast %add3A_762 : i32 to index
        %swap3A_812 = arith.constant 96 : index
        %swap3A_813 = tpu.vector_load %arg18[%swap3A_811, %swap3A_812] {strides = array<i32>} : memref<80x128xf32, #tpu.memory_space<vmem>>, vector<16xf32>,
        tpu.vector_store %arg18[%swap3A_811, %swap3A_812], %mul3A_810 {strides = array<i32>} : memref<80x128xf32, #tpu.memory_space<vmem>>, vector<16xf32>,
        %get3A_814 = arith.index_cast %add3A_762 : i32 to index
        %get3A_815 = arith.constant 112 : index
        %get3A_816 = tpu.vector_load %arg18[%get3A_814, %get3A_815] {strides = array<i32>} : memref<80x128xf32, #tpu.memory_space<vmem>>, vector<16xf32>,
        %mul3A_817 = arith.mulf %get3A_816, %gather3A_764 : vector<16xf32>
        %swap3A_818 = arith.index_cast %add3A_762 : i32 to index
        %swap3A_819 = arith.constant 112 : index
        %swap3A_820 = tpu.vector_load %arg18[%swap3A_818, %swap3A_819] {strides = array<i32>} : memref<80x128xf32, #tpu.memory_space<vmem>>, vector<16xf32>,
        tpu.vector_store %arg18[%swap3A_818, %swap3A_819], %mul3A_817 {strides = array<i32>} : memref<80x128xf32, #tpu.memory_space<vmem>>, vector<16xf32>,
        %mul3A_821 = arith.constant 4 : i32
        %mul3A_822 = arith.muli %while3A_697, %mul3A_821 : i32
        %add3A_823 = arith.constant 2 : i32
        %add3A_824 = arith.addi %mul3A_822, %add3A_823 : i32
        %broadcast_in_dim3A_825 = vector.broadcast %add3A_824 : i32 to vector<16xi32>
        %gather3A_826 = tpu.vector_load_idx %arg16[%broadcast_in_dim3A_825] : memref<80xf32, #tpu.memory_space<vmem>>[vector<16xi32>], vector<16xf32>,
        %get3A_827 = arith.index_cast %add3A_824 : i32 to index
        %get3A_828 = arith.constant 0 : index
        %get3A_829 = tpu.vector_load %arg18[%get3A_827, %get3A_828] {strides = array<i32>} : memref<80x128xf32, #tpu.memory_space<vmem>>, vector<16xf32>,
        %mul3A_830 = arith.mulf %get3A_829, %gather3A_826 : vector<16xf32>
        %swap3A_831 = arith.index_cast %add3A_824 : i32 to index
        %swap3A_832 = arith.constant 0 : index
        %swap3A_833 = tpu.vector_load %arg18[%swap3A_831, %swap3A_832] {strides = array<i32>} : memref<80x128xf32, #tpu.memory_space<vmem>>, vector<16xf32>,
        tpu.vector_store %arg18[%swap3A_831, %swap3A_832], %mul3A_830 {strides = array<i32>} : memref<80x128xf32, #tpu.memory_space<vmem>>, vector<16xf32>,
        %get3A_834 = arith.index_cast %add3A_824 : i32 to index
        %get3A_835 = arith.constant 16 : index
        %get3A_836 = tpu.vector_load %arg18[%get3A_834, %get3A_835] {strides = array<i32>} : memref<80x128xf32, #tpu.memory_space<vmem>>, vector<16xf32>,
        %mul3A_837 = arith.mulf %get3A_836, %gather3A_826 : vector<16xf32>
        %swap3A_838 = arith.index_cast %add3A_824 : i32 to index
        %swap3A_839 = arith.constant 16 : index
        %swap3A_840 = tpu.vector_load %arg18[%swap3A_838, %swap3A_839] {strides = array<i32>} : memref<80x128xf32, #tpu.memory_space<vmem>>, vector<16xf32>,
        tpu.vector_store %arg18[%swap3A_838, %swap3A_839], %mul3A_837 {strides = array<i32>} : memref<80x128xf32, #tpu.memory_space<vmem>>, vector<16xf32>,
        %get3A_841 = arith.index_cast %add3A_824 : i32 to index
        %get3A_842 = arith.constant 32 : index
        %get3A_843 = tpu.vector_load %arg18[%get3A_841, %get3A_842] {strides = array<i32>} : memref<80x128xf32, #tpu.memory_space<vmem>>, vector<16xf32>,
        %mul3A_844 = arith.mulf %get3A_843, %gather3A_826 : vector<16xf32>
        %swap3A_845 = arith.index_cast %add3A_824 : i32 to index
        %swap3A_846 = arith.constant 32 : index
        %swap3A_847 = tpu.vector_load %arg18[%swap3A_845, %swap3A_846] {strides = array<i32>} : memref<80x128xf32, #tpu.memory_space<vmem>>, vector<16xf32>,
        tpu.vector_store %arg18[%swap3A_845, %swap3A_846], %mul3A_844 {strides = array<i32>} : memref<80x128xf32, #tpu.memory_space<vmem>>, vector<16xf32>,
        %get3A_848 = arith.index_cast %add3A_824 : i32 to index
        %get3A_849 = arith.constant 48 : index
        %get3A_850 = tpu.vector_load %arg18[%get3A_848, %get3A_849] {strides = array<i32>} : memref<80x128xf32, #tpu.memory_space<vmem>>, vector<16xf32>,
        %mul3A_851 = arith.mulf %get3A_850, %gather3A_826 : vector<16xf32>
        %swap3A_852 = arith.index_cast %add3A_824 : i32 to index
        %swap3A_853 = arith.constant 48 : index
        %swap3A_854 = tpu.vector_load %arg18[%swap3A_852, %swap3A_853] {strides = array<i32>} : memref<80x128xf32, #tpu.memory_space<vmem>>, vector<16xf32>,
        tpu.vector_store %arg18[%swap3A_852, %swap3A_853], %mul3A_851 {strides = array<i32>} : memref<80x128xf32, #tpu.memory_space<vmem>>, vector<16xf32>,
        %get3A_855 = arith.index_cast %add3A_824 : i32 to index
        %get3A_856 = arith.constant 64 : index
        %get3A_857 = tpu.vector_load %arg18[%get3A_855, %get3A_856] {strides = array<i32>} : memref<80x128xf32, #tpu.memory_space<vmem>>, vector<16xf32>,
        %mul3A_858 = arith.mulf %get3A_857, %gather3A_826 : vector<16xf32>
        %swap3A_859 = arith.index_cast %add3A_824 : i32 to index
        %swap3A_860 = arith.constant 64 : index
        %swap3A_861 = tpu.vector_load %arg18[%swap3A_859, %swap3A_860] {strides = array<i32>} : memref<80x128xf32, #tpu.memory_space<vmem>>, vector<16xf32>,
        tpu.vector_store %arg18[%swap3A_859, %swap3A_860], %mul3A_858 {strides = array<i32>} : memref<80x128xf32, #tpu.memory_space<vmem>>, vector<16xf32>,
        %get3A_862 = arith.index_cast %add3A_824 : i32 to index
        %get3A_863 = arith.constant 80 : index
        %get3A_864 = tpu.vector_load %arg18[%get3A_862, %get3A_863] {strides = array<i32>} : memref<80x128xf32, #tpu.memory_space<vmem>>, vector<16xf32>,
        %mul3A_865 = arith.mulf %get3A_864, %gather3A_826 : vector<16xf32>
        %swap3A_866 = arith.index_cast %add3A_824 : i32 to index
        %swap3A_867 = arith.constant 80 : index
        %swap3A_868 = tpu.vector_load %arg18[%swap3A_866, %swap3A_867] {strides = array<i32>} : memref<80x128xf32, #tpu.memory_space<vmem>>, vector<16xf32>,
        tpu.vector_store %arg18[%swap3A_866, %swap3A_867], %mul3A_865 {strides = array<i32>} : memref<80x128xf32, #tpu.memory_space<vmem>>, vector<16xf32>,
        %get3A_869 = arith.index_cast %add3A_824 : i32 to index
        %get3A_870 = arith.constant 96 : index
        %get3A_871 = tpu.vector_load %arg18[%get3A_869, %get3A_870] {strides = array<i32>} : memref<80x128xf32, #tpu.memory_space<vmem>>, vector<16xf32>,
        %mul3A_872 = arith.mulf %get3A_871, %gather3A_826 : vector<16xf32>
        %swap3A_873 = arith.index_cast %add3A_824 : i32 to index
        %swap3A_874 = arith.constant 96 : index
        %swap3A_875 = tpu.vector_load %arg18[%swap3A_873, %swap3A_874] {strides = array<i32>} : memref<80x128xf32, #tpu.memory_space<vmem>>, vector<16xf32>,
        tpu.vector_store %arg18[%swap3A_873, %swap3A_874], %mul3A_872 {strides = array<i32>} : memref<80x128xf32, #tpu.memory_space<vmem>>, vector<16xf32>,
        %get3A_876 = arith.index_cast %add3A_824 : i32 to index
        %get3A_877 = arith.constant 112 : index
        %get3A_878 = tpu.vector_load %arg18[%get3A_876, %get3A_877] {strides = array<i32>} : memref<80x128xf32, #tpu.memory_space<vmem>>, vector<16xf32>,
        %mul3A_879 = arith.mulf %get3A_878, %gather3A_826 : vector<16xf32>
        %swap3A_880 = arith.index_cast %add3A_824 : i32 to index
        %swap3A_881 = arith.constant 112 : index
        %swap3A_882 = tpu.vector_load %arg18[%swap3A_880, %swap3A_881] {strides = array<i32>} : memref<80x128xf32, #tpu.memory_space<vmem>>, vector<16xf32>,
        tpu.vector_store %arg18[%swap3A_880, %swap3A_881], %mul3A_879 {strides = array<i32>} : memref<80x128xf32, #tpu.memory_space<vmem>>, vector<16xf32>,
        %mul3A_883 = arith.constant 4 : i32
        %mul3A_884 = arith.muli %while3A_697, %mul3A_883 : i32
        %add3A_885 = arith.constant 3 : i32
        %add3A_886 = arith.addi %mul3A_884, %add3A_885 : i32
        %broadcast_in_dim3A_887 = vector.broadcast %add3A_886 : i32 to vector<16xi32>
        %gather3A_888 = tpu.vector_load_idx %arg16[%broadcast_in_dim3A_887] : memref<80xf32, #tpu.memory_space<vmem>>[vector<16xi32>], vector<16xf32>,
        %get3A_889 = arith.index_cast %add3A_886 : i32 to index
        %get3A_890 = arith.constant 0 : index
        %get3A_891 = tpu.vector_load %arg18[%get3A_889, %get3A_890] {strides = array<i32>} : memref<80x128xf32, #tpu.memory_space<vmem>>, vector<16xf32>,
        %mul3A_892 = arith.mulf %get3A_891, %gather3A_888 : vector<16xf32>
        %swap3A_893 = arith.index_cast %add3A_886 : i32 to index
        %swap3A_894 = arith.constant 0 : index
        %swap3A_895 = tpu.vector_load %arg18[%swap3A_893, %swap3A_894] {strides = array<i32>} : memref<80x128xf32, #tpu.memory_space<vmem>>, vector<16xf32>,
        tpu.vector_store %arg18[%swap3A_893, %swap3A_894], %mul3A_892 {strides = array<i32>} : memref<80x128xf32, #tpu.memory_space<vmem>>, vector<16xf32>,
        %get3A_896 = arith.index_cast %add3A_886 : i32 to index
        %get3A_897 = arith.constant 16 : index
        %get3A_898 = tpu.vector_load %arg18[%get3A_896, %get3A_897] {strides = array<i32>} : memref<80x128xf32, #tpu.memory_space<vmem>>, vector<16xf32>,
        %mul3A_899 = arith.mulf %get3A_898, %gather3A_888 : vector<16xf32>
        %swap3A_900 = arith.index_cast %add3A_886 : i32 to index
        %swap3A_901 = arith.constant 16 : index
        %swap3A_902 = tpu.vector_load %arg18[%swap3A_900, %swap3A_901] {strides = array<i32>} : memref<80x128xf32, #tpu.memory_space<vmem>>, vector<16xf32>,
        tpu.vector_store %arg18[%swap3A_900, %swap3A_901], %mul3A_899 {strides = array<i32>} : memref<80x128xf32, #tpu.memory_space<vmem>>, vector<16xf32>,
        %get3A_903 = arith.index_cast %add3A_886 : i32 to index
        %get3A_904 = arith.constant 32 : index
        %get3A_905 = tpu.vector_load %arg18[%get3A_903, %get3A_904] {strides = array<i32>} : memref<80x128xf32, #tpu.memory_space<vmem>>, vector<16xf32>,
        %mul3A_906 = arith.mulf %get3A_905, %gather3A_888 : vector<16xf32>
        %swap3A_907 = arith.index_cast %add3A_886 : i32 to index
        %swap3A_908 = arith.constant 32 : index
        %swap3A_909 = tpu.vector_load %arg18[%swap3A_907, %swap3A_908] {strides = array<i32>} : memref<80x128xf32, #tpu.memory_space<vmem>>, vector<16xf32>,
        tpu.vector_store %arg18[%swap3A_907, %swap3A_908], %mul3A_906 {strides = array<i32>} : memref<80x128xf32, #tpu.memory_space<vmem>>, vector<16xf32>,
        %get3A_910 = arith.index_cast %add3A_886 : i32 to index
        %get3A_911 = arith.constant 48 : index
        %get3A_912 = tpu.vector_load %arg18[%get3A_910, %get3A_911] {strides = array<i32>} : memref<80x128xf32, #tpu.memory_space<vmem>>, vector<16xf32>,
        %mul3A_913 = arith.mulf %get3A_912, %gather3A_888 : vector<16xf32>
        %swap3A_914 = arith.index_cast %add3A_886 : i32 to index
        %swap3A_915 = arith.constant 48 : index
        %swap3A_916 = tpu.vector_load %arg18[%swap3A_914, %swap3A_915] {strides = array<i32>} : memref<80x128xf32, #tpu.memory_space<vmem>>, vector<16xf32>,
        tpu.vector_store %arg18[%swap3A_914, %swap3A_915], %mul3A_913 {strides = array<i32>} : memref<80x128xf32, #tpu.memory_space<vmem>>, vector<16xf32>,
        %get3A_917 = arith.index_cast %add3A_886 : i32 to index
        %get3A_918 = arith.constant 64 : index
        %get3A_919 = tpu.vector_load %arg18[%get3A_917, %get3A_918] {strides = array<i32>} : memref<80x128xf32, #tpu.memory_space<vmem>>, vector<16xf32>,
        %mul3A_920 = arith.mulf %get3A_919, %gather3A_888 : vector<16xf32>
        %swap3A_921 = arith.index_cast %add3A_886 : i32 to index
        %swap3A_922 = arith.constant 64 : index
        %swap3A_923 = tpu.vector_load %arg18[%swap3A_921, %swap3A_922] {strides = array<i32>} : memref<80x128xf32, #tpu.memory_space<vmem>>, vector<16xf32>,
        tpu.vector_store %arg18[%swap3A_921, %swap3A_922], %mul3A_920 {strides = array<i32>} : memref<80x128xf32, #tpu.memory_space<vmem>>, vector<16xf32>,
        %get3A_924 = arith.index_cast %add3A_886 : i32 to index
        %get3A_925 = arith.constant 80 : index
        %get3A_926 = tpu.vector_load %arg18[%get3A_924, %get3A_925] {strides = array<i32>} : memref<80x128xf32, #tpu.memory_space<vmem>>, vector<16xf32>,
        %mul3A_927 = arith.mulf %get3A_926, %gather3A_888 : vector<16xf32>
        %swap3A_928 = arith.index_cast %add3A_886 : i32 to index
        %swap3A_929 = arith.constant 80 : index
        %swap3A_930 = tpu.vector_load %arg18[%swap3A_928, %swap3A_929] {strides = array<i32>} : memref<80x128xf32, #tpu.memory_space<vmem>>, vector<16xf32>,
        tpu.vector_store %arg18[%swap3A_928, %swap3A_929], %mul3A_927 {strides = array<i32>} : memref<80x128xf32, #tpu.memory_space<vmem>>, vector<16xf32>,
        %get3A_931 = arith.index_cast %add3A_886 : i32 to index
        %get3A_932 = arith.constant 96 : index
        %get3A_933 = tpu.vector_load %arg18[%get3A_931, %get3A_932] {strides = array<i32>} : memref<80x128xf32, #tpu.memory_space<vmem>>, vector<16xf32>,
        %mul3A_934 = arith.mulf %get3A_933, %gather3A_888 : vector<16xf32>
        %swap3A_935 = arith.index_cast %add3A_886 : i32 to index
        %swap3A_936 = arith.constant 96 : index
        %swap3A_937 = tpu.vector_load %arg18[%swap3A_935, %swap3A_936] {strides = array<i32>} : memref<80x128xf32, #tpu.memory_space<vmem>>, vector<16xf32>,
        tpu.vector_store %arg18[%swap3A_935, %swap3A_936], %mul3A_934 {strides = array<i32>} : memref<80x128xf32, #tpu.memory_space<vmem>>, vector<16xf32>,
        %get3A_938 = arith.index_cast %add3A_886 : i32 to index
        %get3A_939 = arith.constant 112 : index
        %get3A_940 = tpu.vector_load %arg18[%get3A_938, %get3A_939] {strides = array<i32>} : memref<80x128xf32, #tpu.memory_space<vmem>>, vector<16xf32>,
        %mul3A_941 = arith.mulf %get3A_940, %gather3A_888 : vector<16xf32>
        %swap3A_942 = arith.index_cast %add3A_886 : i32 to index
        %swap3A_943 = arith.constant 112 : index
        %swap3A_944 = tpu.vector_load %arg18[%swap3A_942, %swap3A_943] {strides = array<i32>} : memref<80x128xf32, #tpu.memory_space<vmem>>, vector<16xf32>,
        tpu.vector_store %arg18[%swap3A_942, %swap3A_943], %mul3A_941 {strides = array<i32>} : memref<80x128xf32, #tpu.memory_space<vmem>>, vector<16xf32>,
      }
      %while3A_631 = arith.constant 1 : i32
      scf.for %while3A_697 = %while3A_629 to %while3A_625 step %while3A_631  : i32 {
        %mul3A_698 = arith.constant 4 : i32
        %mul3A_699 = arith.muli %while3A_697, %mul3A_698 : i32
        %add3A_700 = arith.constant 0 : i32
        %add3A_701 = arith.addi %mul3A_699, %add3A_700 : i32
        %broadcast_in_dim3A_702 = vector.broadcast %add3A_701 : i32 to vector<16xi32>
        %gather3A = tpu.vector_load_idx %arg16[%broadcast_in_dim3A_702] : memref<80xf32, #tpu.memory_space<vmem>>[vector<16xi32>], vector<16xf32>,
        %get3A_703 = arith.index_cast %add3A_701 : i32 to index
        %get3A_704 = arith.constant 0 : index
        %get3A_705 = tpu.vector_load %arg18[%get3A_703, %get3A_704] {strides = array<i32>} : memref<80x128xf32, #tpu.memory_space<vmem>>, vector<16xf32>,
        %mul3A_706 = arith.mulf %get3A_705, %gather3A : vector<16xf32>
        %swap3A_707 = arith.index_cast %add3A_701 : i32 to index
        %swap3A_708 = arith.constant 0 : index
        %swap3A_709 = tpu.vector_load %arg18[%swap3A_707, %swap3A_708] {strides = array<i32>} : memref<80x128xf32, #tpu.memory_space<vmem>>, vector<16xf32>,
        tpu.vector_store %arg18[%swap3A_707, %swap3A_708], %mul3A_706 {strides = array<i32>} : memref<80x128xf32, #tpu.memory_space<vmem>>, vector<16xf32>,
        %get3A_710 = arith.index_cast %add3A_701 : i32 to index
        %get3A_711 = arith.constant 16 : index
        %get3A_712 = tpu.vector_load %arg18[%get3A_710, %get3A_711] {strides = array<i32>} : memref<80x128xf32, #tpu.memory_space<vmem>>, vector<16xf32>,
        %mul3A_713 = arith.mulf %get3A_712, %gather3A : vector<16xf32>
        %swap3A_714 = arith.index_cast %add3A_701 : i32 to index
        %swap3A_715 = arith.constant 16 : index
        %swap3A_716 = tpu.vector_load %arg18[%swap3A_714, %swap3A_715] {strides = array<i32>} : memref<80x128xf32, #tpu.memory_space<vmem>>, vector<16xf32>,
        tpu.vector_store %arg18[%swap3A_714, %swap3A_715], %mul3A_713 {strides = array<i32>} : memref<80x128xf32, #tpu.memory_space<vmem>>, vector<16xf32>,
        %get3A_717 = arith.index_cast %add3A_701 : i32 to index
        %get3A_718 = arith.constant 32 : index
        %get3A_719 = tpu.vector_load %arg18[%get3A_717, %get3A_718] {strides = array<i32>} : memref<80x128xf32, #tpu.memory_space<vmem>>, vector<16xf32>,
        %mul3A_720 = arith.mulf %get3A_719, %gather3A : vector<16xf32>
        %swap3A_721 = arith.index_cast %add3A_701 : i32 to index
        %swap3A_722 = arith.constant 32 : index
        %swap3A_723 = tpu.vector_load %arg18[%swap3A_721, %swap3A_722] {strides = array<i32>} : memref<80x128xf32, #tpu.memory_space<vmem>>, vector<16xf32>,
        tpu.vector_store %arg18[%swap3A_721, %swap3A_722], %mul3A_720 {strides = array<i32>} : memref<80x128xf32, #tpu.memory_space<vmem>>, vector<16xf32>,
        %get3A_724 = arith.index_cast %add3A_701 : i32 to index
        %get3A_725 = arith.constant 48 : index
        %get3A_726 = tpu.vector_load %arg18[%get3A_724, %get3A_725] {strides = array<i32>} : memref<80x128xf32, #tpu.memory_space<vmem>>, vector<16xf32>,
        %mul3A_727 = arith.mulf %get3A_726, %gather3A : vector<16xf32>
        %swap3A_728 = arith.index_cast %add3A_701 : i32 to index
        %swap3A_729 = arith.constant 48 : index
        %swap3A_730 = tpu.vector_load %arg18[%swap3A_728, %swap3A_729] {strides = array<i32>} : memref<80x128xf32, #tpu.memory_space<vmem>>, vector<16xf32>,
        tpu.vector_store %arg18[%swap3A_728, %swap3A_729], %mul3A_727 {strides = array<i32>} : memref<80x128xf32, #tpu.memory_space<vmem>>, vector<16xf32>,
        %get3A_731 = arith.index_cast %add3A_701 : i32 to index
        %get3A_732 = arith.constant 64 : index
        %get3A_733 = tpu.vector_load %arg18[%get3A_731, %get3A_732] {strides = array<i32>} : memref<80x128xf32, #tpu.memory_space<vmem>>, vector<16xf32>,
        %mul3A_734 = arith.mulf %get3A_733, %gather3A : vector<16xf32>
        %swap3A_735 = arith.index_cast %add3A_701 : i32 to index
        %swap3A_736 = arith.constant 64 : index
        %swap3A_737 = tpu.vector_load %arg18[%swap3A_735, %swap3A_736] {strides = array<i32>} : memref<80x128xf32, #tpu.memory_space<vmem>>, vector<16xf32>,
        tpu.vector_store %arg18[%swap3A_735, %swap3A_736], %mul3A_734 {strides = array<i32>} : memref<80x128xf32, #tpu.memory_space<vmem>>, vector<16xf32>,
        %get3A_738 = arith.index_cast %add3A_701 : i32 to index
        %get3A_739 = arith.constant 80 : index
        %get3A_740 = tpu.vector_load %arg18[%get3A_738, %get3A_739] {strides = array<i32>} : memref<80x128xf32, #tpu.memory_space<vmem>>, vector<16xf32>,
        %mul3A_741 = arith.mulf %get3A_740, %gather3A : vector<16xf32>
        %swap3A_742 = arith.index_cast %add3A_701 : i32 to index
        %swap3A_743 = arith.constant 80 : index
        %swap3A_744 = tpu.vector_load %arg18[%swap3A_742, %swap3A_743] {strides = array<i32>} : memref<80x128xf32, #tpu.memory_space<vmem>>, vector<16xf32>,
        tpu.vector_store %arg18[%swap3A_742, %swap3A_743], %mul3A_741 {strides = array<i32>} : memref<80x128xf32, #tpu.memory_space<vmem>>, vector<16xf32>,
        %get3A_745 = arith.index_cast %add3A_701 : i32 to index
        %get3A_746 = arith.constant 96 : index
        %get3A_747 = tpu.vector_load %arg18[%get3A_745, %get3A_746] {strides = array<i32>} : memref<80x128xf32, #tpu.memory_space<vmem>>, vector<16xf32>,
        %mul3A_748 = arith.mulf %get3A_747, %gather3A : vector<16xf32>
        %swap3A_749 = arith.index_cast %add3A_701 : i32 to index
        %swap3A_750 = arith.constant 96 : index
        %swap3A_751 = tpu.vector_load %arg18[%swap3A_749, %swap3A_750] {strides = array<i32>} : memref<80x128xf32, #tpu.memory_space<vmem>>, vector<16xf32>,
        tpu.vector_store %arg18[%swap3A_749, %swap3A_750], %mul3A_748 {strides = array<i32>} : memref<80x128xf32, #tpu.memory_space<vmem>>, vector<16xf32>,
        %get3A_752 = arith.index_cast %add3A_701 : i32 to index
        %get3A_753 = arith.constant 112 : index
        %get3A_754 = tpu.vector_load %arg18[%get3A_752, %get3A_753] {strides = array<i32>} : memref<80x128xf32, #tpu.memory_space<vmem>>, vector<16xf32>,
        %mul3A_755 = arith.mulf %get3A_754, %gather3A : vector<16xf32>
        %swap3A_756 = arith.index_cast %add3A_701 : i32 to index
        %swap3A_757 = arith.constant 112 : index
        %swap3A_758 = tpu.vector_load %arg18[%swap3A_756, %swap3A_757] {strides = array<i32>} : memref<80x128xf32, #tpu.memory_space<vmem>>, vector<16xf32>,
        tpu.vector_store %arg18[%swap3A_756, %swap3A_757], %mul3A_755 {strides = array<i32>} : memref<80x128xf32, #tpu.memory_space<vmem>>, vector<16xf32>,
        %mul3A_759 = arith.constant 4 : i32
        %mul3A_760 = arith.muli %while3A_697, %mul3A_759 : i32
        %add3A_761 = arith.constant 1 : i32
        %add3A_762 = arith.addi %mul3A_760, %add3A_761 : i32
        %broadcast_in_dim3A_763 = vector.broadcast %add3A_762 : i32 to vector<16xi32>
        %gather3A_764 = tpu.vector_load_idx %arg16[%broadcast_in_dim3A_763] : memref<80xf32, #tpu.memory_space<vmem>>[vector<16xi32>], vector<16xf32>,
        %get3A_765 = arith.index_cast %add3A_762 : i32 to index
        %get3A_766 = arith.constant 0 : index
        %get3A_767 = tpu.vector_load %arg18[%get3A_765, %get3A_766] {strides = array<i32>} : memref<80x128xf32, #tpu.memory_space<vmem>>, vector<16xf32>,
        %mul3A_768 = arith.mulf %get3A_767, %gather3A_764 : vector<16xf32>
        %swap3A_769 = arith.index_cast %add3A_762 : i32 to index
        %swap3A_770 = arith.constant 0 : index
        %swap3A_771 = tpu.vector_load %arg18[%swap3A_769, %swap3A_770] {strides = array<i32>} : memref<80x128xf32, #tpu.memory_space<vmem>>, vector<16xf32>,
        tpu.vector_store %arg18[%swap3A_769, %swap3A_770], %mul3A_768 {strides = array<i32>} : memref<80x128xf32, #tpu.memory_space<vmem>>, vector<16xf32>,
        %get3A_772 = arith.index_cast %add3A_762 : i32 to index
        %get3A_773 = arith.constant 16 : index
        %get3A_774 = tpu.vector_load %arg18[%get3A_772, %get3A_773] {strides = array<i32>} : memref<80x128xf32, #tpu.memory_space<vmem>>, vector<16xf32>,
        %mul3A_775 = arith.mulf %get3A_774, %gather3A_764 : vector<16xf32>
        %swap3A_776 = arith.index_cast %add3A_762 : i32 to index
        %swap3A_777 = arith.constant 16 : index
        %swap3A_778 = tpu.vector_load %arg18[%swap3A_776, %swap3A_777] {strides = array<i32>} : memref<80x128xf32, #tpu.memory_space<vmem>>, vector<16xf32>,
        tpu.vector_store %arg18[%swap3A_776, %swap3A_777], %mul3A_775 {strides = array<i32>} : memref<80x128xf32, #tpu.memory_space<vmem>>, vector<16xf32>,
        %get3A_779 = arith.index_cast %add3A_762 : i32 to index
        %get3A_780 = arith.constant 32 : index
        %get3A_781 = tpu.vector_load %arg18[%get3A_779, %get3A_780] {strides = array<i32>} : memref<80x128xf32, #tpu.memory_space<vmem>>, vector<16xf32>,
        %mul3A_782 = arith.mulf %get3A_781, %gather3A_764 : vector<16xf32>
        %swap3A_783 = arith.index_cast %add3A_762 : i32 to index
        %swap3A_784 = arith.constant 32 : index
        %swap3A_785 = tpu.vector_load %arg18[%swap3A_783, %swap3A_784] {strides = array<i32>} : memref<80x128xf32, #tpu.memory_space<vmem>>, vector<16xf32>,
        tpu.vector_store %arg18[%swap3A_783, %swap3A_784], %mul3A_782 {strides = array<i32>} : memref<80x128xf32, #tpu.memory_space<vmem>>, vector<16xf32>,
        %get3A_786 = arith.index_cast %add3A_762 : i32 to index
        %get3A_787 = arith.constant 48 : index
        %get3A_788 = tpu.vector_load %arg18[%get3A_786, %get3A_787] {strides = array<i32>} : memref<80x128xf32, #tpu.memory_space<vmem>>, vector<16xf32>,
        %mul3A_789 = arith.mulf %get3A_788, %gather3A_764 : vector<16xf32>
        %swap3A_790 = arith.index_cast %add3A_762 : i32 to index
        %swap3A_791 = arith.constant 48 : index
        %swap3A_792 = tpu.vector_load %arg18[%swap3A_790, %swap3A_791] {strides = array<i32>} : memref<80x128xf32, #tpu.memory_space<vmem>>, vector<16xf32>,
        tpu.vector_store %arg18[%swap3A_790, %swap3A_791], %mul3A_789 {strides = array<i32>} : memref<80x128xf32, #tpu.memory_space<vmem>>, vector<16xf32>,
        %get3A_793 = arith.index_cast %add3A_762 : i32 to index
        %get3A_794 = arith.constant 64 : index
        %get3A_795 = tpu.vector_load %arg18[%get3A_793, %get3A_794] {strides = array<i32>} : memref<80x128xf32, #tpu.memory_space<vmem>>, vector<16xf32>,
        %mul3A_796 = arith.mulf %get3A_795, %gather3A_764 : vector<16xf32>
        %swap3A_797 = arith.index_cast %add3A_762 : i32 to index
        %swap3A_798 = arith.constant 64 : index
        %swap3A_799 = tpu.vector_load %arg18[%swap3A_797, %swap3A_798] {strides = array<i32>} : memref<80x128xf32, #tpu.memory_space<vmem>>, vector<16xf32>,
        tpu.vector_store %arg18[%swap3A_797, %swap3A_798], %mul3A_796 {strides = array<i32>} : memref<80x128xf32, #tpu.memory_space<vmem>>, vector<16xf32>,
        %get3A_800 = arith.index_cast %add3A_762 : i32 to index
        %get3A_801 = arith.constant 80 : index
        %get3A_802 = tpu.vector_load %arg18[%get3A_800, %get3A_801] {strides = array<i32>} : memref<80x128xf32, #tpu.memory_space<vmem>>, vector<16xf32>,
        %mul3A_803 = arith.mulf %get3A_802, %gather3A_764 : vector<16xf32>
        %swap3A_804 = arith.index_cast %add3A_762 : i32 to index
        %swap3A_805 = arith.constant 80 : index
        %swap3A_806 = tpu.vector_load %arg18[%swap3A_804, %swap3A_805] {strides = array<i32>} : memref<80x128xf32, #tpu.memory_space<vmem>>, vector<16xf32>,
        tpu.vector_store %arg18[%swap3A_804, %swap3A_805], %mul3A_803 {strides = array<i32>} : memref<80x128xf32, #tpu.memory_space<vmem>>, vector<16xf32>,
        %get3A_807 = arith.index_cast %add3A_762 : i32 to index
        %get3A_808 = arith.constant 96 : index
        %get3A_809 = tpu.vector_load %arg18[%get3A_807, %get3A_808] {strides = array<i32>} : memref<80x128xf32, #tpu.memory_space<vmem>>, vector<16xf32>,
        %mul3A_810 = arith.mulf %get3A_809, %gather3A_764 : vector<16xf32>
        %swap3A_811 = arith.index_cast %add3A_762 : i32 to index
        %swap3A_812 = arith.constant 96 : index
        %swap3A_813 = tpu.vector_load %arg18[%swap3A_811, %swap3A_812] {strides = array<i32>} : memref<80x128xf32, #tpu.memory_space<vmem>>, vector<16xf32>,
        tpu.vector_store %arg18[%swap3A_811, %swap3A_812], %mul3A_810 {strides = array<i32>} : memref<80x128xf32, #tpu.memory_space<vmem>>, vector<16xf32>,
        %get3A_814 = arith.index_cast %add3A_762 : i32 to index
        %get3A_815 = arith.constant 112 : index
        %get3A_816 = tpu.vector_load %arg18[%get3A_814, %get3A_815] {strides = array<i32>} : memref<80x128xf32, #tpu.memory_space<vmem>>, vector<16xf32>,
        %mul3A_817 = arith.mulf %get3A_816, %gather3A_764 : vector<16xf32>
        %swap3A_818 = arith.index_cast %add3A_762 : i32 to index
        %swap3A_819 = arith.constant 112 : index
        %swap3A_820 = tpu.vector_load %arg18[%swap3A_818, %swap3A_819] {strides = array<i32>} : memref<80x128xf32, #tpu.memory_space<vmem>>, vector<16xf32>,
        tpu.vector_store %arg18[%swap3A_818, %swap3A_819], %mul3A_817 {strides = array<i32>} : memref<80x128xf32, #tpu.memory_space<vmem>>, vector<16xf32>,
        %mul3A_821 = arith.constant 4 : i32
        %mul3A_822 = arith.muli %while3A_697, %mul3A_821 : i32
        %add3A_823 = arith.constant 2 : i32
        %add3A_824 = arith.addi %mul3A_822, %add3A_823 : i32
        %broadcast_in_dim3A_825 = vector.broadcast %add3A_824 : i32 to vector<16xi32>
        %gather3A_826 = tpu.vector_load_idx %arg16[%broadcast_in_dim3A_825] : memref<80xf32, #tpu.memory_space<vmem>>[vector<16xi32>], vector<16xf32>,
        %get3A_827 = arith.index_cast %add3A_824 : i32 to index
        %get3A_828 = arith.constant 0 : index
        %get3A_829 = tpu.vector_load %arg18[%get3A_827, %get3A_828] {strides = array<i32>} : memref<80x128xf32, #tpu.memory_space<vmem>>, vector<16xf32>,
        %mul3A_830 = arith.mulf %get3A_829, %gather3A_826 : vector<16xf32>
        %swap3A_831 = arith.index_cast %add3A_824 : i32 to index
        %swap3A_832 = arith.constant 0 : index
        %swap3A_833 = tpu.vector_load %arg18[%swap3A_831, %swap3A_832] {strides = array<i32>} : memref<80x128xf32, #tpu.memory_space<vmem>>, vector<16xf32>,
        tpu.vector_store %arg18[%swap3A_831, %swap3A_832], %mul3A_830 {strides = array<i32>} : memref<80x128xf32, #tpu.memory_space<vmem>>, vector<16xf32>,
        %get3A_834 = arith.index_cast %add3A_824 : i32 to index
        %get3A_835 = arith.constant 16 : index
        %get3A_836 = tpu.vector_load %arg18[%get3A_834, %get3A_835] {strides = array<i32>} : memref<80x128xf32, #tpu.memory_space<vmem>>, vector<16xf32>,
        %mul3A_837 = arith.mulf %get3A_836, %gather3A_826 : vector<16xf32>
        %swap3A_838 = arith.index_cast %add3A_824 : i32 to index
        %swap3A_839 = arith.constant 16 : index
        %swap3A_840 = tpu.vector_load %arg18[%swap3A_838, %swap3A_839] {strides = array<i32>} : memref<80x128xf32, #tpu.memory_space<vmem>>, vector<16xf32>,
        tpu.vector_store %arg18[%swap3A_838, %swap3A_839], %mul3A_837 {strides = array<i32>} : memref<80x128xf32, #tpu.memory_space<vmem>>, vector<16xf32>,
        %get3A_841 = arith.index_cast %add3A_824 : i32 to index
        %get3A_842 = arith.constant 32 : index
        %get3A_843 = tpu.vector_load %arg18[%get3A_841, %get3A_842] {strides = array<i32>} : memref<80x128xf32, #tpu.memory_space<vmem>>, vector<16xf32>,
        %mul3A_844 = arith.mulf %get3A_843, %gather3A_826 : vector<16xf32>
        %swap3A_845 = arith.index_cast %add3A_824 : i32 to index
        %swap3A_846 = arith.constant 32 : index
        %swap3A_847 = tpu.vector_load %arg18[%swap3A_845, %swap3A_846] {strides = array<i32>} : memref<80x128xf32, #tpu.memory_space<vmem>>, vector<16xf32>,
        tpu.vector_store %arg18[%swap3A_845, %swap3A_846], %mul3A_844 {strides = array<i32>} : memref<80x128xf32, #tpu.memory_space<vmem>>, vector<16xf32>,
        %get3A_848 = arith.index_cast %add3A_824 : i32 to index
        %get3A_849 = arith.constant 48 : index
        %get3A_850 = tpu.vector_load %arg18[%get3A_848, %get3A_849] {strides = array<i32>} : memref<80x128xf32, #tpu.memory_space<vmem>>, vector<16xf32>,
        %mul3A_851 = arith.mulf %get3A_850, %gather3A_826 : vector<16xf32>
        %swap3A_852 = arith.index_cast %add3A_824 : i32 to index
        %swap3A_853 = arith.constant 48 : index
        %swap3A_854 = tpu.vector_load %arg18[%swap3A_852, %swap3A_853] {strides = array<i32>} : memref<80x128xf32, #tpu.memory_space<vmem>>, vector<16xf32>,
        tpu.vector_store %arg18[%swap3A_852, %swap3A_853], %mul3A_851 {strides = array<i32>} : memref<80x128xf32, #tpu.memory_space<vmem>>, vector<16xf32>,
        %get3A_855 = arith.index_cast %add3A_824 : i32 to index
        %get3A_856 = arith.constant 64 : index
        %get3A_857 = tpu.vector_load %arg18[%get3A_855, %get3A_856] {strides = array<i32>} : memref<80x128xf32, #tpu.memory_space<vmem>>, vector<16xf32>,
        %mul3A_858 = arith.mulf %get3A_857, %gather3A_826 : vector<16xf32>
        %swap3A_859 = arith.index_cast %add3A_824 : i32 to index
        %swap3A_860 = arith.constant 64 : index
        %swap3A_861 = tpu.vector_load %arg18[%swap3A_859, %swap3A_860] {strides = array<i32>} : memref<80x128xf32, #tpu.memory_space<vmem>>, vector<16xf32>,
        tpu.vector_store %arg18[%swap3A_859, %swap3A_860], %mul3A_858 {strides = array<i32>} : memref<80x128xf32, #tpu.memory_space<vmem>>, vector<16xf32>,
        %get3A_862 = arith.index_cast %add3A_824 : i32 to index
        %get3A_863 = arith.constant 80 : index
        %get3A_864 = tpu.vector_load %arg18[%get3A_862, %get3A_863] {strides = array<i32>} : memref<80x128xf32, #tpu.memory_space<vmem>>, vector<16xf32>,
        %mul3A_865 = arith.mulf %get3A_864, %gather3A_826 : vector<16xf32>
        %swap3A_866 = arith.index_cast %add3A_824 : i32 to index
        %swap3A_867 = arith.constant 80 : index
        %swap3A_868 = tpu.vector_load %arg18[%swap3A_866, %swap3A_867] {strides = array<i32>} : memref<80x128xf32, #tpu.memory_space<vmem>>, vector<16xf32>,
        tpu.vector_store %arg18[%swap3A_866, %swap3A_867], %mul3A_865 {strides = array<i32>} : memref<80x128xf32, #tpu.memory_space<vmem>>, vector<16xf32>,
        %get3A_869 = arith.index_cast %add3A_824 : i32 to index
        %get3A_870 = arith.constant 96 : index
        %get3A_871 = tpu.vector_load %arg18[%get3A_869, %get3A_870] {strides = array<i32>} : memref<80x128xf32, #tpu.memory_space<vmem>>, vector<16xf32>,
        %mul3A_872 = arith.mulf %get3A_871, %gather3A_826 : vector<16xf32>
        %swap3A_873 = arith.index_cast %add3A_824 : i32 to index
        %swap3A_874 = arith.constant 96 : index
        %swap3A_875 = tpu.vector_load %arg18[%swap3A_873, %swap3A_874] {strides = array<i32>} : memref<80x128xf32, #tpu.memory_space<vmem>>, vector<16xf32>,
        tpu.vector_store %arg18[%swap3A_873, %swap3A_874], %mul3A_872 {strides = array<i32>} : memref<80x128xf32, #tpu.memory_space<vmem>>, vector<16xf32>,
        %get3A_876 = arith.index_cast %add3A_824 : i32 to index
        %get3A_877 = arith.constant 112 : index
        %get3A_878 = tpu.vector_load %arg18[%get3A_876, %get3A_877] {strides = array<i32>} : memref<80x128xf32, #tpu.memory_space<vmem>>, vector<16xf32>,
        %mul3A_879 = arith.mulf %get3A_878, %gather3A_826 : vector<16xf32>
        %swap3A_880 = arith.index_cast %add3A_824 : i32 to index
        %swap3A_881 = arith.constant 112 : index
        %swap3A_882 = tpu.vector_load %arg18[%swap3A_880, %swap3A_881] {strides = array<i32>} : memref<80x128xf32, #tpu.memory_space<vmem>>, vector<16xf32>,
        tpu.vector_store %arg18[%swap3A_880, %swap3A_881], %mul3A_879 {strides = array<i32>} : memref<80x128xf32, #tpu.memory_space<vmem>>, vector<16xf32>,
        %mul3A_883 = arith.constant 4 : i32
        %mul3A_884 = arith.muli %while3A_697, %mul3A_883 : i32
        %add3A_885 = arith.constant 3 : i32
        %add3A_886 = arith.addi %mul3A_884, %add3A_885 : i32
        %broadcast_in_dim3A_887 = vector.broadcast %add3A_886 : i32 to vector<16xi32>
        %gather3A_888 = tpu.vector_load_idx %arg16[%broadcast_in_dim3A_887] : memref<80xf32, #tpu.memory_space<vmem>>[vector<16xi32>], vector<16xf32>,
        %get3A_889 = arith.index_cast %add3A_886 : i32 to index
        %get3A_890 = arith.constant 0 : index
        %get3A_891 = tpu.vector_load %arg18[%get3A_889, %get3A_890] {strides = array<i32>} : memref<80x128xf32, #tpu.memory_space<vmem>>, vector<16xf32>,
        %mul3A_892 = arith.mulf %get3A_891, %gather3A_888 : vector<16xf32>
        %swap3A_893 = arith.index_cast %add3A_886 : i32 to index
        %swap3A_894 = arith.constant 0 : index
        %swap3A_895 = tpu.vector_load %arg18[%swap3A_893, %swap3A_894] {strides = array<i32>} : memref<80x128xf32, #tpu.memory_space<vmem>>, vector<16xf32>,
        tpu.vector_store %arg18[%swap3A_893, %swap3A_894], %mul3A_892 {strides = array<i32>} : memref<80x128xf32, #tpu.memory_space<vmem>>, vector<16xf32>,
        %get3A_896 = arith.index_cast %add3A_886 : i32 to index
        %get3A_897 = arith.constant 16 : index
        %get3A_898 = tpu.vector_load %arg18[%get3A_896, %get3A_897] {strides = array<i32>} : memref<80x128xf32, #tpu.memory_space<vmem>>, vector<16xf32>,
        %mul3A_899 = arith.mulf %get3A_898, %gather3A_888 : vector<16xf32>
        %swap3A_900 = arith.index_cast %add3A_886 : i32 to index
        %swap3A_901 = arith.constant 16 : index
        %swap3A_902 = tpu.vector_load %arg18[%swap3A_900, %swap3A_901] {strides = array<i32>} : memref<80x128xf32, #tpu.memory_space<vmem>>, vector<16xf32>,
        tpu.vector_store %arg18[%swap3A_900, %swap3A_901], %mul3A_899 {strides = array<i32>} : memref<80x128xf32, #tpu.memory_space<vmem>>, vector<16xf32>,
        %get3A_903 = arith.index_cast %add3A_886 : i32 to index
        %get3A_904 = arith.constant 32 : index
        %get3A_905 = tpu.vector_load %arg18[%get3A_903, %get3A_904] {strides = array<i32>} : memref<80x128xf32, #tpu.memory_space<vmem>>, vector<16xf32>,
        %mul3A_906 = arith.mulf %get3A_905, %gather3A_888 : vector<16xf32>
        %swap3A_907 = arith.index_cast %add3A_886 : i32 to index
        %swap3A_908 = arith.constant 32 : index
        %swap3A_909 = tpu.vector_load %arg18[%swap3A_907, %swap3A_908] {strides = array<i32>} : memref<80x128xf32, #tpu.memory_space<vmem>>, vector<16xf32>,
        tpu.vector_store %arg18[%swap3A_907, %swap3A_908], %mul3A_906 {strides = array<i32>} : memref<80x128xf32, #tpu.memory_space<vmem>>, vector<16xf32>,
        %get3A_910 = arith.index_cast %add3A_886 : i32 to index
        %get3A_911 = arith.constant 48 : index
        %get3A_912 = tpu.vector_load %arg18[%get3A_910, %get3A_911] {strides = array<i32>} : memref<80x128xf32, #tpu.memory_space<vmem>>, vector<16xf32>,
        %mul3A_913 = arith.mulf %get3A_912, %gather3A_888 : vector<16xf32>
        %swap3A_914 = arith.index_cast %add3A_886 : i32 to index
        %swap3A_915 = arith.constant 48 : index
        %swap3A_916 = tpu.vector_load %arg18[%swap3A_914, %swap3A_915] {strides = array<i32>} : memref<80x128xf32, #tpu.memory_space<vmem>>, vector<16xf32>,
        tpu.vector_store %arg18[%swap3A_914, %swap3A_915], %mul3A_913 {strides = array<i32>} : memref<80x128xf32, #tpu.memory_space<vmem>>, vector<16xf32>,
        %get3A_917 = arith.index_cast %add3A_886 : i32 to index
        %get3A_918 = arith.constant 64 : index
        %get3A_919 = tpu.vector_load %arg18[%get3A_917, %get3A_918] {strides = array<i32>} : memref<80x128xf32, #tpu.memory_space<vmem>>, vector<16xf32>,
        %mul3A_920 = arith.mulf %get3A_919, %gather3A_888 : vector<16xf32>
        %swap3A_921 = arith.index_cast %add3A_886 : i32 to index
        %swap3A_922 = arith.constant 64 : index
        %swap3A_923 = tpu.vector_load %arg18[%swap3A_921, %swap3A_922] {strides = array<i32>} : memref<80x128xf32, #tpu.memory_space<vmem>>, vector<16xf32>,
        tpu.vector_store %arg18[%swap3A_921, %swap3A_922], %mul3A_920 {strides = array<i32>} : memref<80x128xf32, #tpu.memory_space<vmem>>, vector<16xf32>,
        %get3A_924 = arith.index_cast %add3A_886 : i32 to index
        %get3A_925 = arith.constant 80 : index
        %get3A_926 = tpu.vector_load %arg18[%get3A_924, %get3A_925] {strides = array<i32>} : memref<80x128xf32, #tpu.memory_space<vmem>>, vector<16xf32>,
        %mul3A_927 = arith.mulf %get3A_926, %gather3A_888 : vector<16xf32>
        %swap3A_928 = arith.index_cast %add3A_886 : i32 to index
        %swap3A_929 = arith.constant 80 : index
        %swap3A_930 = tpu.vector_load %arg18[%swap3A_928, %swap3A_929] {strides = array<i32>} : memref<80x128xf32, #tpu.memory_space<vmem>>, vector<16xf32>,
        tpu.vector_store %arg18[%swap3A_928, %swap3A_929], %mul3A_927 {strides = array<i32>} : memref<80x128xf32, #tpu.memory_space<vmem>>, vector<16xf32>,
        %get3A_931 = arith.index_cast %add3A_886 : i32 to index
        %get3A_932 = arith.constant 96 : index
        %get3A_933 = tpu.vector_load %arg18[%get3A_931, %get3A_932] {strides = array<i32>} : memref<80x128xf32, #tpu.memory_space<vmem>>, vector<16xf32>,
        %mul3A_934 = arith.mulf %get3A_933, %gather3A_888 : vector<16xf32>
        %swap3A_935 = arith.index_cast %add3A_886 : i32 to index
        %swap3A_936 = arith.constant 96 : index
        %swap3A_937 = tpu.vector_load %arg18[%swap3A_935, %swap3A_936] {strides = array<i32>} : memref<80x128xf32, #tpu.memory_space<vmem>>, vector<16xf32>,
        tpu.vector_store %arg18[%swap3A_935, %swap3A_936], %mul3A_934 {strides = array<i32>} : memref<80x128xf32, #tpu.memory_space<vmem>>, vector<16xf32>,
        %get3A_938 = arith.index_cast %add3A_886 : i32 to index
        %get3A_939 = arith.constant 112 : index
        %get3A_940 = tpu.vector_load %arg18[%get3A_938, %get3A_939] {strides = array<i32>} : memref<80x128xf32, #tpu.memory_space<vmem>>, vector<16xf32>,
        %mul3A_941 = arith.mulf %get3A_940, %gather3A_888 : vector<16xf32>
        %swap3A_942 = arith.index_cast %add3A_886 : i32 to index
        %swap3A_943 = arith.constant 112 : index
        %swap3A_944 = tpu.vector_load %arg18[%swap3A_942, %swap3A_943] {strides = array<i32>} : memref<80x128xf32, #tpu.memory_space<vmem>>, vector<16xf32>,
        tpu.vector_store %arg18[%swap3A_942, %swap3A_943], %mul3A_941 {strides = array<i32>} : memref<80x128xf32, #tpu.memory_space<vmem>>, vector<16xf32>,
      }
      %dma_start3A_632 = arith.constant 0 : i32
      %dma_start3A_633 = arith.constant 0 : i32
      %dma_start3A_634 = tpu.memref_slice %arg14[%dma_start3A_632, %dma_start3A_633] : memref<1x80xi32, #tpu.memory_space<vmem>> -> memref<1x80xi32, #tpu.memory_space<vmem>>
      %dma_start3A_635 = tpu.memref_squeeze %dma_start3A_634 : memref<1x80xi32, #tpu.memory_space<vmem>> -> memref<80xi32, #tpu.memory_space<vmem>>
      %dma_start3A_636 = arith.constant 0 : i32
      %dma_start3A_637 = arith.constant 0 : i32
      %dma_start3A_638 = tpu.memref_slice %arg22[%dma_start3A_636, %dma_start3A_637] : memref<10000x128xf32, #tpu.memory_space<vmem_shared>> -> memref<10000x128xf32, #tpu.memory_space<vmem_shared>>
      tpu.enqueue_indirect_dma source(%arg18 : memref<80x128xf32, #tpu.memory_space<vmem>>) target(%dma_start3A_638 : memref<10000x128xf32, #tpu.memory_space<vmem_shared>>) offsets(%dma_start3A_635 : memref<80xi32, #tpu.memory_space<vmem>>) semaphore(%arg27 : memref<!tpu.dma_semaphore, #tpu.memory_space<semaphore_mem>>) {add = true}
      %eq3A_639 = arith.constant 0 : i32
      %eq3A_640 = arith.cmpi eq, %arg0, %eq3A_639 : i32
      %convert_element_type3A_641 = arith.extui %eq3A_640 : i1 to i32
      %cond3A_642 = arith.constant 0 : i32
      %cond3A_643 = arith.cmpi ne, %convert_element_type3A_641, %cond3A_642 : i32
      scf.if %cond3A_643 {
        %dma_start3A_697 = arith.constant 0 : i32
        %dma_start3A_698 = arith.constant 0 : i32
        %dma_start3A_699 = tpu.memref_slice %arg14[%dma_start3A_697, %dma_start3A_698] : memref<1x80xi32, #tpu.memory_space<vmem>> -> memref<1x80xi32, #tpu.memory_space<vmem>>
        %dma_start3A_700 = tpu.memref_squeeze %dma_start3A_699 : memref<1x80xi32, #tpu.memory_space<vmem>> -> memref<80xi32, #tpu.memory_space<vmem>>
        %dma_start3A_701 = arith.constant 0 : i32
        %dma_start3A_702 = tpu.memref_slice %arg23[%dma_start3A_701] : memref<10000xf32, #tpu.memory_space<vmem_shared>> -> memref<10000xf32, #tpu.memory_space<vmem_shared>>
        tpu.enqueue_indirect_dma source(%arg19 : memref<80xf32, #tpu.memory_space<vmem>>) target(%dma_start3A_702 : memref<10000xf32, #tpu.memory_space<vmem_shared>>) offsets(%dma_start3A_700 : memref<80xi32, #tpu.memory_space<vmem>>) semaphore(%arg27 : memref<!tpu.dma_semaphore, #tpu.memory_space<semaphore_mem>>) {add = true}
      } else {
      }
      %dma_wait3A_644 = arith.constant 0 : i32
      %dma_wait3A_645 = arith.constant 0 : i32
      %dma_wait3A_646 = tpu.memref_slice %arg13[%dma_wait3A_644, %dma_wait3A_645] : memref<1x80xi32, #tpu.memory_space<vmem>> -> memref<1x80xi32, #tpu.memory_space<vmem>>
      %dma_wait3A_647 = tpu.memref_squeeze %dma_wait3A_646 : memref<1x80xi32, #tpu.memory_space<vmem>> -> memref<80xi32, #tpu.memory_space<vmem>>
      %dma_wait3A_648 = arith.constant 0 : i32
      %dma_wait3A_649 = arith.constant 0 : i32
      %dma_wait3A_650 = tpu.memref_slice %arg22[%dma_wait3A_648, %dma_wait3A_649] : memref<10000x128xf32, #tpu.memory_space<vmem_shared>> -> memref<10000x128xf32, #tpu.memory_space<vmem_shared>>
      tpu.wait_indirect_dma semaphore(%arg26 : memref<!tpu.dma_semaphore, #tpu.memory_space<semaphore_mem>>) src(%arg17 : memref<80x128xf32, #tpu.memory_space<vmem>>) dst(%dma_wait3A_650 : memref<10000x128xf32, #tpu.memory_space<vmem_shared>>)
      %eq3A_651 = arith.constant 0 : i32
      %eq3A_652 = arith.cmpi eq, %arg0, %eq3A_651 : i32
      %convert_element_type3A_653 = arith.extui %eq3A_652 : i1 to i32
      %cond3A_654 = arith.constant 0 : i32
      %cond3A_655 = arith.cmpi ne, %convert_element_type3A_653, %cond3A_654 : i32
      scf.if %cond3A_655 {
        %dma_wait3A_697 = arith.constant 0 : i32
        %dma_wait3A_698 = arith.constant 0 : i32
        %dma_wait3A_699 = tpu.memref_slice %arg13[%dma_wait3A_697, %dma_wait3A_698] : memref<1x80xi32, #tpu.memory_space<vmem>> -> memref<1x80xi32, #tpu.memory_space<vmem>>
        %dma_wait3A_700 = tpu.memref_squeeze %dma_wait3A_699 : memref<1x80xi32, #tpu.memory_space<vmem>> -> memref<80xi32, #tpu.memory_space<vmem>>
        %dma_wait3A_701 = arith.constant 0 : i32
        %dma_wait3A_702 = tpu.memref_slice %arg23[%dma_wait3A_701] : memref<10000xf32, #tpu.memory_space<vmem_shared>> -> memref<10000xf32, #tpu.memory_space<vmem_shared>>
        tpu.wait_indirect_dma semaphore(%arg26 : memref<!tpu.dma_semaphore, #tpu.memory_space<semaphore_mem>>) src(%arg19 : memref<80xf32, #tpu.memory_space<vmem>>) dst(%dma_wait3A_702 : memref<10000xf32, #tpu.memory_space<vmem_shared>>)
      } else {
      }
      %add3A_656 = arith.constant 2 : i32
      %add3A_657 = arith.addi %mul3A_411, %add3A_656 : i32
      %mul3A_658 = arith.constant 80 : i32
      %mul3A_659 = arith.muli %add3A_657, %mul3A_658 : i32
      %dma_start3A_660 = tpu.memref_slice %arg11[%mul3A_659] : memref<10000xi32, #tpu.memory_space<vmem>> -> memref<80xi32, #tpu.memory_space<vmem>>
      %dma_start3A_661 = arith.constant 0 : i32
      %dma_start3A_662 = arith.constant 0 : i32
      %dma_start3A_663 = tpu.memref_slice %arg6[%dma_start3A_661, %dma_start3A_662] : memref<20000x128xf32, #tpu.memory_space<hbm>> -> memref<20000x128xf32, #tpu.memory_space<hbm>>
      tpu.enqueue_indirect_dma source(%dma_start3A_663 : memref<20000x128xf32, #tpu.memory_space<hbm>>) target(%arg17 : memref<80x128xf32, #tpu.memory_space<vmem>>) offsets(%dma_start3A_660 : memref<80xi32, #tpu.memory_space<vmem>>) semaphore(%arg24 : memref<!tpu.dma_semaphore, #tpu.memory_space<semaphore_mem>>)
      %mul3A_664 = arith.constant 80 : i32
      %mul3A_665 = arith.muli %add3A_657, %mul3A_664 : i32
      %dma_start3A_666 = tpu.memref_slice %arg12[%mul3A_665] : memref<10000xi32, #tpu.memory_space<vmem>> -> memref<80xi32, #tpu.memory_space<vmem>>
      %dma_start3A_667 = arith.constant 0 : i32
      %dma_start3A_668 = tpu.memref_slice %arg7[%dma_start3A_667] : memref<40960000xf32, #tpu.memory_space<hbm>> -> memref<40960000xf32, #tpu.memory_space<hbm>>
      tpu.enqueue_indirect_dma source(%dma_start3A_668 : memref<40960000xf32, #tpu.memory_space<hbm>>) target(%arg15 : memref<80xf32, #tpu.memory_space<vmem>>) offsets(%dma_start3A_666 : memref<80xi32, #tpu.memory_space<vmem>>) semaphore(%arg24 : memref<!tpu.dma_semaphore, #tpu.memory_space<semaphore_mem>>)
      %mul3A_669 = arith.constant 125 : i32
      %mul3A_670 = arith.muli %arg1, %mul3A_669 : i32
      %add3A_671 = arith.addi %mul3A_670, %add3A_657 : i32
      %dma_start3A_672 = arith.constant 0 : i32
      %dma_start3A_673 = arith.constant 0 : i32
      %dma_start3A_674 = tpu.memref_slice %arg4[%add3A_671, %dma_start3A_672, %dma_start3A_673] : memref<2000x1x80xi32, #tpu.memory_space<hbm>> -> memref<1x1x80xi32, #tpu.memory_space<hbm>>
      %dma_start3A_675 = tpu.memref_squeeze %dma_start3A_674 : memref<1x1x80xi32, #tpu.memory_space<hbm>> -> memref<1x80xi32, #tpu.memory_space<hbm>>
      %dma_start3A_676 = arith.constant 0 : i32
      %dma_start3A_677 = arith.constant 0 : i32
      %dma_start3A_678 = tpu.memref_slice %arg4[%add3A_671, %dma_start3A_676, %dma_start3A_677] : memref<2000x1x80xi32, #tpu.memory_space<hbm>> -> memref<1x1x80xi32, #tpu.memory_space<hbm>>
      %dma_start3A_679 = tpu.memref_squeeze %dma_start3A_678 : memref<1x1x80xi32, #tpu.memory_space<hbm>> -> memref<1x80xi32, #tpu.memory_space<hbm>>
      tpu.enqueue_dma source(%dma_start3A_679 : memref<1x80xi32, #tpu.memory_space<hbm>>) target(%arg13 : memref<1x80xi32, #tpu.memory_space<vmem>>) target_semaphore(%arg24 : memref<!tpu.dma_semaphore, #tpu.memory_space<semaphore_mem>>)
      %dma_wait3A_680 = arith.constant 0 : i32
      %dma_wait3A_681 = arith.constant 0 : i32
      %dma_wait3A_682 = tpu.memref_slice %arg14[%dma_wait3A_680, %dma_wait3A_681] : memref<1x80xi32, #tpu.memory_space<vmem>> -> memref<1x80xi32, #tpu.memory_space<vmem>>
      %dma_wait3A_683 = tpu.memref_squeeze %dma_wait3A_682 : memref<1x80xi32, #tpu.memory_space<vmem>> -> memref<80xi32, #tpu.memory_space<vmem>>
      %dma_wait3A_684 = arith.constant 0 : i32
      %dma_wait3A_685 = arith.constant 0 : i32
      %dma_wait3A_686 = tpu.memref_slice %arg22[%dma_wait3A_684, %dma_wait3A_685] : memref<10000x128xf32, #tpu.memory_space<vmem_shared>> -> memref<10000x128xf32, #tpu.memory_space<vmem_shared>>
      tpu.wait_indirect_dma semaphore(%arg27 : memref<!tpu.dma_semaphore, #tpu.memory_space<semaphore_mem>>) src(%arg18 : memref<80x128xf32, #tpu.memory_space<vmem>>) dst(%dma_wait3A_686 : memref<10000x128xf32, #tpu.memory_space<vmem_shared>>)
      %eq3A_687 = arith.constant 0 : i32
      %eq3A_688 = arith.cmpi eq, %arg0, %eq3A_687 : i32
      %convert_element_type3A_689 = arith.extui %eq3A_688 : i1 to i32
      %cond3A_690 = arith.constant 0 : i32
      %cond3A_691 = arith.cmpi ne, %convert_element_type3A_689, %cond3A_690 : i32
      scf.if %cond3A_691 {
        %dma_wait3A_697 = arith.constant 0 : i32
        %dma_wait3A_698 = arith.constant 0 : i32
        %dma_wait3A_699 = tpu.memref_slice %arg14[%dma_wait3A_697, %dma_wait3A_698] : memref<1x80xi32, #tpu.memory_space<vmem>> -> memref<1x80xi32, #tpu.memory_space<vmem>>
        %dma_wait3A_700 = tpu.memref_squeeze %dma_wait3A_699 : memref<1x80xi32, #tpu.memory_space<vmem>> -> memref<80xi32, #tpu.memory_space<vmem>>
        %dma_wait3A_701 = arith.constant 0 : i32
        %dma_wait3A_702 = tpu.memref_slice %arg23[%dma_wait3A_701] : memref<10000xf32, #tpu.memory_space<vmem_shared>> -> memref<10000xf32, #tpu.memory_space<vmem_shared>>
        tpu.wait_indirect_dma semaphore(%arg27 : memref<!tpu.dma_semaphore, #tpu.memory_space<semaphore_mem>>) src(%arg19 : memref<80xf32, #tpu.memory_space<vmem>>) dst(%dma_wait3A_702 : memref<10000xf32, #tpu.memory_space<vmem_shared>>)
      } else {
      }
      %lt3A_692 = arith.constant 61 : i32
      %lt3A_693 = arith.cmpi slt, %while3A_409, %lt3A_692 : i32
      %convert_element_type3A_694 = arith.extui %lt3A_693 : i1 to i32
      %cond3A_695 = arith.constant 0 : i32
      %cond3A_696 = arith.cmpi ne, %convert_element_type3A_694, %cond3A_695 : i32
      scf.if %cond3A_696 {
        %add3A_697 = arith.constant 2 : i32
        %add3A_698 = arith.addi %add3A_413, %add3A_697 : i32
        %mul3A_699 = arith.constant 80 : i32
        %mul3A_700 = arith.muli %add3A_698, %mul3A_699 : i32
        %dma_start3A_701 = tpu.memref_slice %arg11[%mul3A_700] : memref<10000xi32, #tpu.memory_space<vmem>> -> memref<80xi32, #tpu.memory_space<vmem>>
        %dma_start3A_702 = arith.constant 0 : i32
        %dma_start3A_703 = arith.constant 0 : i32
        %dma_start3A_704 = tpu.memref_slice %arg6[%dma_start3A_702, %dma_start3A_703] : memref<20000x128xf32, #tpu.memory_space<hbm>> -> memref<20000x128xf32, #tpu.memory_space<hbm>>
        tpu.enqueue_indirect_dma source(%dma_start3A_704 : memref<20000x128xf32, #tpu.memory_space<hbm>>) target(%arg18 : memref<80x128xf32, #tpu.memory_space<vmem>>) offsets(%dma_start3A_701 : memref<80xi32, #tpu.memory_space<vmem>>) semaphore(%arg25 : memref<!tpu.dma_semaphore, #tpu.memory_space<semaphore_mem>>)
        %mul3A_705 = arith.constant 80 : i32
        %mul3A_706 = arith.muli %add3A_698, %mul3A_705 : i32
        %dma_start3A_707 = tpu.memref_slice %arg12[%mul3A_706] : memref<10000xi32, #tpu.memory_space<vmem>> -> memref<80xi32, #tpu.memory_space<vmem>>
        %dma_start3A_708 = arith.constant 0 : i32
        %dma_start3A_709 = tpu.memref_slice %arg7[%dma_start3A_708] : memref<40960000xf32, #tpu.memory_space<hbm>> -> memref<40960000xf32, #tpu.memory_space<hbm>>
        tpu.enqueue_indirect_dma source(%dma_start3A_709 : memref<40960000xf32, #tpu.memory_space<hbm>>) target(%arg16 : memref<80xf32, #tpu.memory_space<vmem>>) offsets(%dma_start3A_707 : memref<80xi32, #tpu.memory_space<vmem>>) semaphore(%arg25 : memref<!tpu.dma_semaphore, #tpu.memory_space<semaphore_mem>>)
        %mul3A_710 = arith.constant 125 : i32
        %mul3A_711 = arith.muli %arg1, %mul3A_710 : i32
        %add3A_712 = arith.addi %mul3A_711, %add3A_698 : i32
        %dma_start3A_713 = arith.constant 0 : i32
        %dma_start3A_714 = arith.constant 0 : i32
        %dma_start3A_715 = tpu.memref_slice %arg4[%add3A_712, %dma_start3A_713, %dma_start3A_714] : memref<2000x1x80xi32, #tpu.memory_space<hbm>> -> memref<1x1x80xi32, #tpu.memory_space<hbm>>
        %dma_start3A_716 = tpu.memref_squeeze %dma_start3A_715 : memref<1x1x80xi32, #tpu.memory_space<hbm>> -> memref<1x80xi32, #tpu.memory_space<hbm>>
        %dma_start3A_717 = arith.constant 0 : i32
        %dma_start3A_718 = arith.constant 0 : i32
        %dma_start3A_719 = tpu.memref_slice %arg4[%add3A_712, %dma_start3A_717, %dma_start3A_718] : memref<2000x1x80xi32, #tpu.memory_space<hbm>> -> memref<1x1x80xi32, #tpu.memory_space<hbm>>
        %dma_start3A_720 = tpu.memref_squeeze %dma_start3A_719 : memref<1x1x80xi32, #tpu.memory_space<hbm>> -> memref<1x80xi32, #tpu.memory_space<hbm>>
        tpu.enqueue_dma source(%dma_start3A_720 : memref<1x80xi32, #tpu.memory_space<hbm>>) target(%arg14 : memref<1x80xi32, #tpu.memory_space<vmem>>) target_semaphore(%arg25 : memref<!tpu.dma_semaphore, #tpu.memory_space<semaphore_mem>>)
      } else {
      }
    }
    %mul3A_278 = arith.constant 124 : i32
    %mul3A_279 = arith.constant 80 : i32
    %mul3A_280 = arith.muli %mul3A_278, %mul3A_279 : i32
    %dma_wait3A = tpu.memref_slice %arg11[%mul3A_280] : memref<10000xi32, #tpu.memory_space<vmem>> -> memref<80xi32, #tpu.memory_space<vmem>>
    %dma_wait3A_281 = arith.constant 0 : i32
    %dma_wait3A_282 = arith.constant 0 : i32
    %dma_wait3A_283 = tpu.memref_slice %arg6[%dma_wait3A_281, %dma_wait3A_282] : memref<20000x128xf32, #tpu.memory_space<hbm>> -> memref<20000x128xf32, #tpu.memory_space<hbm>>
    tpu.wait_indirect_dma semaphore(%arg24 : memref<!tpu.dma_semaphore, #tpu.memory_space<semaphore_mem>>) src(%dma_wait3A_283 : memref<20000x128xf32, #tpu.memory_space<hbm>>) dst(%arg17 : memref<80x128xf32, #tpu.memory_space<vmem>>)
    %mul3A_284 = arith.constant 124 : i32
    %mul3A_285 = arith.constant 80 : i32
    %mul3A_286 = arith.muli %mul3A_284, %mul3A_285 : i32
    %dma_wait3A_287 = tpu.memref_slice %arg12[%mul3A_286] : memref<10000xi32, #tpu.memory_space<vmem>> -> memref<80xi32, #tpu.memory_space<vmem>>
    %dma_wait3A_288 = arith.constant 0 : i32
    %dma_wait3A_289 = tpu.memref_slice %arg7[%dma_wait3A_288] : memref<40960000xf32, #tpu.memory_space<hbm>> -> memref<40960000xf32, #tpu.memory_space<hbm>>
    tpu.wait_indirect_dma semaphore(%arg24 : memref<!tpu.dma_semaphore, #tpu.memory_space<semaphore_mem>>) src(%dma_wait3A_289 : memref<40960000xf32, #tpu.memory_space<hbm>>) dst(%arg15 : memref<80xf32, #tpu.memory_space<vmem>>)
    %mul3A_290 = arith.constant 125 : i32
    %mul3A_291 = arith.muli %arg1, %mul3A_290 : i32
    %add3A_292 = arith.constant 124 : i32
    %add3A_293 = arith.addi %mul3A_291, %add3A_292 : i32
    %dma_wait3A_294 = arith.constant 0 : i32
    %dma_wait3A_295 = arith.constant 0 : i32
    %dma_wait3A_296 = tpu.memref_slice %arg4[%add3A_293, %dma_wait3A_294, %dma_wait3A_295] : memref<2000x1x80xi32, #tpu.memory_space<hbm>> -> memref<1x1x80xi32, #tpu.memory_space<hbm>>
    %dma_wait3A_297 = tpu.memref_squeeze %dma_wait3A_296 : memref<1x1x80xi32, #tpu.memory_space<hbm>> -> memref<1x80xi32, #tpu.memory_space<hbm>>
    %dma_wait3A_298 = arith.constant 0 : i32
    %dma_wait3A_299 = arith.constant 0 : i32
    %dma_wait3A_300 = tpu.memref_slice %arg4[%add3A_293, %dma_wait3A_298, %dma_wait3A_299] : memref<2000x1x80xi32, #tpu.memory_space<hbm>> -> memref<1x1x80xi32, #tpu.memory_space<hbm>>
    %dma_wait3A_301 = tpu.memref_squeeze %dma_wait3A_300 : memref<1x1x80xi32, #tpu.memory_space<hbm>> -> memref<1x80xi32, #tpu.memory_space<hbm>>
    tpu.wait_dma2 semaphore(%arg24 : memref<!tpu.dma_semaphore, #tpu.memory_space<semaphore_mem>>) src(%dma_wait3A_301 : memref<1x80xi32, #tpu.memory_space<hbm>>) dst(%arg13 : memref<1x80xi32, #tpu.memory_space<vmem>>)
    %get3A = arith.constant 0 : index
    %get3A_302 = tpu.vector_load %arg15[%get3A] {strides = array<i32>} : memref<80xf32, #tpu.memory_space<vmem>>, vector<16xf32>,
    %exp3A = math.exp %get3A_302 : vector<16xf32>
    %swap3A_303 = arith.constant 0 : index
    %swap3A_304 = tpu.vector_load %arg15[%swap3A_303] {strides = array<i32>} : memref<80xf32, #tpu.memory_space<vmem>>, vector<16xf32>,
    tpu.vector_store %arg15[%swap3A_303], %exp3A {strides = array<i32>} : memref<80xf32, #tpu.memory_space<vmem>>, vector<16xf32>,
    %get3A_305 = arith.constant 0 : i64
    %get3A_306 = arith.index_cast %get3A_305 : i64 to index
    %get3A_307 = arith.constant 0 : index
    %get3A_308 = tpu.vector_load %arg21[%get3A_306, %get3A_307] {strides = array<i32>} : memref<1x16xf32, #tpu.memory_space<vmem>>, vector<16xf32>,
    %add3A_309 = arith.addf %get3A_308, %exp3A : vector<16xf32>
    %swap3A_310 = arith.constant 0 : i64
    %swap3A_311 = arith.index_cast %swap3A_310 : i64 to index
    %swap3A_312 = arith.constant 0 : index
    %swap3A_313 = tpu.vector_load %arg21[%swap3A_311, %swap3A_312] {strides = array<i32>} : memref<1x16xf32, #tpu.memory_space<vmem>>, vector<16xf32>,
    tpu.vector_store %arg21[%swap3A_311, %swap3A_312], %add3A_309 {strides = array<i32>} : memref<1x16xf32, #tpu.memory_space<vmem>>, vector<16xf32>,
    %get3A_314 = arith.constant 16 : index
    %get3A_315 = tpu.vector_load %arg15[%get3A_314] {strides = array<i32>} : memref<80xf32, #tpu.memory_space<vmem>>, vector<16xf32>,
    %exp3A_316 = math.exp %get3A_315 : vector<16xf32>
    %swap3A_317 = arith.constant 16 : index
    %swap3A_318 = tpu.vector_load %arg15[%swap3A_317] {strides = array<i32>} : memref<80xf32, #tpu.memory_space<vmem>>, vector<16xf32>,
    tpu.vector_store %arg15[%swap3A_317], %exp3A_316 {strides = array<i32>} : memref<80xf32, #tpu.memory_space<vmem>>, vector<16xf32>,
    %get3A_319 = arith.constant 0 : i64
    %get3A_320 = arith.index_cast %get3A_319 : i64 to index
    %get3A_321 = arith.constant 0 : index
    %get3A_322 = tpu.vector_load %arg21[%get3A_320, %get3A_321] {strides = array<i32>} : memref<1x16xf32, #tpu.memory_space<vmem>>, vector<16xf32>,
    %add3A_323 = arith.addf %get3A_322, %exp3A_316 : vector<16xf32>
    %swap3A_324 = arith.constant 0 : i64
    %swap3A_325 = arith.index_cast %swap3A_324 : i64 to index
    %swap3A_326 = arith.constant 0 : index
    %swap3A_327 = tpu.vector_load %arg21[%swap3A_325, %swap3A_326] {strides = array<i32>} : memref<1x16xf32, #tpu.memory_space<vmem>>, vector<16xf32>,
    tpu.vector_store %arg21[%swap3A_325, %swap3A_326], %add3A_323 {strides = array<i32>} : memref<1x16xf32, #tpu.memory_space<vmem>>, vector<16xf32>,
    %get3A_328 = arith.constant 32 : index
    %get3A_329 = tpu.vector_load %arg15[%get3A_328] {strides = array<i32>} : memref<80xf32, #tpu.memory_space<vmem>>, vector<16xf32>,
    %exp3A_330 = math.exp %get3A_329 : vector<16xf32>
    %swap3A_331 = arith.constant 32 : index
    %swap3A_332 = tpu.vector_load %arg15[%swap3A_331] {strides = array<i32>} : memref<80xf32, #tpu.memory_space<vmem>>, vector<16xf32>,
    tpu.vector_store %arg15[%swap3A_331], %exp3A_330 {strides = array<i32>} : memref<80xf32, #tpu.memory_space<vmem>>, vector<16xf32>,
    %get3A_333 = arith.constant 0 : i64
    %get3A_334 = arith.index_cast %get3A_333 : i64 to index
    %get3A_335 = arith.constant 0 : index
    %get3A_336 = tpu.vector_load %arg21[%get3A_334, %get3A_335] {strides = array<i32>} : memref<1x16xf32, #tpu.memory_space<vmem>>, vector<16xf32>,
    %add3A_337 = arith.addf %get3A_336, %exp3A_330 : vector<16xf32>
    %swap3A_338 = arith.constant 0 : i64
    %swap3A_339 = arith.index_cast %swap3A_338 : i64 to index
    %swap3A_340 = arith.constant 0 : index
    %swap3A_341 = tpu.vector_load %arg21[%swap3A_339, %swap3A_340] {strides = array<i32>} : memref<1x16xf32, #tpu.memory_space<vmem>>, vector<16xf32>,
    tpu.vector_store %arg21[%swap3A_339, %swap3A_340], %add3A_337 {strides = array<i32>} : memref<1x16xf32, #tpu.memory_space<vmem>>, vector<16xf32>,
    %get3A_342 = arith.constant 48 : index
    %get3A_343 = tpu.vector_load %arg15[%get3A_342] {strides = array<i32>} : memref<80xf32, #tpu.memory_space<vmem>>, vector<16xf32>,
    %exp3A_344 = math.exp %get3A_343 : vector<16xf32>
    %swap3A_345 = arith.constant 48 : index
    %swap3A_346 = tpu.vector_load %arg15[%swap3A_345] {strides = array<i32>} : memref<80xf32, #tpu.memory_space<vmem>>, vector<16xf32>,
    tpu.vector_store %arg15[%swap3A_345], %exp3A_344 {strides = array<i32>} : memref<80xf32, #tpu.memory_space<vmem>>, vector<16xf32>,
    %get3A_347 = arith.constant 0 : i64
    %get3A_348 = arith.index_cast %get3A_347 : i64 to index
    %get3A_349 = arith.constant 0 : index
    %get3A_350 = tpu.vector_load %arg21[%get3A_348, %get3A_349] {strides = array<i32>} : memref<1x16xf32, #tpu.memory_space<vmem>>, vector<16xf32>,
    %add3A_351 = arith.addf %get3A_350, %exp3A_344 : vector<16xf32>
    %swap3A_352 = arith.constant 0 : i64
    %swap3A_353 = arith.index_cast %swap3A_352 : i64 to index
    %swap3A_354 = arith.constant 0 : index
    %swap3A_355 = tpu.vector_load %arg21[%swap3A_353, %swap3A_354] {strides = array<i32>} : memref<1x16xf32, #tpu.memory_space<vmem>>, vector<16xf32>,
    tpu.vector_store %arg21[%swap3A_353, %swap3A_354], %add3A_351 {strides = array<i32>} : memref<1x16xf32, #tpu.memory_space<vmem>>, vector<16xf32>,
    %get3A_356 = arith.constant 64 : index
    %get3A_357 = tpu.vector_load %arg15[%get3A_356] {strides = array<i32>} : memref<80xf32, #tpu.memory_space<vmem>>, vector<16xf32>,
    %exp3A_358 = math.exp %get3A_357 : vector<16xf32>
    %swap3A_359 = arith.constant 64 : index
    %swap3A_360 = tpu.vector_load %arg15[%swap3A_359] {strides = array<i32>} : memref<80xf32, #tpu.memory_space<vmem>>, vector<16xf32>,
    tpu.vector_store %arg15[%swap3A_359], %exp3A_358 {strides = array<i32>} : memref<80xf32, #tpu.memory_space<vmem>>, vector<16xf32>,
    %get3A_361 = arith.constant 0 : i64
    %get3A_362 = arith.index_cast %get3A_361 : i64 to index
    %get3A_363 = arith.constant 0 : index
    %get3A_364 = tpu.vector_load %arg21[%get3A_362, %get3A_363] {strides = array<i32>} : memref<1x16xf32, #tpu.memory_space<vmem>>, vector<16xf32>,
    %add3A_365 = arith.addf %get3A_364, %exp3A_358 : vector<16xf32>
    %swap3A_366 = arith.constant 0 : i64
    %swap3A_367 = arith.index_cast %swap3A_366 : i64 to index
    %swap3A_368 = arith.constant 0 : index
    %swap3A_369 = tpu.vector_load %arg21[%swap3A_367, %swap3A_368] {strides = array<i32>} : memref<1x16xf32, #tpu.memory_space<vmem>>, vector<16xf32>,
    tpu.vector_store %arg21[%swap3A_367, %swap3A_368], %add3A_365 {strides = array<i32>} : memref<1x16xf32, #tpu.memory_space<vmem>>, vector<16xf32>,
    %while3A_370 = arith.constant 0 : i32
    %while3A_371 = arith.constant 0 : i32
    %while3A_372 = arith.constant 20 : i32
    %while3A_373 = arith.subi %while3A_372, %while3A_371 : i32
    %while3A_374 = arith.addi %while3A_371, %while3A_373 : i32
    %while3A_375 = arith.constant 1 : i32
    %while3A_376 = arith.divsi %while3A_373, %while3A_375 : i32
    %while3A_377 = arith.muli %while3A_376, %while3A_375 : i32
    %while3A_378 = arith.addi %while3A_371, %while3A_377 : i32
    %while3A_379 = arith.constant 1 : i32
    scf.for %while3A_409 = %while3A_371 to %while3A_378 step %while3A_379  : i32 {
      %mul3A_410 = arith.constant 4 : i32
      %mul3A_411 = arith.muli %while3A_409, %mul3A_410 : i32
      %add3A_412 = arith.constant 0 : i32
      %add3A_413 = arith.addi %mul3A_411, %add3A_412 : i32
      %broadcast_in_dim3A_414 = vector.broadcast %add3A_413 : i32 to vector<16xi32>
      %gather3A = tpu.vector_load_idx %arg15[%broadcast_in_dim3A_414] : memref<80xf32, #tpu.memory_space<vmem>>[vector<16xi32>], vector<16xf32>,
      %get3A_415 = arith.index_cast %add3A_413 : i32 to index
      %get3A_416 = arith.constant 0 : index
      %get3A_417 = tpu.vector_load %arg17[%get3A_415, %get3A_416] {strides = array<i32>} : memref<80x128xf32, #tpu.memory_space<vmem>>, vector<16xf32>,
      %mul3A_418 = arith.mulf %get3A_417, %gather3A : vector<16xf32>
      %swap3A_419 = arith.index_cast %add3A_413 : i32 to index
      %swap3A_420 = arith.constant 0 : index
      %swap3A_421 = tpu.vector_load %arg17[%swap3A_419, %swap3A_420] {strides = array<i32>} : memref<80x128xf32, #tpu.memory_space<vmem>>, vector<16xf32>,
      tpu.vector_store %arg17[%swap3A_419, %swap3A_420], %mul3A_418 {strides = array<i32>} : memref<80x128xf32, #tpu.memory_space<vmem>>, vector<16xf32>,
      %get3A_422 = arith.index_cast %add3A_413 : i32 to index
      %get3A_423 = arith.constant 16 : index
      %get3A_424 = tpu.vector_load %arg17[%get3A_422, %get3A_423] {strides = array<i32>} : memref<80x128xf32, #tpu.memory_space<vmem>>, vector<16xf32>,
      %mul3A_425 = arith.mulf %get3A_424, %gather3A : vector<16xf32>
      %swap3A_426 = arith.index_cast %add3A_413 : i32 to index
      %swap3A_427 = arith.constant 16 : index
      %swap3A_428 = tpu.vector_load %arg17[%swap3A_426, %swap3A_427] {strides = array<i32>} : memref<80x128xf32, #tpu.memory_space<vmem>>, vector<16xf32>,
      tpu.vector_store %arg17[%swap3A_426, %swap3A_427], %mul3A_425 {strides = array<i32>} : memref<80x128xf32, #tpu.memory_space<vmem>>, vector<16xf32>,
      %get3A_429 = arith.index_cast %add3A_413 : i32 to index
      %get3A_430 = arith.constant 32 : index
      %get3A_431 = tpu.vector_load %arg17[%get3A_429, %get3A_430] {strides = array<i32>} : memref<80x128xf32, #tpu.memory_space<vmem>>, vector<16xf32>,
      %mul3A_432 = arith.mulf %get3A_431, %gather3A : vector<16xf32>
      %swap3A_433 = arith.index_cast %add3A_413 : i32 to index
      %swap3A_434 = arith.constant 32 : index
      %swap3A_435 = tpu.vector_load %arg17[%swap3A_433, %swap3A_434] {strides = array<i32>} : memref<80x128xf32, #tpu.memory_space<vmem>>, vector<16xf32>,
      tpu.vector_store %arg17[%swap3A_433, %swap3A_434], %mul3A_432 {strides = array<i32>} : memref<80x128xf32, #tpu.memory_space<vmem>>, vector<16xf32>,
      %get3A_436 = arith.index_cast %add3A_413 : i32 to index
      %get3A_437 = arith.constant 48 : index
      %get3A_438 = tpu.vector_load %arg17[%get3A_436, %get3A_437] {strides = array<i32>} : memref<80x128xf32, #tpu.memory_space<vmem>>, vector<16xf32>,
      %mul3A_439 = arith.mulf %get3A_438, %gather3A : vector<16xf32>
      %swap3A_440 = arith.index_cast %add3A_413 : i32 to index
      %swap3A_441 = arith.constant 48 : index
      %swap3A_442 = tpu.vector_load %arg17[%swap3A_440, %swap3A_441] {strides = array<i32>} : memref<80x128xf32, #tpu.memory_space<vmem>>, vector<16xf32>,
      tpu.vector_store %arg17[%swap3A_440, %swap3A_441], %mul3A_439 {strides = array<i32>} : memref<80x128xf32, #tpu.memory_space<vmem>>, vector<16xf32>,
      %get3A_443 = arith.index_cast %add3A_413 : i32 to index
      %get3A_444 = arith.constant 64 : index
      %get3A_445 = tpu.vector_load %arg17[%get3A_443, %get3A_444] {strides = array<i32>} : memref<80x128xf32, #tpu.memory_space<vmem>>, vector<16xf32>,
      %mul3A_446 = arith.mulf %get3A_445, %gather3A : vector<16xf32>
      %swap3A_447 = arith.index_cast %add3A_413 : i32 to index
      %swap3A_448 = arith.constant 64 : index
      %swap3A_449 = tpu.vector_load %arg17[%swap3A_447, %swap3A_448] {strides = array<i32>} : memref<80x128xf32, #tpu.memory_space<vmem>>, vector<16xf32>,
      tpu.vector_store %arg17[%swap3A_447, %swap3A_448], %mul3A_446 {strides = array<i32>} : memref<80x128xf32, #tpu.memory_space<vmem>>, vector<16xf32>,
      %get3A_450 = arith.index_cast %add3A_413 : i32 to index
      %get3A_451 = arith.constant 80 : index
      %get3A_452 = tpu.vector_load %arg17[%get3A_450, %get3A_451] {strides = array<i32>} : memref<80x128xf32, #tpu.memory_space<vmem>>, vector<16xf32>,
      %mul3A_453 = arith.mulf %get3A_452, %gather3A : vector<16xf32>
      %swap3A_454 = arith.index_cast %add3A_413 : i32 to index
      %swap3A_455 = arith.constant 80 : index
      %swap3A_456 = tpu.vector_load %arg17[%swap3A_454, %swap3A_455] {strides = array<i32>} : memref<80x128xf32, #tpu.memory_space<vmem>>, vector<16xf32>,
      tpu.vector_store %arg17[%swap3A_454, %swap3A_455], %mul3A_453 {strides = array<i32>} : memref<80x128xf32, #tpu.memory_space<vmem>>, vector<16xf32>,
      %get3A_457 = arith.index_cast %add3A_413 : i32 to index
      %get3A_458 = arith.constant 96 : index
      %get3A_459 = tpu.vector_load %arg17[%get3A_457, %get3A_458] {strides = array<i32>} : memref<80x128xf32, #tpu.memory_space<vmem>>, vector<16xf32>,
      %mul3A_460 = arith.mulf %get3A_459, %gather3A : vector<16xf32>
      %swap3A_461 = arith.index_cast %add3A_413 : i32 to index
      %swap3A_462 = arith.constant 96 : index
      %swap3A_463 = tpu.vector_load %arg17[%swap3A_461, %swap3A_462] {strides = array<i32>} : memref<80x128xf32, #tpu.memory_space<vmem>>, vector<16xf32>,
      tpu.vector_store %arg17[%swap3A_461, %swap3A_462], %mul3A_460 {strides = array<i32>} : memref<80x128xf32, #tpu.memory_space<vmem>>, vector<16xf32>,
      %get3A_464 = arith.index_cast %add3A_413 : i32 to index
      %get3A_465 = arith.constant 112 : index
      %get3A_466 = tpu.vector_load %arg17[%get3A_464, %get3A_465] {strides = array<i32>} : memref<80x128xf32, #tpu.memory_space<vmem>>, vector<16xf32>,
      %mul3A_467 = arith.mulf %get3A_466, %gather3A : vector<16xf32>
      %swap3A_468 = arith.index_cast %add3A_413 : i32 to index
      %swap3A_469 = arith.constant 112 : index
      %swap3A_470 = tpu.vector_load %arg17[%swap3A_468, %swap3A_469] {strides = array<i32>} : memref<80x128xf32, #tpu.memory_space<vmem>>, vector<16xf32>,
      tpu.vector_store %arg17[%swap3A_468, %swap3A_469], %mul3A_467 {strides = array<i32>} : memref<80x128xf32, #tpu.memory_space<vmem>>, vector<16xf32>,
      %mul3A_471 = arith.constant 4 : i32
      %mul3A_472 = arith.muli %while3A_409, %mul3A_471 : i32
      %add3A_473 = arith.constant 1 : i32
      %add3A_474 = arith.addi %mul3A_472, %add3A_473 : i32
      %broadcast_in_dim3A_475 = vector.broadcast %add3A_474 : i32 to vector<16xi32>
      %gather3A_476 = tpu.vector_load_idx %arg15[%broadcast_in_dim3A_475] : memref<80xf32, #tpu.memory_space<vmem>>[vector<16xi32>], vector<16xf32>,
      %get3A_477 = arith.index_cast %add3A_474 : i32 to index
      %get3A_478 = arith.constant 0 : index
      %get3A_479 = tpu.vector_load %arg17[%get3A_477, %get3A_478] {strides = array<i32>} : memref<80x128xf32, #tpu.memory_space<vmem>>, vector<16xf32>,
      %mul3A_480 = arith.mulf %get3A_479, %gather3A_476 : vector<16xf32>
      %swap3A_481 = arith.index_cast %add3A_474 : i32 to index
      %swap3A_482 = arith.constant 0 : index
      %swap3A_483 = tpu.vector_load %arg17[%swap3A_481, %swap3A_482] {strides = array<i32>} : memref<80x128xf32, #tpu.memory_space<vmem>>, vector<16xf32>,
      tpu.vector_store %arg17[%swap3A_481, %swap3A_482], %mul3A_480 {strides = array<i32>} : memref<80x128xf32, #tpu.memory_space<vmem>>, vector<16xf32>,
      %get3A_484 = arith.index_cast %add3A_474 : i32 to index
      %get3A_485 = arith.constant 16 : index
      %get3A_486 = tpu.vector_load %arg17[%get3A_484, %get3A_485] {strides = array<i32>} : memref<80x128xf32, #tpu.memory_space<vmem>>, vector<16xf32>,
      %mul3A_487 = arith.mulf %get3A_486, %gather3A_476 : vector<16xf32>
      %swap3A_488 = arith.index_cast %add3A_474 : i32 to index
      %swap3A_489 = arith.constant 16 : index
      %swap3A_490 = tpu.vector_load %arg17[%swap3A_488, %swap3A_489] {strides = array<i32>} : memref<80x128xf32, #tpu.memory_space<vmem>>, vector<16xf32>,
      tpu.vector_store %arg17[%swap3A_488, %swap3A_489], %mul3A_487 {strides = array<i32>} : memref<80x128xf32, #tpu.memory_space<vmem>>, vector<16xf32>,
      %get3A_491 = arith.index_cast %add3A_474 : i32 to index
      %get3A_492 = arith.constant 32 : index
      %get3A_493 = tpu.vector_load %arg17[%get3A_491, %get3A_492] {strides = array<i32>} : memref<80x128xf32, #tpu.memory_space<vmem>>, vector<16xf32>,
      %mul3A_494 = arith.mulf %get3A_493, %gather3A_476 : vector<16xf32>
      %swap3A_495 = arith.index_cast %add3A_474 : i32 to index
      %swap3A_496 = arith.constant 32 : index
      %swap3A_497 = tpu.vector_load %arg17[%swap3A_495, %swap3A_496] {strides = array<i32>} : memref<80x128xf32, #tpu.memory_space<vmem>>, vector<16xf32>,
      tpu.vector_store %arg17[%swap3A_495, %swap3A_496], %mul3A_494 {strides = array<i32>} : memref<80x128xf32, #tpu.memory_space<vmem>>, vector<16xf32>,
      %get3A_498 = arith.index_cast %add3A_474 : i32 to index
      %get3A_499 = arith.constant 48 : index
      %get3A_500 = tpu.vector_load %arg17[%get3A_498, %get3A_499] {strides = array<i32>} : memref<80x128xf32, #tpu.memory_space<vmem>>, vector<16xf32>,
      %mul3A_501 = arith.mulf %get3A_500, %gather3A_476 : vector<16xf32>
      %swap3A_502 = arith.index_cast %add3A_474 : i32 to index
      %swap3A_503 = arith.constant 48 : index
      %swap3A_504 = tpu.vector_load %arg17[%swap3A_502, %swap3A_503] {strides = array<i32>} : memref<80x128xf32, #tpu.memory_space<vmem>>, vector<16xf32>,
      tpu.vector_store %arg17[%swap3A_502, %swap3A_503], %mul3A_501 {strides = array<i32>} : memref<80x128xf32, #tpu.memory_space<vmem>>, vector<16xf32>,
      %get3A_505 = arith.index_cast %add3A_474 : i32 to index
      %get3A_506 = arith.constant 64 : index
      %get3A_507 = tpu.vector_load %arg17[%get3A_505, %get3A_506] {strides = array<i32>} : memref<80x128xf32, #tpu.memory_space<vmem>>, vector<16xf32>,
      %mul3A_508 = arith.mulf %get3A_507, %gather3A_476 : vector<16xf32>
      %swap3A_509 = arith.index_cast %add3A_474 : i32 to index
      %swap3A_510 = arith.constant 64 : index
      %swap3A_511 = tpu.vector_load %arg17[%swap3A_509, %swap3A_510] {strides = array<i32>} : memref<80x128xf32, #tpu.memory_space<vmem>>, vector<16xf32>,
      tpu.vector_store %arg17[%swap3A_509, %swap3A_510], %mul3A_508 {strides = array<i32>} : memref<80x128xf32, #tpu.memory_space<vmem>>, vector<16xf32>,
      %get3A_512 = arith.index_cast %add3A_474 : i32 to index
      %get3A_513 = arith.constant 80 : index
      %get3A_514 = tpu.vector_load %arg17[%get3A_512, %get3A_513] {strides = array<i32>} : memref<80x128xf32, #tpu.memory_space<vmem>>, vector<16xf32>,
      %mul3A_515 = arith.mulf %get3A_514, %gather3A_476 : vector<16xf32>
      %swap3A_516 = arith.index_cast %add3A_474 : i32 to index
      %swap3A_517 = arith.constant 80 : index
      %swap3A_518 = tpu.vector_load %arg17[%swap3A_516, %swap3A_517] {strides = array<i32>} : memref<80x128xf32, #tpu.memory_space<vmem>>, vector<16xf32>,
      tpu.vector_store %arg17[%swap3A_516, %swap3A_517], %mul3A_515 {strides = array<i32>} : memref<80x128xf32, #tpu.memory_space<vmem>>, vector<16xf32>,
      %get3A_519 = arith.index_cast %add3A_474 : i32 to index
      %get3A_520 = arith.constant 96 : index
      %get3A_521 = tpu.vector_load %arg17[%get3A_519, %get3A_520] {strides = array<i32>} : memref<80x128xf32, #tpu.memory_space<vmem>>, vector<16xf32>,
      %mul3A_522 = arith.mulf %get3A_521, %gather3A_476 : vector<16xf32>
      %swap3A_523 = arith.index_cast %add3A_474 : i32 to index
      %swap3A_524 = arith.constant 96 : index
      %swap3A_525 = tpu.vector_load %arg17[%swap3A_523, %swap3A_524] {strides = array<i32>} : memref<80x128xf32, #tpu.memory_space<vmem>>, vector<16xf32>,
      tpu.vector_store %arg17[%swap3A_523, %swap3A_524], %mul3A_522 {strides = array<i32>} : memref<80x128xf32, #tpu.memory_space<vmem>>, vector<16xf32>,
      %get3A_526 = arith.index_cast %add3A_474 : i32 to index
      %get3A_527 = arith.constant 112 : index
      %get3A_528 = tpu.vector_load %arg17[%get3A_526, %get3A_527] {strides = array<i32>} : memref<80x128xf32, #tpu.memory_space<vmem>>, vector<16xf32>,
      %mul3A_529 = arith.mulf %get3A_528, %gather3A_476 : vector<16xf32>
      %swap3A_530 = arith.index_cast %add3A_474 : i32 to index
      %swap3A_531 = arith.constant 112 : index
      %swap3A_532 = tpu.vector_load %arg17[%swap3A_530, %swap3A_531] {strides = array<i32>} : memref<80x128xf32, #tpu.memory_space<vmem>>, vector<16xf32>,
      tpu.vector_store %arg17[%swap3A_530, %swap3A_531], %mul3A_529 {strides = array<i32>} : memref<80x128xf32, #tpu.memory_space<vmem>>, vector<16xf32>,
      %mul3A_533 = arith.constant 4 : i32
      %mul3A_534 = arith.muli %while3A_409, %mul3A_533 : i32
      %add3A_535 = arith.constant 2 : i32
      %add3A_536 = arith.addi %mul3A_534, %add3A_535 : i32
      %broadcast_in_dim3A_537 = vector.broadcast %add3A_536 : i32 to vector<16xi32>
      %gather3A_538 = tpu.vector_load_idx %arg15[%broadcast_in_dim3A_537] : memref<80xf32, #tpu.memory_space<vmem>>[vector<16xi32>], vector<16xf32>,
      %get3A_539 = arith.index_cast %add3A_536 : i32 to index
      %get3A_540 = arith.constant 0 : index
      %get3A_541 = tpu.vector_load %arg17[%get3A_539, %get3A_540] {strides = array<i32>} : memref<80x128xf32, #tpu.memory_space<vmem>>, vector<16xf32>,
      %mul3A_542 = arith.mulf %get3A_541, %gather3A_538 : vector<16xf32>
      %swap3A_543 = arith.index_cast %add3A_536 : i32 to index
      %swap3A_544 = arith.constant 0 : index
      %swap3A_545 = tpu.vector_load %arg17[%swap3A_543, %swap3A_544] {strides = array<i32>} : memref<80x128xf32, #tpu.memory_space<vmem>>, vector<16xf32>,
      tpu.vector_store %arg17[%swap3A_543, %swap3A_544], %mul3A_542 {strides = array<i32>} : memref<80x128xf32, #tpu.memory_space<vmem>>, vector<16xf32>,
      %get3A_546 = arith.index_cast %add3A_536 : i32 to index
      %get3A_547 = arith.constant 16 : index
      %get3A_548 = tpu.vector_load %arg17[%get3A_546, %get3A_547] {strides = array<i32>} : memref<80x128xf32, #tpu.memory_space<vmem>>, vector<16xf32>,
      %mul3A_549 = arith.mulf %get3A_548, %gather3A_538 : vector<16xf32>
      %swap3A_550 = arith.index_cast %add3A_536 : i32 to index
      %swap3A_551 = arith.constant 16 : index
      %swap3A_552 = tpu.vector_load %arg17[%swap3A_550, %swap3A_551] {strides = array<i32>} : memref<80x128xf32, #tpu.memory_space<vmem>>, vector<16xf32>,
      tpu.vector_store %arg17[%swap3A_550, %swap3A_551], %mul3A_549 {strides = array<i32>} : memref<80x128xf32, #tpu.memory_space<vmem>>, vector<16xf32>,
      %get3A_553 = arith.index_cast %add3A_536 : i32 to index
      %get3A_554 = arith.constant 32 : index
      %get3A_555 = tpu.vector_load %arg17[%get3A_553, %get3A_554] {strides = array<i32>} : memref<80x128xf32, #tpu.memory_space<vmem>>, vector<16xf32>,
      %mul3A_556 = arith.mulf %get3A_555, %gather3A_538 : vector<16xf32>
      %swap3A_557 = arith.index_cast %add3A_536 : i32 to index
      %swap3A_558 = arith.constant 32 : index
      %swap3A_559 = tpu.vector_load %arg17[%swap3A_557, %swap3A_558] {strides = array<i32>} : memref<80x128xf32, #tpu.memory_space<vmem>>, vector<16xf32>,
      tpu.vector_store %arg17[%swap3A_557, %swap3A_558], %mul3A_556 {strides = array<i32>} : memref<80x128xf32, #tpu.memory_space<vmem>>, vector<16xf32>,
      %get3A_560 = arith.index_cast %add3A_536 : i32 to index
      %get3A_561 = arith.constant 48 : index
      %get3A_562 = tpu.vector_load %arg17[%get3A_560, %get3A_561] {strides = array<i32>} : memref<80x128xf32, #tpu.memory_space<vmem>>, vector<16xf32>,
      %mul3A_563 = arith.mulf %get3A_562, %gather3A_538 : vector<16xf32>
      %swap3A_564 = arith.index_cast %add3A_536 : i32 to index
      %swap3A_565 = arith.constant 48 : index
      %swap3A_566 = tpu.vector_load %arg17[%swap3A_564, %swap3A_565] {strides = array<i32>} : memref<80x128xf32, #tpu.memory_space<vmem>>, vector<16xf32>,
      tpu.vector_store %arg17[%swap3A_564, %swap3A_565], %mul3A_563 {strides = array<i32>} : memref<80x128xf32, #tpu.memory_space<vmem>>, vector<16xf32>,
      %get3A_567 = arith.index_cast %add3A_536 : i32 to index
      %get3A_568 = arith.constant 64 : index
      %get3A_569 = tpu.vector_load %arg17[%get3A_567, %get3A_568] {strides = array<i32>} : memref<80x128xf32, #tpu.memory_space<vmem>>, vector<16xf32>,
      %mul3A_570 = arith.mulf %get3A_569, %gather3A_538 : vector<16xf32>
      %swap3A_571 = arith.index_cast %add3A_536 : i32 to index
      %swap3A_572 = arith.constant 64 : index
      %swap3A_573 = tpu.vector_load %arg17[%swap3A_571, %swap3A_572] {strides = array<i32>} : memref<80x128xf32, #tpu.memory_space<vmem>>, vector<16xf32>,
      tpu.vector_store %arg17[%swap3A_571, %swap3A_572], %mul3A_570 {strides = array<i32>} : memref<80x128xf32, #tpu.memory_space<vmem>>, vector<16xf32>,
      %get3A_574 = arith.index_cast %add3A_536 : i32 to index
      %get3A_575 = arith.constant 80 : index
      %get3A_576 = tpu.vector_load %arg17[%get3A_574, %get3A_575] {strides = array<i32>} : memref<80x128xf32, #tpu.memory_space<vmem>>, vector<16xf32>,
      %mul3A_577 = arith.mulf %get3A_576, %gather3A_538 : vector<16xf32>
      %swap3A_578 = arith.index_cast %add3A_536 : i32 to index
      %swap3A_579 = arith.constant 80 : index
      %swap3A_580 = tpu.vector_load %arg17[%swap3A_578, %swap3A_579] {strides = array<i32>} : memref<80x128xf32, #tpu.memory_space<vmem>>, vector<16xf32>,
      tpu.vector_store %arg17[%swap3A_578, %swap3A_579], %mul3A_577 {strides = array<i32>} : memref<80x128xf32, #tpu.memory_space<vmem>>, vector<16xf32>,
      %get3A_581 = arith.index_cast %add3A_536 : i32 to index
      %get3A_582 = arith.constant 96 : index
      %get3A_583 = tpu.vector_load %arg17[%get3A_581, %get3A_582] {strides = array<i32>} : memref<80x128xf32, #tpu.memory_space<vmem>>, vector<16xf32>,
      %mul3A_584 = arith.mulf %get3A_583, %gather3A_538 : vector<16xf32>
      %swap3A_585 = arith.index_cast %add3A_536 : i32 to index
      %swap3A_586 = arith.constant 96 : index
      %swap3A_587 = tpu.vector_load %arg17[%swap3A_585, %swap3A_586] {strides = array<i32>} : memref<80x128xf32, #tpu.memory_space<vmem>>, vector<16xf32>,
      tpu.vector_store %arg17[%swap3A_585, %swap3A_586], %mul3A_584 {strides = array<i32>} : memref<80x128xf32, #tpu.memory_space<vmem>>, vector<16xf32>,
      %get3A_588 = arith.index_cast %add3A_536 : i32 to index
      %get3A_589 = arith.constant 112 : index
      %get3A_590 = tpu.vector_load %arg17[%get3A_588, %get3A_589] {strides = array<i32>} : memref<80x128xf32, #tpu.memory_space<vmem>>, vector<16xf32>,
      %mul3A_591 = arith.mulf %get3A_590, %gather3A_538 : vector<16xf32>
      %swap3A_592 = arith.index_cast %add3A_536 : i32 to index
      %swap3A_593 = arith.constant 112 : index
      %swap3A_594 = tpu.vector_load %arg17[%swap3A_592, %swap3A_593] {strides = array<i32>} : memref<80x128xf32, #tpu.memory_space<vmem>>, vector<16xf32>,
      tpu.vector_store %arg17[%swap3A_592, %swap3A_593], %mul3A_591 {strides = array<i32>} : memref<80x128xf32, #tpu.memory_space<vmem>>, vector<16xf32>,
      %mul3A_595 = arith.constant 4 : i32
      %mul3A_596 = arith.muli %while3A_409, %mul3A_595 : i32
      %add3A_597 = arith.constant 3 : i32
      %add3A_598 = arith.addi %mul3A_596, %add3A_597 : i32
      %broadcast_in_dim3A_599 = vector.broadcast %add3A_598 : i32 to vector<16xi32>
      %gather3A_600 = tpu.vector_load_idx %arg15[%broadcast_in_dim3A_599] : memref<80xf32, #tpu.memory_space<vmem>>[vector<16xi32>], vector<16xf32>,
      %get3A_601 = arith.index_cast %add3A_598 : i32 to index
      %get3A_602 = arith.constant 0 : index
      %get3A_603 = tpu.vector_load %arg17[%get3A_601, %get3A_602] {strides = array<i32>} : memref<80x128xf32, #tpu.memory_space<vmem>>, vector<16xf32>,
      %mul3A_604 = arith.mulf %get3A_603, %gather3A_600 : vector<16xf32>
      %swap3A_605 = arith.index_cast %add3A_598 : i32 to index
      %swap3A_606 = arith.constant 0 : index
      %swap3A_607 = tpu.vector_load %arg17[%swap3A_605, %swap3A_606] {strides = array<i32>} : memref<80x128xf32, #tpu.memory_space<vmem>>, vector<16xf32>,
      tpu.vector_store %arg17[%swap3A_605, %swap3A_606], %mul3A_604 {strides = array<i32>} : memref<80x128xf32, #tpu.memory_space<vmem>>, vector<16xf32>,
      %get3A_608 = arith.index_cast %add3A_598 : i32 to index
      %get3A_609 = arith.constant 16 : index
      %get3A_610 = tpu.vector_load %arg17[%get3A_608, %get3A_609] {strides = array<i32>} : memref<80x128xf32, #tpu.memory_space<vmem>>, vector<16xf32>,
      %mul3A_611 = arith.mulf %get3A_610, %gather3A_600 : vector<16xf32>
      %swap3A_612 = arith.index_cast %add3A_598 : i32 to index
      %swap3A_613 = arith.constant 16 : index
      %swap3A_614 = tpu.vector_load %arg17[%swap3A_612, %swap3A_613] {strides = array<i32>} : memref<80x128xf32, #tpu.memory_space<vmem>>, vector<16xf32>,
      tpu.vector_store %arg17[%swap3A_612, %swap3A_613], %mul3A_611 {strides = array<i32>} : memref<80x128xf32, #tpu.memory_space<vmem>>, vector<16xf32>,
      %get3A_615 = arith.index_cast %add3A_598 : i32 to index
      %get3A_616 = arith.constant 32 : index
      %get3A_617 = tpu.vector_load %arg17[%get3A_615, %get3A_616] {strides = array<i32>} : memref<80x128xf32, #tpu.memory_space<vmem>>, vector<16xf32>,
      %mul3A_618 = arith.mulf %get3A_617, %gather3A_600 : vector<16xf32>
      %swap3A_619 = arith.index_cast %add3A_598 : i32 to index
      %swap3A_620 = arith.constant 32 : index
      %swap3A_621 = tpu.vector_load %arg17[%swap3A_619, %swap3A_620] {strides = array<i32>} : memref<80x128xf32, #tpu.memory_space<vmem>>, vector<16xf32>,
      tpu.vector_store %arg17[%swap3A_619, %swap3A_620], %mul3A_618 {strides = array<i32>} : memref<80x128xf32, #tpu.memory_space<vmem>>, vector<16xf32>,
      %get3A_622 = arith.index_cast %add3A_598 : i32 to index
      %get3A_623 = arith.constant 48 : index
      %get3A_624 = tpu.vector_load %arg17[%get3A_622, %get3A_623] {strides = array<i32>} : memref<80x128xf32, #tpu.memory_space<vmem>>, vector<16xf32>,
      %mul3A_625 = arith.mulf %get3A_624, %gather3A_600 : vector<16xf32>
      %swap3A_626 = arith.index_cast %add3A_598 : i32 to index
      %swap3A_627 = arith.constant 48 : index
      %swap3A_628 = tpu.vector_load %arg17[%swap3A_626, %swap3A_627] {strides = array<i32>} : memref<80x128xf32, #tpu.memory_space<vmem>>, vector<16xf32>,
      tpu.vector_store %arg17[%swap3A_626, %swap3A_627], %mul3A_625 {strides = array<i32>} : memref<80x128xf32, #tpu.memory_space<vmem>>, vector<16xf32>,
      %get3A_629 = arith.index_cast %add3A_598 : i32 to index
      %get3A_630 = arith.constant 64 : index
      %get3A_631 = tpu.vector_load %arg17[%get3A_629, %get3A_630] {strides = array<i32>} : memref<80x128xf32, #tpu.memory_space<vmem>>, vector<16xf32>,
      %mul3A_632 = arith.mulf %get3A_631, %gather3A_600 : vector<16xf32>
      %swap3A_633 = arith.index_cast %add3A_598 : i32 to index
      %swap3A_634 = arith.constant 64 : index
      %swap3A_635 = tpu.vector_load %arg17[%swap3A_633, %swap3A_634] {strides = array<i32>} : memref<80x128xf32, #tpu.memory_space<vmem>>, vector<16xf32>,
      tpu.vector_store %arg17[%swap3A_633, %swap3A_634], %mul3A_632 {strides = array<i32>} : memref<80x128xf32, #tpu.memory_space<vmem>>, vector<16xf32>,
      %get3A_636 = arith.index_cast %add3A_598 : i32 to index
      %get3A_637 = arith.constant 80 : index
      %get3A_638 = tpu.vector_load %arg17[%get3A_636, %get3A_637] {strides = array<i32>} : memref<80x128xf32, #tpu.memory_space<vmem>>, vector<16xf32>,
      %mul3A_639 = arith.mulf %get3A_638, %gather3A_600 : vector<16xf32>
      %swap3A_640 = arith.index_cast %add3A_598 : i32 to index
      %swap3A_641 = arith.constant 80 : index
      %swap3A_642 = tpu.vector_load %arg17[%swap3A_640, %swap3A_641] {strides = array<i32>} : memref<80x128xf32, #tpu.memory_space<vmem>>, vector<16xf32>,
      tpu.vector_store %arg17[%swap3A_640, %swap3A_641], %mul3A_639 {strides = array<i32>} : memref<80x128xf32, #tpu.memory_space<vmem>>, vector<16xf32>,
      %get3A_643 = arith.index_cast %add3A_598 : i32 to index
      %get3A_644 = arith.constant 96 : index
      %get3A_645 = tpu.vector_load %arg17[%get3A_643, %get3A_644] {strides = array<i32>} : memref<80x128xf32, #tpu.memory_space<vmem>>, vector<16xf32>,
      %mul3A_646 = arith.mulf %get3A_645, %gather3A_600 : vector<16xf32>
      %swap3A_647 = arith.index_cast %add3A_598 : i32 to index
      %swap3A_648 = arith.constant 96 : index
      %swap3A_649 = tpu.vector_load %arg17[%swap3A_647, %swap3A_648] {strides = array<i32>} : memref<80x128xf32, #tpu.memory_space<vmem>>, vector<16xf32>,
      tpu.vector_store %arg17[%swap3A_647, %swap3A_648], %mul3A_646 {strides = array<i32>} : memref<80x128xf32, #tpu.memory_space<vmem>>, vector<16xf32>,
      %get3A_650 = arith.index_cast %add3A_598 : i32 to index
      %get3A_651 = arith.constant 112 : index
      %get3A_652 = tpu.vector_load %arg17[%get3A_650, %get3A_651] {strides = array<i32>} : memref<80x128xf32, #tpu.memory_space<vmem>>, vector<16xf32>,
      %mul3A_653 = arith.mulf %get3A_652, %gather3A_600 : vector<16xf32>
      %swap3A_654 = arith.index_cast %add3A_598 : i32 to index
      %swap3A_655 = arith.constant 112 : index
      %swap3A_656 = tpu.vector_load %arg17[%swap3A_654, %swap3A_655] {strides = array<i32>} : memref<80x128xf32, #tpu.memory_space<vmem>>, vector<16xf32>,
      tpu.vector_store %arg17[%swap3A_654, %swap3A_655], %mul3A_653 {strides = array<i32>} : memref<80x128xf32, #tpu.memory_space<vmem>>, vector<16xf32>,
    }
    %while3A_380 = arith.constant 1 : i32
    scf.for %while3A_409 = %while3A_378 to %while3A_374 step %while3A_380  : i32 {
      %mul3A_410 = arith.constant 4 : i32
      %mul3A_411 = arith.muli %while3A_409, %mul3A_410 : i32
      %add3A_412 = arith.constant 0 : i32
      %add3A_413 = arith.addi %mul3A_411, %add3A_412 : i32
      %broadcast_in_dim3A_414 = vector.broadcast %add3A_413 : i32 to vector<16xi32>
      %gather3A = tpu.vector_load_idx %arg15[%broadcast_in_dim3A_414] : memref<80xf32, #tpu.memory_space<vmem>>[vector<16xi32>], vector<16xf32>,
      %get3A_415 = arith.index_cast %add3A_413 : i32 to index
      %get3A_416 = arith.constant 0 : index
      %get3A_417 = tpu.vector_load %arg17[%get3A_415, %get3A_416] {strides = array<i32>} : memref<80x128xf32, #tpu.memory_space<vmem>>, vector<16xf32>,
      %mul3A_418 = arith.mulf %get3A_417, %gather3A : vector<16xf32>
      %swap3A_419 = arith.index_cast %add3A_413 : i32 to index
      %swap3A_420 = arith.constant 0 : index
      %swap3A_421 = tpu.vector_load %arg17[%swap3A_419, %swap3A_420] {strides = array<i32>} : memref<80x128xf32, #tpu.memory_space<vmem>>, vector<16xf32>,
      tpu.vector_store %arg17[%swap3A_419, %swap3A_420], %mul3A_418 {strides = array<i32>} : memref<80x128xf32, #tpu.memory_space<vmem>>, vector<16xf32>,
      %get3A_422 = arith.index_cast %add3A_413 : i32 to index
      %get3A_423 = arith.constant 16 : index
      %get3A_424 = tpu.vector_load %arg17[%get3A_422, %get3A_423] {strides = array<i32>} : memref<80x128xf32, #tpu.memory_space<vmem>>, vector<16xf32>,
      %mul3A_425 = arith.mulf %get3A_424, %gather3A : vector<16xf32>
      %swap3A_426 = arith.index_cast %add3A_413 : i32 to index
      %swap3A_427 = arith.constant 16 : index
      %swap3A_428 = tpu.vector_load %arg17[%swap3A_426, %swap3A_427] {strides = array<i32>} : memref<80x128xf32, #tpu.memory_space<vmem>>, vector<16xf32>,
      tpu.vector_store %arg17[%swap3A_426, %swap3A_427], %mul3A_425 {strides = array<i32>} : memref<80x128xf32, #tpu.memory_space<vmem>>, vector<16xf32>,
      %get3A_429 = arith.index_cast %add3A_413 : i32 to index
      %get3A_430 = arith.constant 32 : index
      %get3A_431 = tpu.vector_load %arg17[%get3A_429, %get3A_430] {strides = array<i32>} : memref<80x128xf32, #tpu.memory_space<vmem>>, vector<16xf32>,
      %mul3A_432 = arith.mulf %get3A_431, %gather3A : vector<16xf32>
      %swap3A_433 = arith.index_cast %add3A_413 : i32 to index
      %swap3A_434 = arith.constant 32 : index
      %swap3A_435 = tpu.vector_load %arg17[%swap3A_433, %swap3A_434] {strides = array<i32>} : memref<80x128xf32, #tpu.memory_space<vmem>>, vector<16xf32>,
      tpu.vector_store %arg17[%swap3A_433, %swap3A_434], %mul3A_432 {strides = array<i32>} : memref<80x128xf32, #tpu.memory_space<vmem>>, vector<16xf32>,
      %get3A_436 = arith.index_cast %add3A_413 : i32 to index
      %get3A_437 = arith.constant 48 : index
      %get3A_438 = tpu.vector_load %arg17[%get3A_436, %get3A_437] {strides = array<i32>} : memref<80x128xf32, #tpu.memory_space<vmem>>, vector<16xf32>,
      %mul3A_439 = arith.mulf %get3A_438, %gather3A : vector<16xf32>
      %swap3A_440 = arith.index_cast %add3A_413 : i32 to index
      %swap3A_441 = arith.constant 48 : index
      %swap3A_442 = tpu.vector_load %arg17[%swap3A_440, %swap3A_441] {strides = array<i32>} : memref<80x128xf32, #tpu.memory_space<vmem>>, vector<16xf32>,
      tpu.vector_store %arg17[%swap3A_440, %swap3A_441], %mul3A_439 {strides = array<i32>} : memref<80x128xf32, #tpu.memory_space<vmem>>, vector<16xf32>,
      %get3A_443 = arith.index_cast %add3A_413 : i32 to index
      %get3A_444 = arith.constant 64 : index
      %get3A_445 = tpu.vector_load %arg17[%get3A_443, %get3A_444] {strides = array<i32>} : memref<80x128xf32, #tpu.memory_space<vmem>>, vector<16xf32>,
      %mul3A_446 = arith.mulf %get3A_445, %gather3A : vector<16xf32>
      %swap3A_447 = arith.index_cast %add3A_413 : i32 to index
      %swap3A_448 = arith.constant 64 : index
      %swap3A_449 = tpu.vector_load %arg17[%swap3A_447, %swap3A_448] {strides = array<i32>} : memref<80x128xf32, #tpu.memory_space<vmem>>, vector<16xf32>,
      tpu.vector_store %arg17[%swap3A_447, %swap3A_448], %mul3A_446 {strides = array<i32>} : memref<80x128xf32, #tpu.memory_space<vmem>>, vector<16xf32>,
      %get3A_450 = arith.index_cast %add3A_413 : i32 to index
      %get3A_451 = arith.constant 80 : index
      %get3A_452 = tpu.vector_load %arg17[%get3A_450, %get3A_451] {strides = array<i32>} : memref<80x128xf32, #tpu.memory_space<vmem>>, vector<16xf32>,
      %mul3A_453 = arith.mulf %get3A_452, %gather3A : vector<16xf32>
      %swap3A_454 = arith.index_cast %add3A_413 : i32 to index
      %swap3A_455 = arith.constant 80 : index
      %swap3A_456 = tpu.vector_load %arg17[%swap3A_454, %swap3A_455] {strides = array<i32>} : memref<80x128xf32, #tpu.memory_space<vmem>>, vector<16xf32>,
      tpu.vector_store %arg17[%swap3A_454, %swap3A_455], %mul3A_453 {strides = array<i32>} : memref<80x128xf32, #tpu.memory_space<vmem>>, vector<16xf32>,
      %get3A_457 = arith.index_cast %add3A_413 : i32 to index
      %get3A_458 = arith.constant 96 : index
      %get3A_459 = tpu.vector_load %arg17[%get3A_457, %get3A_458] {strides = array<i32>} : memref<80x128xf32, #tpu.memory_space<vmem>>, vector<16xf32>,
      %mul3A_460 = arith.mulf %get3A_459, %gather3A : vector<16xf32>
      %swap3A_461 = arith.index_cast %add3A_413 : i32 to index
      %swap3A_462 = arith.constant 96 : index
      %swap3A_463 = tpu.vector_load %arg17[%swap3A_461, %swap3A_462] {strides = array<i32>} : memref<80x128xf32, #tpu.memory_space<vmem>>, vector<16xf32>,
      tpu.vector_store %arg17[%swap3A_461, %swap3A_462], %mul3A_460 {strides = array<i32>} : memref<80x128xf32, #tpu.memory_space<vmem>>, vector<16xf32>,
      %get3A_464 = arith.index_cast %add3A_413 : i32 to index
      %get3A_465 = arith.constant 112 : index
      %get3A_466 = tpu.vector_load %arg17[%get3A_464, %get3A_465] {strides = array<i32>} : memref<80x128xf32, #tpu.memory_space<vmem>>, vector<16xf32>,
      %mul3A_467 = arith.mulf %get3A_466, %gather3A : vector<16xf32>
      %swap3A_468 = arith.index_cast %add3A_413 : i32 to index
      %swap3A_469 = arith.constant 112 : index
      %swap3A_470 = tpu.vector_load %arg17[%swap3A_468, %swap3A_469] {strides = array<i32>} : memref<80x128xf32, #tpu.memory_space<vmem>>, vector<16xf32>,
      tpu.vector_store %arg17[%swap3A_468, %swap3A_469], %mul3A_467 {strides = array<i32>} : memref<80x128xf32, #tpu.memory_space<vmem>>, vector<16xf32>,
      %mul3A_471 = arith.constant 4 : i32
      %mul3A_472 = arith.muli %while3A_409, %mul3A_471 : i32
      %add3A_473 = arith.constant 1 : i32
      %add3A_474 = arith.addi %mul3A_472, %add3A_473 : i32
      %broadcast_in_dim3A_475 = vector.broadcast %add3A_474 : i32 to vector<16xi32>
      %gather3A_476 = tpu.vector_load_idx %arg15[%broadcast_in_dim3A_475] : memref<80xf32, #tpu.memory_space<vmem>>[vector<16xi32>], vector<16xf32>,
      %get3A_477 = arith.index_cast %add3A_474 : i32 to index
      %get3A_478 = arith.constant 0 : index
      %get3A_479 = tpu.vector_load %arg17[%get3A_477, %get3A_478] {strides = array<i32>} : memref<80x128xf32, #tpu.memory_space<vmem>>, vector<16xf32>,
      %mul3A_480 = arith.mulf %get3A_479, %gather3A_476 : vector<16xf32>
      %swap3A_481 = arith.index_cast %add3A_474 : i32 to index
      %swap3A_482 = arith.constant 0 : index
      %swap3A_483 = tpu.vector_load %arg17[%swap3A_481, %swap3A_482] {strides = array<i32>} : memref<80x128xf32, #tpu.memory_space<vmem>>, vector<16xf32>,
      tpu.vector_store %arg17[%swap3A_481, %swap3A_482], %mul3A_480 {strides = array<i32>} : memref<80x128xf32, #tpu.memory_space<vmem>>, vector<16xf32>,
      %get3A_484 = arith.index_cast %add3A_474 : i32 to index
      %get3A_485 = arith.constant 16 : index
      %get3A_486 = tpu.vector_load %arg17[%get3A_484, %get3A_485] {strides = array<i32>} : memref<80x128xf32, #tpu.memory_space<vmem>>, vector<16xf32>,
      %mul3A_487 = arith.mulf %get3A_486, %gather3A_476 : vector<16xf32>
      %swap3A_488 = arith.index_cast %add3A_474 : i32 to index
      %swap3A_489 = arith.constant 16 : index
      %swap3A_490 = tpu.vector_load %arg17[%swap3A_488, %swap3A_489] {strides = array<i32>} : memref<80x128xf32, #tpu.memory_space<vmem>>, vector<16xf32>,
      tpu.vector_store %arg17[%swap3A_488, %swap3A_489], %mul3A_487 {strides = array<i32>} : memref<80x128xf32, #tpu.memory_space<vmem>>, vector<16xf32>,
      %get3A_491 = arith.index_cast %add3A_474 : i32 to index
      %get3A_492 = arith.constant 32 : index
      %get3A_493 = tpu.vector_load %arg17[%get3A_491, %get3A_492] {strides = array<i32>} : memref<80x128xf32, #tpu.memory_space<vmem>>, vector<16xf32>,
      %mul3A_494 = arith.mulf %get3A_493, %gather3A_476 : vector<16xf32>
      %swap3A_495 = arith.index_cast %add3A_474 : i32 to index
      %swap3A_496 = arith.constant 32 : index
      %swap3A_497 = tpu.vector_load %arg17[%swap3A_495, %swap3A_496] {strides = array<i32>} : memref<80x128xf32, #tpu.memory_space<vmem>>, vector<16xf32>,
      tpu.vector_store %arg17[%swap3A_495, %swap3A_496], %mul3A_494 {strides = array<i32>} : memref<80x128xf32, #tpu.memory_space<vmem>>, vector<16xf32>,
      %get3A_498 = arith.index_cast %add3A_474 : i32 to index
      %get3A_499 = arith.constant 48 : index
      %get3A_500 = tpu.vector_load %arg17[%get3A_498, %get3A_499] {strides = array<i32>} : memref<80x128xf32, #tpu.memory_space<vmem>>, vector<16xf32>,
      %mul3A_501 = arith.mulf %get3A_500, %gather3A_476 : vector<16xf32>
      %swap3A_502 = arith.index_cast %add3A_474 : i32 to index
      %swap3A_503 = arith.constant 48 : index
      %swap3A_504 = tpu.vector_load %arg17[%swap3A_502, %swap3A_503] {strides = array<i32>} : memref<80x128xf32, #tpu.memory_space<vmem>>, vector<16xf32>,
      tpu.vector_store %arg17[%swap3A_502, %swap3A_503], %mul3A_501 {strides = array<i32>} : memref<80x128xf32, #tpu.memory_space<vmem>>, vector<16xf32>,
      %get3A_505 = arith.index_cast %add3A_474 : i32 to index
      %get3A_506 = arith.constant 64 : index
      %get3A_507 = tpu.vector_load %arg17[%get3A_505, %get3A_506] {strides = array<i32>} : memref<80x128xf32, #tpu.memory_space<vmem>>, vector<16xf32>,
      %mul3A_508 = arith.mulf %get3A_507, %gather3A_476 : vector<16xf32>
      %swap3A_509 = arith.index_cast %add3A_474 : i32 to index
      %swap3A_510 = arith.constant 64 : index
      %swap3A_511 = tpu.vector_load %arg17[%swap3A_509, %swap3A_510] {strides = array<i32>} : memref<80x128xf32, #tpu.memory_space<vmem>>, vector<16xf32>,
      tpu.vector_store %arg17[%swap3A_509, %swap3A_510], %mul3A_508 {strides = array<i32>} : memref<80x128xf32, #tpu.memory_space<vmem>>, vector<16xf32>,
      %get3A_512 = arith.index_cast %add3A_474 : i32 to index
      %get3A_513 = arith.constant 80 : index
      %get3A_514 = tpu.vector_load %arg17[%get3A_512, %get3A_513] {strides = array<i32>} : memref<80x128xf32, #tpu.memory_space<vmem>>, vector<16xf32>,
      %mul3A_515 = arith.mulf %get3A_514, %gather3A_476 : vector<16xf32>
      %swap3A_516 = arith.index_cast %add3A_474 : i32 to index
      %swap3A_517 = arith.constant 80 : index
      %swap3A_518 = tpu.vector_load %arg17[%swap3A_516, %swap3A_517] {strides = array<i32>} : memref<80x128xf32, #tpu.memory_space<vmem>>, vector<16xf32>,
      tpu.vector_store %arg17[%swap3A_516, %swap3A_517], %mul3A_515 {strides = array<i32>} : memref<80x128xf32, #tpu.memory_space<vmem>>, vector<16xf32>,
      %get3A_519 = arith.index_cast %add3A_474 : i32 to index
      %get3A_520 = arith.constant 96 : index
      %get3A_521 = tpu.vector_load %arg17[%get3A_519, %get3A_520] {strides = array<i32>} : memref<80x128xf32, #tpu.memory_space<vmem>>, vector<16xf32>,
      %mul3A_522 = arith.mulf %get3A_521, %gather3A_476 : vector<16xf32>
      %swap3A_523 = arith.index_cast %add3A_474 : i32 to index
      %swap3A_524 = arith.constant 96 : index
      %swap3A_525 = tpu.vector_load %arg17[%swap3A_523, %swap3A_524] {strides = array<i32>} : memref<80x128xf32, #tpu.memory_space<vmem>>, vector<16xf32>,
      tpu.vector_store %arg17[%swap3A_523, %swap3A_524], %mul3A_522 {strides = array<i32>} : memref<80x128xf32, #tpu.memory_space<vmem>>, vector<16xf32>,
      %get3A_526 = arith.index_cast %add3A_474 : i32 to index
      %get3A_527 = arith.constant 112 : index
      %get3A_528 = tpu.vector_load %arg17[%get3A_526, %get3A_527] {strides = array<i32>} : memref<80x128xf32, #tpu.memory_space<vmem>>, vector<16xf32>,
      %mul3A_529 = arith.mulf %get3A_528, %gather3A_476 : vector<16xf32>
      %swap3A_530 = arith.index_cast %add3A_474 : i32 to index
      %swap3A_531 = arith.constant 112 : index
      %swap3A_532 = tpu.vector_load %arg17[%swap3A_530, %swap3A_531] {strides = array<i32>} : memref<80x128xf32, #tpu.memory_space<vmem>>, vector<16xf32>,
      tpu.vector_store %arg17[%swap3A_530, %swap3A_531], %mul3A_529 {strides = array<i32>} : memref<80x128xf32, #tpu.memory_space<vmem>>, vector<16xf32>,
      %mul3A_533 = arith.constant 4 : i32
      %mul3A_534 = arith.muli %while3A_409, %mul3A_533 : i32
      %add3A_535 = arith.constant 2 : i32
      %add3A_536 = arith.addi %mul3A_534, %add3A_535 : i32
      %broadcast_in_dim3A_537 = vector.broadcast %add3A_536 : i32 to vector<16xi32>
      %gather3A_538 = tpu.vector_load_idx %arg15[%broadcast_in_dim3A_537] : memref<80xf32, #tpu.memory_space<vmem>>[vector<16xi32>], vector<16xf32>,
      %get3A_539 = arith.index_cast %add3A_536 : i32 to index
      %get3A_540 = arith.constant 0 : index
      %get3A_541 = tpu.vector_load %arg17[%get3A_539, %get3A_540] {strides = array<i32>} : memref<80x128xf32, #tpu.memory_space<vmem>>, vector<16xf32>,
      %mul3A_542 = arith.mulf %get3A_541, %gather3A_538 : vector<16xf32>
      %swap3A_543 = arith.index_cast %add3A_536 : i32 to index
      %swap3A_544 = arith.constant 0 : index
      %swap3A_545 = tpu.vector_load %arg17[%swap3A_543, %swap3A_544] {strides = array<i32>} : memref<80x128xf32, #tpu.memory_space<vmem>>, vector<16xf32>,
      tpu.vector_store %arg17[%swap3A_543, %swap3A_544], %mul3A_542 {strides = array<i32>} : memref<80x128xf32, #tpu.memory_space<vmem>>, vector<16xf32>,
      %get3A_546 = arith.index_cast %add3A_536 : i32 to index
      %get3A_547 = arith.constant 16 : index
      %get3A_548 = tpu.vector_load %arg17[%get3A_546, %get3A_547] {strides = array<i32>} : memref<80x128xf32, #tpu.memory_space<vmem>>, vector<16xf32>,
      %mul3A_549 = arith.mulf %get3A_548, %gather3A_538 : vector<16xf32>
      %swap3A_550 = arith.index_cast %add3A_536 : i32 to index
      %swap3A_551 = arith.constant 16 : index
      %swap3A_552 = tpu.vector_load %arg17[%swap3A_550, %swap3A_551] {strides = array<i32>} : memref<80x128xf32, #tpu.memory_space<vmem>>, vector<16xf32>,
      tpu.vector_store %arg17[%swap3A_550, %swap3A_551], %mul3A_549 {strides = array<i32>} : memref<80x128xf32, #tpu.memory_space<vmem>>, vector<16xf32>,
      %get3A_553 = arith.index_cast %add3A_536 : i32 to index
      %get3A_554 = arith.constant 32 : index
      %get3A_555 = tpu.vector_load %arg17[%get3A_553, %get3A_554] {strides = array<i32>} : memref<80x128xf32, #tpu.memory_space<vmem>>, vector<16xf32>,
      %mul3A_556 = arith.mulf %get3A_555, %gather3A_538 : vector<16xf32>
      %swap3A_557 = arith.index_cast %add3A_536 : i32 to index
      %swap3A_558 = arith.constant 32 : index
      %swap3A_559 = tpu.vector_load %arg17[%swap3A_557, %swap3A_558] {strides = array<i32>} : memref<80x128xf32, #tpu.memory_space<vmem>>, vector<16xf32>,
      tpu.vector_store %arg17[%swap3A_557, %swap3A_558], %mul3A_556 {strides = array<i32>} : memref<80x128xf32, #tpu.memory_space<vmem>>, vector<16xf32>,
      %get3A_560 = arith.index_cast %add3A_536 : i32 to index
      %get3A_561 = arith.constant 48 : index
      %get3A_562 = tpu.vector_load %arg17[%get3A_560, %get3A_561] {strides = array<i32>} : memref<80x128xf32, #tpu.memory_space<vmem>>, vector<16xf32>,
      %mul3A_563 = arith.mulf %get3A_562, %gather3A_538 : vector<16xf32>
      %swap3A_564 = arith.index_cast %add3A_536 : i32 to index
      %swap3A_565 = arith.constant 48 : index
      %swap3A_566 = tpu.vector_load %arg17[%swap3A_564, %swap3A_565] {strides = array<i32>} : memref<80x128xf32, #tpu.memory_space<vmem>>, vector<16xf32>,
      tpu.vector_store %arg17[%swap3A_564, %swap3A_565], %mul3A_563 {strides = array<i32>} : memref<80x128xf32, #tpu.memory_space<vmem>>, vector<16xf32>,
      %get3A_567 = arith.index_cast %add3A_536 : i32 to index
      %get3A_568 = arith.constant 64 : index
      %get3A_569 = tpu.vector_load %arg17[%get3A_567, %get3A_568] {strides = array<i32>} : memref<80x128xf32, #tpu.memory_space<vmem>>, vector<16xf32>,
      %mul3A_570 = arith.mulf %get3A_569, %gather3A_538 : vector<16xf32>
      %swap3A_571 = arith.index_cast %add3A_536 : i32 to index
      %swap3A_572 = arith.constant 64 : index
      %swap3A_573 = tpu.vector_load %arg17[%swap3A_571, %swap3A_572] {strides = array<i32>} : memref<80x128xf32, #tpu.memory_space<vmem>>, vector<16xf32>,
      tpu.vector_store %arg17[%swap3A_571, %swap3A_572], %mul3A_570 {strides = array<i32>} : memref<80x128xf32, #tpu.memory_space<vmem>>, vector<16xf32>,
      %get3A_574 = arith.index_cast %add3A_536 : i32 to index
      %get3A_575 = arith.constant 80 : index
      %get3A_576 = tpu.vector_load %arg17[%get3A_574, %get3A_575] {strides = array<i32>} : memref<80x128xf32, #tpu.memory_space<vmem>>, vector<16xf32>,
      %mul3A_577 = arith.mulf %get3A_576, %gather3A_538 : vector<16xf32>
      %swap3A_578 = arith.index_cast %add3A_536 : i32 to index
      %swap3A_579 = arith.constant 80 : index
      %swap3A_580 = tpu.vector_load %arg17[%swap3A_578, %swap3A_579] {strides = array<i32>} : memref<80x128xf32, #tpu.memory_space<vmem>>, vector<16xf32>,
      tpu.vector_store %arg17[%swap3A_578, %swap3A_579], %mul3A_577 {strides = array<i32>} : memref<80x128xf32, #tpu.memory_space<vmem>>, vector<16xf32>,
      %get3A_581 = arith.index_cast %add3A_536 : i32 to index
      %get3A_582 = arith.constant 96 : index
      %get3A_583 = tpu.vector_load %arg17[%get3A_581, %get3A_582] {strides = array<i32>} : memref<80x128xf32, #tpu.memory_space<vmem>>, vector<16xf32>,
      %mul3A_584 = arith.mulf %get3A_583, %gather3A_538 : vector<16xf32>
      %swap3A_585 = arith.index_cast %add3A_536 : i32 to index
      %swap3A_586 = arith.constant 96 : index
      %swap3A_587 = tpu.vector_load %arg17[%swap3A_585, %swap3A_586] {strides = array<i32>} : memref<80x128xf32, #tpu.memory_space<vmem>>, vector<16xf32>,
      tpu.vector_store %arg17[%swap3A_585, %swap3A_586], %mul3A_584 {strides = array<i32>} : memref<80x128xf32, #tpu.memory_space<vmem>>, vector<16xf32>,
      %get3A_588 = arith.index_cast %add3A_536 : i32 to index
      %get3A_589 = arith.constant 112 : index
      %get3A_590 = tpu.vector_load %arg17[%get3A_588, %get3A_589] {strides = array<i32>} : memref<80x128xf32, #tpu.memory_space<vmem>>, vector<16xf32>,
      %mul3A_591 = arith.mulf %get3A_590, %gather3A_538 : vector<16xf32>
      %swap3A_592 = arith.index_cast %add3A_536 : i32 to index
      %swap3A_593 = arith.constant 112 : index
      %swap3A_594 = tpu.vector_load %arg17[%swap3A_592, %swap3A_593] {strides = array<i32>} : memref<80x128xf32, #tpu.memory_space<vmem>>, vector<16xf32>,
      tpu.vector_store %arg17[%swap3A_592, %swap3A_593], %mul3A_591 {strides = array<i32>} : memref<80x128xf32, #tpu.memory_space<vmem>>, vector<16xf32>,
      %mul3A_595 = arith.constant 4 : i32
      %mul3A_596 = arith.muli %while3A_409, %mul3A_595 : i32
      %add3A_597 = arith.constant 3 : i32
      %add3A_598 = arith.addi %mul3A_596, %add3A_597 : i32
      %broadcast_in_dim3A_599 = vector.broadcast %add3A_598 : i32 to vector<16xi32>
      %gather3A_600 = tpu.vector_load_idx %arg15[%broadcast_in_dim3A_599] : memref<80xf32, #tpu.memory_space<vmem>>[vector<16xi32>], vector<16xf32>,
      %get3A_601 = arith.index_cast %add3A_598 : i32 to index
      %get3A_602 = arith.constant 0 : index
      %get3A_603 = tpu.vector_load %arg17[%get3A_601, %get3A_602] {strides = array<i32>} : memref<80x128xf32, #tpu.memory_space<vmem>>, vector<16xf32>,
      %mul3A_604 = arith.mulf %get3A_603, %gather3A_600 : vector<16xf32>
      %swap3A_605 = arith.index_cast %add3A_598 : i32 to index
      %swap3A_606 = arith.constant 0 : index
      %swap3A_607 = tpu.vector_load %arg17[%swap3A_605, %swap3A_606] {strides = array<i32>} : memref<80x128xf32, #tpu.memory_space<vmem>>, vector<16xf32>,
      tpu.vector_store %arg17[%swap3A_605, %swap3A_606], %mul3A_604 {strides = array<i32>} : memref<80x128xf32, #tpu.memory_space<vmem>>, vector<16xf32>,
      %get3A_608 = arith.index_cast %add3A_598 : i32 to index
      %get3A_609 = arith.constant 16 : index
      %get3A_610 = tpu.vector_load %arg17[%get3A_608, %get3A_609] {strides = array<i32>} : memref<80x128xf32, #tpu.memory_space<vmem>>, vector<16xf32>,
      %mul3A_611 = arith.mulf %get3A_610, %gather3A_600 : vector<16xf32>
      %swap3A_612 = arith.index_cast %add3A_598 : i32 to index
      %swap3A_613 = arith.constant 16 : index
      %swap3A_614 = tpu.vector_load %arg17[%swap3A_612, %swap3A_613] {strides = array<i32>} : memref<80x128xf32, #tpu.memory_space<vmem>>, vector<16xf32>,
      tpu.vector_store %arg17[%swap3A_612, %swap3A_613], %mul3A_611 {strides = array<i32>} : memref<80x128xf32, #tpu.memory_space<vmem>>, vector<16xf32>,
      %get3A_615 = arith.index_cast %add3A_598 : i32 to index
      %get3A_616 = arith.constant 32 : index
      %get3A_617 = tpu.vector_load %arg17[%get3A_615, %get3A_616] {strides = array<i32>} : memref<80x128xf32, #tpu.memory_space<vmem>>, vector<16xf32>,
      %mul3A_618 = arith.mulf %get3A_617, %gather3A_600 : vector<16xf32>
      %swap3A_619 = arith.index_cast %add3A_598 : i32 to index
      %swap3A_620 = arith.constant 32 : index
      %swap3A_621 = tpu.vector_load %arg17[%swap3A_619, %swap3A_620] {strides = array<i32>} : memref<80x128xf32, #tpu.memory_space<vmem>>, vector<16xf32>,
      tpu.vector_store %arg17[%swap3A_619, %swap3A_620], %mul3A_618 {strides = array<i32>} : memref<80x128xf32, #tpu.memory_space<vmem>>, vector<16xf32>,
      %get3A_622 = arith.index_cast %add3A_598 : i32 to index
      %get3A_623 = arith.constant 48 : index
      %get3A_624 = tpu.vector_load %arg17[%get3A_622, %get3A_623] {strides = array<i32>} : memref<80x128xf32, #tpu.memory_space<vmem>>, vector<16xf32>,
      %mul3A_625 = arith.mulf %get3A_624, %gather3A_600 : vector<16xf32>
      %swap3A_626 = arith.index_cast %add3A_598 : i32 to index
      %swap3A_627 = arith.constant 48 : index
      %swap3A_628 = tpu.vector_load %arg17[%swap3A_626, %swap3A_627] {strides = array<i32>} : memref<80x128xf32, #tpu.memory_space<vmem>>, vector<16xf32>,
      tpu.vector_store %arg17[%swap3A_626, %swap3A_627], %mul3A_625 {strides = array<i32>} : memref<80x128xf32, #tpu.memory_space<vmem>>, vector<16xf32>,
      %get3A_629 = arith.index_cast %add3A_598 : i32 to index
      %get3A_630 = arith.constant 64 : index
      %get3A_631 = tpu.vector_load %arg17[%get3A_629, %get3A_630] {strides = array<i32>} : memref<80x128xf32, #tpu.memory_space<vmem>>, vector<16xf32>,
      %mul3A_632 = arith.mulf %get3A_631, %gather3A_600 : vector<16xf32>
      %swap3A_633 = arith.index_cast %add3A_598 : i32 to index
      %swap3A_634 = arith.constant 64 : index
      %swap3A_635 = tpu.vector_load %arg17[%swap3A_633, %swap3A_634] {strides = array<i32>} : memref<80x128xf32, #tpu.memory_space<vmem>>, vector<16xf32>,
      tpu.vector_store %arg17[%swap3A_633, %swap3A_634], %mul3A_632 {strides = array<i32>} : memref<80x128xf32, #tpu.memory_space<vmem>>, vector<16xf32>,
      %get3A_636 = arith.index_cast %add3A_598 : i32 to index
      %get3A_637 = arith.constant 80 : index
      %get3A_638 = tpu.vector_load %arg17[%get3A_636, %get3A_637] {strides = array<i32>} : memref<80x128xf32, #tpu.memory_space<vmem>>, vector<16xf32>,
      %mul3A_639 = arith.mulf %get3A_638, %gather3A_600 : vector<16xf32>
      %swap3A_640 = arith.index_cast %add3A_598 : i32 to index
      %swap3A_641 = arith.constant 80 : index
      %swap3A_642 = tpu.vector_load %arg17[%swap3A_640, %swap3A_641] {strides = array<i32>} : memref<80x128xf32, #tpu.memory_space<vmem>>, vector<16xf32>,
      tpu.vector_store %arg17[%swap3A_640, %swap3A_641], %mul3A_639 {strides = array<i32>} : memref<80x128xf32, #tpu.memory_space<vmem>>, vector<16xf32>,
      %get3A_643 = arith.index_cast %add3A_598 : i32 to index
      %get3A_644 = arith.constant 96 : index
      %get3A_645 = tpu.vector_load %arg17[%get3A_643, %get3A_644] {strides = array<i32>} : memref<80x128xf32, #tpu.memory_space<vmem>>, vector<16xf32>,
      %mul3A_646 = arith.mulf %get3A_645, %gather3A_600 : vector<16xf32>
      %swap3A_647 = arith.index_cast %add3A_598 : i32 to index
      %swap3A_648 = arith.constant 96 : index
      %swap3A_649 = tpu.vector_load %arg17[%swap3A_647, %swap3A_648] {strides = array<i32>} : memref<80x128xf32, #tpu.memory_space<vmem>>, vector<16xf32>,
      tpu.vector_store %arg17[%swap3A_647, %swap3A_648], %mul3A_646 {strides = array<i32>} : memref<80x128xf32, #tpu.memory_space<vmem>>, vector<16xf32>,
      %get3A_650 = arith.index_cast %add3A_598 : i32 to index
      %get3A_651 = arith.constant 112 : index
      %get3A_652 = tpu.vector_load %arg17[%get3A_650, %get3A_651] {strides = array<i32>} : memref<80x128xf32, #tpu.memory_space<vmem>>, vector<16xf32>,
      %mul3A_653 = arith.mulf %get3A_652, %gather3A_600 : vector<16xf32>
      %swap3A_654 = arith.index_cast %add3A_598 : i32 to index
      %swap3A_655 = arith.constant 112 : index
      %swap3A_656 = tpu.vector_load %arg17[%swap3A_654, %swap3A_655] {strides = array<i32>} : memref<80x128xf32, #tpu.memory_space<vmem>>, vector<16xf32>,
      tpu.vector_store %arg17[%swap3A_654, %swap3A_655], %mul3A_653 {strides = array<i32>} : memref<80x128xf32, #tpu.memory_space<vmem>>, vector<16xf32>,
    }
    %run_scoped3A = arith.constant 0 : i32
    "tpu.region"() ({
      %run_scoped3A_409 = tpu.sem_alloc : memref<!tpu.dma_semaphore, #tpu.memory_space<semaphore_mem>>
      %dma_start3A_410 = arith.constant 0 : i32
      %dma_start3A_411 = tpu.memref_slice %arg13[%run_scoped3A, %dma_start3A_410] : memref<1x80xi32, #tpu.memory_space<vmem>> -> memref<1x80xi32, #tpu.memory_space<vmem>>
      %dma_start3A_412 = tpu.memref_squeeze %dma_start3A_411 : memref<1x80xi32, #tpu.memory_space<vmem>> -> memref<80xi32, #tpu.memory_space<vmem>>
      %dma_start3A_413 = arith.constant 0 : i32
      %dma_start3A_414 = arith.constant 0 : i32
      %dma_start3A_415 = tpu.memref_slice %arg22[%dma_start3A_413, %dma_start3A_414] : memref<10000x128xf32, #tpu.memory_space<vmem_shared>> -> memref<10000x128xf32, #tpu.memory_space<vmem_shared>>
      tpu.enqueue_indirect_dma source(%arg17 : memref<80x128xf32, #tpu.memory_space<vmem>>) target(%dma_start3A_415 : memref<10000x128xf32, #tpu.memory_space<vmem_shared>>) offsets(%dma_start3A_412 : memref<80xi32, #tpu.memory_space<vmem>>) semaphore(%run_scoped3A_409 : memref<!tpu.dma_semaphore, #tpu.memory_space<semaphore_mem>>) {add = true}
      %dma_wait3A_416 = arith.constant 0 : i32
      %dma_wait3A_417 = tpu.memref_slice %arg13[%run_scoped3A, %dma_wait3A_416] : memref<1x80xi32, #tpu.memory_space<vmem>> -> memref<1x80xi32, #tpu.memory_space<vmem>>
      %dma_wait3A_418 = tpu.memref_squeeze %dma_wait3A_417 : memref<1x80xi32, #tpu.memory_space<vmem>> -> memref<80xi32, #tpu.memory_space<vmem>>
      %dma_wait3A_419 = arith.constant 0 : i32
      %dma_wait3A_420 = arith.constant 0 : i32
      %dma_wait3A_421 = tpu.memref_slice %arg22[%dma_wait3A_419, %dma_wait3A_420] : memref<10000x128xf32, #tpu.memory_space<vmem_shared>> -> memref<10000x128xf32, #tpu.memory_space<vmem_shared>>
      tpu.wait_indirect_dma semaphore(%run_scoped3A_409 : memref<!tpu.dma_semaphore, #tpu.memory_space<semaphore_mem>>) src(%arg17 : memref<80x128xf32, #tpu.memory_space<vmem>>) dst(%dma_wait3A_421 : memref<10000x128xf32, #tpu.memory_space<vmem_shared>>)
      tpu.yield
    }) : () -> ()
    %eq3A_381 = arith.constant 0 : i32
    %eq3A_382 = arith.cmpi eq, %arg0, %eq3A_381 : i32
    %convert_element_type3A_383 = arith.extui %eq3A_382 : i1 to i32
    %cond3A_384 = arith.constant 0 : i32
    %cond3A_385 = arith.cmpi ne, %convert_element_type3A_383, %cond3A_384 : i32
    scf.if %cond3A_385 {
      %run_scoped3A_409 = arith.constant 0 : i32
      "tpu.region"() ({
        %run_scoped3A_410 = tpu.sem_alloc : memref<!tpu.dma_semaphore, #tpu.memory_space<semaphore_mem>>
        %dma_start3A_411 = arith.constant 0 : i32
        %dma_start3A_412 = tpu.memref_slice %arg13[%run_scoped3A_409, %dma_start3A_411] : memref<1x80xi32, #tpu.memory_space<vmem>> -> memref<1x80xi32, #tpu.memory_space<vmem>>
        %dma_start3A_413 = tpu.memref_squeeze %dma_start3A_412 : memref<1x80xi32, #tpu.memory_space<vmem>> -> memref<80xi32, #tpu.memory_space<vmem>>
        %dma_start3A_414 = arith.constant 0 : i32
        %dma_start3A_415 = tpu.memref_slice %arg23[%dma_start3A_414] : memref<10000xf32, #tpu.memory_space<vmem_shared>> -> memref<10000xf32, #tpu.memory_space<vmem_shared>>
        tpu.enqueue_indirect_dma source(%arg19 : memref<80xf32, #tpu.memory_space<vmem>>) target(%dma_start3A_415 : memref<10000xf32, #tpu.memory_space<vmem_shared>>) offsets(%dma_start3A_413 : memref<80xi32, #tpu.memory_space<vmem>>) semaphore(%run_scoped3A_410 : memref<!tpu.dma_semaphore, #tpu.memory_space<semaphore_mem>>) {add = true}
        %dma_wait3A_416 = arith.constant 0 : i32
        %dma_wait3A_417 = tpu.memref_slice %arg13[%run_scoped3A_409, %dma_wait3A_416] : memref<1x80xi32, #tpu.memory_space<vmem>> -> memref<1x80xi32, #tpu.memory_space<vmem>>
        %dma_wait3A_418 = tpu.memref_squeeze %dma_wait3A_417 : memref<1x80xi32, #tpu.memory_space<vmem>> -> memref<80xi32, #tpu.memory_space<vmem>>
        %dma_wait3A_419 = arith.constant 0 : i32
        %dma_wait3A_420 = tpu.memref_slice %arg23[%dma_wait3A_419] : memref<10000xf32, #tpu.memory_space<vmem_shared>> -> memref<10000xf32, #tpu.memory_space<vmem_shared>>
        tpu.wait_indirect_dma semaphore(%run_scoped3A_410 : memref<!tpu.dma_semaphore, #tpu.memory_space<semaphore_mem>>) src(%arg19 : memref<80xf32, #tpu.memory_space<vmem>>) dst(%dma_wait3A_420 : memref<10000xf32, #tpu.memory_space<vmem_shared>>)
        tpu.yield
      }) : () -> ()
    } else {
    }
    %barrier3A_386 = arith.constant 0 : index
    tpu.barrier barrier_id(%barrier3A_386)
    %lt3A_387 = arith.constant 15 : i32
    %lt3A_388 = arith.cmpi slt, %arg1, %lt3A_387 : i32
    %convert_element_type3A_389 = arith.extui %lt3A_388 : i1 to i32
    %cond3A_390 = arith.constant 0 : i32
    %cond3A_391 = arith.cmpi ne, %convert_element_type3A_389, %cond3A_390 : i32
    scf.if %cond3A_391 {
      "tpu.region"() ({
        %run_scoped3A_409 = tpu.sem_alloc : memref<!tpu.dma_semaphore, #tpu.memory_space<semaphore_mem>>
        %dma_start3A_410 = arith.constant 0 : i32
        %dma_start3A_411 = tpu.memref_slice %arg8[%arg0, %mul3A_207, %dma_start3A_410] : memref<2x10000x128xf32, #tpu.memory_space<hbm>> -> memref<1x640x128xf32, #tpu.memory_space<hbm>>
        %dma_start3A_412 = tpu.memref_squeeze %dma_start3A_411 : memref<1x640x128xf32, #tpu.memory_space<hbm>> -> memref<640x128xf32, #tpu.memory_space<hbm>>
        %dma_start3A_413 = arith.constant 0 : i32
        %dma_start3A_414 = tpu.memref_slice %arg22[%mul3A_207, %dma_start3A_413] : memref<10000x128xf32, #tpu.memory_space<vmem_shared>> -> memref<640x128xf32, #tpu.memory_space<vmem_shared>>
        tpu.enqueue_dma source(%dma_start3A_414 : memref<640x128xf32, #tpu.memory_space<vmem_shared>>) target(%dma_start3A_412 : memref<640x128xf32, #tpu.memory_space<hbm>>) target_semaphore(%run_scoped3A_409 : memref<!tpu.dma_semaphore, #tpu.memory_space<semaphore_mem>>)
        %dma_wait3A_415 = arith.constant 0 : i32
        %dma_wait3A_416 = tpu.memref_slice %arg8[%arg0, %mul3A_207, %dma_wait3A_415] : memref<2x10000x128xf32, #tpu.memory_space<hbm>> -> memref<1x640x128xf32, #tpu.memory_space<hbm>>
        %dma_wait3A_417 = tpu.memref_squeeze %dma_wait3A_416 : memref<1x640x128xf32, #tpu.memory_space<hbm>> -> memref<640x128xf32, #tpu.memory_space<hbm>>
        %dma_wait3A_418 = arith.constant 0 : i32
        %dma_wait3A_419 = tpu.memref_slice %arg22[%mul3A_207, %dma_wait3A_418] : memref<10000x128xf32, #tpu.memory_space<vmem_shared>> -> memref<640x128xf32, #tpu.memory_space<vmem_shared>>
        tpu.wait_dma2 semaphore(%run_scoped3A_409 : memref<!tpu.dma_semaphore, #tpu.memory_space<semaphore_mem>>) src(%dma_wait3A_419 : memref<640x128xf32, #tpu.memory_space<vmem_shared>>) dst(%dma_wait3A_417 : memref<640x128xf32, #tpu.memory_space<hbm>>)
        tpu.yield
      }) : () -> ()
    } else {
    }
    %eq3A_392 = arith.constant 15 : i32
    %eq3A_393 = arith.cmpi eq, %arg1, %eq3A_392 : i32
    %convert_element_type3A_394 = arith.extui %eq3A_393 : i1 to i32
    %cond3A_395 = arith.constant 0 : i32
    %cond3A_396 = arith.cmpi ne, %convert_element_type3A_394, %cond3A_395 : i32
    scf.if %cond3A_396 {
      "tpu.region"() ({
        %run_scoped3A_409 = tpu.sem_alloc : memref<!tpu.dma_semaphore, #tpu.memory_space<semaphore_mem>>
        %dma_start3A_410 = arith.constant 9600 : i32
        %dma_start3A_411 = arith.constant 0 : i32
        %dma_start3A_412 = tpu.memref_slice %arg8[%arg0, %dma_start3A_410, %dma_start3A_411] : memref<2x10000x128xf32, #tpu.memory_space<hbm>> -> memref<1x400x128xf32, #tpu.memory_space<hbm>>
        %dma_start3A_413 = tpu.memref_squeeze %dma_start3A_412 : memref<1x400x128xf32, #tpu.memory_space<hbm>> -> memref<400x128xf32, #tpu.memory_space<hbm>>
        %dma_start3A_414 = arith.constant 9600 : i32
        %dma_start3A_415 = arith.constant 0 : i32
        %dma_start3A_416 = tpu.memref_slice %arg22[%dma_start3A_414, %dma_start3A_415] : memref<10000x128xf32, #tpu.memory_space<vmem_shared>> -> memref<400x128xf32, #tpu.memory_space<vmem_shared>>
        tpu.enqueue_dma source(%dma_start3A_416 : memref<400x128xf32, #tpu.memory_space<vmem_shared>>) target(%dma_start3A_413 : memref<400x128xf32, #tpu.memory_space<hbm>>) target_semaphore(%run_scoped3A_409 : memref<!tpu.dma_semaphore, #tpu.memory_space<semaphore_mem>>)
        %dma_wait3A_417 = arith.constant 9600 : i32
        %dma_wait3A_418 = arith.constant 0 : i32
        %dma_wait3A_419 = tpu.memref_slice %arg8[%arg0, %dma_wait3A_417, %dma_wait3A_418] : memref<2x10000x128xf32, #tpu.memory_space<hbm>> -> memref<1x400x128xf32, #tpu.memory_space<hbm>>
        %dma_wait3A_420 = tpu.memref_squeeze %dma_wait3A_419 : memref<1x400x128xf32, #tpu.memory_space<hbm>> -> memref<400x128xf32, #tpu.memory_space<hbm>>
        %dma_wait3A_421 = arith.constant 9600 : i32
        %dma_wait3A_422 = arith.constant 0 : i32
        %dma_wait3A_423 = tpu.memref_slice %arg22[%dma_wait3A_421, %dma_wait3A_422] : memref<10000x128xf32, #tpu.memory_space<vmem_shared>> -> memref<400x128xf32, #tpu.memory_space<vmem_shared>>
        tpu.wait_dma2 semaphore(%run_scoped3A_409 : memref<!tpu.dma_semaphore, #tpu.memory_space<semaphore_mem>>) src(%dma_wait3A_423 : memref<400x128xf32, #tpu.memory_space<vmem_shared>>) dst(%dma_wait3A_420 : memref<400x128xf32, #tpu.memory_space<hbm>>)
        tpu.yield
      }) : () -> ()
    } else {
    }
    %eq3A_397 = arith.constant 0 : i32
    %eq3A_398 = arith.cmpi eq, %arg0, %eq3A_397 : i32
    %convert_element_type3A_399 = arith.extui %eq3A_398 : i1 to i32
    %cond3A_400 = arith.constant 0 : i32
    %cond3A_401 = arith.cmpi ne, %convert_element_type3A_399, %cond3A_400 : i32
    scf.if %cond3A_401 {
      "tpu.region"() ({
        %run_scoped3A_409 = tpu.sem_alloc : memref<!tpu.dma_semaphore, #tpu.memory_space<semaphore_mem>>
        %dma_start3A_410 = arith.constant 0 : i32
        %dma_start3A_411 = arith.constant 0 : i32
        %dma_start3A_412 = tpu.memref_slice %arg10[%arg1, %dma_start3A_410, %dma_start3A_411] : memref<16x1x16xf32, #tpu.memory_space<hbm>> -> memref<1x1x16xf32, #tpu.memory_space<hbm>>
        %dma_start3A_413 = tpu.memref_squeeze %dma_start3A_412 : memref<1x1x16xf32, #tpu.memory_space<hbm>> -> memref<1x16xf32, #tpu.memory_space<hbm>>
        %dma_start3A_414 = arith.constant 0 : i32
        %dma_start3A_415 = arith.constant 0 : i32
        %dma_start3A_416 = tpu.memref_slice %arg10[%arg1, %dma_start3A_414, %dma_start3A_415] : memref<16x1x16xf32, #tpu.memory_space<hbm>> -> memref<1x1x16xf32, #tpu.memory_space<hbm>>
        %dma_start3A_417 = tpu.memref_squeeze %dma_start3A_416 : memref<1x1x16xf32, #tpu.memory_space<hbm>> -> memref<1x16xf32, #tpu.memory_space<hbm>>
        tpu.enqueue_dma source(%arg21 : memref<1x16xf32, #tpu.memory_space<vmem>>) target(%dma_start3A_417 : memref<1x16xf32, #tpu.memory_space<hbm>>) target_semaphore(%run_scoped3A_409 : memref<!tpu.dma_semaphore, #tpu.memory_space<semaphore_mem>>)
        %dma_wait3A_418 = arith.constant 0 : i32
        %dma_wait3A_419 = arith.constant 0 : i32
        %dma_wait3A_420 = tpu.memref_slice %arg10[%arg1, %dma_wait3A_418, %dma_wait3A_419] : memref<16x1x16xf32, #tpu.memory_space<hbm>> -> memref<1x1x16xf32, #tpu.memory_space<hbm>>
        %dma_wait3A_421 = tpu.memref_squeeze %dma_wait3A_420 : memref<1x1x16xf32, #tpu.memory_space<hbm>> -> memref<1x16xf32, #tpu.memory_space<hbm>>
        %dma_wait3A_422 = arith.constant 0 : i32
        %dma_wait3A_423 = arith.constant 0 : i32
        %dma_wait3A_424 = tpu.memref_slice %arg10[%arg1, %dma_wait3A_422, %dma_wait3A_423] : memref<16x1x16xf32, #tpu.memory_space<hbm>> -> memref<1x1x16xf32, #tpu.memory_space<hbm>>
        %dma_wait3A_425 = tpu.memref_squeeze %dma_wait3A_424 : memref<1x1x16xf32, #tpu.memory_space<hbm>> -> memref<1x16xf32, #tpu.memory_space<hbm>>
        tpu.wait_dma2 semaphore(%run_scoped3A_409 : memref<!tpu.dma_semaphore, #tpu.memory_space<semaphore_mem>>) src(%arg21 : memref<1x16xf32, #tpu.memory_space<vmem>>) dst(%dma_wait3A_425 : memref<1x16xf32, #tpu.memory_space<hbm>>)
        tpu.yield
      }) : () -> ()
    } else {
    }
    %eq3A_402 = arith.constant 0 : i32
    %eq3A_403 = arith.cmpi eq, %arg0, %eq3A_402 : i32
    %eq3A_404 = arith.constant 0 : i32
    %eq3A_405 = arith.cmpi eq, %arg1, %eq3A_404 : i32
    %and3A = arith.andi %eq3A_403, %eq3A_405 : i1
    %convert_element_type3A_406 = arith.extui %and3A : i1 to i32
    %cond3A_407 = arith.constant 0 : i32
    %cond3A_408 = arith.cmpi ne, %convert_element_type3A_406, %cond3A_407 : i32
    scf.if %cond3A_408 {
      "tpu.region"() ({
        %run_scoped3A_409 = tpu.sem_alloc : memref<!tpu.dma_semaphore, #tpu.memory_space<semaphore_mem>>
        tpu.enqueue_dma source(%arg23 : memref<10000xf32, #tpu.memory_space<vmem_shared>>) target(%arg9 : memref<10000xf32, #tpu.memory_space<hbm>>) target_semaphore(%run_scoped3A_409 : memref<!tpu.dma_semaphore, #tpu.memory_space<semaphore_mem>>)
        tpu.wait_dma2 semaphore(%run_scoped3A_409 : memref<!tpu.dma_semaphore, #tpu.memory_space<semaphore_mem>>) src(%arg23 : memref<10000xf32, #tpu.memory_space<vmem_shared>>) dst(%arg9 : memref<10000xf32, #tpu.memory_space<hbm>>)
        tpu.yield
      }) : () -> ()
    } else {
    }
    return
  }
}

module attributes {stable_mosaic.version = 14 : i64} {
  func.func @_p_matmul_body(%arg0: i32, %arg1: i32, %arg2: memref<1000x256xf32, #tpu.memory_space<vmem>>, %arg3: memref<1x256xf32, #tpu.memory_space<vmem>>, %arg4: memref<1024x256xf32, #tpu.memory_space<vmem>>, %arg5: memref<8x1000x128xf32, #tpu.memory_space<vmem>>) attributes {dimension_semantics = [#tpu.dimension_semantics<arbitrary>, #tpu.dimension_semantics<arbitrary>], iteration_bounds = array<i64: 10, 4>, scalar_prefetch = 0 : i64, scratch_operands = 0 : i64, tpu.core_type = #tpu.core_type<tc>, window_params = [{transform_indices = @transform_0, window_bounds = array<i64: 1000, 256>}, {pipeline_mode = #tpu.pipeline_mode<synchronous>, transform_indices = @transform_1, window_bounds = array<i64: 1, 256>}, {transform_indices = @transform_2, window_bounds = array<i64: 1024, 256>}, {transform_indices = @transform_3, window_bounds = array<i64: 8, 1000, 128>}]} {
    %get3A = arith.constant 0 : index
    %get3A_0 = arith.constant 0 : index
    %get3A_1 = vector.load %arg2[%get3A, %get3A_0] : memref<1000x256xf32, #tpu.memory_space<vmem>>, vector<1000x256xf32>
    %get3A_2 = arith.constant 0 : index
    %get3A_3 = arith.constant 0 : index
    %get3A_4 = vector.load %arg3[%get3A_2, %get3A_3] : memref<1x256xf32, #tpu.memory_space<vmem>>, vector<1x256xf32>
    %mul3A = vector.broadcast %get3A_4 : vector<1x256xf32> to vector<1000x256xf32>
    %mul3A_5 = arith.mulf %get3A_1, %mul3A : vector<1000x256xf32>
    %get3A_6 = arith.constant 0 : index
    %get3A_7 = arith.constant 0 : index
    %get3A_8 = vector.load %arg4[%get3A_6, %get3A_7] : memref<1024x256xf32, #tpu.memory_space<vmem>>, vector<1024x256xf32>
    %dot_general3A = arith.constant dense<0.000000e+00> : vector<1000x1024xf32>
    %dot_general3A_9 = tpu.matmul %mul3A_5, %get3A_8, %dot_general3A {dimension_numbers = #tpu.dot_dimension_numbers<[1], [1], [0], [0], [0, 0, 1, 0], [], []>, transpose_lhs_hint = false} : vector<1000x256xf32>, vector<1024x256xf32>, vector<1000x1024xf32> -> vector<1000x1024xf32>
    %slice3A = vector.extract_strided_slice %dot_general3A_9 {offsets = [0, 0], sizes = [1000, 128], strides = [1, 1]} : vector<1000x1024xf32> to vector<1000x128xf32>
    %swap3A = arith.constant 0 : index
    %swap3A_10 = arith.constant 0 : index
    %swap3A_11 = arith.constant 0 : index
    %swap3A_12 = vector.load %arg5[%swap3A, %swap3A_10, %swap3A_11] : memref<8x1000x128xf32, #tpu.memory_space<vmem>>, vector<1x1000x128xf32>
    %swap3A_13 = vector.shape_cast %swap3A_12 : vector<1x1000x128xf32> to vector<1000x128xf32>
    %swap3A_14 = vector.shape_cast %slice3A : vector<1000x128xf32> to vector<1x1000x128xf32>
    tpu.vector_store %arg5[%swap3A, %swap3A_10, %swap3A_11], %swap3A_14 {strides = array<i32>} : memref<8x1000x128xf32, #tpu.memory_space<vmem>>, vector<1x1000x128xf32>,
    %slice3A_15 = vector.extract_strided_slice %dot_general3A_9 {offsets = [0, 128], sizes = [1000, 128], strides = [1, 1]} : vector<1000x1024xf32> to vector<1000x128xf32>
    %swap3A_16 = arith.constant 1 : index
    %swap3A_17 = arith.constant 0 : index
    %swap3A_18 = arith.constant 0 : index
    %swap3A_19 = vector.load %arg5[%swap3A_16, %swap3A_17, %swap3A_18] : memref<8x1000x128xf32, #tpu.memory_space<vmem>>, vector<1x1000x128xf32>
    %swap3A_20 = vector.shape_cast %swap3A_19 : vector<1x1000x128xf32> to vector<1000x128xf32>
    %swap3A_21 = vector.shape_cast %slice3A_15 : vector<1000x128xf32> to vector<1x1000x128xf32>
    tpu.vector_store %arg5[%swap3A_16, %swap3A_17, %swap3A_18], %swap3A_21 {strides = array<i32>} : memref<8x1000x128xf32, #tpu.memory_space<vmem>>, vector<1x1000x128xf32>,
    %slice3A_22 = vector.extract_strided_slice %dot_general3A_9 {offsets = [0, 256], sizes = [1000, 128], strides = [1, 1]} : vector<1000x1024xf32> to vector<1000x128xf32>
    %swap3A_23 = arith.constant 2 : index
    %swap3A_24 = arith.constant 0 : index
    %swap3A_25 = arith.constant 0 : index
    %swap3A_26 = vector.load %arg5[%swap3A_23, %swap3A_24, %swap3A_25] : memref<8x1000x128xf32, #tpu.memory_space<vmem>>, vector<1x1000x128xf32>
    %swap3A_27 = vector.shape_cast %swap3A_26 : vector<1x1000x128xf32> to vector<1000x128xf32>
    %swap3A_28 = vector.shape_cast %slice3A_22 : vector<1000x128xf32> to vector<1x1000x128xf32>
    tpu.vector_store %arg5[%swap3A_23, %swap3A_24, %swap3A_25], %swap3A_28 {strides = array<i32>} : memref<8x1000x128xf32, #tpu.memory_space<vmem>>, vector<1x1000x128xf32>,
    %slice3A_29 = vector.extract_strided_slice %dot_general3A_9 {offsets = [0, 384], sizes = [1000, 128], strides = [1, 1]} : vector<1000x1024xf32> to vector<1000x128xf32>
    %swap3A_30 = arith.constant 3 : index
    %swap3A_31 = arith.constant 0 : index
    %swap3A_32 = arith.constant 0 : index
    %swap3A_33 = vector.load %arg5[%swap3A_30, %swap3A_31, %swap3A_32] : memref<8x1000x128xf32, #tpu.memory_space<vmem>>, vector<1x1000x128xf32>
    %swap3A_34 = vector.shape_cast %swap3A_33 : vector<1x1000x128xf32> to vector<1000x128xf32>
    %swap3A_35 = vector.shape_cast %slice3A_29 : vector<1000x128xf32> to vector<1x1000x128xf32>
    tpu.vector_store %arg5[%swap3A_30, %swap3A_31, %swap3A_32], %swap3A_35 {strides = array<i32>} : memref<8x1000x128xf32, #tpu.memory_space<vmem>>, vector<1x1000x128xf32>,
    %slice3A_36 = vector.extract_strided_slice %dot_general3A_9 {offsets = [0, 512], sizes = [1000, 128], strides = [1, 1]} : vector<1000x1024xf32> to vector<1000x128xf32>
    %swap3A_37 = arith.constant 4 : index
    %swap3A_38 = arith.constant 0 : index
    %swap3A_39 = arith.constant 0 : index
    %swap3A_40 = vector.load %arg5[%swap3A_37, %swap3A_38, %swap3A_39] : memref<8x1000x128xf32, #tpu.memory_space<vmem>>, vector<1x1000x128xf32>
    %swap3A_41 = vector.shape_cast %swap3A_40 : vector<1x1000x128xf32> to vector<1000x128xf32>
    %swap3A_42 = vector.shape_cast %slice3A_36 : vector<1000x128xf32> to vector<1x1000x128xf32>
    tpu.vector_store %arg5[%swap3A_37, %swap3A_38, %swap3A_39], %swap3A_42 {strides = array<i32>} : memref<8x1000x128xf32, #tpu.memory_space<vmem>>, vector<1x1000x128xf32>,
    %slice3A_43 = vector.extract_strided_slice %dot_general3A_9 {offsets = [0, 640], sizes = [1000, 128], strides = [1, 1]} : vector<1000x1024xf32> to vector<1000x128xf32>
    %swap3A_44 = arith.constant 5 : index
    %swap3A_45 = arith.constant 0 : index
    %swap3A_46 = arith.constant 0 : index
    %swap3A_47 = vector.load %arg5[%swap3A_44, %swap3A_45, %swap3A_46] : memref<8x1000x128xf32, #tpu.memory_space<vmem>>, vector<1x1000x128xf32>
    %swap3A_48 = vector.shape_cast %swap3A_47 : vector<1x1000x128xf32> to vector<1000x128xf32>
    %swap3A_49 = vector.shape_cast %slice3A_43 : vector<1000x128xf32> to vector<1x1000x128xf32>
    tpu.vector_store %arg5[%swap3A_44, %swap3A_45, %swap3A_46], %swap3A_49 {strides = array<i32>} : memref<8x1000x128xf32, #tpu.memory_space<vmem>>, vector<1x1000x128xf32>,
    %slice3A_50 = vector.extract_strided_slice %dot_general3A_9 {offsets = [0, 768], sizes = [1000, 128], strides = [1, 1]} : vector<1000x1024xf32> to vector<1000x128xf32>
    %swap3A_51 = arith.constant 6 : index
    %swap3A_52 = arith.constant 0 : index
    %swap3A_53 = arith.constant 0 : index
    %swap3A_54 = vector.load %arg5[%swap3A_51, %swap3A_52, %swap3A_53] : memref<8x1000x128xf32, #tpu.memory_space<vmem>>, vector<1x1000x128xf32>
    %swap3A_55 = vector.shape_cast %swap3A_54 : vector<1x1000x128xf32> to vector<1000x128xf32>
    %swap3A_56 = vector.shape_cast %slice3A_50 : vector<1000x128xf32> to vector<1x1000x128xf32>
    tpu.vector_store %arg5[%swap3A_51, %swap3A_52, %swap3A_53], %swap3A_56 {strides = array<i32>} : memref<8x1000x128xf32, #tpu.memory_space<vmem>>, vector<1x1000x128xf32>,
    %slice3A_57 = vector.extract_strided_slice %dot_general3A_9 {offsets = [0, 896], sizes = [1000, 128], strides = [1, 1]} : vector<1000x1024xf32> to vector<1000x128xf32>
    %swap3A_58 = arith.constant 7 : index
    %swap3A_59 = arith.constant 0 : index
    %swap3A_60 = arith.constant 0 : index
    %swap3A_61 = vector.load %arg5[%swap3A_58, %swap3A_59, %swap3A_60] : memref<8x1000x128xf32, #tpu.memory_space<vmem>>, vector<1x1000x128xf32>
    %swap3A_62 = vector.shape_cast %swap3A_61 : vector<1x1000x128xf32> to vector<1000x128xf32>
    %swap3A_63 = vector.shape_cast %slice3A_57 : vector<1000x128xf32> to vector<1x1000x128xf32>
    tpu.vector_store %arg5[%swap3A_58, %swap3A_59, %swap3A_60], %swap3A_63 {strides = array<i32>} : memref<8x1000x128xf32, #tpu.memory_space<vmem>>, vector<1x1000x128xf32>,
    return
  }
  func.func @transform_0(%arg0: i32, %arg1: i32) -> (i32, i32) {
    %c0_i32 = arith.constant 0 : i32
    %c0_i32_0 = arith.constant 0 : i32
    return %arg0, %c0_i32 : i32, i32
  }
  func.func @transform_1(%arg0: i32, %arg1: i32) -> (i32, i32) {
    %c0_i32 = arith.constant 0 : i32
    %c0_i32_0 = arith.constant 0 : i32
    %c0_i32_1 = arith.constant 0 : i32
    return %c0_i32, %c0_i32_0 : i32, i32
  }
  func.func @transform_2(%arg0: i32, %arg1: i32) -> (i32, i32) {
    %c0_i32 = arith.constant 0 : i32
    %c0_i32_0 = arith.constant 0 : i32
    return %arg1, %c0_i32 : i32, i32
  }
  func.func @transform_3(%arg0: i32, %arg1: i32) -> (i32, i32, i32) {
    %c0_i32 = arith.constant 0 : i32
    %c0_i32_0 = arith.constant 0 : i32
    return %arg1, %arg0, %c0_i32 : i32, i32, i32
  }
}

module attributes {stable_mosaic.version = 14 : i64} {
  func.func @_final_body(%arg0: i32, %arg1: memref<1000x256xf32, #tpu.memory_space<vmem>>, %arg2: memref<1000x128xf32, #tpu.memory_space<vmem>>, %arg3: memref<1000x128xf32, #tpu.memory_space<vmem>>, %arg4: memref<1000x1xf32, #tpu.memory_space<vmem>>, %arg5: memref<1x256xf32, #tpu.memory_space<vmem>>, %arg6: memref<256x256xf32, #tpu.memory_space<vmem>>, %arg7: memref<1000x256xf32, #tpu.memory_space<vmem>>) attributes {dimension_semantics = [#tpu.dimension_semantics<arbitrary>], iteration_bounds = array<i64: 10>, scalar_prefetch = 0 : i64, scratch_operands = 0 : i64, tpu.core_type = #tpu.core_type<tc>, window_params = [{transform_indices = @transform_0, window_bounds = array<i64: 1000, 256>}, {transform_indices = @transform_1, window_bounds = array<i64: 1000, 128>}, {transform_indices = @transform_2, window_bounds = array<i64: 1000, 128>}, {transform_indices = @transform_3, window_bounds = array<i64: 1000, 1>}, {pipeline_mode = #tpu.pipeline_mode<synchronous>, transform_indices = @transform_4, window_bounds = array<i64: 1, 256>}, {pipeline_mode = #tpu.pipeline_mode<synchronous>, transform_indices = @transform_5, window_bounds = array<i64: 256, 256>}, {transform_indices = @transform_6, window_bounds = array<i64: 1000, 256>}]} {
    %get3A = arith.constant 0 : index
    %get3A_0 = arith.constant 0 : index
    %get3A_1 = vector.load %arg5[%get3A, %get3A_0] : memref<1x256xf32, #tpu.memory_space<vmem>>, vector<1x256xf32>
    %reduce_sum3A = vector.shape_cast %get3A_1 : vector<1x256xf32> to vector<1x1x256xf32>
    %reduce_sum3A_2 = arith.constant dense<0.000000e+00> : vector<1xf32>
    %reduce_sum3A_3 = vector.multi_reduction <add>, %reduce_sum3A, %reduce_sum3A_2 [1, 2] : vector<1x1x256xf32> to vector<1xf32>
    %reduce_sum3A_4 = vector.shape_cast %reduce_sum3A_3 : vector<1xf32> to vector<1x1x1xf32>
    %reduce_sum3A_5 = vector.extract %reduce_sum3A_4[0, 0, 0] : f32 from vector<1x1x1xf32>
    %get3A_6 = arith.constant 0 : index
    %get3A_7 = arith.constant 0 : index
    %get3A_8 = vector.load %arg4[%get3A_6, %get3A_7] : memref<1000x1xf32, #tpu.memory_space<vmem>>, vector<1000x1xf32>
    %max3A = arith.constant 1.000000e+00 : f32
    %max3A_9 = vector.broadcast %max3A : f32 to vector<1000x1xf32>
    %max3A_10 = arith.maximumf %get3A_8, %max3A_9 : vector<1000x1xf32>
    %mul3A = vector.broadcast %reduce_sum3A_5 : f32 to vector<1000x1xf32>
    %mul3A_11 = arith.mulf %mul3A, %max3A_10 : vector<1000x1xf32>
    %div3A = arith.constant 1.000000e+00 : f32
    %div3A_12 = vector.broadcast %div3A : f32 to vector<1000x1xf32>
    %div3A_13 = arith.divf %div3A_12, %mul3A_11 : vector<1000x1xf32>
    %get3A_14 = arith.constant 0 : index
    %get3A_15 = arith.constant 0 : index
    %get3A_16 = vector.load %arg2[%get3A_14, %get3A_15] : memref<1000x128xf32, #tpu.memory_space<vmem>>, vector<1000x128xf32>
    %mul3A_17 = vector.broadcast %div3A_13 : vector<1000x1xf32> to vector<1000x128xf32>
    %mul3A_18 = arith.mulf %get3A_16, %mul3A_17 : vector<1000x128xf32>
    %get3A_19 = arith.constant 0 : index
    %get3A_20 = arith.constant 0 : index
    %get3A_21 = vector.load %arg6[%get3A_19, %get3A_20] : memref<256x256xf32, #tpu.memory_space<vmem>>, vector<128x256xf32>
    %dot_general3A = arith.constant dense<0.000000e+00> : vector<1000x256xf32>
    %dot_general3A_22 = tpu.matmul %mul3A_18, %get3A_21, %dot_general3A {dimension_numbers = #tpu.dot_dimension_numbers<[1], [0], [0], [1], [0, 0, 1, 1], [], []>, transpose_lhs_hint = false} : vector<1000x128xf32>, vector<128x256xf32>, vector<1000x256xf32> -> vector<1000x256xf32>
    %get3A_23 = arith.constant 0 : index
    %get3A_24 = arith.constant 0 : index
    %get3A_25 = vector.load %arg3[%get3A_23, %get3A_24] : memref<1000x128xf32, #tpu.memory_space<vmem>>, vector<1000x128xf32>
    %mul3A_26 = vector.broadcast %div3A_13 : vector<1000x1xf32> to vector<1000x128xf32>
    %mul3A_27 = arith.mulf %get3A_25, %mul3A_26 : vector<1000x128xf32>
    %get3A_28 = arith.constant 128 : index
    %get3A_29 = arith.constant 0 : index
    %get3A_30 = vector.load %arg6[%get3A_28, %get3A_29] : memref<256x256xf32, #tpu.memory_space<vmem>>, vector<128x256xf32>
    %dot_general3A_31 = arith.constant dense<0.000000e+00> : vector<1000x256xf32>
    %dot_general3A_32 = tpu.matmul %mul3A_27, %get3A_30, %dot_general3A_31 {dimension_numbers = #tpu.dot_dimension_numbers<[1], [0], [0], [1], [0, 0, 1, 1], [], []>, transpose_lhs_hint = false} : vector<1000x128xf32>, vector<128x256xf32>, vector<1000x256xf32> -> vector<1000x256xf32>
    %add3A = arith.addf %dot_general3A_22, %dot_general3A_32 : vector<1000x256xf32>
    %get3A_33 = arith.constant 0 : index
    %get3A_34 = arith.constant 0 : index
    %get3A_35 = vector.load %arg1[%get3A_33, %get3A_34] : memref<1000x256xf32, #tpu.memory_space<vmem>>, vector<1000x256xf32>
    %add3A_36 = arith.addf %get3A_35, %add3A : vector<1000x256xf32>
    %swap3A = arith.constant 0 : index
    %swap3A_37 = arith.constant 0 : index
    %swap3A_38 = vector.load %arg7[%swap3A, %swap3A_37] : memref<1000x256xf32, #tpu.memory_space<vmem>>, vector<1000x256xf32>
    tpu.vector_store %arg7[%swap3A, %swap3A_37], %add3A_36 {strides = array<i32>} : memref<1000x256xf32, #tpu.memory_space<vmem>>, vector<1000x256xf32>,
    return
  }
  func.func @transform_0(%arg0: i32) -> (i32, i32) {
    %c0_i32 = arith.constant 0 : i32
    %c0_i32_0 = arith.constant 0 : i32
    return %arg0, %c0_i32 : i32, i32
  }
  func.func @transform_1(%arg0: i32) -> (i32, i32) {
    %c0_i32 = arith.constant 0 : i32
    %c0_i32_0 = arith.constant 0 : i32
    return %arg0, %c0_i32 : i32, i32
  }
  func.func @transform_2(%arg0: i32) -> (i32, i32) {
    %c0_i32 = arith.constant 0 : i32
    %c0_i32_0 = arith.constant 0 : i32
    return %arg0, %c0_i32 : i32, i32
  }
  func.func @transform_3(%arg0: i32) -> (i32, i32) {
    %c0_i32 = arith.constant 0 : i32
    %c0_i32_0 = arith.constant 0 : i32
    return %arg0, %c0_i32 : i32, i32
  }
  func.func @transform_4(%arg0: i32) -> (i32, i32) {
    %c0_i32 = arith.constant 0 : i32
    %c0_i32_0 = arith.constant 0 : i32
    %c0_i32_1 = arith.constant 0 : i32
    return %c0_i32, %c0_i32_0 : i32, i32
  }
  func.func @transform_5(%arg0: i32) -> (i32, i32) {
    %c0_i32 = arith.constant 0 : i32
    %c0_i32_0 = arith.constant 0 : i32
    %c0_i32_1 = arith.constant 0 : i32
    return %c0_i32, %c0_i32_0 : i32, i32
  }
  func.func @transform_6(%arg0: i32) -> (i32, i32) {
    %c0_i32 = arith.constant 0 : i32
    %c0_i32_0 = arith.constant 0 : i32
    return %arg0, %c0_i32 : i32, i32
  }
}

</mosaic_0001>

<sc_bundles>
// kernel: kernel.5.cloned.1.call-start
scs
__scs_entry_jumppad:
0x0: {  	(pc) =	sbr.rel $0x88, $3  }
0x1: {  	(tag) =	ssettag $0x0;
	lr =	simm.s32 $0x1  }
0x2: {  	[smem:$0x3F9B] =	sst lr;
	_ =	strace $0xD0000000  }
0x3: {  	_ = 	snop  }
0x4: {  	_ = 	snop  }
0x5: {  	_ = 	snop  }
0x6: {  	_ = 	snop  }
0x7: {  	_ = 	snop  }
__scs_overlays_trampoline_lowered:
0x8: {  	[smem:$0x3FAA] =	sst s0  }
0x9: {  	[smem:$0x3FAB] =	sst s1  }
0xa: {  	[smem:$0x3FAC] =	sst s2  }
0xb: {  	[smem:$0x3FAD] =	sst s3  }
0xc: {  	[smem:$0x3FAE] =	sst s4  }
0xd: {  	[smem:$0x3FAF] =	sst s5  }
0xe: {  	[smem:$0x3FB0] =	sst s6  }
0xf: {  	[smem:$0x3FB1] =	sst s7  }
0x10: {  	[smem:$0x3FB2] =	sst s8  }
0x11: {  	[smem:$0x3FB3] =	sst s9;
	s0 =	simm.s32 @!p0 $0x0  }
0x12: {  	s1 =	sld [smem:$0x3F99];
	s0 =	simm.s32 @p0 $0x1  }
0x13: {  	[smem:$0x3FB4] =	sst s0;
	s0 =	simm.s32 @!p1 $0x0  }
0x14: {  	s2 =	sld [smem:$0x3F98];
	s0 =	simm.s32 @p1 $0x1  }
0x15: {  	[smem:$0x3FB5] =	sst s0;
	s0 =	simm.s32 @!p2 $0x0  }
0x16: {  	s3 =	sld [smem:$0x3FDB];
	s0 =	simm.s32 @p2 $0x1  }
0x17: {  	s4 =	simm.s32 $0x1BF5;
	[smem:$0x3FB7] =	sst s0  }
0x18: {  	s0 =	sld [smem:$0x3F9A];
	_ =	swait.ge [sflag:s4], $0x0  }
0x19: {  	s7 =	sld [smem:$0x3F9B]  }
0x1a: {  	s8 =	sadd.s32 $0xFFFFE003, lr  }
0x1b: {  	s9 =	sadd.s32 $0xFFFFFEF7, lr;
	s5 =	simm.s32 $0xFFFFFFFF;
	p2 =	slt.u32 s8, $0xFFFFF086  }
0x1c: {  	p1 =	slt.u32 s9, $0xF7A;
	s5 =	simm.s32 @!p2 $0x0  }
0x1d: {  	s5 =	simm.s32 @p1 $0x1;
	p0 =	seq.s32 s7, s2  }
0x1e: {  	s7 =	smul.u32 @!p0 $0xF7A, s2;
	p2 =	seq.s32 @!p0 s5, $0x0  }
0x1f: {  	s9 =	smul.u32 $0xF7A, s1;
	s8 =	simm.s32 @!p0 $0x1BF5;
	p2 =	por !p2, p0  }
0x20: {  	[sflag:s8] =	ssyncset.s32 @!p0 $0xFFFFF086;
	s6 =	sadd.s32 @!p0 s3, s7;
	s7 =	simm.s32 @!p0 $0x108  }
0x21: {  	s3 =	sadd.s32 s3, s9;
	s6 =	sadd.s32 @!p0 $0x88, s6;
	s7 =	simm.s32 @p2 $0x1082  }
0x22: {  	[simem:s7], [sflag:s8] =	dma.local @!p0 [hbm:s6], $0xF7A  }
0x23: {  	s9 =	sor.u32 $0xD0000000, s2;
	s6 =	simm.s32 $0x108;
	_ =	swait.ge @!p0 [sflag:s8], $0x0  }
0x24: {  	s3 =	sadd.s32 $0x88, s3;
	s6 =	simm.s32 @!p1 $0x1082;
	[sflag:s4] =	ssyncset.s32 $0xFFFFF086  }
0x25: {  	[simem:s6], [sflag:s4] =	dma.local [hbm:s3], $0xF7A  }
0x26: {  	[smem:$0x3F9B] =	sst s1;
	(tag) =	ssettag s2;
	_ =	strace s9  }
0x27: {  	s1 =	sld [smem:$0x3FAB]  }
0x28: {  	s2 =	sld [smem:$0x3FAC]  }
0x29: {  	s4 =	sld [smem:$0x3FAE]  }
0x2a: {  	p0 =	seq.s32 s5, $0x0;
	s5 =	sld [smem:$0x3FAF]  }
0x2b: {  	s6 =	sld [smem:$0x3FB0]  }
0x2c: {  	s7 =	sld [smem:$0x3FB1]  }
0x2d: {  	s3 =	simm.s32 $0x108;
	s8 =	sld [smem:$0x3FB2]  }
0x2e: {  	s3 =	simm.s32 @!p0 $0x1082;
	s9 =	sld [smem:$0x3FB3]  }
0x2f: {  	lr =	sadd.s32 s0, s3;
	s0 =	sld [smem:$0x3FAA]  }
0x30: {  	s3 =	sld [smem:$0x3FAD]  }
0x31: {  	[smem:$0x3FB6] =	sst s10  }
0x32: {  	s10 =	sld [smem:$0x3FB4];
	_ =	sdelay $0x3  }
0x33: {  	p0 =	seq.s32 s10, $0x1;
	s10 =	sld [smem:$0x3FB6];
	_ =	sdelay $0x3  }
0x34: {  	[smem:$0x3FB6] =	sst s10  }
0x35: {  	s10 =	sld [smem:$0x3FB5];
	_ =	sdelay $0x3  }
0x36: {  	p1 =	seq.s32 s10, $0x1;
	s10 =	sld [smem:$0x3FB6];
	_ =	sdelay $0x3  }
0x37: {  	[smem:$0x3FB6] =	sst s10  }
0x38: {  	s10 =	sld [smem:$0x3FB7]  }
0x39: {  	_ = 	snop;
	(pc) =	sbr.ind lr, $3  }
0x3a: {  	_ = 	snop  }
0x3b: {  	_ = 	snop  }
0x3c: {  	p2 =	seq.s32 s10, $0x1;
	s10 =	sld [smem:$0x3FB6]  }
0x3d: {  	_ =	shalt  }
0x3e: {  	_ =	shalt  }
0x3f: {  	_ =	shalt  }
0x40: {  	_ =	shalt  }
0x41: {  	_ =	shalt  }
0x42: {  	_ =	shalt  }
0x43: {  	_ =	shalt  }
0x44: {  	_ =	shalt  }
0x45: {  	_ =	shalt  }
0x46: {  	_ =	shalt  }
0x47: {  	_ =	shalt  }
0x48: {  	_ =	shalt  }
0x49: {  	_ =	shalt  }
0x4a: {  	_ =	shalt  }
0x4b: {  	_ =	shalt  }
0x4c: {  	_ =	shalt  }
0x4d: {  	_ =	shalt  }
0x4e: {  	_ =	shalt  }
0x4f: {  	_ =	shalt  }
0x50: {  	_ =	shalt  }
0x51: {  	_ =	shalt  }
0x52: {  	_ =	shalt  }
0x53: {  	_ =	shalt  }
0x54: {  	_ =	shalt  }
0x55: {  	_ =	shalt  }
0x56: {  	_ =	shalt  }
0x57: {  	_ =	shalt  }
0x58: {  	_ =	shalt  }
0x59: {  	_ =	shalt  }
0x5a: {  	_ =	shalt  }
0x5b: {  	_ =	shalt  }
0x5c: {  	_ =	shalt  }
0x5d: {  	_ =	shalt  }
0x5e: {  	_ =	shalt  }
0x5f: {  	_ =	shalt  }
0x60: {  	_ =	shalt  }
0x61: {  	_ =	shalt  }
0x62: {  	_ =	shalt  }
0x63: {  	_ =	shalt  }
0x64: {  	_ =	shalt  }
0x65: {  	_ =	shalt  }
0x66: {  	_ =	shalt  }
0x67: {  	_ =	shalt  }
0x68: {  	_ =	shalt  }
0x69: {  	_ =	shalt  }
0x6a: {  	_ =	shalt  }
0x6b: {  	_ =	shalt  }
0x6c: {  	_ =	shalt  }
0x6d: {  	_ =	shalt  }
0x6e: {  	_ =	shalt  }
0x6f: {  	_ =	shalt  }
0x70: {  	_ =	shalt  }
0x71: {  	_ =	shalt  }
0x72: {  	_ =	shalt  }
0x73: {  	_ =	shalt  }
0x74: {  	_ =	shalt  }
0x75: {  	_ =	shalt  }
0x76: {  	_ =	shalt  }
0x77: {  	_ =	shalt  }
0x78: {  	_ =	shalt  }
0x79: {  	_ =	shalt  }
0x7a: {  	_ =	shalt  }
0x7b: {  	_ =	shalt  }
0x7c: {  	_ =	shalt  }
0x7d: {  	_ =	shalt  }
0x7e: {  	_ =	shalt  }
0x7f: {  	_ =	shalt  }
0x80: {  	_ =	shalt  }
0x81: {  	_ =	shalt  }
0x82: {  	_ =	shalt  }
0x83: {  	_ =	shalt  }
0x84: {  	_ =	shalt  }
0x85: {  	_ =	shalt  }
0x86: {  	_ =	shalt  }
0x87: {  	_ =	shalt  }
.Lfunc_end0:
.L_simem_size_0:
called_computation_lowered:
.L_overlay_start_0:
0x88: {  	s2 =	sld [smem:$0x3FD9]  }
0x89: {  	s3 =	sld [smem:$0x3FFE];
	_ =	sdelay $0x1  }
0x8a: {  	s1 =	srdreg.scid  }
0x8b: {  	s0 =	sand.u32 $0x1, s1  }
0x8c: {  	s17 =	sshll.u32 s0, $0xA;
	s2 =	sadd.s32 s3, s2  }
0x8d: {  	s2 =	sadd.s32 s2, s17  }
0x8e: {  	[smem:$0x3FC2] =	sst s2  }
0x8f: {  	_ = 	snop  }
0x90: {  	s2 =	sld [smem:$0x3FD0];
	(tm) =	ssettm $0x1  }
0x91: {  	s18 =	sld [smem:$0x3FFB];
	_ =	sdelay $0x3  }
0x92: {  	_ =	strace s18  }
0x93: {  	s3 =	sld [smem:$0x3FFC];
	_ =	sdelay $0x3  }
0x94: {  	_ =	strace s3  }
0x95: {  	s3 =	sld [smem:$0x3FFD];
	_ =	sdelay $0x3  }
0x96: {  	_ =	strace s3  }
0x97: {  	_ =	strace $0x8FFFFFFF  }
0x98: {  	s19 =	sld [smem:$0x3FDB];
	_ =	sdelay $0x1  }
0x99: {  	s4 =	simm.s32 $_scs_section_size  }
0x9a: {  	s5 =	simm.s32 $_size__tile_overlayer_lowered;
	s6 =	simm.s32 $_tile_overlayer_lowered  }
0x9b: {  	s22 =	simm.s32 $0x1BFF;
	s21 =	sshll.u32 s6, $0x1;
	s3 =	sadd.s32 s4, s19  }
0x9c: {  	s7 =	simm.s32 $0x0;
	s20 =	sshll.u32 s5, $0x1;
	s5 =	sadd.s32 s21, s3  }
0x9d: {  	[timem:s7], [sflag:s22] =	dma.local [hbm:s5], s20  }
0x9e: {  	_ =	swait.ge [sflag:s22], s20  }
0x9f: {  	s4 =	ssub.s32 $0x0, s20;
	[sflag:s22] =	ssyncset.done $0x0  }
0xa0: {  	[sflag:s22] =	ssyncadd.s32 s4;
	_ =	sdelay $0x1  }
0xa1: {  	s23 =	simm.s32 $0x1B8B  }
0xa2: {  	_ =	swait.ge [sflag:s23], $0x1  }
0xa3: {  	[sflag:s23] =	ssyncset.done $0x0  }
0xa4: {  	s25 =	simm.s32 $0x1B8E;
	s24 =	sld [smem:$0x3FFE];
	[sflag:s23] =	ssyncadd.s32 $0xFFFFFFFF  }
0xa5: {  	s26 =	simm.s32 $execute0_lowered;
	[smem:$0x3FD2] =	sst s25  }
0xa6: {  	s5 =	sshll.u32 s26, $0x1;
	_ =	strace $0x80000046;
	[dreg:$0x1] =	wrdreg $0xFFFFFFFF  }
0xa7: {  	s28 =	simm.s32 $_size_execute0_lowered;
	s3 =	sadd.s32 s3, s5;
	[dreg:$0x0] =	wrdreg $0x0  }
0xa8: {  	s5 =	sshll.u32 s28, $0x1;
	[dreg:$0x2] =	wrdreg s3  }
0xa9: {  	[dreg:$0x3] =	wrdreg s5  }
0xaa: {  	[dreg:$0x4] =	wrdreg $0xC0  }
0xab: {  	_ =	task [dreg:s7], $0x5FFFF  }
0xac: {  	[dreg:$0x1] =	wrdreg $0xFFFFFFFF  }
0xad: {  	[dreg:$0x0] =	wrdreg $0x60  }
0xae: {  	[dreg:$0x2] =	wrdreg s24  }
0xaf: {  	[dreg:$0x3] =	wrdreg s2  }
0xb0: {  	[dreg:$0x4] =	wrdreg $0xA4800  }
0xb1: {  	[dreg:$0x5] =	wrdreg $0x1DD000  }
0xb2: {  	[dreg:$0x6] =	wrdreg $0x9  }
0xb3: {  	_ =	task.clear_ibuf [dreg:s7], $0x7FFFF;
	_ =	strace $0x90000046  }
0xb4: {  	s29 =	simm.s32 $0x9;
	_ =	strace $0x80000048  }
0xb5: {  	_ =	swait.ge [sflag:s29], $0x1  }
0xb6: {  	[sflag:s29] =	ssyncadd.s32 $0xFFFFFFFF  }
0xb7: {  	_ =	strace $0x90000048  }
0xb8: {  	_ =	sfence  }
0xb9: {  	s30 =	sld [smem:$0x0];
	_ =	sdelay $0x2  }
0xba: {  	s31 =	sshll.u32 s1, $0xD;
	s1 =	sshrl.u32 s1, $0x2  }
0xbb: {  	s3 =	sand.u32 $0x4000, s31;
	s1 =	sadd.s32 s1, s30  }
0xbc: {  	s0 =	sor.u32 s3, s0;
	s1 =	sshll.u32 s1, $0x11  }
0xbd: {  	s0 =	sor.u32 s1, s0  }
0xbe: {  	s0 =	sadd.s32 $0x8F2B, s0  }
0xbf: {  	[sflag:s0] =	ssyncadd.remote.s32 $0x1  }
0xc0: {  	_ =	sfence.sel $0xFFFF  }
0xc1: {  	[dreg:$0x0] =	wrdreg $0xFFFFFFFF;
	(pc) =	sbr.abs _section_cstart, $3  }
0xc2: {  	[dreg:$0x1] =	wrdreg $0xFFFFFFFF  }
0xc3: {  	_ =	task.clear_ibuf [dreg:s7], $0x2FFFF;
	_ =	strace $0x9FFFFFFF  }
0xc4: {  	(tm) =	ssettm $0x7FFFFFFF  }
0xc5: {  	_ =	shalt  }
tec
execute0_lowered:
.L_overlay_start_1:
0x0: {  	(tag) =	ssettag $0x1  }
0x1: {  	s0 =	rddreg [dreg:$0x0]  }
0x2: {  	s1 =	rddreg [dreg:$0x1]  }
0x3: {  	s2 =	rddreg [dreg:$0x2]  }
0x4: {  	s3 =	rddreg [dreg:$0x3]  }
0x5: {  	s4 =	stileid.u32;
	s5 =	simm.s32 $0x0;
	s8 =	srdreg.scid  }
0x6: {  	s6 =	smul.u32 $0x4E2, s4;
	[smem:$0x7FF] =	sst s5  }
0x7: {  	s7 =	sadd.s32 $0x12C00, s0;
	s11 =	sadd.s32 $0x4F4E00, s0;
	s8 =	sand.u32 $0x1, s8  }
0x8: {  	s10 =	smul.u32 $0x50000, s4;
	s12 =	sadd.s32 $0x543000, s0;
	s19 =	sshll.u32 s4, $0x4  }
0x9: {  	s26 =	smul.u32 $0x14000, s4;
	_ =	strace $0x80000047;
	[dreg:$0x5] =	wrdreg s12  }
0xa: {  	s13 =	ssub.s32 $0x2, s8;
	s23 =	smul.u32 $0x138800, s8;
	s9 =	sadd.s32 s6, s0  }
0xb: {  	s6 =	sadd.s32 $0x5E00, s0;
	s0 =	sadd.s32 s19, s0;
	s20 =	sshrl.u32 s13, $0x1  }
0xc: {  	s10 =	sshrl.u32 s10, $0x2;
	s19 =	sor.u32 s4, s8;
	s21 =	sadd.s32 $0xE00, s9  }
0xd: {  	s12 =	ssub.s32 s13, s20;
	s9 =	sadd.s32 $0xDC00, s9;
	[dreg:$0x6] =	wrdreg s21  }
0xe: {  	s10 =	sadd.s32 s10, s2;
	s0 =	sadd.s32 $0x543600, s0;
	[dreg:$0x7] =	wrdreg s9  }
0xf: {  	s13 =	sadd.s32 s26, s23;
	s26 =	sadd.s32 $0x780, s3;
	[dreg:$0x13] =	wrdreg s0  }
0x10: {  	p0 =	sne.s32 s19, $0x0;
	s19 =	sadd.s32 $0x2080, s3;
	[dreg:$0x17] =	wrdreg s26  }
0x11: {  	s22 =	sadd.s32 $0x2800, s10;
	[smem:$0x7F7] =	sst s19  }
0x12: {  	s24 =	sadd.s32 $0x5000, s10;
	[dreg:$0x8] =	wrdreg s22  }
0x13: {  	s25 =	sadd.s32 $0x7800, s10;
	[dreg:$0x9] =	wrdreg s24  }
0x14: {  	s14 =	sadd.s32 $0xA000, s10;
	[dreg:$0xa] =	wrdreg s25  }
0x15: {  	s28 =	simm.s32 $0x4F80;
	s16 =	sadd.s32 $0xC800, s10;
	[dreg:$0xb] =	wrdreg s14  }
0x16: {  	s29 =	simm.s32 $0x1;
	s15 =	sadd.s32 $0xF000, s10;
	[dreg:$0xc] =	wrdreg s16  }
0x17: {  	s18 =	smul.u32 $0x7D0, s4;
	s20 =	sadd.s32 $0x11800, s10;
	[dreg:$0xd] =	wrdreg s15  }
0x18: {  	s9 =	sshrl.u32 s23, $0x3;
	s23 =	smax.u32 s12, $0x1;
	[dreg:$0xf] =	wrdreg s20  }
0x19: {  	s13 =	sshrl.u32 s13, $0x3;
	s12 =	sadd.s32 $0xF00, s3;
	[dreg:$0x14] =	wrdreg s23  }
0x1a: {  	s30 =	simm.s32 $0x2;
	s13 =	sadd.s32 s11, s13;
	[dreg:$0x1a] =	wrdreg s12  }
0x1b: {  	s31 =	simm.s32 $0x4;
	s22 =	sadd.s32 s6, s18;
	[dreg:$0xe] =	wrdreg s13  }
0x1c: {  	s17 =	smul.u32 $0x3E80, s4;
	s24 =	sadd.s32 $0x280, s3;
	[dreg:$0x10] =	wrdreg s22  }
0x1d: {  	p2 =	sne.s32 s4, $0xF;
	s25 =	sadd.s32 $0x500, s3;
	[dreg:$0x15] =	wrdreg s24  }
0x1e: {  	p4 =	seq.s32 s4, $0xF;
	s15 =	sadd.s32 $0x1680, s3;
	[dreg:$0x16] =	wrdreg s25  }
0x1f: {  	p1 =	sne.s32 s4, $0x0;
	s16 =	sadd.s32 $0x1900, s3;
	[dreg:$0x1d] =	wrdreg s15  }
0x20: {  	s14 =	sshrl.u32 s17, $0x3;
	s17 =	sadd.s32 $0x1B80, s3;
	[dreg:$0x1e] =	wrdreg s16  }
0x21: {  	p3 =	sne.s32 s8, $0x0;
	s18 =	sadd.s32 $0x1E00, s3;
	[dreg:$0x1f] =	wrdreg s17  }
0x22: {  	v0 =	vmov s8;
	s8 =	simm.s32 $0xA180;
	s20 =	sadd.s32 $0x2300, s3;
	[smem:$0x7F6] =	sst s18  }
0x23: {  	s9 =	sadd.s32 s11, s9;
	s23 =	sadd.s32 $0x131000, s2;
	[smem:$0x7F8] =	sst s20  }
0x24: {  	s26 =	sadd.s32 $0x12C000, s2;
	s9 =	sadd.s32 $0x25800, s9;
	[smem:$0x7FB] =	sst s23  }
0x25: {  	s0 =	smul.u32 $0x7D, s4;
	s13 =	sadd.s32 $0x1180, s3;
	[dreg:$0x12] =	wrdreg s9  }
0x26: {  	s21 =	sadd.s32 s6, s14;
	s14 =	sadd.s32 $0x1400, s3;
	[dreg:$0x1b] =	wrdreg s13  }
0x27: {  	s19 =	simm.s32 $0x5080;
	s22 =	sadd.s32 $0x12E800, s2;
	[dreg:$0x1c] =	wrdreg s14  }
0x28: {  	s12 =	simm.s32 $0x2780;
	s24 =	sadd.s32 $0x133800, s2;
	[smem:$0x7FA] =	sst s22  }
0x29: {  	s25 =	sadd.s32 $0x136000, s2;
	s15 =	simm.s32 $0x5000;
	[smem:$0x7FC] =	sst s24  }
0x2a: {  	s16 =	simm.s32 $0x4F00;
	s11 =	sadd.s32 $0x10, s21;
	[smem:$0x7FD] =	sst s25  }
0x2b: {  	s17 =	simm.s32 $0x7900;
	s9 =	sadd.s32 $0xA00, s3;
	[dreg:$0x11] =	wrdreg s11  }
0x2c: {  	s21 =	sadd.s32 $0x2580, s3;
	s25 =	simm.s32 $0x5;
	[dreg:$0x18] =	wrdreg s9  }
0x2d: {  	s13 =	simm.s32 $0x5100;
	s11 =	sadd.s32 $0xC80, s3;
	[smem:$0x7F9] =	sst s21  }
0x2e: {  	v1 =	vimm.f32 $1.000000000e+00;
	v2 =	vimm.f32 $0.0e+00;
	s14 =	simm.s32 $0x50;
	s9 =	simm.s32 $0x0;
	[dreg:$0x19] =	wrdreg s11  }
.LBB2_1:
0x2f: {  	s11 =	rddreg [dreg:$0x6]  }
0x30: {  	[tilespmem:s5], [sflag:$0x5] =	stream.linear.gather [hbm4b:s11+s5], $0x2710, $0x38;
	[tilespmem:$0x1DF78] =	vst v63  }
0x31: {  	_ =	swait.ge [sflag:s25], $0x2710  }
0x32: {  	[sflag:s25] =	ssyncset.done $0x0  }
0x33: {  	s24 =	rddreg [dreg:$0x7];
	[sflag:s25] =	ssyncadd.s32 $0xFFFFD8F0  }
0x34: {  	[tilespmem:s12], [sflag:$0x5] =	stream.linear.gather [hbm4b:s24+s5], $0x2710, $0x38;
	[tilespmem:$0x1DF78] =	vst v63  }
0x35: {  	_ =	swait.ge [sflag:s25], $0x2710  }
0x36: {  	[sflag:s25] =	ssyncset.done $0x0  }
0x37: {  	s11 =	simm.s32 $0x0;
	[sflag:s25] =	ssyncadd.s32 $0xFFFFD8F0  }
0x38: {  	v3 =	vld [tilespmem:s11+$0x2780];
	_ =	sdelay $0x1  }
0x39: {  	v4 =	vld [tilespmem:s11+$0x0];
	_ =	sdelay $0x2  }
0x3a: {  	v5 =	vshrl.u32 v3, $0x7  }
0x3b: {  	v5 =	vmul.u32 $0x138800, v5  }
0x3c: {  	v6 =	vshll.u32 v4, $0x7  }
0x3d: {  	v3 =	vand.u32 $0x7F, v3;
	v5 =	vadd.s32 v6, v5  }
0x3e: {  	v3 =	vor.u32 v3, v5  }
0x3f: {  	v4 =	vshll.u32 v4, $0x1;
	vm0 =	vgt.s32 v3, $0x0  }
0x40: {  	v4 =	vor.u32 v0, v4;
	v3 =	vnsel vm0, $0x0, v3  }
0x41: {  	s18 =	simm.s32 $0x40;
	s20 =	simm.s32 $0x80;
	[tilespmem:s11+$0x0] =	vst v4;
	v3 =	vmin.u32 v3, $0x270FFFF  }
.LBB2_2:
0x42: {  	p5 =	sne.s32 s20, $0x9C00  }
0x43: {  	[tilespmem:s11+$0x2780] =	vst v3;
	s11 =	sshra.s32 s18, $0x2;
	s18 =	smov.u32 s20;
	s20 =	sadd.s32 $0x40, s20  }
0x44: {  	v3 =	vld [tilespmem:s11+$0x2780]  }
0x45: {  	v4 =	vld [tilespmem:s11+$0x0];
	_ =	sdelay $0x3  }
0x46: {  	v5 =	vshrl.u32 v3, $0x7  }
0x47: {  	v5 =	vmul.u32 $0x138800, v5;
	v6 =	vshll.u32 v4, $0x1  }
0x48: {  	v4 =	vshll.u32 v4, $0x7;
	v6 =	vor.u32 v0, v6  }
.Ltmp0:
0x49: {  	v3 =	vand.u32 $0x7F, v3;
	v4 =	vadd.s32 v4, v5;
	[tilespmem:s11+$0x0] =	vst v6;
	(pc) =	sbr.rel @p5 .LBB2_2-.Ltmp0, $4  }
0x4a: {  	v3 =	vor.u32 v3, v4  }
0x4b: {  	vm0 =	vgt.s32 v3, $0x0  }
0x4c: {  	v3 =	vnsel vm0, $0x0, v3  }
0x4d: {  	v3 =	vmin.u32 v3, $0x270FFFF  }
0x4e: {  	s18 =	sshra.s32 s18, $0x2;
	[tilespmem:s11+$0x2780] =	vst v3  }
0x4f: {  	v3 =	vld [tilespmem:s18+$0x2780];
	_ =	sdelay $0x1  }
0x50: {  	v4 =	vld [tilespmem:s18+$0x0];
	_ =	sdelay $0x2  }
0x51: {  	v5 =	vshrl.u32 v3, $0x7  }
0x52: {  	v5 =	vmul.u32 $0x138800, v5  }
0x53: {  	v6 =	vshll.u32 v4, $0x7  }
0x54: {  	v3 =	vand.u32 $0x7F, v3;
	v5 =	vadd.s32 v6, v5  }
0x55: {  	v3 =	vor.u32 v3, v5  }
0x56: {  	v4 =	vshll.u32 v4, $0x1;
	vm0 =	vgt.s32 v3, $0x0  }
0x57: {  	v4 =	vor.u32 v0, v4;
	v3 =	vnsel vm0, $0x0, v3  }
0x58: {  	[tilespmem:s18+$0x0] =	vst v4;
	v3 =	vmin.u32 v3, $0x270FFFF  }
0x59: {  	[tilespmem:s18+$0x2780] =	vst v3  }
0x5a: {  	[tilespmem:$0xA100] =	vst v1  }
0x5b: {  	[tilespmem:$0xA110] =	vst v1  }
0x5c: {  	[tilespmem:$0xA120] =	vst v1  }
0x5d: {  	[tilespmem:$0xA130] =	vst v1  }
0x5e: {  	[tilespmem:$0xA140] =	vst v1  }
0x5f: {  	s11 =	simm.s32 $0x0;
	s18 =	simm.s32 $0x200;
	[tilespmem:$0xA400] =	vst v2  }
.LBB2_4:
0x60: {  	p5 =	sne.s32 s18, $0x9E00;
	[tilespmem:s11+$0x5170] =	vst v2  }
0x61: {  	[tilespmem:s11+$0x5100] =	vst v2  }
0x62: {  	[tilespmem:s11+$0x5110] =	vst v2  }
.Ltmp1:
0x63: {  	[tilespmem:s11+$0x5120] =	vst v2;
	(pc) =	sbr.rel @p5 .LBB2_4-.Ltmp1, $4  }
0x64: {  	[tilespmem:s11+$0x5130] =	vst v2  }
0x65: {  	[tilespmem:s11+$0x5140] =	vst v2  }
0x66: {  	[tilespmem:s11+$0x5150] =	vst v2  }
0x67: {  	[tilespmem:s11+$0x5160] =	vst v2;
	s11 =	sshra.s32 s18, $0x2;
	s18 =	sadd.s32 $0x200, s18  }
0x68: {  	[tilespmem:s11+$0x5170] =	vst v2  }
0x69: {  	[tilespmem:s11+$0x5100] =	vst v2  }
0x6a: {  	[tilespmem:s11+$0x5110] =	vst v2  }
0x6b: {  	[tilespmem:s11+$0x5120] =	vst v2  }
0x6c: {  	[tilespmem:s11+$0x5130] =	vst v2  }
0x6d: {  	[tilespmem:s11+$0x5140] =	vst v2  }
0x6e: {  	[tilespmem:s11+$0x5150] =	vst v2  }
0x6f: {  	[tilespmem:s11+$0x5160] =	vst v2  }
0x70: {  	[tilespmem:$0xA180] =	vst v2  }
0x71: {  	[tilespmem:$0xA190] =	vst v2  }
0x72: {  	[tilespmem:$0xA1A0] =	vst v2  }
0x73: {  	[tilespmem:$0xA1B0] =	vst v2  }
0x74: {  	[tilespmem:$0xA1C0] =	vst v2  }
0x75: {  	[tilespmem:$0xA1D0] =	vst v2  }
0x76: {  	[tilespmem:$0xA1E0] =	vst v2  }
0x77: {  	[tilespmem:$0xA1F0] =	vst v2  }
0x78: {  	[tilespmem:$0xA200] =	vst v2  }
0x79: {  	[tilespmem:$0xA210] =	vst v2  }
0x7a: {  	[tilespmem:$0xA220] =	vst v2  }
0x7b: {  	[tilespmem:$0xA230] =	vst v2  }
0x7c: {  	[tilespmem:$0xA240] =	vst v2  }
0x7d: {  	[tilespmem:$0xA250] =	vst v2  }
0x7e: {  	[tilespmem:$0xA260] =	vst v2  }
0x7f: {  	[tilespmem:$0xA270] =	vst v2  }
0x80: {  	[tilespmem:$0xA280] =	vst v2  }
0x81: {  	[tilespmem:$0xA290] =	vst v2  }
0x82: {  	[tilespmem:$0xA2A0] =	vst v2  }
0x83: {  	[tilespmem:$0xA2B0] =	vst v2  }
0x84: {  	[tilespmem:$0xA2C0] =	vst v2  }
0x85: {  	[tilespmem:$0xA2D0] =	vst v2  }
0x86: {  	[tilespmem:$0xA2E0] =	vst v2  }
0x87: {  	[tilespmem:$0xA2F0] =	vst v2  }
0x88: {  	[tilespmem:$0xA300] =	vst v2  }
0x89: {  	[tilespmem:$0xA310] =	vst v2  }
0x8a: {  	[tilespmem:$0xA320] =	vst v2  }
0x8b: {  	[tilespmem:$0xA330] =	vst v2  }
0x8c: {  	[tilespmem:$0xA340] =	vst v2  }
0x8d: {  	[tilespmem:$0xA350] =	vst v2  }
0x8e: {  	[tilespmem:$0xA360] =	vst v2  }
0x8f: {  	[tilespmem:$0xA370] =	vst v2  }
0x90: {  	[tilespmem:$0xA380] =	vst v2  }
0x91: {  	[tilespmem:$0xA390] =	vst v2  }
0x92: {  	[tilespmem:$0xA3A0] =	vst v2  }
.Ltmp2:
0x93: {  	[tilespmem:$0xA3B0] =	vst v2;
	(pc) =	sbr.rel @p2 .LBB2_7-.Ltmp2, $4  }
0x94: {  	[tilespmem:$0xA3C0] =	vst v2  }
0x95: {  	[tilespmem:$0xA3D0] =	vst v2  }
0x96: {  	[tilespmem:$0xA3E0] =	vst v2  }
0x97: {  	[tilespmem:$0xA3F0] =	vst v2  }
0x98: {  	[spmem:s26] =	stream.linear.scatter [tilespmem:s13], [sflag:$0x5], $0x2800, $0x38;
	[tilespmem:$0x1DF78] =	vst v63  }
0x99: {  	_ =	swait.ge [sflag:s25], $0x2800  }
0x9a: {  	s11 =	sld [smem:$0x7FA]  }
0x9b: {  	[sflag:s25] =	ssyncset.done $0x0  }
0x9c: {  	[sflag:s25] =	ssyncadd.s32 $0xFFFFD800  }
0x9d: {  	[spmem:s11] =	stream.linear.scatter [tilespmem:s13], [sflag:$0x5], $0x2800, $0x38;
	[tilespmem:$0x1DF78] =	vst v63  }
0x9e: {  	_ =	swait.ge [sflag:s25], $0x2800  }
0x9f: {  	s22 =	sld [smem:$0x7FB]  }
0xa0: {  	[sflag:s25] =	ssyncset.done $0x0  }
0xa1: {  	[sflag:s25] =	ssyncadd.s32 $0xFFFFD800  }
0xa2: {  	[spmem:s22] =	stream.linear.scatter [tilespmem:s13], [sflag:$0x5], $0x2800, $0x38;
	[tilespmem:$0x1DF78] =	vst v63  }
0xa3: {  	_ =	swait.ge [sflag:s25], $0x2800  }
0xa4: {  	s23 =	sld [smem:$0x7FC]  }
0xa5: {  	[sflag:s25] =	ssyncset.done $0x0  }
0xa6: {  	[sflag:s25] =	ssyncadd.s32 $0xFFFFD800  }
0xa7: {  	[spmem:s23] =	stream.linear.scatter [tilespmem:s13], [sflag:$0x5], $0x2800, $0x38;
	[tilespmem:$0x1DF78] =	vst v63  }
0xa8: {  	_ =	swait.ge [sflag:s25], $0x2800  }
0xa9: {  	s24 =	sld [smem:$0x7FD]  }
0xaa: {  	[sflag:s25] =	ssyncset.done $0x0  }
.Ltmp3:
0xab: {  	[sflag:s25] =	ssyncadd.s32 $0xFFFFD800;
	(pc) =	sbr.rel .LBB2_9-.Ltmp3, $4  }
0xac: {  	[spmem:s24] =	stream.linear.scatter [tilespmem:s13], [sflag:$0x5], $0x2800, $0x38;
	[tilespmem:$0x1DF78] =	vst v63  }
0xad: {  	_ =	swait.ge [sflag:s25], $0x2800  }
0xae: {  	[sflag:s25] =	ssyncset.done $0x0  }
0xaf: {  	[sflag:s25] =	ssyncadd.s32 $0xFFFFD800  }
.LBB2_7:
0xb0: {  	[spmem:s10] =	stream.linear.scatter [tilespmem:s13], [sflag:$0x5], $0x2800, $0x38;
	[tilespmem:$0x1DF78] =	vst v63  }
0xb1: {  	_ =	swait.ge [sflag:s25], $0x2800  }
0xb2: {  	[sflag:s25] =	ssyncset.done $0x0  }
0xb3: {  	s11 =	rddreg [dreg:$0x8];
	[sflag:s25] =	ssyncadd.s32 $0xFFFFD800  }
0xb4: {  	[spmem:s11] =	stream.linear.scatter [tilespmem:s13], [sflag:$0x5], $0x2800, $0x38;
	[tilespmem:$0x1DF78] =	vst v63  }
0xb5: {  	_ =	swait.ge [sflag:s25], $0x2800  }
0xb6: {  	[sflag:s25] =	ssyncset.done $0x0  }
0xb7: {  	s18 =	rddreg [dreg:$0x9];
	[sflag:s25] =	ssyncadd.s32 $0xFFFFD800  }
0xb8: {  	[spmem:s18] =	stream.linear.scatter [tilespmem:s13], [sflag:$0x5], $0x2800, $0x38;
	[tilespmem:$0x1DF78] =	vst v63  }
0xb9: {  	_ =	swait.ge [sflag:s25], $0x2800  }
0xba: {  	[sflag:s25] =	ssyncset.done $0x0  }
0xbb: {  	s20 =	rddreg [dreg:$0xa];
	[sflag:s25] =	ssyncadd.s32 $0xFFFFD800  }
0xbc: {  	[spmem:s20] =	stream.linear.scatter [tilespmem:s13], [sflag:$0x5], $0x2800, $0x38;
	[tilespmem:$0x1DF78] =	vst v63  }
0xbd: {  	_ =	swait.ge [sflag:s25], $0x2800  }
0xbe: {  	[sflag:s25] =	ssyncset.done $0x0  }
0xbf: {  	s21 =	rddreg [dreg:$0xb];
	[sflag:s25] =	ssyncadd.s32 $0xFFFFD800  }
0xc0: {  	[spmem:s21] =	stream.linear.scatter [tilespmem:s13], [sflag:$0x5], $0x2800, $0x38;
	[tilespmem:$0x1DF78] =	vst v63  }
0xc1: {  	_ =	swait.ge [sflag:s25], $0x2800  }
0xc2: {  	[sflag:s25] =	ssyncset.done $0x0  }
0xc3: {  	s22 =	rddreg [dreg:$0xc];
	[sflag:s25] =	ssyncadd.s32 $0xFFFFD800  }
0xc4: {  	[spmem:s22] =	stream.linear.scatter [tilespmem:s13], [sflag:$0x5], $0x2800, $0x38;
	[tilespmem:$0x1DF78] =	vst v63  }
0xc5: {  	_ =	swait.ge [sflag:s25], $0x2800  }
0xc6: {  	[sflag:s25] =	ssyncset.done $0x0  }
0xc7: {  	s23 =	rddreg [dreg:$0xd];
	[sflag:s25] =	ssyncadd.s32 $0xFFFFD800  }
0xc8: {  	[spmem:s23] =	stream.linear.scatter [tilespmem:s13], [sflag:$0x5], $0x2800, $0x38;
	[tilespmem:$0x1DF78] =	vst v63  }
0xc9: {  	_ =	swait.ge [sflag:s25], $0x2800  }
0xca: {  	[sflag:s25] =	ssyncset.done $0x0  }
.Ltmp4:
0xcb: {  	s24 =	rddreg [dreg:$0xf];
	[sflag:s25] =	ssyncadd.s32 $0xFFFFD800;
	(pc) =	sbr.rel @p1 .LBB2_9-.Ltmp4, $4  }
0xcc: {  	[spmem:s24] =	stream.linear.scatter [tilespmem:s13], [sflag:$0x5], $0x2800, $0x38;
	[tilespmem:$0x1DF78] =	vst v63  }
0xcd: {  	_ =	swait.ge [sflag:s25], $0x2800  }
0xce: {  	[sflag:s25] =	ssyncset.done $0x0  }
0xcf: {  	[sflag:s25] =	ssyncadd.s32 $0xFFFFD800  }
0xd0: {  	[spmem:s3] =	stream.linear.scatter [tilespmem:s8], [sflag:$0x5], $0x280, $0x38;
	[tilespmem:$0x1DF78] =	vst v63  }
0xd1: {  	_ =	swait.ge [sflag:s25], $0x280  }
0xd2: {  	[sflag:s25] =	ssyncset.done $0x0  }
0xd3: {  	s11 =	rddreg [dreg:$0x15];
	[sflag:s25] =	ssyncadd.s32 $0xFFFFFD80  }
0xd4: {  	[spmem:s11] =	stream.linear.scatter [tilespmem:s8], [sflag:$0x5], $0x280, $0x38;
	[tilespmem:$0x1DF78] =	vst v63  }
0xd5: {  	_ =	swait.ge [sflag:s25], $0x280  }
0xd6: {  	[sflag:s25] =	ssyncset.done $0x0  }
0xd7: {  	s23 =	rddreg [dreg:$0x16];
	[sflag:s25] =	ssyncadd.s32 $0xFFFFFD80  }
0xd8: {  	[spmem:s23] =	stream.linear.scatter [tilespmem:s8], [sflag:$0x5], $0x280, $0x38;
	[tilespmem:$0x1DF78] =	vst v63  }
0xd9: {  	_ =	swait.ge [sflag:s25], $0x280  }
0xda: {  	[sflag:s25] =	ssyncset.done $0x0  }
0xdb: {  	s24 =	rddreg [dreg:$0x17];
	[sflag:s25] =	ssyncadd.s32 $0xFFFFFD80  }
0xdc: {  	[spmem:s24] =	stream.linear.scatter [tilespmem:s8], [sflag:$0x5], $0x280, $0x38;
	[tilespmem:$0x1DF78] =	vst v63  }
0xdd: {  	_ =	swait.ge [sflag:s25], $0x280  }
0xde: {  	[sflag:s25] =	ssyncset.done $0x0  }
0xdf: {  	s18 =	rddreg [dreg:$0x18];
	[sflag:s25] =	ssyncadd.s32 $0xFFFFFD80  }
0xe0: {  	[spmem:s18] =	stream.linear.scatter [tilespmem:s8], [sflag:$0x5], $0x280, $0x38;
	[tilespmem:$0x1DF78] =	vst v63  }
0xe1: {  	_ =	swait.ge [sflag:s25], $0x280  }
0xe2: {  	[sflag:s25] =	ssyncset.done $0x0  }
0xe3: {  	s20 =	rddreg [dreg:$0x19];
	[sflag:s25] =	ssyncadd.s32 $0xFFFFFD80  }
0xe4: {  	[spmem:s20] =	stream.linear.scatter [tilespmem:s8], [sflag:$0x5], $0x280, $0x38;
	[tilespmem:$0x1DF78] =	vst v63  }
0xe5: {  	_ =	swait.ge [sflag:s25], $0x280  }
0xe6: {  	[sflag:s25] =	ssyncset.done $0x0  }
0xe7: {  	s21 =	rddreg [dreg:$0x1a];
	[sflag:s25] =	ssyncadd.s32 $0xFFFFFD80  }
0xe8: {  	[spmem:s21] =	stream.linear.scatter [tilespmem:s8], [sflag:$0x5], $0x280, $0x38;
	[tilespmem:$0x1DF78] =	vst v63  }
0xe9: {  	_ =	swait.ge [sflag:s25], $0x280  }
0xea: {  	[sflag:s25] =	ssyncset.done $0x0  }
0xeb: {  	s22 =	rddreg [dreg:$0x1b];
	[sflag:s25] =	ssyncadd.s32 $0xFFFFFD80  }
0xec: {  	[spmem:s22] =	stream.linear.scatter [tilespmem:s8], [sflag:$0x5], $0x280, $0x38;
	[tilespmem:$0x1DF78] =	vst v63  }
0xed: {  	_ =	swait.ge [sflag:s25], $0x280  }
0xee: {  	[sflag:s25] =	ssyncset.done $0x0  }
0xef: {  	s23 =	rddreg [dreg:$0x1c];
	[sflag:s25] =	ssyncadd.s32 $0xFFFFFD80  }
0xf0: {  	[spmem:s23] =	stream.linear.scatter [tilespmem:s8], [sflag:$0x5], $0x280, $0x38;
	[tilespmem:$0x1DF78] =	vst v63  }
0xf1: {  	_ =	swait.ge [sflag:s25], $0x280  }
0xf2: {  	[sflag:s25] =	ssyncset.done $0x0  }
0xf3: {  	s24 =	rddreg [dreg:$0x1d];
	[sflag:s25] =	ssyncadd.s32 $0xFFFFFD80  }
0xf4: {  	[spmem:s24] =	stream.linear.scatter [tilespmem:s8], [sflag:$0x5], $0x280, $0x38;
	[tilespmem:$0x1DF78] =	vst v63  }
0xf5: {  	_ =	swait.ge [sflag:s25], $0x280  }
0xf6: {  	[sflag:s25] =	ssyncset.done $0x0  }
0xf7: {  	s18 =	rddreg [dreg:$0x1e];
	[sflag:s25] =	ssyncadd.s32 $0xFFFFFD80  }
0xf8: {  	[spmem:s18] =	stream.linear.scatter [tilespmem:s8], [sflag:$0x5], $0x280, $0x38;
	[tilespmem:$0x1DF78] =	vst v63  }
0xf9: {  	_ =	swait.ge [sflag:s25], $0x280  }
0xfa: {  	[sflag:s25] =	ssyncset.done $0x0  }
0xfb: {  	s20 =	rddreg [dreg:$0x1f];
	[sflag:s25] =	ssyncadd.s32 $0xFFFFFD80  }
0xfc: {  	[spmem:s20] =	stream.linear.scatter [tilespmem:s8], [sflag:$0x5], $0x280, $0x38;
	[tilespmem:$0x1DF78] =	vst v63  }
0xfd: {  	_ =	swait.ge [sflag:s25], $0x280  }
0xfe: {  	s21 =	sld [smem:$0x7F6]  }
0xff: {  	[sflag:s25] =	ssyncset.done $0x0  }
0x100: {  	[sflag:s25] =	ssyncadd.s32 $0xFFFFFD80  }
0x101: {  	[spmem:s21] =	stream.linear.scatter [tilespmem:s8], [sflag:$0x5], $0x280, $0x38;
	[tilespmem:$0x1DF78] =	vst v63  }
0x102: {  	_ =	swait.ge [sflag:s25], $0x280  }
0x103: {  	s22 =	sld [smem:$0x7F7]  }
0x104: {  	[sflag:s25] =	ssyncset.done $0x0  }
0x105: {  	[sflag:s25] =	ssyncadd.s32 $0xFFFFFD80  }
0x106: {  	[spmem:s22] =	stream.linear.scatter [tilespmem:s8], [sflag:$0x5], $0x280, $0x38;
	[tilespmem:$0x1DF78] =	vst v63  }
0x107: {  	_ =	swait.ge [sflag:s25], $0x280  }
0x108: {  	s23 =	sld [smem:$0x7F8]  }
0x109: {  	[sflag:s25] =	ssyncset.done $0x0  }
0x10a: {  	[sflag:s25] =	ssyncadd.s32 $0xFFFFFD80  }
0x10b: {  	[spmem:s23] =	stream.linear.scatter [tilespmem:s8], [sflag:$0x5], $0x280, $0x38;
	[tilespmem:$0x1DF78] =	vst v63  }
0x10c: {  	_ =	swait.ge [sflag:s25], $0x280  }
0x10d: {  	s24 =	sld [smem:$0x7F9]  }
0x10e: {  	[sflag:s25] =	ssyncset.done $0x0  }
0x10f: {  	[sflag:s25] =	ssyncadd.s32 $0xFFFFFD80  }
0x110: {  	[spmem:s24] =	stream.linear.scatter [tilespmem:s8], [sflag:$0x5], $0x190, $0x38;
	[tilespmem:$0x1DF78] =	vst v63  }
0x111: {  	_ =	swait.ge [sflag:s25], $0x190  }
0x112: {  	[sflag:s25] =	ssyncset.done $0x0  }
0x113: {  	[sflag:s25] =	ssyncadd.s32 $0xFFFFFE70  }
.LBB2_9:
0x114: {  	s11 =	simm.s32 $0x0  }
0x115: {  	[tilespmem:s13], [sflag:$0x1] =	stream.indirect.gather [hbm4b:s1+s14], $0x80, s11, s14, $0xb8;
	[tilespmem:$0x1DF78] =	vst v63  }
0x116: {  	_ = 	snop  }
0x117: {  	[tilespmem:s15], [sflag:$0x1] =	stream.indirect.gather [hbm4b:s7+s14], $0x1, s12, s14, $0xb8;
	[tilespmem:$0x1DF78] =	vst v63  }
0x118: {  	s18 =	rddreg [dreg:$0x10]  }
0x119: {  	[tilespmem:s16], [sflag:$0x1] =	stream.linear.gather [hbm4b:s18+s11], $0x80, $0x38;
	[tilespmem:$0x1DF78] =	vst v63  }
0x11a: {  	_ = 	snop  }
0x11b: {  	[tilespmem:s17], [sflag:$0x2] =	stream.indirect.gather [hbm4b:s1+s14], $0x80, s14, s14, $0xb8;
	[tilespmem:$0x1DF78] =	vst v63  }
0x11c: {  	s23 =	simm.s32 $0x27D0  }
0x11d: {  	[tilespmem:s19], [sflag:$0x2] =	stream.indirect.gather [hbm4b:s7+s14], $0x1, s23, s14, $0xb8;
	[tilespmem:$0x1DF78] =	vst v63  }
0x11e: {  	s24 =	rddreg [dreg:$0x11]  }
0x11f: {  	[tilespmem:s28], [sflag:$0x2] =	stream.linear.gather [hbm4b:s24+s11], $0x80, $0x38;
	[tilespmem:$0x1DF78] =	vst v63  }
0x120: {  	[bflag:$0x0] =	sbarrier.arrive $0xFFFF  }
.LBB2_10:
0x121: {  	_ =	swait.ge [sflag:s29], $0x2800  }
0x122: {  	[sflag:s29] =	ssyncset.done $0x0  }
0x123: {  	[sflag:s29] =	ssyncadd.s32 $0xFFFFD800  }
0x124: {  	_ =	swait.ge [sflag:s29], $0x50  }
0x125: {  	[sflag:s29] =	ssyncset.done $0x0  }
0x126: {  	[sflag:s29] =	ssyncadd.s32 $0xFFFFFFB0  }
0x127: {  	_ =	swait.ge [sflag:s29], $0x80  }
0x128: {  	[sflag:s29] =	ssyncset.done $0x0  }
0x129: {  	[sflag:s29] =	ssyncadd.s32 $0xFFFFFF80  }
0x12a: {  	v3 =	vld [tilespmem:$0x5000];
	_ =	sdelay $0x4  }
0x12b: {  	v3 =	vmul.f32 $1.442695020e+00, v3;
	_ =	sdelay $0x1  }
0x12c: {  	(erf) = vpow2.f32 v3;
	v3 =	vld [tilespmem:$0x5010];
	_ =	sdelay $0x4  }
0x12d: {  	v4 =	vld [tilespmem:$0xA400];
	v3 =	vmul.f32 $1.442695020e+00, v3;
	_ =	sdelay $0x2  }
0x12e: {  	v5 =	vld [tilespmem:$0x5020];
	(erf) = vpow2.f32 v3  }
0x12f: {  	v3 =	vpop (erf)  }
0x130: {  	v4 =	vadd.f32 v3, v4;
	_ =	sdelay $0x1  }
0x131: {  	[tilespmem:$0xA400] =	vst v4  }
0x132: {  	v5 =	vmul.f32 $1.442695020e+00, v5;
	v4 =	vld [tilespmem:$0xA400];
	_ =	sdelay $0x2  }
0x133: {  	v6 =	vld [tilespmem:$0x5030];
	(erf) = vpow2.f32 v5  }
0x134: {  	v5 =	vpop (erf)  }
0x135: {  	v4 =	vadd.f32 v5, v4;
	_ =	sdelay $0x1  }
0x136: {  	[tilespmem:$0xA400] =	vst v4  }
0x137: {  	v6 =	vmul.f32 $1.442695020e+00, v6;
	v4 =	vld [tilespmem:$0xA400];
	_ =	sdelay $0x2  }
0x138: {  	v7 =	vld [tilespmem:$0x5040];
	(erf) = vpow2.f32 v6  }
0x139: {  	v6 =	vpop (erf)  }
0x13a: {  	v4 =	vadd.f32 v6, v4;
	_ =	sdelay $0x1  }
0x13b: {  	[tilespmem:$0xA400] =	vst v4  }
0x13c: {  	v7 =	vmul.f32 $1.442695020e+00, v7;
	v4 =	vld [tilespmem:$0xA400];
	_ =	sdelay $0x2  }
0x13d: {  	(erf) = vpow2.f32 v7  }
0x13e: {  	v7 =	vpop (erf)  }
0x13f: {  	v4 =	vadd.f32 v7, v4;
	_ =	sdelay $0x1  }
0x140: {  	[tilespmem:$0xA400] =	vst v4  }
0x141: {  	s18 =	simm.s32 $0x0;
	v4 =	vld [tilespmem:$0xA400]  }
0x142: {  	[tilespmem:$0x5000] =	vst v3;
	v3 =	vmov s18  }
0x143: {  	v3 =	vand.u32 $0xFFFFFFFC, v3  }
0x144: {  	v3 =	vbroadcast v3, $0x0;
	[tilespmem:$0x5010] =	vst v5  }
0x145: {  	[tilespmem:$0x5020] =	vst v6;
	v5 =	vpop (erf)  }
0x146: {  	[tilespmem:$0x5030] =	vst v7;
	v4 =	vadd.f32 v5, v4  }
0x147: {  	[tilespmem:$0x5040] =	vst v5  }
0x148: {  	s18 =	simm.s32 $0x5200;
	[tilespmem:$0xA400] =	vst v4  }
0x149: {  	v5 =	vld [tilespmem:s18+$0xFFFFFF70]  }
0x14a: {  	v3 =	vld.idx.msk [tilespmem:v3+s15+$0x0], $0xffff  }
0x14b: {  	v6 =	vld [tilespmem:s18+$0xFFFFFF00]  }
0x14c: {  	v7 =	vld [tilespmem:s18+$0xFFFFFF20]  }
0x14d: {  	v8 =	vld [tilespmem:s18+$0xFFFFFF30]  }
0x14e: {  	v4 =	vld [tilespmem:s18+$0xFFFFFF50]  }
0x14f: {  	v10 =	vld [tilespmem:s18+$0xFFFFFF10];
	v5 =	vmul.f32 v5, v3  }
0x150: {  	s20 =	simm.s32 $0x1;
	v9 =	vld [tilespmem:s18+$0xFFFFFF60];
	v6 =	vmul.f32 v6, v3  }
0x151: {  	v11 =	vld [tilespmem:s18+$0xFFFFFF40];
	v7 =	vmul.f32 v7, v3;
	[tilespmem:s18+$0xFFFFFF70] =	vst v5;
	v5 =	vmov s20  }
0x152: {  	v8 =	vmul.f32 v8, v3;
	[tilespmem:s18+$0xFFFFFF00] =	vst v6;
	v5 =	vand.u32 $0xFFFFFFFD, v5  }
0x153: {  	v4 =	vmul.f32 v4, v3;
	[tilespmem:s18+$0xFFFFFF20] =	vst v7;
	v5 =	vbroadcast v5, $0x0  }
0x154: {  	v6 =	vmul.f32 v10, v3;
	[tilespmem:s18+$0xFFFFFF30] =	vst v8  }
0x155: {  	v7 =	vmul.f32 v9, v3;
	[tilespmem:s18+$0xFFFFFF50] =	vst v4  }
0x156: {  	v3 =	vmul.f32 v11, v3;
	[tilespmem:s18+$0xFFFFFF10] =	vst v6  }
0x157: {  	[tilespmem:s18+$0xFFFFFF60] =	vst v7  }
0x158: {  	[tilespmem:s18+$0xFFFFFF40] =	vst v3;
	v3 =	vld [tilespmem:s18+$0xFFFFFF80]  }
0x159: {  	v5 =	vld.idx.msk [tilespmem:v5+s15+$0x0], $0xffff  }
0x15a: {  	v4 =	vld [tilespmem:s18+$0xFFFFFFA0]  }
0x15b: {  	v6 =	vld [tilespmem:s18+$0xFFFFFF90]  }
0x15c: {  	v7 =	vld [tilespmem:s18+$0xFFFFFFD0]  }
0x15d: {  	v8 =	vld [tilespmem:s18+$0xFFFFFFE0]  }
0x15e: {  	v9 =	vld [tilespmem:s18+$0xFFFFFFF0];
	v3 =	vmul.f32 v3, v5  }
0x15f: {  	s24 =	simm.s32 $0x2;
	v10 =	vld [tilespmem:s18+$0xFFFFFFB0];
	v4 =	vmul.f32 v4, v5  }
0x160: {  	v11 =	vld [tilespmem:s18+$0xFFFFFFC0];
	v6 =	vmul.f32 v6, v5;
	[tilespmem:s18+$0xFFFFFF80] =	vst v3;
	v3 =	vmov s24  }
0x161: {  	v7 =	vmul.f32 v7, v5;
	[tilespmem:s18+$0xFFFFFFA0] =	vst v4;
	v3 =	vand.u32 $0xFFFFFFFE, v3  }
0x162: {  	v4 =	vmul.f32 v8, v5;
	[tilespmem:s18+$0xFFFFFF90] =	vst v6;
	v6 =	vbroadcast v3, $0x0  }
0x163: {  	v8 =	vmul.f32 v9, v5;
	[tilespmem:s18+$0xFFFFFFD0] =	vst v7;
	v9 =	vld [tilespmem:s18+$0x30]  }
0x164: {  	v7 =	vmul.f32 v10, v5;
	v3 =	vld [tilespmem:s18+$0x40];
	[tilespmem:s18+$0xFFFFFFE0] =	vst v4  }
0x165: {  	v5 =	vmul.f32 v11, v5;
	v4 =	vld [tilespmem:s18+$0x70];
	[tilespmem:s18+$0xFFFFFFF0] =	vst v8  }
0x166: {  	[tilespmem:s18+$0xFFFFFFB0] =	vst v7;
	v7 =	vld [tilespmem:s18+$0x20]  }
0x167: {  	[tilespmem:s18+$0xFFFFFFC0] =	vst v5;
	v8 =	vld [tilespmem:s18+$0x0]  }
0x168: {  	v5 =	vld.idx.msk [tilespmem:v6+s15+$0x0], $0xffff  }
0x169: {  	s21 =	simm.s32 $0x7;
	s22 =	simm.s32 $0x5200;
	s20 =	simm.s32 $0x3;
	v6 =	vld [tilespmem:s18+$0x10]  }
.LBB2_11:
0x16a: {  	p5 =	sne.s32 s21, $0x4F  }
0x16b: {  	v10 =	vld [tilespmem:s18+$0x50];
	s22 =	sadd.s32 $0x200, s22;
	s23 =	smov.u32 s21;
	s21 =	sadd.s32 $0x4, s21  }
0x16c: {  	v11 =	vld [tilespmem:s18+$0x60];
	_ =	sdelay $0x1  }
0x16d: {  	v8 =	vmul.f32 v8, v5;
	v6 =	vmul.f32 v6, v5  }
0x16e: {  	v7 =	vmul.f32 v7, v5;
	v9 =	vmul.f32 v9, v5  }
0x16f: {  	v3 =	vmul.f32 v3, v5;
	v4 =	vmul.f32 v4, v5;
	[tilespmem:s18+$0x0] =	vst v8  }
0x170: {  	[tilespmem:s18+$0x20] =	vst v7;
	v7 =	vmul.f32 v10, v5;
	v5 =	vmul.f32 v11, v5  }
0x171: {  	[tilespmem:s18+$0x30] =	vst v9;
	v8 =	vld [tilespmem:s18+$0x80]  }
0x172: {  	[tilespmem:s18+$0x60] =	vst v5;
	v5 =	vmov s20;
	v9 =	vld [tilespmem:s18+$0xD0];
	s20 =	smov.u32 s23  }
0x173: {  	[tilespmem:s18+$0x50] =	vst v7;
	v7 =	vld [tilespmem:s18+$0xE0]  }
0x174: {  	[tilespmem:s18+$0x40] =	vst v3;
	v10 =	vld [tilespmem:s18+$0xB0]  }
0x175: {  	v3 =	vld [tilespmem:s22+$0x40];
	[tilespmem:s18+$0x70] =	vst v4  }
0x176: {  	v4 =	vld [tilespmem:s22+$0x70];
	[tilespmem:s18+$0x10] =	vst v6  }
0x177: {  	v5 =	vld.idx.msk [tilespmem:v5+s15+$0x0], $0xffff  }
0x178: {  	v6 =	vld [tilespmem:s18+$0x90]  }
0x179: {  	v11 =	vld [tilespmem:s18+$0xA0]  }
0x17a: {  	v12 =	vld [tilespmem:s18+$0xC0]  }
0x17b: {  	v13 =	vld [tilespmem:s18+$0xF0];
	_ =	sdelay $0x1  }
0x17c: {  	v8 =	vmul.f32 v8, v5;
	v6 =	vmul.f32 v6, v5  }
0x17d: {  	s23 =	sadd.s32 $0xFFFFFFFD, s20;
	v10 =	vmul.f32 v10, v5;
	v11 =	vmul.f32 v11, v5  }
0x17e: {  	v14 =	vmov s23;
	v9 =	vmul.f32 v9, v5;
	[tilespmem:s18+$0x80] =	vst v8;
	v8 =	vmul.f32 v12, v5  }
0x17f: {  	v12 =	vand.u32 $0xFFFFFFFC, v14;
	[tilespmem:s18+$0x90] =	vst v6;
	v6 =	vmul.f32 v7, v5;
	v5 =	vmul.f32 v13, v5  }
0x180: {  	v7 =	vbroadcast v12, $0x0;
	[tilespmem:s18+$0xA0] =	vst v11  }
0x181: {  	[tilespmem:s18+$0xD0] =	vst v9  }
0x182: {  	v9 =	vld [tilespmem:s22+$0xFFFFFF50];
	[tilespmem:s18+$0xB0] =	vst v10  }
0x183: {  	v10 =	vld [tilespmem:s22+$0xFFFFFF30];
	[tilespmem:s18+$0xC0] =	vst v8  }
0x184: {  	v8 =	vld [tilespmem:s22+$0xFFFFFF60];
	[tilespmem:s18+$0xE0] =	vst v6  }
0x185: {  	v6 =	vld [tilespmem:s22+$0xFFFFFF70];
	[tilespmem:s18+$0xF0] =	vst v5;
	s18 =	smov.u32 s22  }
0x186: {  	v5 =	vld.idx.msk [tilespmem:v7+s15+$0x0], $0xffff  }
0x187: {  	v7 =	vld [tilespmem:s22+$0xFFFFFF00]  }
0x188: {  	v11 =	vld [tilespmem:s22+$0xFFFFFF20]  }
0x189: {  	v12 =	vld [tilespmem:s22+$0xFFFFFF10]  }
0x18a: {  	v13 =	vld [tilespmem:s22+$0xFFFFFF40];
	_ =	sdelay $0x1  }
0x18b: {  	v6 =	vmul.f32 v6, v5;
	v7 =	vmul.f32 v7, v5  }
0x18c: {  	s23 =	sadd.s32 $0xFFFFFFFE, s20;
	v8 =	vmul.f32 v8, v5;
	v11 =	vmul.f32 v11, v5  }
0x18d: {  	v10 =	vmul.f32 v10, v5;
	v12 =	vmul.f32 v12, v5;
	[tilespmem:s22+$0xFFFFFF70] =	vst v6;
	v6 =	vmov s23  }
0x18e: {  	[tilespmem:s22+$0xFFFFFF00] =	vst v7;
	v7 =	vmul.f32 v13, v5;
	v5 =	vmul.f32 v9, v5;
	v6 =	vand.u32 $0xFFFFFFFD, v6  }
0x18f: {  	[tilespmem:s22+$0xFFFFFF20] =	vst v11;
	v6 =	vbroadcast v6, $0x0  }
0x190: {  	[tilespmem:s22+$0xFFFFFF30] =	vst v10  }
0x191: {  	[tilespmem:s22+$0xFFFFFF50] =	vst v5;
	v5 =	vld [tilespmem:s22+$0xFFFFFFF0]  }
0x192: {  	[tilespmem:s22+$0xFFFFFF10] =	vst v12;
	v9 =	vld [tilespmem:s22+$0xFFFFFFD0]  }
0x193: {  	[tilespmem:s22+$0xFFFFFF60] =	vst v8;
	v8 =	vld [tilespmem:s22+$0xFFFFFFB0]  }
0x194: {  	[tilespmem:s22+$0xFFFFFF40] =	vst v7;
	v7 =	vld [tilespmem:s22+$0xFFFFFF90]  }
0x195: {  	v6 =	vld.idx.msk [tilespmem:v6+s15+$0x0], $0xffff  }
0x196: {  	v10 =	vld [tilespmem:s22+$0xFFFFFF80]  }
0x197: {  	v11 =	vld [tilespmem:s22+$0xFFFFFFA0]  }
0x198: {  	v12 =	vld [tilespmem:s22+$0xFFFFFFC0]  }
0x199: {  	v13 =	vld [tilespmem:s22+$0xFFFFFFE0];
	_ =	sdelay $0x1  }
0x19a: {  	v7 =	vmul.f32 v7, v6;
	v10 =	vmul.f32 v10, v6  }
0x19b: {  	s23 =	sadd.s32 $0xFFFFFFFF, s20;
	v8 =	vmul.f32 v8, v6;
	v11 =	vmul.f32 v11, v6  }
0x19c: {  	v9 =	vmul.f32 v9, v6;
	[tilespmem:s22+$0xFFFFFF80] =	vst v10;
	v10 =	vmul.f32 v12, v6;
	v12 =	vmov s23  }
0x19d: {  	v5 =	vmul.f32 v5, v6;
	[tilespmem:s22+$0xFFFFFFA0] =	vst v11;
	v11 =	vmul.f32 v13, v6;
	v6 =	vand.u32 $0xFFFFFFFE, v12  }
0x19e: {  	[tilespmem:s22+$0xFFFFFF90] =	vst v7;
	v6 =	vbroadcast v6, $0x0  }
0x19f: {  	[tilespmem:s22+$0xFFFFFFD0] =	vst v9  }
0x1a0: {  	[tilespmem:s22+$0xFFFFFFE0] =	vst v11  }
0x1a1: {  	[tilespmem:s22+$0xFFFFFFB0] =	vst v8  }
.Ltmp5:
0x1a2: {  	[tilespmem:s22+$0xFFFFFFF0] =	vst v5;
	v7 =	vld [tilespmem:s22+$0x20];
	(pc) =	sbr.rel @p5 .LBB2_11-.Ltmp5, $4  }
0x1a3: {  	[tilespmem:s22+$0xFFFFFFC0] =	vst v10;
	v8 =	vld [tilespmem:s22+$0x0]  }
0x1a4: {  	v5 =	vld.idx.msk [tilespmem:v6+s15+$0x0], $0xffff  }
0x1a5: {  	v6 =	vld [tilespmem:s22+$0x10]  }
0x1a6: {  	v9 =	vld [tilespmem:s22+$0x30]  }
0x1a7: {  	v10 =	vld [tilespmem:s18+$0x60];
	_ =	sdelay $0x1  }
0x1a8: {  	v8 =	vmul.f32 v8, v5  }
0x1a9: {  	v11 =	vld [tilespmem:s18+$0x50];
	v7 =	vmul.f32 v7, v5  }
0x1aa: {  	v3 =	vmul.f32 v3, v5;
	[tilespmem:s18+$0x0] =	vst v8  }
0x1ab: {  	[tilespmem:s18+$0x20] =	vst v7;
	v7 =	vmul.f32 v10, v5  }
0x1ac: {  	v4 =	vmul.f32 v4, v5;
	[tilespmem:s18+$0x40] =	vst v3  }
0x1ad: {  	v9 =	vmul.f32 v9, v5;
	[tilespmem:s18+$0x60] =	vst v7;
	v7 =	vmov s20  }
0x1ae: {  	[tilespmem:s18+$0x70] =	vst v4;
	v8 =	vmul.f32 v11, v5  }
0x1af: {  	v5 =	vmul.f32 v6, v5;
	[tilespmem:s18+$0x30] =	vst v9  }
0x1b0: {  	[tilespmem:s18+$0x50] =	vst v8  }
0x1b1: {  	v9 =	vld [tilespmem:s18+$0x80];
	[tilespmem:s18+$0x10] =	vst v5  }
0x1b2: {  	v3 =	vld.idx.msk [tilespmem:v7+s15+$0x0], $0xffff  }
0x1b3: {  	v4 =	vld [tilespmem:s18+$0x90]  }
0x1b4: {  	v5 =	vld [tilespmem:s18+$0xA0]  }
0x1b5: {  	v6 =	vld [tilespmem:s18+$0xD0]  }
0x1b6: {  	v7 =	vld [tilespmem:s18+$0xB0]  }
0x1b7: {  	v8 =	vld [tilespmem:s18+$0xC0];
	v9 =	vmul.f32 v9, v3  }
0x1b8: {  	v10 =	vld [tilespmem:s18+$0xE0];
	v4 =	vmul.f32 v4, v3  }
0x1b9: {  	v11 =	vld [tilespmem:s18+$0xF0];
	v5 =	vmul.f32 v5, v3;
	[tilespmem:s18+$0x80] =	vst v9  }
0x1ba: {  	v6 =	vmul.f32 v6, v3;
	[tilespmem:s18+$0x90] =	vst v4  }
0x1bb: {  	v4 =	vmul.f32 v7, v3;
	[tilespmem:s18+$0xA0] =	vst v5  }
0x1bc: {  	v5 =	vmul.f32 v8, v3;
	[tilespmem:s18+$0xD0] =	vst v6  }
0x1bd: {  	v6 =	vmul.f32 v10, v3;
	[tilespmem:s18+$0xB0] =	vst v4  }
0x1be: {  	v3 =	vmul.f32 v11, v3;
	[tilespmem:s18+$0xC0] =	vst v5  }
0x1bf: {  	[tilespmem:s18+$0xE0] =	vst v6  }
0x1c0: {  	[tilespmem:s18+$0xF0] =	vst v3  }
0x1c1: {  	[spmem:s2] =	stream.indirect.scatter.add.f32 [tilespmem:s13], [sflag:$0x3], $0x80, s16, s14, $0xb8;
	[tilespmem:$0x1DF78] =	vst v63  }
0x1c2: {  	s21 =	simm.s32 @!p3 $0xA100;
	s20 =	simm.s32 @!p3 $0x4F00;
	s18 =	simm.s32 @!p3 $0x50  }
0x1c3: {  	[spmem:s3] =	stream.indirect.scatter.add.f32 @!p3 [tilespmem:s21], [sflag:$0x3], $0x1, s20, s18, $0xb8;
	[tilespmem:$0x1DF78] =	vst v63  }
0x1c4: {  	_ =	swait.ge [sflag:s30], $0x2800  }
0x1c5: {  	[sflag:s30] =	ssyncset.done $0x0  }
0x1c6: {  	[sflag:s30] =	ssyncadd.s32 $0xFFFFD800  }
0x1c7: {  	_ =	swait.ge [sflag:s30], $0x50  }
0x1c8: {  	[sflag:s30] =	ssyncset.done $0x0  }
0x1c9: {  	[sflag:s30] =	ssyncadd.s32 $0xFFFFFFB0  }
0x1ca: {  	_ =	swait.ge [sflag:s30], $0x80  }
0x1cb: {  	[sflag:s30] =	ssyncset.done $0x0  }
0x1cc: {  	[sflag:s30] =	ssyncadd.s32 $0xFFFFFF80  }
0x1cd: {  	v3 =	vld [tilespmem:$0x5080];
	_ =	sdelay $0x4  }
0x1ce: {  	v3 =	vmul.f32 $1.442695020e+00, v3;
	_ =	sdelay $0x1  }
0x1cf: {  	(erf) = vpow2.f32 v3;
	v3 =	vld [tilespmem:$0x5090];
	_ =	sdelay $0x4  }
0x1d0: {  	v4 =	vld [tilespmem:$0xA400];
	v3 =	vmul.f32 $1.442695020e+00, v3;
	_ =	sdelay $0x2  }
0x1d1: {  	v5 =	vld [tilespmem:$0x50A0];
	(erf) = vpow2.f32 v3  }
0x1d2: {  	v3 =	vpop (erf)  }
0x1d3: {  	v4 =	vadd.f32 v3, v4;
	_ =	sdelay $0x1  }
0x1d4: {  	[tilespmem:$0xA400] =	vst v4  }
0x1d5: {  	v5 =	vmul.f32 $1.442695020e+00, v5;
	v4 =	vld [tilespmem:$0xA400];
	_ =	sdelay $0x2  }
0x1d6: {  	v6 =	vld [tilespmem:$0x50B0];
	(erf) = vpow2.f32 v5  }
0x1d7: {  	v5 =	vpop (erf)  }
0x1d8: {  	v4 =	vadd.f32 v5, v4;
	_ =	sdelay $0x1  }
0x1d9: {  	[tilespmem:$0xA400] =	vst v4  }
0x1da: {  	v6 =	vmul.f32 $1.442695020e+00, v6;
	v4 =	vld [tilespmem:$0xA400];
	_ =	sdelay $0x2  }
0x1db: {  	v7 =	vld [tilespmem:$0x50C0];
	(erf) = vpow2.f32 v6  }
0x1dc: {  	v6 =	vpop (erf)  }
0x1dd: {  	v4 =	vadd.f32 v6, v4;
	_ =	sdelay $0x1  }
0x1de: {  	[tilespmem:$0xA400] =	vst v4  }
0x1df: {  	v7 =	vmul.f32 $1.442695020e+00, v7;
	v4 =	vld [tilespmem:$0xA400];
	_ =	sdelay $0x2  }
0x1e0: {  	(erf) = vpow2.f32 v7  }
0x1e1: {  	v7 =	vpop (erf)  }
0x1e2: {  	v4 =	vadd.f32 v7, v4;
	_ =	sdelay $0x1  }
0x1e3: {  	[tilespmem:$0xA400] =	vst v4  }
0x1e4: {  	s22 =	simm.s32 $0x0;
	v4 =	vld [tilespmem:$0xA400]  }
0x1e5: {  	[tilespmem:$0x5080] =	vst v3;
	v3 =	vmov s22  }
0x1e6: {  	v3 =	vand.u32 $0xFFFFFFFC, v3  }
0x1e7: {  	v3 =	vbroadcast v3, $0x0;
	[tilespmem:$0x5090] =	vst v5  }
0x1e8: {  	[tilespmem:$0x50A0] =	vst v6;
	v5 =	vpop (erf)  }
0x1e9: {  	[tilespmem:$0x50B0] =	vst v7;
	v4 =	vadd.f32 v5, v4  }
0x1ea: {  	[tilespmem:$0x50C0] =	vst v5  }
0x1eb: {  	s18 =	simm.s32 $0x7A00;
	[tilespmem:$0xA400] =	vst v4  }
0x1ec: {  	v5 =	vld [tilespmem:s18+$0xFFFFFF70]  }
0x1ed: {  	v3 =	vld.idx.msk [tilespmem:v3+s19+$0x0], $0xffff  }
0x1ee: {  	v6 =	vld [tilespmem:s18+$0xFFFFFF00]  }
0x1ef: {  	v7 =	vld [tilespmem:s18+$0xFFFFFF20]  }
0x1f0: {  	v8 =	vld [tilespmem:s18+$0xFFFFFF30]  }
0x1f1: {  	v4 =	vld [tilespmem:s18+$0xFFFFFF50]  }
0x1f2: {  	v10 =	vld [tilespmem:s18+$0xFFFFFF10];
	v5 =	vmul.f32 v5, v3  }
0x1f3: {  	s23 =	simm.s32 $0x1;
	v9 =	vld [tilespmem:s18+$0xFFFFFF60];
	v6 =	vmul.f32 v6, v3  }
0x1f4: {  	v11 =	vld [tilespmem:s18+$0xFFFFFF40];
	v7 =	vmul.f32 v7, v3;
	[tilespmem:s18+$0xFFFFFF70] =	vst v5;
	v5 =	vmov s23  }
0x1f5: {  	v8 =	vmul.f32 v8, v3;
	[tilespmem:s18+$0xFFFFFF00] =	vst v6;
	v5 =	vand.u32 $0xFFFFFFFD, v5  }
0x1f6: {  	v4 =	vmul.f32 v4, v3;
	[tilespmem:s18+$0xFFFFFF20] =	vst v7;
	v5 =	vbroadcast v5, $0x0  }
0x1f7: {  	v6 =	vmul.f32 v10, v3;
	[tilespmem:s18+$0xFFFFFF30] =	vst v8  }
0x1f8: {  	v7 =	vmul.f32 v9, v3;
	[tilespmem:s18+$0xFFFFFF50] =	vst v4  }
0x1f9: {  	v3 =	vmul.f32 v11, v3;
	[tilespmem:s18+$0xFFFFFF10] =	vst v6  }
0x1fa: {  	[tilespmem:s18+$0xFFFFFF60] =	vst v7  }
0x1fb: {  	[tilespmem:s18+$0xFFFFFF40] =	vst v3;
	v3 =	vld [tilespmem:s18+$0xFFFFFF80]  }
0x1fc: {  	v5 =	vld.idx.msk [tilespmem:v5+s19+$0x0], $0xffff  }
0x1fd: {  	v4 =	vld [tilespmem:s18+$0xFFFFFFA0]  }
0x1fe: {  	v6 =	vld [tilespmem:s18+$0xFFFFFF90]  }
0x1ff: {  	v7 =	vld [tilespmem:s18+$0xFFFFFFD0]  }
0x200: {  	v8 =	vld [tilespmem:s18+$0xFFFFFFE0]  }
0x201: {  	v9 =	vld [tilespmem:s18+$0xFFFFFFF0];
	v3 =	vmul.f32 v3, v5  }
0x202: {  	s24 =	simm.s32 $0x2;
	v10 =	vld [tilespmem:s18+$0xFFFFFFB0];
	v4 =	vmul.f32 v4, v5  }
0x203: {  	v11 =	vld [tilespmem:s18+$0xFFFFFFC0];
	v6 =	vmul.f32 v6, v5;
	[tilespmem:s18+$0xFFFFFF80] =	vst v3;
	v3 =	vmov s24  }
0x204: {  	v7 =	vmul.f32 v7, v5;
	[tilespmem:s18+$0xFFFFFFA0] =	vst v4;
	v3 =	vand.u32 $0xFFFFFFFE, v3  }
0x205: {  	v4 =	vmul.f32 v8, v5;
	[tilespmem:s18+$0xFFFFFF90] =	vst v6;
	v8 =	vld [tilespmem:s18+$0x0];
	v12 =	vbroadcast v3, $0x0  }
0x206: {  	v6 =	vmul.f32 v9, v5;
	[tilespmem:s18+$0xFFFFFFD0] =	vst v7;
	v9 =	vld [tilespmem:s18+$0x30]  }
0x207: {  	v7 =	vmul.f32 v10, v5;
	v3 =	vld [tilespmem:s18+$0x40];
	[tilespmem:s18+$0xFFFFFFE0] =	vst v4  }
0x208: {  	v5 =	vmul.f32 v11, v5;
	v4 =	vld [tilespmem:s18+$0x70];
	[tilespmem:s18+$0xFFFFFFF0] =	vst v6  }
0x209: {  	[tilespmem:s18+$0xFFFFFFB0] =	vst v7;
	v6 =	vld [tilespmem:s18+$0x20]  }
0x20a: {  	s20 =	sshll.u32 s11, $0x1;
	[tilespmem:s18+$0xFFFFFFC0] =	vst v5;
	v7 =	vld [tilespmem:s18+$0x10]  }
0x20b: {  	s21 =	simm.s32 $0x3;
	s22 =	simm.s32 $0x7;
	s23 =	simm.s32 $0x7A00;
	v5 =	vld.idx.msk [tilespmem:v12+s19+$0x0], $0xffff  }
.LBB2_13:
0x20c: {  	p5 =	sne.s32 s22, $0x4F  }
0x20d: {  	v10 =	vld [tilespmem:s18+$0x50];
	s23 =	sadd.s32 $0x200, s23;
	s24 =	smov.u32 s22;
	s22 =	sadd.s32 $0x4, s22  }
0x20e: {  	v11 =	vld [tilespmem:s18+$0x60];
	_ =	sdelay $0x1  }
0x20f: {  	v8 =	vmul.f32 v8, v5;
	v7 =	vmul.f32 v7, v5  }
0x210: {  	v6 =	vmul.f32 v6, v5;
	v9 =	vmul.f32 v9, v5  }
0x211: {  	v3 =	vmul.f32 v3, v5;
	v4 =	vmul.f32 v4, v5;
	[tilespmem:s18+$0x0] =	vst v8  }
0x212: {  	[tilespmem:s18+$0x20] =	vst v6;
	v6 =	vmul.f32 v10, v5;
	v5 =	vmul.f32 v11, v5  }
0x213: {  	[tilespmem:s18+$0x30] =	vst v9;
	v8 =	vld [tilespmem:s18+$0x80]  }
0x214: {  	[tilespmem:s18+$0x60] =	vst v5;
	v5 =	vmov s21;
	v9 =	vld [tilespmem:s18+$0xD0];
	s21 =	smov.u32 s24  }
0x215: {  	[tilespmem:s18+$0x50] =	vst v6;
	v6 =	vld [tilespmem:s18+$0xE0]  }
0x216: {  	[tilespmem:s18+$0x40] =	vst v3;
	v10 =	vld [tilespmem:s18+$0xB0]  }
0x217: {  	v3 =	vld [tilespmem:s23+$0x40];
	[tilespmem:s18+$0x70] =	vst v4  }
0x218: {  	v4 =	vld [tilespmem:s23+$0x70];
	[tilespmem:s18+$0x10] =	vst v7  }
0x219: {  	v5 =	vld.idx.msk [tilespmem:v5+s19+$0x0], $0xffff  }
0x21a: {  	v7 =	vld [tilespmem:s18+$0x90]  }
0x21b: {  	v11 =	vld [tilespmem:s18+$0xA0]  }
0x21c: {  	v12 =	vld [tilespmem:s18+$0xC0]  }
0x21d: {  	v13 =	vld [tilespmem:s18+$0xF0];
	_ =	sdelay $0x1  }
0x21e: {  	v8 =	vmul.f32 v8, v5;
	v7 =	vmul.f32 v7, v5  }
0x21f: {  	s24 =	sadd.s32 $0xFFFFFFFD, s21;
	v10 =	vmul.f32 v10, v5;
	v11 =	vmul.f32 v11, v5  }
0x220: {  	v14 =	vmov s24;
	v9 =	vmul.f32 v9, v5;
	[tilespmem:s18+$0x80] =	vst v8;
	v8 =	vmul.f32 v12, v5  }
0x221: {  	v6 =	vmul.f32 v6, v5;
	v12 =	vand.u32 $0xFFFFFFFC, v14;
	[tilespmem:s18+$0x90] =	vst v7;
	v5 =	vmul.f32 v13, v5  }
0x222: {  	v7 =	vbroadcast v12, $0x0;
	[tilespmem:s18+$0xA0] =	vst v11  }
0x223: {  	[tilespmem:s18+$0xD0] =	vst v9  }
0x224: {  	v9 =	vld [tilespmem:s23+$0xFFFFFF50];
	[tilespmem:s18+$0xB0] =	vst v10  }
0x225: {  	v10 =	vld [tilespmem:s23+$0xFFFFFF30];
	[tilespmem:s18+$0xC0] =	vst v8  }
0x226: {  	v8 =	vld [tilespmem:s23+$0xFFFFFF60];
	[tilespmem:s18+$0xE0] =	vst v6  }
0x227: {  	v6 =	vld [tilespmem:s23+$0xFFFFFF70];
	[tilespmem:s18+$0xF0] =	vst v5;
	s18 =	smov.u32 s23  }
0x228: {  	v5 =	vld.idx.msk [tilespmem:v7+s19+$0x0], $0xffff  }
0x229: {  	v7 =	vld [tilespmem:s23+$0xFFFFFF00]  }
0x22a: {  	v11 =	vld [tilespmem:s23+$0xFFFFFF20]  }
0x22b: {  	v12 =	vld [tilespmem:s23+$0xFFFFFF10]  }
0x22c: {  	v13 =	vld [tilespmem:s23+$0xFFFFFF40];
	_ =	sdelay $0x1  }
0x22d: {  	v6 =	vmul.f32 v6, v5;
	v7 =	vmul.f32 v7, v5  }
0x22e: {  	s24 =	sadd.s32 $0xFFFFFFFE, s21;
	v8 =	vmul.f32 v8, v5;
	v11 =	vmul.f32 v11, v5  }
0x22f: {  	v10 =	vmul.f32 v10, v5;
	v12 =	vmul.f32 v12, v5;
	[tilespmem:s23+$0xFFFFFF70] =	vst v6;
	v6 =	vmov s24  }
0x230: {  	[tilespmem:s23+$0xFFFFFF00] =	vst v7;
	v7 =	vmul.f32 v13, v5;
	v5 =	vmul.f32 v9, v5;
	v6 =	vand.u32 $0xFFFFFFFD, v6  }
0x231: {  	[tilespmem:s23+$0xFFFFFF20] =	vst v11;
	v6 =	vbroadcast v6, $0x0  }
0x232: {  	[tilespmem:s23+$0xFFFFFF30] =	vst v10  }
0x233: {  	[tilespmem:s23+$0xFFFFFF50] =	vst v5;
	v5 =	vld [tilespmem:s23+$0xFFFFFFF0]  }
0x234: {  	[tilespmem:s23+$0xFFFFFF10] =	vst v12;
	v9 =	vld [tilespmem:s23+$0xFFFFFFD0]  }
0x235: {  	[tilespmem:s23+$0xFFFFFF60] =	vst v8;
	v8 =	vld [tilespmem:s23+$0xFFFFFFB0]  }
0x236: {  	[tilespmem:s23+$0xFFFFFF40] =	vst v7;
	v7 =	vld [tilespmem:s23+$0xFFFFFF90]  }
0x237: {  	v6 =	vld.idx.msk [tilespmem:v6+s19+$0x0], $0xffff  }
0x238: {  	v10 =	vld [tilespmem:s23+$0xFFFFFF80]  }
0x239: {  	v11 =	vld [tilespmem:s23+$0xFFFFFFA0]  }
0x23a: {  	v12 =	vld [tilespmem:s23+$0xFFFFFFC0]  }
0x23b: {  	v13 =	vld [tilespmem:s23+$0xFFFFFFE0];
	_ =	sdelay $0x1  }
0x23c: {  	v7 =	vmul.f32 v7, v6;
	v10 =	vmul.f32 v10, v6  }
0x23d: {  	s24 =	sadd.s32 $0xFFFFFFFF, s21;
	v8 =	vmul.f32 v8, v6;
	v11 =	vmul.f32 v11, v6  }
0x23e: {  	v9 =	vmul.f32 v9, v6;
	[tilespmem:s23+$0xFFFFFF80] =	vst v10;
	v10 =	vmul.f32 v12, v6;
	v12 =	vmov s24  }
0x23f: {  	v5 =	vmul.f32 v5, v6;
	[tilespmem:s23+$0xFFFFFFA0] =	vst v11;
	v11 =	vmul.f32 v13, v6;
	v6 =	vand.u32 $0xFFFFFFFE, v12  }
0x240: {  	[tilespmem:s23+$0xFFFFFF90] =	vst v7;
	v7 =	vbroadcast v6, $0x0  }
0x241: {  	[tilespmem:s23+$0xFFFFFFD0] =	vst v9  }
0x242: {  	[tilespmem:s23+$0xFFFFFFE0] =	vst v11  }
0x243: {  	[tilespmem:s23+$0xFFFFFFB0] =	vst v8  }
.Ltmp6:
0x244: {  	[tilespmem:s23+$0xFFFFFFF0] =	vst v5;
	v6 =	vld [tilespmem:s23+$0x20];
	(pc) =	sbr.rel @p5 .LBB2_13-.Ltmp6, $4  }
0x245: {  	[tilespmem:s23+$0xFFFFFFC0] =	vst v10;
	v8 =	vld [tilespmem:s23+$0x0]  }
0x246: {  	v5 =	vld.idx.msk [tilespmem:v7+s19+$0x0], $0xffff  }
0x247: {  	v7 =	vld [tilespmem:s23+$0x10]  }
0x248: {  	v9 =	vld [tilespmem:s23+$0x30]  }
0x249: {  	_ =	sdelay $0x1  }
0x24a: {  	v8 =	vmul.f32 v8, v5  }
0x24b: {  	v10 =	vld [tilespmem:s18+$0x60];
	v6 =	vmul.f32 v6, v5  }
0x24c: {  	v11 =	vld [tilespmem:s18+$0x50];
	v3 =	vmul.f32 v3, v5;
	[tilespmem:s18+$0x0] =	vst v8  }
0x24d: {  	v4 =	vmul.f32 v4, v5;
	[tilespmem:s18+$0x20] =	vst v6  }
0x24e: {  	v53 =	vmul.f32 v7, v5;
	[tilespmem:s18+$0x40] =	vst v3  }
0x24f: {  	v52 =	vmov s21;
	v9 =	vmul.f32 v9, v5;
	[tilespmem:s18+$0x70] =	vst v4  }
0x250: {  	v49 =	vmul.f32 v10, v5;
	[tilespmem:s18+$0x10] =	vst v53  }
0x251: {  	v50 =	vmul.f32 v11, v5;
	[tilespmem:s18+$0x30] =	vst v9  }
0x252: {  	[tilespmem:s18+$0x60] =	vst v49  }
0x253: {  	v51 =	vld [tilespmem:s18+$0x80];
	[tilespmem:s18+$0x50] =	vst v50  }
0x254: {  	v3 =	vld.idx.msk [tilespmem:v52+s19+$0x0], $0xffff  }
0x255: {  	v54 =	vld [tilespmem:s18+$0x90]  }
0x256: {  	v55 =	vld [tilespmem:s18+$0xA0]  }
0x257: {  	v56 =	vld [tilespmem:s18+$0xD0]  }
0x258: {  	v57 =	vld [tilespmem:s18+$0xB0]  }
0x259: {  	v58 =	vld [tilespmem:s18+$0xC0];
	v9 =	vmul.f32 v51, v3  }
0x25a: {  	v59 =	vld [tilespmem:s18+$0xE0];
	v4 =	vmul.f32 v54, v3  }
0x25b: {  	v60 =	vld [tilespmem:s18+$0xF0];
	v5 =	vmul.f32 v55, v3;
	[tilespmem:s18+$0x80] =	vst v9  }
0x25c: {  	v6 =	vmul.f32 v56, v3;
	[tilespmem:s18+$0x90] =	vst v4  }
0x25d: {  	v61 =	vmul.f32 v57, v3;
	[tilespmem:s18+$0xA0] =	vst v5  }
0x25e: {  	v62 =	vmul.f32 v58, v3;
	[tilespmem:s18+$0xD0] =	vst v6  }
0x25f: {  	v63 =	vmul.f32 v59, v3;
	[tilespmem:s18+$0xB0] =	vst v61  }
0x260: {  	v3 =	vmul.f32 v60, v3;
	[tilespmem:s18+$0xC0] =	vst v62  }
0x261: {  	[tilespmem:s18+$0xE0] =	vst v63  }
0x262: {  	[tilespmem:s18+$0xF0] =	vst v3;
	s18 =	simm.s32 @p3 $0x3  }
0x263: {  	[spmem:s2] =	stream.indirect.scatter.add.f32 [tilespmem:s17], [sflag:$0x4], $0x80, s28, s14, $0xb8;
	[tilespmem:$0x1DF78] =	vst v63  }
0x264: {  	_ =	swait.ge @p3 [sflag:s18], $0x2800  }
0x265: {  	s21 =	simm.s32 @!p3 $0x4F80;
	[sflag:s18] =	ssyncset.done @p3 $0x0  }
0x266: {  	s22 =	simm.s32 @!p3 $0xA100;
	[sflag:s18] =	ssyncadd.s32 @p3 $0xFFFFD800;
	s18 =	simm.s32 @!p3 $0x50  }
0x267: {  	[spmem:s3] =	stream.indirect.scatter.add.f32 @!p3 [tilespmem:s22], [sflag:$0x4], $0x1, s21, s18, $0xb8;
	[tilespmem:$0x1DF78] =	vst v63  }
0x268: {  	s18 =	simm.s32 @!p3 $0x3  }
0x269: {  	_ =	swait.ge @!p3 [sflag:s18], $0x2800  }
0x26a: {  	[sflag:s18] =	ssyncset.done @!p3 $0x0  }
0x26b: {  	[sflag:s18] =	ssyncadd.s32 @!p3 $0xFFFFD800  }
0x26c: {  	s21 =	sadd.s32 $0x2, s20;
	_ =	swait.ge @!p3 [sflag:s18], $0x50  }
0x26d: {  	s24 =	smul.u32 $0x50, s21;
	[sflag:s18] =	ssyncset.done @!p3 $0x0  }
0x26e: {  	[sflag:s18] =	ssyncadd.s32 @!p3 $0xFFFFFFB0  }
0x26f: {  	[tilespmem:s13], [sflag:$0x1] =	stream.indirect.gather [hbm4b:s1+s14], $0x80, s24, s14, $0xb8;
	[tilespmem:$0x1DF78] =	vst v63  }
0x270: {  	s23 =	sadd.s32 $0x2780, s24;
	s24 =	sadd.s32 s0, s21  }
0x271: {  	s18 =	sshll.u32 s24, $0x4  }
0x272: {  	[tilespmem:s15], [sflag:$0x1] =	stream.indirect.gather [hbm4b:s7+s14], $0x1, s23, s14, $0xb8;
	[tilespmem:$0x1DF78] =	vst v63  }
0x273: {  	s18 =	sadd.s32 s6, s18  }
0x274: {  	[tilespmem:s16], [sflag:$0x1] =	stream.linear.gather [hbm4b:s18+s5], $0x80, $0x38;
	[tilespmem:$0x1DF78] =	vst v63  }
0x275: {  	p5 =	seq.s32 s11, $0x3D;
	_ =	swait.ge [sflag:s31], $0x2800  }
.Ltmp7:
0x276: {  	[sflag:s31] =	ssyncset.done $0x0;
	(pc) =	sbr.rel @p5 .LBB2_16-.Ltmp7, $4  }
0x277: {  	s18 =	simm.s32 @!p3 $0x4;
	[sflag:s31] =	ssyncadd.s32 $0xFFFFD800  }
0x278: {  	_ =	swait.ge @!p3 [sflag:s18], $0x50  }
0x279: {  	[sflag:s18] =	ssyncset.done @!p3 $0x0  }
0x27a: {  	[sflag:s18] =	ssyncadd.s32 @!p3 $0xFFFFFFB0  }
0x27b: {  	s18 =	sadd.s32 $0x3, s20  }
0x27c: {  	s20 =	smul.u32 $0x50, s18;
	_ =	sdelay $0x1  }
0x27d: {  	[tilespmem:s17], [sflag:$0x2] =	stream.indirect.gather [hbm4b:s1+s14], $0x80, s20, s14, $0xb8;
	[tilespmem:$0x1DF78] =	vst v63  }
.Ltmp8:
0x27e: {  	s18 =	sadd.s32 s0, s18;
	(pc) =	sbr.rel .LBB2_10-.Ltmp8, $4  }
0x27f: {  	s18 =	sshll.u32 s18, $0x4;
	s20 =	sadd.s32 $0x2780, s20  }
0x280: {  	[tilespmem:s19], [sflag:$0x2] =	stream.indirect.gather [hbm4b:s7+s14], $0x1, s20, s14, $0xb8;
	[tilespmem:$0x1DF78] =	vst v63  }
0x281: {  	s11 =	sadd.s32 $0x1, s11;
	s18 =	sadd.s32 s6, s18  }
0x282: {  	[tilespmem:s28], [sflag:$0x2] =	stream.linear.gather [hbm4b:s18+s5], $0x80, $0x38;
	[tilespmem:$0x1DF78] =	vst v63  }
.LBB2_16:
0x283: {  	_ =	swait.ge [sflag:s29], $0x2800  }
0x284: {  	[sflag:s29] =	ssyncset.done $0x0  }
0x285: {  	[sflag:s29] =	ssyncadd.s32 $0xFFFFD800  }
0x286: {  	_ =	swait.ge [sflag:s29], $0x50  }
0x287: {  	[sflag:s29] =	ssyncset.done $0x0  }
0x288: {  	[sflag:s29] =	ssyncadd.s32 $0xFFFFFFB0  }
0x289: {  	_ =	swait.ge [sflag:s29], $0x80  }
0x28a: {  	[sflag:s29] =	ssyncset.done $0x0  }
0x28b: {  	[sflag:s29] =	ssyncadd.s32 $0xFFFFFF80  }
0x28c: {  	v3 =	vld [tilespmem:$0x5000];
	_ =	sdelay $0x4  }
0x28d: {  	v3 =	vmul.f32 $1.442695020e+00, v3;
	_ =	sdelay $0x1  }
0x28e: {  	(erf) = vpow2.f32 v3;
	v3 =	vld [tilespmem:$0x5010];
	_ =	sdelay $0x4  }
0x28f: {  	v4 =	vld [tilespmem:$0xA400];
	v3 =	vmul.f32 $1.442695020e+00, v3;
	_ =	sdelay $0x2  }
0x290: {  	v5 =	vld [tilespmem:$0x5020];
	(erf) = vpow2.f32 v3  }
0x291: {  	v3 =	vpop (erf)  }
0x292: {  	v4 =	vadd.f32 v3, v4;
	_ =	sdelay $0x1  }
0x293: {  	[tilespmem:$0xA400] =	vst v4  }
0x294: {  	v5 =	vmul.f32 $1.442695020e+00, v5;
	v4 =	vld [tilespmem:$0xA400];
	_ =	sdelay $0x2  }
0x295: {  	v6 =	vld [tilespmem:$0x5030];
	(erf) = vpow2.f32 v5  }
0x296: {  	v5 =	vpop (erf)  }
0x297: {  	v4 =	vadd.f32 v5, v4;
	_ =	sdelay $0x1  }
0x298: {  	[tilespmem:$0xA400] =	vst v4  }
0x299: {  	v6 =	vmul.f32 $1.442695020e+00, v6;
	v4 =	vld [tilespmem:$0xA400];
	_ =	sdelay $0x2  }
0x29a: {  	v7 =	vld [tilespmem:$0x5040];
	(erf) = vpow2.f32 v6  }
0x29b: {  	v6 =	vpop (erf)  }
0x29c: {  	v4 =	vadd.f32 v6, v4;
	_ =	sdelay $0x1  }
0x29d: {  	[tilespmem:$0xA400] =	vst v4  }
0x29e: {  	v7 =	vmul.f32 $1.442695020e+00, v7;
	v4 =	vld [tilespmem:$0xA400];
	_ =	sdelay $0x2  }
0x29f: {  	(erf) = vpow2.f32 v7  }
0x2a0: {  	v7 =	vpop (erf)  }
0x2a1: {  	v4 =	vadd.f32 v7, v4;
	_ =	sdelay $0x1  }
0x2a2: {  	[tilespmem:$0xA400] =	vst v4  }
0x2a3: {  	s11 =	simm.s32 $0x0;
	v4 =	vld [tilespmem:$0xA400]  }
0x2a4: {  	[tilespmem:$0x5000] =	vst v3;
	v3 =	vmov s11  }
0x2a5: {  	v3 =	vand.u32 $0xFFFFFFFC, v3  }
0x2a6: {  	v3 =	vbroadcast v3, $0x0;
	[tilespmem:$0x5010] =	vst v5  }
0x2a7: {  	[tilespmem:$0x5020] =	vst v6;
	v5 =	vpop (erf)  }
0x2a8: {  	[tilespmem:$0x5030] =	vst v7;
	v4 =	vadd.f32 v5, v4  }
0x2a9: {  	[tilespmem:$0x5040] =	vst v5  }
0x2aa: {  	s11 =	simm.s32 $0x5200;
	[tilespmem:$0xA400] =	vst v4  }
0x2ab: {  	v5 =	vld [tilespmem:s11+$0xFFFFFF70]  }
0x2ac: {  	v3 =	vld.idx.msk [tilespmem:v3+s15+$0x0], $0xffff  }
0x2ad: {  	v6 =	vld [tilespmem:s11+$0xFFFFFF00]  }
0x2ae: {  	v7 =	vld [tilespmem:s11+$0xFFFFFF20]  }
0x2af: {  	v8 =	vld [tilespmem:s11+$0xFFFFFF30]  }
0x2b0: {  	v4 =	vld [tilespmem:s11+$0xFFFFFF50]  }
0x2b1: {  	v10 =	vld [tilespmem:s11+$0xFFFFFF10];
	v5 =	vmul.f32 v5, v3  }
0x2b2: {  	s18 =	simm.s32 $0x1;
	v9 =	vld [tilespmem:s11+$0xFFFFFF60];
	v6 =	vmul.f32 v6, v3  }
0x2b3: {  	v11 =	vld [tilespmem:s11+$0xFFFFFF40];
	v7 =	vmul.f32 v7, v3;
	[tilespmem:s11+$0xFFFFFF70] =	vst v5;
	v5 =	vmov s18  }
0x2b4: {  	v8 =	vmul.f32 v8, v3;
	[tilespmem:s11+$0xFFFFFF00] =	vst v6;
	v5 =	vand.u32 $0xFFFFFFFD, v5  }
0x2b5: {  	v4 =	vmul.f32 v4, v3;
	[tilespmem:s11+$0xFFFFFF20] =	vst v7;
	v5 =	vbroadcast v5, $0x0  }
0x2b6: {  	v6 =	vmul.f32 v10, v3;
	[tilespmem:s11+$0xFFFFFF30] =	vst v8  }
0x2b7: {  	v7 =	vmul.f32 v9, v3;
	[tilespmem:s11+$0xFFFFFF50] =	vst v4  }
0x2b8: {  	v3 =	vmul.f32 v11, v3;
	[tilespmem:s11+$0xFFFFFF10] =	vst v6  }
0x2b9: {  	[tilespmem:s11+$0xFFFFFF60] =	vst v7  }
0x2ba: {  	[tilespmem:s11+$0xFFFFFF40] =	vst v3;
	v3 =	vld [tilespmem:s11+$0xFFFFFF80]  }
0x2bb: {  	v5 =	vld.idx.msk [tilespmem:v5+s15+$0x0], $0xffff  }
0x2bc: {  	v4 =	vld [tilespmem:s11+$0xFFFFFFA0]  }
0x2bd: {  	v6 =	vld [tilespmem:s11+$0xFFFFFF90]  }
0x2be: {  	v7 =	vld [tilespmem:s11+$0xFFFFFFD0]  }
0x2bf: {  	v8 =	vld [tilespmem:s11+$0xFFFFFFE0]  }
0x2c0: {  	v9 =	vld [tilespmem:s11+$0xFFFFFFF0];
	v3 =	vmul.f32 v3, v5  }
0x2c1: {  	s24 =	simm.s32 $0x2;
	v10 =	vld [tilespmem:s11+$0xFFFFFFB0];
	v4 =	vmul.f32 v4, v5  }
0x2c2: {  	v11 =	vld [tilespmem:s11+$0xFFFFFFC0];
	v6 =	vmul.f32 v6, v5;
	[tilespmem:s11+$0xFFFFFF80] =	vst v3;
	v3 =	vmov s24  }
0x2c3: {  	v7 =	vmul.f32 v7, v5;
	[tilespmem:s11+$0xFFFFFFA0] =	vst v4;
	v3 =	vand.u32 $0xFFFFFFFE, v3  }
0x2c4: {  	v4 =	vmul.f32 v8, v5;
	[tilespmem:s11+$0xFFFFFF90] =	vst v6;
	v6 =	vbroadcast v3, $0x0  }
0x2c5: {  	v8 =	vmul.f32 v9, v5;
	[tilespmem:s11+$0xFFFFFFD0] =	vst v7;
	v9 =	vld [tilespmem:s11+$0x30]  }
0x2c6: {  	v7 =	vmul.f32 v10, v5;
	v3 =	vld [tilespmem:s11+$0x40];
	[tilespmem:s11+$0xFFFFFFE0] =	vst v4  }
0x2c7: {  	v5 =	vmul.f32 v11, v5;
	v4 =	vld [tilespmem:s11+$0x70];
	[tilespmem:s11+$0xFFFFFFF0] =	vst v8  }
0x2c8: {  	[tilespmem:s11+$0xFFFFFFB0] =	vst v7;
	v7 =	vld [tilespmem:s11+$0x20]  }
0x2c9: {  	[tilespmem:s11+$0xFFFFFFC0] =	vst v5;
	v8 =	vld [tilespmem:s11+$0x0]  }
0x2ca: {  	v5 =	vld.idx.msk [tilespmem:v6+s15+$0x0], $0xffff  }
0x2cb: {  	s20 =	simm.s32 $0x7;
	s21 =	simm.s32 $0x5200;
	s18 =	simm.s32 $0x3;
	v6 =	vld [tilespmem:s11+$0x10]  }
.LBB2_17:
0x2cc: {  	p5 =	sne.s32 s20, $0x4F  }
0x2cd: {  	v10 =	vld [tilespmem:s11+$0x50];
	s21 =	sadd.s32 $0x200, s21;
	s22 =	smov.u32 s20;
	s20 =	sadd.s32 $0x4, s20  }
0x2ce: {  	v11 =	vld [tilespmem:s11+$0x60];
	_ =	sdelay $0x1  }
0x2cf: {  	v8 =	vmul.f32 v8, v5;
	v6 =	vmul.f32 v6, v5  }
0x2d0: {  	v7 =	vmul.f32 v7, v5;
	v9 =	vmul.f32 v9, v5  }
0x2d1: {  	v3 =	vmul.f32 v3, v5;
	v4 =	vmul.f32 v4, v5;
	[tilespmem:s11+$0x0] =	vst v8  }
0x2d2: {  	[tilespmem:s11+$0x20] =	vst v7;
	v7 =	vmul.f32 v10, v5;
	v5 =	vmul.f32 v11, v5  }
0x2d3: {  	[tilespmem:s11+$0x30] =	vst v9;
	v8 =	vld [tilespmem:s11+$0x80]  }
0x2d4: {  	[tilespmem:s11+$0x60] =	vst v5;
	v5 =	vmov s18;
	v9 =	vld [tilespmem:s11+$0xD0];
	s18 =	smov.u32 s22  }
0x2d5: {  	[tilespmem:s11+$0x50] =	vst v7;
	v7 =	vld [tilespmem:s11+$0xE0]  }
0x2d6: {  	[tilespmem:s11+$0x40] =	vst v3;
	v10 =	vld [tilespmem:s11+$0xB0]  }
0x2d7: {  	v3 =	vld [tilespmem:s21+$0x40];
	[tilespmem:s11+$0x70] =	vst v4  }
0x2d8: {  	v4 =	vld [tilespmem:s21+$0x70];
	[tilespmem:s11+$0x10] =	vst v6  }
0x2d9: {  	v5 =	vld.idx.msk [tilespmem:v5+s15+$0x0], $0xffff  }
0x2da: {  	v6 =	vld [tilespmem:s11+$0x90]  }
0x2db: {  	v11 =	vld [tilespmem:s11+$0xA0]  }
0x2dc: {  	v12 =	vld [tilespmem:s11+$0xC0]  }
0x2dd: {  	v13 =	vld [tilespmem:s11+$0xF0];
	_ =	sdelay $0x1  }
0x2de: {  	v8 =	vmul.f32 v8, v5;
	v6 =	vmul.f32 v6, v5  }
0x2df: {  	s22 =	sadd.s32 $0xFFFFFFFD, s18;
	v10 =	vmul.f32 v10, v5;
	v11 =	vmul.f32 v11, v5  }
0x2e0: {  	v14 =	vmov s22;
	v9 =	vmul.f32 v9, v5;
	[tilespmem:s11+$0x80] =	vst v8;
	v8 =	vmul.f32 v12, v5  }
0x2e1: {  	v12 =	vand.u32 $0xFFFFFFFC, v14;
	[tilespmem:s11+$0x90] =	vst v6;
	v6 =	vmul.f32 v7, v5;
	v5 =	vmul.f32 v13, v5  }
0x2e2: {  	v7 =	vbroadcast v12, $0x0;
	[tilespmem:s11+$0xA0] =	vst v11  }
0x2e3: {  	[tilespmem:s11+$0xD0] =	vst v9  }
0x2e4: {  	v9 =	vld [tilespmem:s21+$0xFFFFFF50];
	[tilespmem:s11+$0xB0] =	vst v10  }
0x2e5: {  	v10 =	vld [tilespmem:s21+$0xFFFFFF30];
	[tilespmem:s11+$0xC0] =	vst v8  }
0x2e6: {  	v8 =	vld [tilespmem:s21+$0xFFFFFF60];
	[tilespmem:s11+$0xE0] =	vst v6  }
0x2e7: {  	v6 =	vld [tilespmem:s21+$0xFFFFFF70];
	[tilespmem:s11+$0xF0] =	vst v5;
	s11 =	smov.u32 s21  }
0x2e8: {  	v5 =	vld.idx.msk [tilespmem:v7+s15+$0x0], $0xffff  }
0x2e9: {  	v7 =	vld [tilespmem:s21+$0xFFFFFF00]  }
0x2ea: {  	v11 =	vld [tilespmem:s21+$0xFFFFFF20]  }
0x2eb: {  	v12 =	vld [tilespmem:s21+$0xFFFFFF10]  }
0x2ec: {  	v13 =	vld [tilespmem:s21+$0xFFFFFF40];
	_ =	sdelay $0x1  }
0x2ed: {  	v6 =	vmul.f32 v6, v5;
	v7 =	vmul.f32 v7, v5  }
0x2ee: {  	s22 =	sadd.s32 $0xFFFFFFFE, s18;
	v8 =	vmul.f32 v8, v5;
	v11 =	vmul.f32 v11, v5  }
0x2ef: {  	v10 =	vmul.f32 v10, v5;
	v12 =	vmul.f32 v12, v5;
	[tilespmem:s21+$0xFFFFFF70] =	vst v6;
	v6 =	vmov s22  }
0x2f0: {  	[tilespmem:s21+$0xFFFFFF00] =	vst v7;
	v7 =	vmul.f32 v13, v5;
	v5 =	vmul.f32 v9, v5;
	v6 =	vand.u32 $0xFFFFFFFD, v6  }
0x2f1: {  	[tilespmem:s21+$0xFFFFFF20] =	vst v11;
	v6 =	vbroadcast v6, $0x0  }
0x2f2: {  	[tilespmem:s21+$0xFFFFFF30] =	vst v10  }
0x2f3: {  	[tilespmem:s21+$0xFFFFFF50] =	vst v5;
	v5 =	vld [tilespmem:s21+$0xFFFFFFF0]  }
0x2f4: {  	[tilespmem:s21+$0xFFFFFF10] =	vst v12;
	v9 =	vld [tilespmem:s21+$0xFFFFFFD0]  }
0x2f5: {  	[tilespmem:s21+$0xFFFFFF60] =	vst v8;
	v8 =	vld [tilespmem:s21+$0xFFFFFFB0]  }
0x2f6: {  	[tilespmem:s21+$0xFFFFFF40] =	vst v7;
	v7 =	vld [tilespmem:s21+$0xFFFFFF90]  }
0x2f7: {  	v6 =	vld.idx.msk [tilespmem:v6+s15+$0x0], $0xffff  }
0x2f8: {  	v10 =	vld [tilespmem:s21+$0xFFFFFF80]  }
0x2f9: {  	v11 =	vld [tilespmem:s21+$0xFFFFFFA0]  }
0x2fa: {  	v12 =	vld [tilespmem:s21+$0xFFFFFFC0]  }
0x2fb: {  	v13 =	vld [tilespmem:s21+$0xFFFFFFE0];
	_ =	sdelay $0x1  }
0x2fc: {  	v7 =	vmul.f32 v7, v6;
	v10 =	vmul.f32 v10, v6  }
0x2fd: {  	s22 =	sadd.s32 $0xFFFFFFFF, s18;
	v8 =	vmul.f32 v8, v6;
	v11 =	vmul.f32 v11, v6  }
0x2fe: {  	v9 =	vmul.f32 v9, v6;
	[tilespmem:s21+$0xFFFFFF80] =	vst v10;
	v10 =	vmul.f32 v12, v6;
	v12 =	vmov s22  }
0x2ff: {  	v5 =	vmul.f32 v5, v6;
	[tilespmem:s21+$0xFFFFFFA0] =	vst v11;
	v11 =	vmul.f32 v13, v6;
	v6 =	vand.u32 $0xFFFFFFFE, v12  }
0x300: {  	[tilespmem:s21+$0xFFFFFF90] =	vst v7;
	v6 =	vbroadcast v6, $0x0  }
0x301: {  	[tilespmem:s21+$0xFFFFFFD0] =	vst v9  }
0x302: {  	[tilespmem:s21+$0xFFFFFFE0] =	vst v11  }
0x303: {  	[tilespmem:s21+$0xFFFFFFB0] =	vst v8  }
.Ltmp9:
0x304: {  	[tilespmem:s21+$0xFFFFFFF0] =	vst v5;
	v7 =	vld [tilespmem:s21+$0x20];
	(pc) =	sbr.rel @p5 .LBB2_17-.Ltmp9, $4  }
0x305: {  	[tilespmem:s21+$0xFFFFFFC0] =	vst v10;
	v8 =	vld [tilespmem:s21+$0x0]  }
0x306: {  	v5 =	vld.idx.msk [tilespmem:v6+s15+$0x0], $0xffff  }
0x307: {  	v6 =	vld [tilespmem:s21+$0x10]  }
0x308: {  	v9 =	vld [tilespmem:s21+$0x30]  }
0x309: {  	_ =	sdelay $0x1  }
0x30a: {  	v8 =	vmul.f32 v8, v5  }
0x30b: {  	v10 =	vld [tilespmem:s11+$0x60];
	v7 =	vmul.f32 v7, v5  }
0x30c: {  	v11 =	vld [tilespmem:s11+$0x50];
	v3 =	vmul.f32 v3, v5;
	[tilespmem:s11+$0x0] =	vst v8  }
0x30d: {  	v4 =	vmul.f32 v4, v5;
	[tilespmem:s11+$0x20] =	vst v7  }
0x30e: {  	v53 =	vmul.f32 v6, v5;
	[tilespmem:s11+$0x40] =	vst v3  }
0x30f: {  	v52 =	vmov s18;
	v9 =	vmul.f32 v9, v5;
	[tilespmem:s11+$0x70] =	vst v4  }
0x310: {  	v49 =	vmul.f32 v10, v5;
	[tilespmem:s11+$0x10] =	vst v53  }
0x311: {  	v50 =	vmul.f32 v11, v5;
	[tilespmem:s11+$0x30] =	vst v9  }
0x312: {  	[tilespmem:s11+$0x60] =	vst v49  }
0x313: {  	v51 =	vld [tilespmem:s11+$0x80];
	[tilespmem:s11+$0x50] =	vst v50  }
0x314: {  	v3 =	vld.idx.msk [tilespmem:v52+s15+$0x0], $0xffff  }
0x315: {  	v54 =	vld [tilespmem:s11+$0x90]  }
0x316: {  	v55 =	vld [tilespmem:s11+$0xA0]  }
0x317: {  	v56 =	vld [tilespmem:s11+$0xD0]  }
0x318: {  	v57 =	vld [tilespmem:s11+$0xB0]  }
0x319: {  	v58 =	vld [tilespmem:s11+$0xC0];
	v9 =	vmul.f32 v51, v3  }
0x31a: {  	v59 =	vld [tilespmem:s11+$0xE0];
	v4 =	vmul.f32 v54, v3  }
0x31b: {  	v60 =	vld [tilespmem:s11+$0xF0];
	v5 =	vmul.f32 v55, v3;
	[tilespmem:s11+$0x80] =	vst v9  }
0x31c: {  	v6 =	vmul.f32 v56, v3;
	[tilespmem:s11+$0x90] =	vst v4  }
0x31d: {  	v61 =	vmul.f32 v57, v3;
	[tilespmem:s11+$0xA0] =	vst v5  }
0x31e: {  	v62 =	vmul.f32 v58, v3;
	[tilespmem:s11+$0xD0] =	vst v6  }
0x31f: {  	v63 =	vmul.f32 v59, v3;
	[tilespmem:s11+$0xB0] =	vst v61  }
0x320: {  	v3 =	vmul.f32 v60, v3;
	[tilespmem:s11+$0xC0] =	vst v62  }
0x321: {  	[tilespmem:s11+$0xE0] =	vst v63  }
0x322: {  	[tilespmem:s11+$0xF0] =	vst v3  }
0x323: {  	[spmem:s2] =	stream.indirect.scatter.add.f32 [tilespmem:s13], [sflag:$0x5], $0x80, s16, s14, $0xb8;
	[tilespmem:$0x1DF78] =	vst v63  }
0x324: {  	_ =	swait.ge [sflag:s25], $0x2800  }
0x325: {  	s18 =	simm.s32 @!p3 $0x4F00;
	[sflag:s25] =	ssyncset.done $0x0  }
0x326: {  	s20 =	simm.s32 @!p3 $0xA100;
	s11 =	simm.s32 @!p3 $0x50;
	[sflag:s25] =	ssyncadd.s32 $0xFFFFD800  }
0x327: {  	[spmem:s3] =	stream.indirect.scatter.add.f32 @!p3 [tilespmem:s20], [sflag:$0x5], $0x1, s18, s11, $0xb8;
	[tilespmem:$0x1DF78] =	vst v63  }
0x328: {  	s11 =	simm.s32 @!p3 $0x5  }
0x329: {  	_ =	swait.ge @!p3 [sflag:s11], $0x50  }
0x32a: {  	[sflag:s11] =	ssyncset.done @!p3 $0x0  }
0x32b: {  	[sflag:s11] =	ssyncadd.s32 @!p3 $0xFFFFFFB0  }
0x32c: {  	[bflag:$0x0] =	sbarrier.arrive $0xFFFF  }
0x32d: {  	s18 =	sshrl.u32 @p4 s26, $0x3;
	s20 =	simm.s32 @p4 $0x1FC5;
	s21 =	rddreg [dreg:$0x12]  }
0x32e: {  	[hbm:s21], [sflag:s20] =	dma.local @p4 [spmem:s18], $0x1900  }
0x32f: {  	s18 =	simm.s32 @p4 $0x5  }
0x330: {  	_ =	swait.ge @p4 [sflag:s18], $0x1900  }
0x331: {  	s20 =	sshll.u32 @!p4 s4, $0x6;
	[sflag:s18] =	ssyncset.done @p4 $0x0;
	s21 =	rddreg [dreg:$0xe]  }
0x332: {  	[sflag:s18] =	ssyncadd.s32 @p4 $0xFFFFE700;
	s18 =	sor.u32 @!p4 $0x1C05, s20;
	s20 =	sshrl.u32 @!p4 s10, $0x3  }
0x333: {  	[hbm:s21], [sflag:s18] =	dma.local @!p4 [spmem:s20], $0x2800  }
0x334: {  	s18 =	simm.s32 @!p4 $0x5  }
0x335: {  	_ =	swait.ge @!p4 [sflag:s18], $0x2800  }
0x336: {  	s20 =	simm.s32 @!p3 $0xA400;
	[sflag:s18] =	ssyncset.done @!p4 $0x0  }
0x337: {  	s21 =	rddreg [dreg:$0x13];
	[sflag:s18] =	ssyncadd.s32 @!p4 $0xFFFFD800;
	s18 =	simm.s32 @!p3 $0x0  }
0x338: {  	[hbm4b:s21+s18] =	stream.linear.scatter @!p3 [tilespmem:s20], [sflag:$0x5], $0x80, $0x38;
	[tilespmem:$0x1DF78] =	vst v63  }
0x339: {  	_ =	swait.ge @!p3 [sflag:s11], $0x80  }
0x33a: {  	s18 =	sshll.u32 @!p0 s4, $0x6;
	[sflag:s11] =	ssyncset.done @!p3 $0x0;
	s20 =	rddreg [dreg:$0x5]  }
0x33b: {  	[sflag:s11] =	ssyncadd.s32 @!p3 $0xFFFFFF80;
	s11 =	sor.u32 @!p0 $0x1C05, s18;
	s18 =	sshrl.u32 @!p0 s3, $0x3  }
0x33c: {  	[hbm:s20], [sflag:s11] =	dma.local @!p0 [spmem:s18], $0x4F0  }
0x33d: {  	s11 =	simm.s32 @!p0 $0x5  }
0x33e: {  	_ =	swait.ge @!p0 [sflag:s11], $0x4F0  }
0x33f: {  	s9 =	sadd.s32 $0x1, s9;
	s24 =	rddreg [dreg:$0x14]  }
0x340: {  	p5 =	sne.s32 s9, s24  }
.Ltmp10:
0x341: {  	_ = 	snop;
	(pc) =	sbr.rel @p5 .LBB2_1-.Ltmp10, $3  }
0x342: {  	_ =	sdelay $0x1  }
0x343: {  	[sflag:s11] =	ssyncset.done @!p0 $0x0  }
0x344: {  	[sflag:s11] =	ssyncadd.s32 @!p0 $0xFFFFFB10  }
0x345: {  	_ =	sfence.sel $0x180000  }
0x346: {  	[bflag:$0x0] =	sbarrier.arrive $0xFFFF  }
0x347: {  	_ =	strace $0x90000047  }
0x348: {  	[bflag:$0x2] =	sbarrier.arrive $0xFFFF  }
0x349: {  	s0 =	rddreg [dreg:$0x4]  }
0x34a: {  	s0 =	sadd.s32 @!p1 $0x100000, s0  }
0x34b: {  	[sflag:s0] =	ssyncadd.tile.s32 @!p1 $0x1;
	_ =	shalt  }
.Lfunc_end2:
_tile_overlayer_lowered:
.L_overlay_start_2:
0x34c: {  	(tag) =	ssettag $0x2  }
0x34d: {  	s0 =	rddreg [dreg:$0x0];
	s2 =	stileid.u32  }
0x34e: {  	s1 =	rddreg [dreg:$0x1];
	p0 =	sne.s32 s2, $0x0  }
0x34f: {  	s3 =	rddreg [dreg:$0x2];
	[bflag:$0x3] =	sbarrier.arrive $0xFFFF;
	s2 =	simm.s32 @!p0 $0x1C05  }
0x350: {  	[timem:s3], [sflag:s2] =	dma.local @!p0 [hbm:s0], s1  }
0x351: {  	s0 =	simm.s32 @!p0 $0x5  }
0x352: {  	_ =	swait.ge @!p0 [sflag:s0], s1  }
0x353: {  	s1 =	ssub.s32 @!p0 $0x0, s1;
	[sflag:s0] =	ssyncset.done @!p0 $0x0  }
0x354: {  	[sflag:s0] =	ssyncadd.s32 @!p0 s1  }
0x355: {  	[bflag:$0x3] =	sbarrier.arrive $0xFFFF  }
0x356: {  	_ =	shalt  }

</sc_bundles>
